<compile_context>
chip_gen: v7x
topology: tpu7x:2x2x1
jax: 0.10.2.dev20260603
libtpu: 0.0.44.dev20260713+nightly
codegen_flags: <defaults>
</compile_context>

<pallas_src>
import jax
import jax.numpy as jnp
from jax import lax
from jax.experimental import pallas as pl
from jax.experimental.pallas import tpu as pltpu
from jax.experimental.pallas import tpu_sc as plsc

NUM_HEADS = 16
GRID = 32
N = GRID * GRID
WIN = 2 * GRID - 1
PAD = 64


def _sc_expand(imgrev):
    mesh = plsc.VectorSubcoreMesh(core_axis_name="c", subcore_axis_name="s")

    @pl.kernel(
        out_type=jax.ShapeDtypeStruct((NUM_HEADS, N, N), jnp.float32),
        mesh=mesh,
        scratch_types=[
            pltpu.VMEM((PAD, PAD), jnp.float32),
            pltpu.VMEM((WIN, GRID, GRID), jnp.float32),
            pltpu.SemaphoreType.DMA,
        ],
        compiler_params=pltpu.CompilerParams(use_tc_tiling_on_sc=False),
    )
    def expand(img_hbm, out_hbm, img_v, tiles_v, sem):
        h = lax.axis_index("s")
        half = lax.axis_index("c")

        pltpu.sync_copy(img_hbm.at[h], img_v)

        def build_row(r, carry):
            for xi in range(GRID):
                left = GRID - 1 - xi
                tiles_v[r, xi, pl.ds(0, 16)] = img_v[r, pl.ds(left, 16)]
                tiles_v[r, xi, pl.ds(16, 16)] = img_v[r, pl.ds(left + 16, 16)]
            return carry

        lax.fori_loop(0, WIN, build_row, 0)

        def issue_band(yi):
            row0 = yi * GRID
            for yj in range(GRID):
                r = yi + (GRID - 1 - yj)
                pltpu.async_copy(
                    tiles_v.at[r],
                    out_hbm.at[h, pl.ds(row0, GRID), pl.ds(yj * GRID, GRID)],
                    sem,
                )

        def drain_band():
            for _ in range(GRID):
                pltpu.make_async_copy(
                    tiles_v.at[0],
                    out_hbm.at[0, pl.ds(0, GRID), pl.ds(0, GRID)],
                    sem,
                ).wait()

        issue_band(half * 16)

        def body(g, carry):
            issue_band(half * 16 + g + 1)
            drain_band()
            return carry

        lax.fori_loop(0, 15, body, 0)
        drain_band()

    return expand(imgrev)


def kernel(x, bias_table, index_2d):
    del x, index_2d
    img = bias_table.T.reshape(NUM_HEADS, WIN, WIN)[:, :, ::-1]
    imgrev = jnp.zeros((NUM_HEADS, PAD, PAD), jnp.float32)
    imgrev = imgrev.at[:, :WIN, :WIN].set(img)
    out = _sc_expand(imgrev)
    return out.reshape(1, NUM_HEADS, N, N)

# --- scband reference (transcript-rebuilt; emitter-appended) ---
"""Pipeline reference for scband-rel-pos-bias2-d-53102975647878 (READ-ONLY COPY).

The authoritative reference and input builder live on the scoring server;
editing this copy changes nothing except your own understanding.
"""

import jax, jax.numpy as jnp
import numpy as np

H_GRID, W_GRID = 32, 32
NUM_HEADS = 16
SEQ_LEN = H_GRID * W_GRID


def _build_index_2d(h, w):
    yy, xx = np.meshgrid(np.arange(h), np.arange(w), indexing='ij')
    coords = np.stack([yy, xx], axis=0).reshape(2, -1)
    rel = coords[:, :, None] - coords[:, None, :]
    rel = rel.transpose(1, 2, 0).copy()
    rel[:, :, 0] += h - 1
    rel[:, :, 1] += w - 1
    rel[:, :, 0] *= 2 * w - 1
    index = rel.sum(-1)
    return index.astype(np.int64)


def setup_inputs(seed: int = 0) -> dict:
    key = jax.random.key(seed)
    k1, k2 = jax.random.split(key)
    x = jax.random.normal(k1, (1, SEQ_LEN, 768), dtype=jnp.float32)
    size = (2 * H_GRID - 1) * (2 * W_GRID - 1)
    # trunc_normal_(std=0.02) approximated by normal * 0.02 clipped to 2 std
    bias_table = jnp.clip(jax.random.normal(k2, (size, NUM_HEADS), dtype=jnp.float32) * 0.02, -0.04, 0.04)
    index_2d = jnp.asarray(_build_index_2d(H_GRID, W_GRID))
    return {"x": x, "bias_table": bias_table, "index_2d": index_2d}


def reference(x, bias_table, index_2d):
    N = index_2d.shape[0]
    H = bias_table.shape[1]
    bias = jnp.take(bias_table, index_2d.reshape(-1), axis=0)
    bias = bias.reshape(N, N, H)
    bias = jnp.transpose(bias, (2, 0, 1))
    return bias[None, :, :, :]

if __name__ == "__main__":
    import jax
    _d = setup_inputs()
    print(jax.jit(kernel)(*tuple(_d.values())))

</pallas_src>

<mosaic_0001>
#map = affine_map<(d0, d1) -> (0, 0, 0)>
module attributes {stable_mosaic.version = 14 : i64} {
  func.func @expand(%arg0: i32, %arg1: i32, %arg2: memref<16x64x64xf32, #tpu.memory_space<hbm>>, %arg3: memref<16x1024x1024xf32, #tpu.memory_space<hbm>>, %arg4: memref<64x64xf32, #tpu.memory_space<vmem>>, %arg5: memref<63x32x32xf32, #tpu.memory_space<vmem>>, %arg6: memref<!tpu.dma_semaphore, #tpu.memory_space<semaphore_mem>>) attributes {dimension_semantics = [#tpu.dimension_semantics<core_parallel>, #tpu.dimension_semantics<subcore_parallel>], iteration_bounds = array<i64: 2, 16>, scalar_prefetch = 0 : i64, scratch_operands = 3 : i64, tpu.core_type = #tpu.core_type<sc_vector_subcore>, window_params = [{transform_indices = #map}, {transform_indices = #map}]} {
    "tpu.region"() ({
      %run_scoped3A = tpu.sem_alloc : memref<!tpu.dma_semaphore, #tpu.memory_space<semaphore_mem>>
      %dma_start3A_1099 = arith.constant 0 : i32
      %dma_start3A_1100 = arith.constant 0 : i32
      %dma_start3A_1101 = tpu.memref_slice %arg2[%arg1, %dma_start3A_1099, %dma_start3A_1100] : memref<16x64x64xf32, #tpu.memory_space<hbm>> -> memref<1x64x64xf32, #tpu.memory_space<hbm>>
      %dma_start3A_1102 = tpu.memref_squeeze %dma_start3A_1101 : memref<1x64x64xf32, #tpu.memory_space<hbm>> -> memref<64x64xf32, #tpu.memory_space<hbm>>
      %dma_start3A_1103 = arith.constant 0 : i32
      %dma_start3A_1104 = arith.constant 0 : i32
      %dma_start3A_1105 = tpu.memref_slice %arg2[%arg1, %dma_start3A_1103, %dma_start3A_1104] : memref<16x64x64xf32, #tpu.memory_space<hbm>> -> memref<1x64x64xf32, #tpu.memory_space<hbm>>
      %dma_start3A_1106 = tpu.memref_squeeze %dma_start3A_1105 : memref<1x64x64xf32, #tpu.memory_space<hbm>> -> memref<64x64xf32, #tpu.memory_space<hbm>>
      tpu.enqueue_dma source(%dma_start3A_1106 : memref<64x64xf32, #tpu.memory_space<hbm>>) target(%arg4 : memref<64x64xf32, #tpu.memory_space<vmem>>) target_semaphore(%run_scoped3A : memref<!tpu.dma_semaphore, #tpu.memory_space<semaphore_mem>>)
      %dma_wait3A_1107 = arith.constant 0 : i32
      %dma_wait3A_1108 = arith.constant 0 : i32
      %dma_wait3A_1109 = tpu.memref_slice %arg2[%arg1, %dma_wait3A_1107, %dma_wait3A_1108] : memref<16x64x64xf32, #tpu.memory_space<hbm>> -> memref<1x64x64xf32, #tpu.memory_space<hbm>>
      %dma_wait3A_1110 = tpu.memref_squeeze %dma_wait3A_1109 : memref<1x64x64xf32, #tpu.memory_space<hbm>> -> memref<64x64xf32, #tpu.memory_space<hbm>>
      %dma_wait3A_1111 = arith.constant 0 : i32
      %dma_wait3A_1112 = arith.constant 0 : i32
      %dma_wait3A_1113 = tpu.memref_slice %arg2[%arg1, %dma_wait3A_1111, %dma_wait3A_1112] : memref<16x64x64xf32, #tpu.memory_space<hbm>> -> memref<1x64x64xf32, #tpu.memory_space<hbm>>
      %dma_wait3A_1114 = tpu.memref_squeeze %dma_wait3A_1113 : memref<1x64x64xf32, #tpu.memory_space<hbm>> -> memref<64x64xf32, #tpu.memory_space<hbm>>
      tpu.wait_dma2 semaphore(%run_scoped3A : memref<!tpu.dma_semaphore, #tpu.memory_space<semaphore_mem>>) src(%dma_wait3A_1114 : memref<64x64xf32, #tpu.memory_space<hbm>>) dst(%arg4 : memref<64x64xf32, #tpu.memory_space<vmem>>)
      tpu.yield
    }) : () -> ()
    %scan3A = arith.constant 0 : i32
    %scan3A_0 = arith.constant 0 : i32
    %scan3A_1 = arith.constant 63 : i32
    %scan3A_2 = arith.addi %scan3A_0, %scan3A_1 : i32
    %scan3A_3 = arith.constant 1 : i32
    scf.for %scan3A_1099 = %scan3A_0 to %scan3A_2 step %scan3A_3  : i32 {
      %get3A = arith.index_cast %scan3A_1099 : i32 to index
      %get3A_1100 = arith.constant 31 : index
      %get3A_1101 = tpu.vector_load %arg4[%get3A, %get3A_1100] {strides = array<i32>} : memref<64x64xf32, #tpu.memory_space<vmem>>, vector<1x16xf32>,
      %get3A_1102 = vector.shape_cast %get3A_1101 : vector<1x16xf32> to vector<16xf32>
      %swap3A = arith.constant 0 : i32
      %swap3A_1103 = arith.index_cast %scan3A_1099 : i32 to index
      %swap3A_1104 = arith.index_cast %swap3A : i32 to index
      %swap3A_1105 = arith.constant 0 : index
      %swap3A_1106 = tpu.vector_load %arg5[%swap3A_1103, %swap3A_1104, %swap3A_1105] {strides = array<i32>} : memref<63x32x32xf32, #tpu.memory_space<vmem>>, vector<1x1x16xf32>,
      %swap3A_1107 = vector.shape_cast %swap3A_1106 : vector<1x1x16xf32> to vector<16xf32>
      %swap3A_1108 = vector.shape_cast %get3A_1102 : vector<16xf32> to vector<1x1x16xf32>
      tpu.vector_store %arg5[%swap3A_1103, %swap3A_1104, %swap3A_1105], %swap3A_1108 {strides = array<i32>} : memref<63x32x32xf32, #tpu.memory_space<vmem>>, vector<1x1x16xf32>,
      %get3A_1109 = arith.index_cast %scan3A_1099 : i32 to index
      %get3A_1110 = arith.constant 47 : index
      %get3A_1111 = tpu.vector_load %arg4[%get3A_1109, %get3A_1110] {strides = array<i32>} : memref<64x64xf32, #tpu.memory_space<vmem>>, vector<1x16xf32>,
      %get3A_1112 = vector.shape_cast %get3A_1111 : vector<1x16xf32> to vector<16xf32>
      %swap3A_1113 = arith.constant 0 : i32
      %swap3A_1114 = arith.index_cast %scan3A_1099 : i32 to index
      %swap3A_1115 = arith.index_cast %swap3A_1113 : i32 to index
      %swap3A_1116 = arith.constant 16 : index
      %swap3A_1117 = tpu.vector_load %arg5[%swap3A_1114, %swap3A_1115, %swap3A_1116] {strides = array<i32>} : memref<63x32x32xf32, #tpu.memory_space<vmem>>, vector<1x1x16xf32>,
      %swap3A_1118 = vector.shape_cast %swap3A_1117 : vector<1x1x16xf32> to vector<16xf32>
      %swap3A_1119 = vector.shape_cast %get3A_1112 : vector<16xf32> to vector<1x1x16xf32>
      tpu.vector_store %arg5[%swap3A_1114, %swap3A_1115, %swap3A_1116], %swap3A_1119 {strides = array<i32>} : memref<63x32x32xf32, #tpu.memory_space<vmem>>, vector<1x1x16xf32>,
      %get3A_1120 = arith.index_cast %scan3A_1099 : i32 to index
      %get3A_1121 = arith.constant 30 : index
      %get3A_1122 = tpu.vector_load %arg4[%get3A_1120, %get3A_1121] {strides = array<i32>} : memref<64x64xf32, #tpu.memory_space<vmem>>, vector<1x16xf32>,
      %get3A_1123 = vector.shape_cast %get3A_1122 : vector<1x16xf32> to vector<16xf32>
      %swap3A_1124 = arith.constant 1 : i32
      %swap3A_1125 = arith.index_cast %scan3A_1099 : i32 to index
      %swap3A_1126 = arith.index_cast %swap3A_1124 : i32 to index
      %swap3A_1127 = arith.constant 0 : index
      %swap3A_1128 = tpu.vector_load %arg5[%swap3A_1125, %swap3A_1126, %swap3A_1127] {strides = array<i32>} : memref<63x32x32xf32, #tpu.memory_space<vmem>>, vector<1x1x16xf32>,
      %swap3A_1129 = vector.shape_cast %swap3A_1128 : vector<1x1x16xf32> to vector<16xf32>
      %swap3A_1130 = vector.shape_cast %get3A_1123 : vector<16xf32> to vector<1x1x16xf32>
      tpu.vector_store %arg5[%swap3A_1125, %swap3A_1126, %swap3A_1127], %swap3A_1130 {strides = array<i32>} : memref<63x32x32xf32, #tpu.memory_space<vmem>>, vector<1x1x16xf32>,
      %get3A_1131 = arith.index_cast %scan3A_1099 : i32 to index
      %get3A_1132 = arith.constant 46 : index
      %get3A_1133 = tpu.vector_load %arg4[%get3A_1131, %get3A_1132] {strides = array<i32>} : memref<64x64xf32, #tpu.memory_space<vmem>>, vector<1x16xf32>,
      %get3A_1134 = vector.shape_cast %get3A_1133 : vector<1x16xf32> to vector<16xf32>
      %swap3A_1135 = arith.constant 1 : i32
      %swap3A_1136 = arith.index_cast %scan3A_1099 : i32 to index
      %swap3A_1137 = arith.index_cast %swap3A_1135 : i32 to index
      %swap3A_1138 = arith.constant 16 : index
      %swap3A_1139 = tpu.vector_load %arg5[%swap3A_1136, %swap3A_1137, %swap3A_1138] {strides = array<i32>} : memref<63x32x32xf32, #tpu.memory_space<vmem>>, vector<1x1x16xf32>,
      %swap3A_1140 = vector.shape_cast %swap3A_1139 : vector<1x1x16xf32> to vector<16xf32>
      %swap3A_1141 = vector.shape_cast %get3A_1134 : vector<16xf32> to vector<1x1x16xf32>
      tpu.vector_store %arg5[%swap3A_1136, %swap3A_1137, %swap3A_1138], %swap3A_1141 {strides = array<i32>} : memref<63x32x32xf32, #tpu.memory_space<vmem>>, vector<1x1x16xf32>,
      %get3A_1142 = arith.index_cast %scan3A_1099 : i32 to index
      %get3A_1143 = arith.constant 29 : index
      %get3A_1144 = tpu.vector_load %arg4[%get3A_1142, %get3A_1143] {strides = array<i32>} : memref<64x64xf32, #tpu.memory_space<vmem>>, vector<1x16xf32>,
      %get3A_1145 = vector.shape_cast %get3A_1144 : vector<1x16xf32> to vector<16xf32>
      %swap3A_1146 = arith.constant 2 : i32
      %swap3A_1147 = arith.index_cast %scan3A_1099 : i32 to index
      %swap3A_1148 = arith.index_cast %swap3A_1146 : i32 to index
      %swap3A_1149 = arith.constant 0 : index
      %swap3A_1150 = tpu.vector_load %arg5[%swap3A_1147, %swap3A_1148, %swap3A_1149] {strides = array<i32>} : memref<63x32x32xf32, #tpu.memory_space<vmem>>, vector<1x1x16xf32>,
      %swap3A_1151 = vector.shape_cast %swap3A_1150 : vector<1x1x16xf32> to vector<16xf32>
      %swap3A_1152 = vector.shape_cast %get3A_1145 : vector<16xf32> to vector<1x1x16xf32>
      tpu.vector_store %arg5[%swap3A_1147, %swap3A_1148, %swap3A_1149], %swap3A_1152 {strides = array<i32>} : memref<63x32x32xf32, #tpu.memory_space<vmem>>, vector<1x1x16xf32>,
      %get3A_1153 = arith.index_cast %scan3A_1099 : i32 to index
      %get3A_1154 = arith.constant 45 : index
      %get3A_1155 = tpu.vector_load %arg4[%get3A_1153, %get3A_1154] {strides = array<i32>} : memref<64x64xf32, #tpu.memory_space<vmem>>, vector<1x16xf32>,
      %get3A_1156 = vector.shape_cast %get3A_1155 : vector<1x16xf32> to vector<16xf32>
      %swap3A_1157 = arith.constant 2 : i32
      %swap3A_1158 = arith.index_cast %scan3A_1099 : i32 to index
      %swap3A_1159 = arith.index_cast %swap3A_1157 : i32 to index
      %swap3A_1160 = arith.constant 16 : index
      %swap3A_1161 = tpu.vector_load %arg5[%swap3A_1158, %swap3A_1159, %swap3A_1160] {strides = array<i32>} : memref<63x32x32xf32, #tpu.memory_space<vmem>>, vector<1x1x16xf32>,
      %swap3A_1162 = vector.shape_cast %swap3A_1161 : vector<1x1x16xf32> to vector<16xf32>
      %swap3A_1163 = vector.shape_cast %get3A_1156 : vector<16xf32> to vector<1x1x16xf32>
      tpu.vector_store %arg5[%swap3A_1158, %swap3A_1159, %swap3A_1160], %swap3A_1163 {strides = array<i32>} : memref<63x32x32xf32, #tpu.memory_space<vmem>>, vector<1x1x16xf32>,
      %get3A_1164 = arith.index_cast %scan3A_1099 : i32 to index
      %get3A_1165 = arith.constant 28 : index
      %get3A_1166 = tpu.vector_load %arg4[%get3A_1164, %get3A_1165] {strides = array<i32>} : memref<64x64xf32, #tpu.memory_space<vmem>>, vector<1x16xf32>,
      %get3A_1167 = vector.shape_cast %get3A_1166 : vector<1x16xf32> to vector<16xf32>
      %swap3A_1168 = arith.constant 3 : i32
      %swap3A_1169 = arith.index_cast %scan3A_1099 : i32 to index
      %swap3A_1170 = arith.index_cast %swap3A_1168 : i32 to index
      %swap3A_1171 = arith.constant 0 : index
      %swap3A_1172 = tpu.vector_load %arg5[%swap3A_1169, %swap3A_1170, %swap3A_1171] {strides = array<i32>} : memref<63x32x32xf32, #tpu.memory_space<vmem>>, vector<1x1x16xf32>,
      %swap3A_1173 = vector.shape_cast %swap3A_1172 : vector<1x1x16xf32> to vector<16xf32>
      %swap3A_1174 = vector.shape_cast %get3A_1167 : vector<16xf32> to vector<1x1x16xf32>
      tpu.vector_store %arg5[%swap3A_1169, %swap3A_1170, %swap3A_1171], %swap3A_1174 {strides = array<i32>} : memref<63x32x32xf32, #tpu.memory_space<vmem>>, vector<1x1x16xf32>,
      %get3A_1175 = arith.index_cast %scan3A_1099 : i32 to index
      %get3A_1176 = arith.constant 44 : index
      %get3A_1177 = tpu.vector_load %arg4[%get3A_1175, %get3A_1176] {strides = array<i32>} : memref<64x64xf32, #tpu.memory_space<vmem>>, vector<1x16xf32>,
      %get3A_1178 = vector.shape_cast %get3A_1177 : vector<1x16xf32> to vector<16xf32>
      %swap3A_1179 = arith.constant 3 : i32
      %swap3A_1180 = arith.index_cast %scan3A_1099 : i32 to index
      %swap3A_1181 = arith.index_cast %swap3A_1179 : i32 to index
      %swap3A_1182 = arith.constant 16 : index
      %swap3A_1183 = tpu.vector_load %arg5[%swap3A_1180, %swap3A_1181, %swap3A_1182] {strides = array<i32>} : memref<63x32x32xf32, #tpu.memory_space<vmem>>, vector<1x1x16xf32>,
      %swap3A_1184 = vector.shape_cast %swap3A_1183 : vector<1x1x16xf32> to vector<16xf32>
      %swap3A_1185 = vector.shape_cast %get3A_1178 : vector<16xf32> to vector<1x1x16xf32>
      tpu.vector_store %arg5[%swap3A_1180, %swap3A_1181, %swap3A_1182], %swap3A_1185 {strides = array<i32>} : memref<63x32x32xf32, #tpu.memory_space<vmem>>, vector<1x1x16xf32>,
      %get3A_1186 = arith.index_cast %scan3A_1099 : i32 to index
      %get3A_1187 = arith.constant 27 : index
      %get3A_1188 = tpu.vector_load %arg4[%get3A_1186, %get3A_1187] {strides = array<i32>} : memref<64x64xf32, #tpu.memory_space<vmem>>, vector<1x16xf32>,
      %get3A_1189 = vector.shape_cast %get3A_1188 : vector<1x16xf32> to vector<16xf32>
      %swap3A_1190 = arith.constant 4 : i32
      %swap3A_1191 = arith.index_cast %scan3A_1099 : i32 to index
      %swap3A_1192 = arith.index_cast %swap3A_1190 : i32 to index
      %swap3A_1193 = arith.constant 0 : index
      %swap3A_1194 = tpu.vector_load %arg5[%swap3A_1191, %swap3A_1192, %swap3A_1193] {strides = array<i32>} : memref<63x32x32xf32, #tpu.memory_space<vmem>>, vector<1x1x16xf32>,
      %swap3A_1195 = vector.shape_cast %swap3A_1194 : vector<1x1x16xf32> to vector<16xf32>
      %swap3A_1196 = vector.shape_cast %get3A_1189 : vector<16xf32> to vector<1x1x16xf32>
      tpu.vector_store %arg5[%swap3A_1191, %swap3A_1192, %swap3A_1193], %swap3A_1196 {strides = array<i32>} : memref<63x32x32xf32, #tpu.memory_space<vmem>>, vector<1x1x16xf32>,
      %get3A_1197 = arith.index_cast %scan3A_1099 : i32 to index
      %get3A_1198 = arith.constant 43 : index
      %get3A_1199 = tpu.vector_load %arg4[%get3A_1197, %get3A_1198] {strides = array<i32>} : memref<64x64xf32, #tpu.memory_space<vmem>>, vector<1x16xf32>,
      %get3A_1200 = vector.shape_cast %get3A_1199 : vector<1x16xf32> to vector<16xf32>
      %swap3A_1201 = arith.constant 4 : i32
      %swap3A_1202 = arith.index_cast %scan3A_1099 : i32 to index
      %swap3A_1203 = arith.index_cast %swap3A_1201 : i32 to index
      %swap3A_1204 = arith.constant 16 : index
      %swap3A_1205 = tpu.vector_load %arg5[%swap3A_1202, %swap3A_1203, %swap3A_1204] {strides = array<i32>} : memref<63x32x32xf32, #tpu.memory_space<vmem>>, vector<1x1x16xf32>,
      %swap3A_1206 = vector.shape_cast %swap3A_1205 : vector<1x1x16xf32> to vector<16xf32>
      %swap3A_1207 = vector.shape_cast %get3A_1200 : vector<16xf32> to vector<1x1x16xf32>
      tpu.vector_store %arg5[%swap3A_1202, %swap3A_1203, %swap3A_1204], %swap3A_1207 {strides = array<i32>} : memref<63x32x32xf32, #tpu.memory_space<vmem>>, vector<1x1x16xf32>,
      %get3A_1208 = arith.index_cast %scan3A_1099 : i32 to index
      %get3A_1209 = arith.constant 26 : index
      %get3A_1210 = tpu.vector_load %arg4[%get3A_1208, %get3A_1209] {strides = array<i32>} : memref<64x64xf32, #tpu.memory_space<vmem>>, vector<1x16xf32>,
      %get3A_1211 = vector.shape_cast %get3A_1210 : vector<1x16xf32> to vector<16xf32>
      %swap3A_1212 = arith.constant 5 : i32
      %swap3A_1213 = arith.index_cast %scan3A_1099 : i32 to index
      %swap3A_1214 = arith.index_cast %swap3A_1212 : i32 to index
      %swap3A_1215 = arith.constant 0 : index
      %swap3A_1216 = tpu.vector_load %arg5[%swap3A_1213, %swap3A_1214, %swap3A_1215] {strides = array<i32>} : memref<63x32x32xf32, #tpu.memory_space<vmem>>, vector<1x1x16xf32>,
      %swap3A_1217 = vector.shape_cast %swap3A_1216 : vector<1x1x16xf32> to vector<16xf32>
      %swap3A_1218 = vector.shape_cast %get3A_1211 : vector<16xf32> to vector<1x1x16xf32>
      tpu.vector_store %arg5[%swap3A_1213, %swap3A_1214, %swap3A_1215], %swap3A_1218 {strides = array<i32>} : memref<63x32x32xf32, #tpu.memory_space<vmem>>, vector<1x1x16xf32>,
      %get3A_1219 = arith.index_cast %scan3A_1099 : i32 to index
      %get3A_1220 = arith.constant 42 : index
      %get3A_1221 = tpu.vector_load %arg4[%get3A_1219, %get3A_1220] {strides = array<i32>} : memref<64x64xf32, #tpu.memory_space<vmem>>, vector<1x16xf32>,
      %get3A_1222 = vector.shape_cast %get3A_1221 : vector<1x16xf32> to vector<16xf32>
      %swap3A_1223 = arith.constant 5 : i32
      %swap3A_1224 = arith.index_cast %scan3A_1099 : i32 to index
      %swap3A_1225 = arith.index_cast %swap3A_1223 : i32 to index
      %swap3A_1226 = arith.constant 16 : index
      %swap3A_1227 = tpu.vector_load %arg5[%swap3A_1224, %swap3A_1225, %swap3A_1226] {strides = array<i32>} : memref<63x32x32xf32, #tpu.memory_space<vmem>>, vector<1x1x16xf32>,
      %swap3A_1228 = vector.shape_cast %swap3A_1227 : vector<1x1x16xf32> to vector<16xf32>
      %swap3A_1229 = vector.shape_cast %get3A_1222 : vector<16xf32> to vector<1x1x16xf32>
      tpu.vector_store %arg5[%swap3A_1224, %swap3A_1225, %swap3A_1226], %swap3A_1229 {strides = array<i32>} : memref<63x32x32xf32, #tpu.memory_space<vmem>>, vector<1x1x16xf32>,
      %get3A_1230 = arith.index_cast %scan3A_1099 : i32 to index
      %get3A_1231 = arith.constant 25 : index
      %get3A_1232 = tpu.vector_load %arg4[%get3A_1230, %get3A_1231] {strides = array<i32>} : memref<64x64xf32, #tpu.memory_space<vmem>>, vector<1x16xf32>,
      %get3A_1233 = vector.shape_cast %get3A_1232 : vector<1x16xf32> to vector<16xf32>
      %swap3A_1234 = arith.constant 6 : i32
      %swap3A_1235 = arith.index_cast %scan3A_1099 : i32 to index
      %swap3A_1236 = arith.index_cast %swap3A_1234 : i32 to index
      %swap3A_1237 = arith.constant 0 : index
      %swap3A_1238 = tpu.vector_load %arg5[%swap3A_1235, %swap3A_1236, %swap3A_1237] {strides = array<i32>} : memref<63x32x32xf32, #tpu.memory_space<vmem>>, vector<1x1x16xf32>,
      %swap3A_1239 = vector.shape_cast %swap3A_1238 : vector<1x1x16xf32> to vector<16xf32>
      %swap3A_1240 = vector.shape_cast %get3A_1233 : vector<16xf32> to vector<1x1x16xf32>
      tpu.vector_store %arg5[%swap3A_1235, %swap3A_1236, %swap3A_1237], %swap3A_1240 {strides = array<i32>} : memref<63x32x32xf32, #tpu.memory_space<vmem>>, vector<1x1x16xf32>,
      %get3A_1241 = arith.index_cast %scan3A_1099 : i32 to index
      %get3A_1242 = arith.constant 41 : index
      %get3A_1243 = tpu.vector_load %arg4[%get3A_1241, %get3A_1242] {strides = array<i32>} : memref<64x64xf32, #tpu.memory_space<vmem>>, vector<1x16xf32>,
      %get3A_1244 = vector.shape_cast %get3A_1243 : vector<1x16xf32> to vector<16xf32>
      %swap3A_1245 = arith.constant 6 : i32
      %swap3A_1246 = arith.index_cast %scan3A_1099 : i32 to index
      %swap3A_1247 = arith.index_cast %swap3A_1245 : i32 to index
      %swap3A_1248 = arith.constant 16 : index
      %swap3A_1249 = tpu.vector_load %arg5[%swap3A_1246, %swap3A_1247, %swap3A_1248] {strides = array<i32>} : memref<63x32x32xf32, #tpu.memory_space<vmem>>, vector<1x1x16xf32>,
      %swap3A_1250 = vector.shape_cast %swap3A_1249 : vector<1x1x16xf32> to vector<16xf32>
      %swap3A_1251 = vector.shape_cast %get3A_1244 : vector<16xf32> to vector<1x1x16xf32>
      tpu.vector_store %arg5[%swap3A_1246, %swap3A_1247, %swap3A_1248], %swap3A_1251 {strides = array<i32>} : memref<63x32x32xf32, #tpu.memory_space<vmem>>, vector<1x1x16xf32>,
      %get3A_1252 = arith.index_cast %scan3A_1099 : i32 to index
      %get3A_1253 = arith.constant 24 : index
      %get3A_1254 = tpu.vector_load %arg4[%get3A_1252, %get3A_1253] {strides = array<i32>} : memref<64x64xf32, #tpu.memory_space<vmem>>, vector<1x16xf32>,
      %get3A_1255 = vector.shape_cast %get3A_1254 : vector<1x16xf32> to vector<16xf32>
      %swap3A_1256 = arith.constant 7 : i32
      %swap3A_1257 = arith.index_cast %scan3A_1099 : i32 to index
      %swap3A_1258 = arith.index_cast %swap3A_1256 : i32 to index
      %swap3A_1259 = arith.constant 0 : index
      %swap3A_1260 = tpu.vector_load %arg5[%swap3A_1257, %swap3A_1258, %swap3A_1259] {strides = array<i32>} : memref<63x32x32xf32, #tpu.memory_space<vmem>>, vector<1x1x16xf32>,
      %swap3A_1261 = vector.shape_cast %swap3A_1260 : vector<1x1x16xf32> to vector<16xf32>
      %swap3A_1262 = vector.shape_cast %get3A_1255 : vector<16xf32> to vector<1x1x16xf32>
      tpu.vector_store %arg5[%swap3A_1257, %swap3A_1258, %swap3A_1259], %swap3A_1262 {strides = array<i32>} : memref<63x32x32xf32, #tpu.memory_space<vmem>>, vector<1x1x16xf32>,
      %get3A_1263 = arith.index_cast %scan3A_1099 : i32 to index
      %get3A_1264 = arith.constant 40 : index
      %get3A_1265 = tpu.vector_load %arg4[%get3A_1263, %get3A_1264] {strides = array<i32>} : memref<64x64xf32, #tpu.memory_space<vmem>>, vector<1x16xf32>,
      %get3A_1266 = vector.shape_cast %get3A_1265 : vector<1x16xf32> to vector<16xf32>
      %swap3A_1267 = arith.constant 7 : i32
      %swap3A_1268 = arith.index_cast %scan3A_1099 : i32 to index
      %swap3A_1269 = arith.index_cast %swap3A_1267 : i32 to index
      %swap3A_1270 = arith.constant 16 : index
      %swap3A_1271 = tpu.vector_load %arg5[%swap3A_1268, %swap3A_1269, %swap3A_1270] {strides = array<i32>} : memref<63x32x32xf32, #tpu.memory_space<vmem>>, vector<1x1x16xf32>,
      %swap3A_1272 = vector.shape_cast %swap3A_1271 : vector<1x1x16xf32> to vector<16xf32>
      %swap3A_1273 = vector.shape_cast %get3A_1266 : vector<16xf32> to vector<1x1x16xf32>
      tpu.vector_store %arg5[%swap3A_1268, %swap3A_1269, %swap3A_1270], %swap3A_1273 {strides = array<i32>} : memref<63x32x32xf32, #tpu.memory_space<vmem>>, vector<1x1x16xf32>,
      %get3A_1274 = arith.index_cast %scan3A_1099 : i32 to index
      %get3A_1275 = arith.constant 23 : index
      %get3A_1276 = tpu.vector_load %arg4[%get3A_1274, %get3A_1275] {strides = array<i32>} : memref<64x64xf32, #tpu.memory_space<vmem>>, vector<1x16xf32>,
      %get3A_1277 = vector.shape_cast %get3A_1276 : vector<1x16xf32> to vector<16xf32>
      %swap3A_1278 = arith.constant 8 : i32
      %swap3A_1279 = arith.index_cast %scan3A_1099 : i32 to index
      %swap3A_1280 = arith.index_cast %swap3A_1278 : i32 to index
      %swap3A_1281 = arith.constant 0 : index
      %swap3A_1282 = tpu.vector_load %arg5[%swap3A_1279, %swap3A_1280, %swap3A_1281] {strides = array<i32>} : memref<63x32x32xf32, #tpu.memory_space<vmem>>, vector<1x1x16xf32>,
      %swap3A_1283 = vector.shape_cast %swap3A_1282 : vector<1x1x16xf32> to vector<16xf32>
      %swap3A_1284 = vector.shape_cast %get3A_1277 : vector<16xf32> to vector<1x1x16xf32>
      tpu.vector_store %arg5[%swap3A_1279, %swap3A_1280, %swap3A_1281], %swap3A_1284 {strides = array<i32>} : memref<63x32x32xf32, #tpu.memory_space<vmem>>, vector<1x1x16xf32>,
      %get3A_1285 = arith.index_cast %scan3A_1099 : i32 to index
      %get3A_1286 = arith.constant 39 : index
      %get3A_1287 = tpu.vector_load %arg4[%get3A_1285, %get3A_1286] {strides = array<i32>} : memref<64x64xf32, #tpu.memory_space<vmem>>, vector<1x16xf32>,
      %get3A_1288 = vector.shape_cast %get3A_1287 : vector<1x16xf32> to vector<16xf32>
      %swap3A_1289 = arith.constant 8 : i32
      %swap3A_1290 = arith.index_cast %scan3A_1099 : i32 to index
      %swap3A_1291 = arith.index_cast %swap3A_1289 : i32 to index
      %swap3A_1292 = arith.constant 16 : index
      %swap3A_1293 = tpu.vector_load %arg5[%swap3A_1290, %swap3A_1291, %swap3A_1292] {strides = array<i32>} : memref<63x32x32xf32, #tpu.memory_space<vmem>>, vector<1x1x16xf32>,
      %swap3A_1294 = vector.shape_cast %swap3A_1293 : vector<1x1x16xf32> to vector<16xf32>
      %swap3A_1295 = vector.shape_cast %get3A_1288 : vector<16xf32> to vector<1x1x16xf32>
      tpu.vector_store %arg5[%swap3A_1290, %swap3A_1291, %swap3A_1292], %swap3A_1295 {strides = array<i32>} : memref<63x32x32xf32, #tpu.memory_space<vmem>>, vector<1x1x16xf32>,
      %get3A_1296 = arith.index_cast %scan3A_1099 : i32 to index
      %get3A_1297 = arith.constant 22 : index
      %get3A_1298 = tpu.vector_load %arg4[%get3A_1296, %get3A_1297] {strides = array<i32>} : memref<64x64xf32, #tpu.memory_space<vmem>>, vector<1x16xf32>,
      %get3A_1299 = vector.shape_cast %get3A_1298 : vector<1x16xf32> to vector<16xf32>
      %swap3A_1300 = arith.constant 9 : i32
      %swap3A_1301 = arith.index_cast %scan3A_1099 : i32 to index
      %swap3A_1302 = arith.index_cast %swap3A_1300 : i32 to index
      %swap3A_1303 = arith.constant 0 : index
      %swap3A_1304 = tpu.vector_load %arg5[%swap3A_1301, %swap3A_1302, %swap3A_1303] {strides = array<i32>} : memref<63x32x32xf32, #tpu.memory_space<vmem>>, vector<1x1x16xf32>,
      %swap3A_1305 = vector.shape_cast %swap3A_1304 : vector<1x1x16xf32> to vector<16xf32>
      %swap3A_1306 = vector.shape_cast %get3A_1299 : vector<16xf32> to vector<1x1x16xf32>
      tpu.vector_store %arg5[%swap3A_1301, %swap3A_1302, %swap3A_1303], %swap3A_1306 {strides = array<i32>} : memref<63x32x32xf32, #tpu.memory_space<vmem>>, vector<1x1x16xf32>,
      %get3A_1307 = arith.index_cast %scan3A_1099 : i32 to index
      %get3A_1308 = arith.constant 38 : index
      %get3A_1309 = tpu.vector_load %arg4[%get3A_1307, %get3A_1308] {strides = array<i32>} : memref<64x64xf32, #tpu.memory_space<vmem>>, vector<1x16xf32>,
      %get3A_1310 = vector.shape_cast %get3A_1309 : vector<1x16xf32> to vector<16xf32>
      %swap3A_1311 = arith.constant 9 : i32
      %swap3A_1312 = arith.index_cast %scan3A_1099 : i32 to index
      %swap3A_1313 = arith.index_cast %swap3A_1311 : i32 to index
      %swap3A_1314 = arith.constant 16 : index
      %swap3A_1315 = tpu.vector_load %arg5[%swap3A_1312, %swap3A_1313, %swap3A_1314] {strides = array<i32>} : memref<63x32x32xf32, #tpu.memory_space<vmem>>, vector<1x1x16xf32>,
      %swap3A_1316 = vector.shape_cast %swap3A_1315 : vector<1x1x16xf32> to vector<16xf32>
      %swap3A_1317 = vector.shape_cast %get3A_1310 : vector<16xf32> to vector<1x1x16xf32>
      tpu.vector_store %arg5[%swap3A_1312, %swap3A_1313, %swap3A_1314], %swap3A_1317 {strides = array<i32>} : memref<63x32x32xf32, #tpu.memory_space<vmem>>, vector<1x1x16xf32>,
      %get3A_1318 = arith.index_cast %scan3A_1099 : i32 to index
      %get3A_1319 = arith.constant 21 : index
      %get3A_1320 = tpu.vector_load %arg4[%get3A_1318, %get3A_1319] {strides = array<i32>} : memref<64x64xf32, #tpu.memory_space<vmem>>, vector<1x16xf32>,
      %get3A_1321 = vector.shape_cast %get3A_1320 : vector<1x16xf32> to vector<16xf32>
      %swap3A_1322 = arith.constant 10 : i32
      %swap3A_1323 = arith.index_cast %scan3A_1099 : i32 to index
      %swap3A_1324 = arith.index_cast %swap3A_1322 : i32 to index
      %swap3A_1325 = arith.constant 0 : index
      %swap3A_1326 = tpu.vector_load %arg5[%swap3A_1323, %swap3A_1324, %swap3A_1325] {strides = array<i32>} : memref<63x32x32xf32, #tpu.memory_space<vmem>>, vector<1x1x16xf32>,
      %swap3A_1327 = vector.shape_cast %swap3A_1326 : vector<1x1x16xf32> to vector<16xf32>
      %swap3A_1328 = vector.shape_cast %get3A_1321 : vector<16xf32> to vector<1x1x16xf32>
      tpu.vector_store %arg5[%swap3A_1323, %swap3A_1324, %swap3A_1325], %swap3A_1328 {strides = array<i32>} : memref<63x32x32xf32, #tpu.memory_space<vmem>>, vector<1x1x16xf32>,
      %get3A_1329 = arith.index_cast %scan3A_1099 : i32 to index
      %get3A_1330 = arith.constant 37 : index
      %get3A_1331 = tpu.vector_load %arg4[%get3A_1329, %get3A_1330] {strides = array<i32>} : memref<64x64xf32, #tpu.memory_space<vmem>>, vector<1x16xf32>,
      %get3A_1332 = vector.shape_cast %get3A_1331 : vector<1x16xf32> to vector<16xf32>
      %swap3A_1333 = arith.constant 10 : i32
      %swap3A_1334 = arith.index_cast %scan3A_1099 : i32 to index
      %swap3A_1335 = arith.index_cast %swap3A_1333 : i32 to index
      %swap3A_1336 = arith.constant 16 : index
      %swap3A_1337 = tpu.vector_load %arg5[%swap3A_1334, %swap3A_1335, %swap3A_1336] {strides = array<i32>} : memref<63x32x32xf32, #tpu.memory_space<vmem>>, vector<1x1x16xf32>,
      %swap3A_1338 = vector.shape_cast %swap3A_1337 : vector<1x1x16xf32> to vector<16xf32>
      %swap3A_1339 = vector.shape_cast %get3A_1332 : vector<16xf32> to vector<1x1x16xf32>
      tpu.vector_store %arg5[%swap3A_1334, %swap3A_1335, %swap3A_1336], %swap3A_1339 {strides = array<i32>} : memref<63x32x32xf32, #tpu.memory_space<vmem>>, vector<1x1x16xf32>,
      %get3A_1340 = arith.index_cast %scan3A_1099 : i32 to index
      %get3A_1341 = arith.constant 20 : index
      %get3A_1342 = tpu.vector_load %arg4[%get3A_1340, %get3A_1341] {strides = array<i32>} : memref<64x64xf32, #tpu.memory_space<vmem>>, vector<1x16xf32>,
      %get3A_1343 = vector.shape_cast %get3A_1342 : vector<1x16xf32> to vector<16xf32>
      %swap3A_1344 = arith.constant 11 : i32
      %swap3A_1345 = arith.index_cast %scan3A_1099 : i32 to index
      %swap3A_1346 = arith.index_cast %swap3A_1344 : i32 to index
      %swap3A_1347 = arith.constant 0 : index
      %swap3A_1348 = tpu.vector_load %arg5[%swap3A_1345, %swap3A_1346, %swap3A_1347] {strides = array<i32>} : memref<63x32x32xf32, #tpu.memory_space<vmem>>, vector<1x1x16xf32>,
      %swap3A_1349 = vector.shape_cast %swap3A_1348 : vector<1x1x16xf32> to vector<16xf32>
      %swap3A_1350 = vector.shape_cast %get3A_1343 : vector<16xf32> to vector<1x1x16xf32>
      tpu.vector_store %arg5[%swap3A_1345, %swap3A_1346, %swap3A_1347], %swap3A_1350 {strides = array<i32>} : memref<63x32x32xf32, #tpu.memory_space<vmem>>, vector<1x1x16xf32>,
      %get3A_1351 = arith.index_cast %scan3A_1099 : i32 to index
      %get3A_1352 = arith.constant 36 : index
      %get3A_1353 = tpu.vector_load %arg4[%get3A_1351, %get3A_1352] {strides = array<i32>} : memref<64x64xf32, #tpu.memory_space<vmem>>, vector<1x16xf32>,
      %get3A_1354 = vector.shape_cast %get3A_1353 : vector<1x16xf32> to vector<16xf32>
      %swap3A_1355 = arith.constant 11 : i32
      %swap3A_1356 = arith.index_cast %scan3A_1099 : i32 to index
      %swap3A_1357 = arith.index_cast %swap3A_1355 : i32 to index
      %swap3A_1358 = arith.constant 16 : index
      %swap3A_1359 = tpu.vector_load %arg5[%swap3A_1356, %swap3A_1357, %swap3A_1358] {strides = array<i32>} : memref<63x32x32xf32, #tpu.memory_space<vmem>>, vector<1x1x16xf32>,
      %swap3A_1360 = vector.shape_cast %swap3A_1359 : vector<1x1x16xf32> to vector<16xf32>
      %swap3A_1361 = vector.shape_cast %get3A_1354 : vector<16xf32> to vector<1x1x16xf32>
      tpu.vector_store %arg5[%swap3A_1356, %swap3A_1357, %swap3A_1358], %swap3A_1361 {strides = array<i32>} : memref<63x32x32xf32, #tpu.memory_space<vmem>>, vector<1x1x16xf32>,
      %get3A_1362 = arith.index_cast %scan3A_1099 : i32 to index
      %get3A_1363 = arith.constant 19 : index
      %get3A_1364 = tpu.vector_load %arg4[%get3A_1362, %get3A_1363] {strides = array<i32>} : memref<64x64xf32, #tpu.memory_space<vmem>>, vector<1x16xf32>,
      %get3A_1365 = vector.shape_cast %get3A_1364 : vector<1x16xf32> to vector<16xf32>
      %swap3A_1366 = arith.constant 12 : i32
      %swap3A_1367 = arith.index_cast %scan3A_1099 : i32 to index
      %swap3A_1368 = arith.index_cast %swap3A_1366 : i32 to index
      %swap3A_1369 = arith.constant 0 : index
      %swap3A_1370 = tpu.vector_load %arg5[%swap3A_1367, %swap3A_1368, %swap3A_1369] {strides = array<i32>} : memref<63x32x32xf32, #tpu.memory_space<vmem>>, vector<1x1x16xf32>,
      %swap3A_1371 = vector.shape_cast %swap3A_1370 : vector<1x1x16xf32> to vector<16xf32>
      %swap3A_1372 = vector.shape_cast %get3A_1365 : vector<16xf32> to vector<1x1x16xf32>
      tpu.vector_store %arg5[%swap3A_1367, %swap3A_1368, %swap3A_1369], %swap3A_1372 {strides = array<i32>} : memref<63x32x32xf32, #tpu.memory_space<vmem>>, vector<1x1x16xf32>,
      %get3A_1373 = arith.index_cast %scan3A_1099 : i32 to index
      %get3A_1374 = arith.constant 35 : index
      %get3A_1375 = tpu.vector_load %arg4[%get3A_1373, %get3A_1374] {strides = array<i32>} : memref<64x64xf32, #tpu.memory_space<vmem>>, vector<1x16xf32>,
      %get3A_1376 = vector.shape_cast %get3A_1375 : vector<1x16xf32> to vector<16xf32>
      %swap3A_1377 = arith.constant 12 : i32
      %swap3A_1378 = arith.index_cast %scan3A_1099 : i32 to index
      %swap3A_1379 = arith.index_cast %swap3A_1377 : i32 to index
      %swap3A_1380 = arith.constant 16 : index
      %swap3A_1381 = tpu.vector_load %arg5[%swap3A_1378, %swap3A_1379, %swap3A_1380] {strides = array<i32>} : memref<63x32x32xf32, #tpu.memory_space<vmem>>, vector<1x1x16xf32>,
      %swap3A_1382 = vector.shape_cast %swap3A_1381 : vector<1x1x16xf32> to vector<16xf32>
      %swap3A_1383 = vector.shape_cast %get3A_1376 : vector<16xf32> to vector<1x1x16xf32>
      tpu.vector_store %arg5[%swap3A_1378, %swap3A_1379, %swap3A_1380], %swap3A_1383 {strides = array<i32>} : memref<63x32x32xf32, #tpu.memory_space<vmem>>, vector<1x1x16xf32>,
      %get3A_1384 = arith.index_cast %scan3A_1099 : i32 to index
      %get3A_1385 = arith.constant 18 : index
      %get3A_1386 = tpu.vector_load %arg4[%get3A_1384, %get3A_1385] {strides = array<i32>} : memref<64x64xf32, #tpu.memory_space<vmem>>, vector<1x16xf32>,
      %get3A_1387 = vector.shape_cast %get3A_1386 : vector<1x16xf32> to vector<16xf32>
      %swap3A_1388 = arith.constant 13 : i32
      %swap3A_1389 = arith.index_cast %scan3A_1099 : i32 to index
      %swap3A_1390 = arith.index_cast %swap3A_1388 : i32 to index
      %swap3A_1391 = arith.constant 0 : index
      %swap3A_1392 = tpu.vector_load %arg5[%swap3A_1389, %swap3A_1390, %swap3A_1391] {strides = array<i32>} : memref<63x32x32xf32, #tpu.memory_space<vmem>>, vector<1x1x16xf32>,
      %swap3A_1393 = vector.shape_cast %swap3A_1392 : vector<1x1x16xf32> to vector<16xf32>
      %swap3A_1394 = vector.shape_cast %get3A_1387 : vector<16xf32> to vector<1x1x16xf32>
      tpu.vector_store %arg5[%swap3A_1389, %swap3A_1390, %swap3A_1391], %swap3A_1394 {strides = array<i32>} : memref<63x32x32xf32, #tpu.memory_space<vmem>>, vector<1x1x16xf32>,
      %get3A_1395 = arith.index_cast %scan3A_1099 : i32 to index
      %get3A_1396 = arith.constant 34 : index
      %get3A_1397 = tpu.vector_load %arg4[%get3A_1395, %get3A_1396] {strides = array<i32>} : memref<64x64xf32, #tpu.memory_space<vmem>>, vector<1x16xf32>,
      %get3A_1398 = vector.shape_cast %get3A_1397 : vector<1x16xf32> to vector<16xf32>
      %swap3A_1399 = arith.constant 13 : i32
      %swap3A_1400 = arith.index_cast %scan3A_1099 : i32 to index
      %swap3A_1401 = arith.index_cast %swap3A_1399 : i32 to index
      %swap3A_1402 = arith.constant 16 : index
      %swap3A_1403 = tpu.vector_load %arg5[%swap3A_1400, %swap3A_1401, %swap3A_1402] {strides = array<i32>} : memref<63x32x32xf32, #tpu.memory_space<vmem>>, vector<1x1x16xf32>,
      %swap3A_1404 = vector.shape_cast %swap3A_1403 : vector<1x1x16xf32> to vector<16xf32>
      %swap3A_1405 = vector.shape_cast %get3A_1398 : vector<16xf32> to vector<1x1x16xf32>
      tpu.vector_store %arg5[%swap3A_1400, %swap3A_1401, %swap3A_1402], %swap3A_1405 {strides = array<i32>} : memref<63x32x32xf32, #tpu.memory_space<vmem>>, vector<1x1x16xf32>,
      %get3A_1406 = arith.index_cast %scan3A_1099 : i32 to index
      %get3A_1407 = arith.constant 17 : index
      %get3A_1408 = tpu.vector_load %arg4[%get3A_1406, %get3A_1407] {strides = array<i32>} : memref<64x64xf32, #tpu.memory_space<vmem>>, vector<1x16xf32>,
      %get3A_1409 = vector.shape_cast %get3A_1408 : vector<1x16xf32> to vector<16xf32>
      %swap3A_1410 = arith.constant 14 : i32
      %swap3A_1411 = arith.index_cast %scan3A_1099 : i32 to index
      %swap3A_1412 = arith.index_cast %swap3A_1410 : i32 to index
      %swap3A_1413 = arith.constant 0 : index
      %swap3A_1414 = tpu.vector_load %arg5[%swap3A_1411, %swap3A_1412, %swap3A_1413] {strides = array<i32>} : memref<63x32x32xf32, #tpu.memory_space<vmem>>, vector<1x1x16xf32>,
      %swap3A_1415 = vector.shape_cast %swap3A_1414 : vector<1x1x16xf32> to vector<16xf32>
      %swap3A_1416 = vector.shape_cast %get3A_1409 : vector<16xf32> to vector<1x1x16xf32>
      tpu.vector_store %arg5[%swap3A_1411, %swap3A_1412, %swap3A_1413], %swap3A_1416 {strides = array<i32>} : memref<63x32x32xf32, #tpu.memory_space<vmem>>, vector<1x1x16xf32>,
      %get3A_1417 = arith.index_cast %scan3A_1099 : i32 to index
      %get3A_1418 = arith.constant 33 : index
      %get3A_1419 = tpu.vector_load %arg4[%get3A_1417, %get3A_1418] {strides = array<i32>} : memref<64x64xf32, #tpu.memory_space<vmem>>, vector<1x16xf32>,
      %get3A_1420 = vector.shape_cast %get3A_1419 : vector<1x16xf32> to vector<16xf32>
      %swap3A_1421 = arith.constant 14 : i32
      %swap3A_1422 = arith.index_cast %scan3A_1099 : i32 to index
      %swap3A_1423 = arith.index_cast %swap3A_1421 : i32 to index
      %swap3A_1424 = arith.constant 16 : index
      %swap3A_1425 = tpu.vector_load %arg5[%swap3A_1422, %swap3A_1423, %swap3A_1424] {strides = array<i32>} : memref<63x32x32xf32, #tpu.memory_space<vmem>>, vector<1x1x16xf32>,
      %swap3A_1426 = vector.shape_cast %swap3A_1425 : vector<1x1x16xf32> to vector<16xf32>
      %swap3A_1427 = vector.shape_cast %get3A_1420 : vector<16xf32> to vector<1x1x16xf32>
      tpu.vector_store %arg5[%swap3A_1422, %swap3A_1423, %swap3A_1424], %swap3A_1427 {strides = array<i32>} : memref<63x32x32xf32, #tpu.memory_space<vmem>>, vector<1x1x16xf32>,
      %get3A_1428 = arith.index_cast %scan3A_1099 : i32 to index
      %get3A_1429 = arith.constant 16 : index
      %get3A_1430 = tpu.vector_load %arg4[%get3A_1428, %get3A_1429] {strides = array<i32>} : memref<64x64xf32, #tpu.memory_space<vmem>>, vector<1x16xf32>,
      %get3A_1431 = vector.shape_cast %get3A_1430 : vector<1x16xf32> to vector<16xf32>
      %swap3A_1432 = arith.constant 15 : i32
      %swap3A_1433 = arith.index_cast %scan3A_1099 : i32 to index
      %swap3A_1434 = arith.index_cast %swap3A_1432 : i32 to index
      %swap3A_1435 = arith.constant 0 : index
      %swap3A_1436 = tpu.vector_load %arg5[%swap3A_1433, %swap3A_1434, %swap3A_1435] {strides = array<i32>} : memref<63x32x32xf32, #tpu.memory_space<vmem>>, vector<1x1x16xf32>,
      %swap3A_1437 = vector.shape_cast %swap3A_1436 : vector<1x1x16xf32> to vector<16xf32>
      %swap3A_1438 = vector.shape_cast %get3A_1431 : vector<16xf32> to vector<1x1x16xf32>
      tpu.vector_store %arg5[%swap3A_1433, %swap3A_1434, %swap3A_1435], %swap3A_1438 {strides = array<i32>} : memref<63x32x32xf32, #tpu.memory_space<vmem>>, vector<1x1x16xf32>,
      %get3A_1439 = arith.index_cast %scan3A_1099 : i32 to index
      %get3A_1440 = arith.constant 32 : index
      %get3A_1441 = tpu.vector_load %arg4[%get3A_1439, %get3A_1440] {strides = array<i32>} : memref<64x64xf32, #tpu.memory_space<vmem>>, vector<1x16xf32>,
      %get3A_1442 = vector.shape_cast %get3A_1441 : vector<1x16xf32> to vector<16xf32>
      %swap3A_1443 = arith.constant 15 : i32
      %swap3A_1444 = arith.index_cast %scan3A_1099 : i32 to index
      %swap3A_1445 = arith.index_cast %swap3A_1443 : i32 to index
      %swap3A_1446 = arith.constant 16 : index
      %swap3A_1447 = tpu.vector_load %arg5[%swap3A_1444, %swap3A_1445, %swap3A_1446] {strides = array<i32>} : memref<63x32x32xf32, #tpu.memory_space<vmem>>, vector<1x1x16xf32>,
      %swap3A_1448 = vector.shape_cast %swap3A_1447 : vector<1x1x16xf32> to vector<16xf32>
      %swap3A_1449 = vector.shape_cast %get3A_1442 : vector<16xf32> to vector<1x1x16xf32>
      tpu.vector_store %arg5[%swap3A_1444, %swap3A_1445, %swap3A_1446], %swap3A_1449 {strides = array<i32>} : memref<63x32x32xf32, #tpu.memory_space<vmem>>, vector<1x1x16xf32>,
      %get3A_1450 = arith.index_cast %scan3A_1099 : i32 to index
      %get3A_1451 = arith.constant 15 : index
      %get3A_1452 = tpu.vector_load %arg4[%get3A_1450, %get3A_1451] {strides = array<i32>} : memref<64x64xf32, #tpu.memory_space<vmem>>, vector<1x16xf32>,
      %get3A_1453 = vector.shape_cast %get3A_1452 : vector<1x16xf32> to vector<16xf32>
      %swap3A_1454 = arith.constant 16 : i32
      %swap3A_1455 = arith.index_cast %scan3A_1099 : i32 to index
      %swap3A_1456 = arith.index_cast %swap3A_1454 : i32 to index
      %swap3A_1457 = arith.constant 0 : index
      %swap3A_1458 = tpu.vector_load %arg5[%swap3A_1455, %swap3A_1456, %swap3A_1457] {strides = array<i32>} : memref<63x32x32xf32, #tpu.memory_space<vmem>>, vector<1x1x16xf32>,
      %swap3A_1459 = vector.shape_cast %swap3A_1458 : vector<1x1x16xf32> to vector<16xf32>
      %swap3A_1460 = vector.shape_cast %get3A_1453 : vector<16xf32> to vector<1x1x16xf32>
      tpu.vector_store %arg5[%swap3A_1455, %swap3A_1456, %swap3A_1457], %swap3A_1460 {strides = array<i32>} : memref<63x32x32xf32, #tpu.memory_space<vmem>>, vector<1x1x16xf32>,
      %get3A_1461 = arith.index_cast %scan3A_1099 : i32 to index
      %get3A_1462 = arith.constant 31 : index
      %get3A_1463 = tpu.vector_load %arg4[%get3A_1461, %get3A_1462] {strides = array<i32>} : memref<64x64xf32, #tpu.memory_space<vmem>>, vector<1x16xf32>,
      %get3A_1464 = vector.shape_cast %get3A_1463 : vector<1x16xf32> to vector<16xf32>
      %swap3A_1465 = arith.constant 16 : i32
      %swap3A_1466 = arith.index_cast %scan3A_1099 : i32 to index
      %swap3A_1467 = arith.index_cast %swap3A_1465 : i32 to index
      %swap3A_1468 = arith.constant 16 : index
      %swap3A_1469 = tpu.vector_load %arg5[%swap3A_1466, %swap3A_1467, %swap3A_1468] {strides = array<i32>} : memref<63x32x32xf32, #tpu.memory_space<vmem>>, vector<1x1x16xf32>,
      %swap3A_1470 = vector.shape_cast %swap3A_1469 : vector<1x1x16xf32> to vector<16xf32>
      %swap3A_1471 = vector.shape_cast %get3A_1464 : vector<16xf32> to vector<1x1x16xf32>
      tpu.vector_store %arg5[%swap3A_1466, %swap3A_1467, %swap3A_1468], %swap3A_1471 {strides = array<i32>} : memref<63x32x32xf32, #tpu.memory_space<vmem>>, vector<1x1x16xf32>,
      %get3A_1472 = arith.index_cast %scan3A_1099 : i32 to index
      %get3A_1473 = arith.constant 14 : index
      %get3A_1474 = tpu.vector_load %arg4[%get3A_1472, %get3A_1473] {strides = array<i32>} : memref<64x64xf32, #tpu.memory_space<vmem>>, vector<1x16xf32>,
      %get3A_1475 = vector.shape_cast %get3A_1474 : vector<1x16xf32> to vector<16xf32>
      %swap3A_1476 = arith.constant 17 : i32
      %swap3A_1477 = arith.index_cast %scan3A_1099 : i32 to index
      %swap3A_1478 = arith.index_cast %swap3A_1476 : i32 to index
      %swap3A_1479 = arith.constant 0 : index
      %swap3A_1480 = tpu.vector_load %arg5[%swap3A_1477, %swap3A_1478, %swap3A_1479] {strides = array<i32>} : memref<63x32x32xf32, #tpu.memory_space<vmem>>, vector<1x1x16xf32>,
      %swap3A_1481 = vector.shape_cast %swap3A_1480 : vector<1x1x16xf32> to vector<16xf32>
      %swap3A_1482 = vector.shape_cast %get3A_1475 : vector<16xf32> to vector<1x1x16xf32>
      tpu.vector_store %arg5[%swap3A_1477, %swap3A_1478, %swap3A_1479], %swap3A_1482 {strides = array<i32>} : memref<63x32x32xf32, #tpu.memory_space<vmem>>, vector<1x1x16xf32>,
      %get3A_1483 = arith.index_cast %scan3A_1099 : i32 to index
      %get3A_1484 = arith.constant 30 : index
      %get3A_1485 = tpu.vector_load %arg4[%get3A_1483, %get3A_1484] {strides = array<i32>} : memref<64x64xf32, #tpu.memory_space<vmem>>, vector<1x16xf32>,
      %get3A_1486 = vector.shape_cast %get3A_1485 : vector<1x16xf32> to vector<16xf32>
      %swap3A_1487 = arith.constant 17 : i32
      %swap3A_1488 = arith.index_cast %scan3A_1099 : i32 to index
      %swap3A_1489 = arith.index_cast %swap3A_1487 : i32 to index
      %swap3A_1490 = arith.constant 16 : index
      %swap3A_1491 = tpu.vector_load %arg5[%swap3A_1488, %swap3A_1489, %swap3A_1490] {strides = array<i32>} : memref<63x32x32xf32, #tpu.memory_space<vmem>>, vector<1x1x16xf32>,
      %swap3A_1492 = vector.shape_cast %swap3A_1491 : vector<1x1x16xf32> to vector<16xf32>
      %swap3A_1493 = vector.shape_cast %get3A_1486 : vector<16xf32> to vector<1x1x16xf32>
      tpu.vector_store %arg5[%swap3A_1488, %swap3A_1489, %swap3A_1490], %swap3A_1493 {strides = array<i32>} : memref<63x32x32xf32, #tpu.memory_space<vmem>>, vector<1x1x16xf32>,
      %get3A_1494 = arith.index_cast %scan3A_1099 : i32 to index
      %get3A_1495 = arith.constant 13 : index
      %get3A_1496 = tpu.vector_load %arg4[%get3A_1494, %get3A_1495] {strides = array<i32>} : memref<64x64xf32, #tpu.memory_space<vmem>>, vector<1x16xf32>,
      %get3A_1497 = vector.shape_cast %get3A_1496 : vector<1x16xf32> to vector<16xf32>
      %swap3A_1498 = arith.constant 18 : i32
      %swap3A_1499 = arith.index_cast %scan3A_1099 : i32 to index
      %swap3A_1500 = arith.index_cast %swap3A_1498 : i32 to index
      %swap3A_1501 = arith.constant 0 : index
      %swap3A_1502 = tpu.vector_load %arg5[%swap3A_1499, %swap3A_1500, %swap3A_1501] {strides = array<i32>} : memref<63x32x32xf32, #tpu.memory_space<vmem>>, vector<1x1x16xf32>,
      %swap3A_1503 = vector.shape_cast %swap3A_1502 : vector<1x1x16xf32> to vector<16xf32>
      %swap3A_1504 = vector.shape_cast %get3A_1497 : vector<16xf32> to vector<1x1x16xf32>
      tpu.vector_store %arg5[%swap3A_1499, %swap3A_1500, %swap3A_1501], %swap3A_1504 {strides = array<i32>} : memref<63x32x32xf32, #tpu.memory_space<vmem>>, vector<1x1x16xf32>,
      %get3A_1505 = arith.index_cast %scan3A_1099 : i32 to index
      %get3A_1506 = arith.constant 29 : index
      %get3A_1507 = tpu.vector_load %arg4[%get3A_1505, %get3A_1506] {strides = array<i32>} : memref<64x64xf32, #tpu.memory_space<vmem>>, vector<1x16xf32>,
      %get3A_1508 = vector.shape_cast %get3A_1507 : vector<1x16xf32> to vector<16xf32>
      %swap3A_1509 = arith.constant 18 : i32
      %swap3A_1510 = arith.index_cast %scan3A_1099 : i32 to index
      %swap3A_1511 = arith.index_cast %swap3A_1509 : i32 to index
      %swap3A_1512 = arith.constant 16 : index
      %swap3A_1513 = tpu.vector_load %arg5[%swap3A_1510, %swap3A_1511, %swap3A_1512] {strides = array<i32>} : memref<63x32x32xf32, #tpu.memory_space<vmem>>, vector<1x1x16xf32>,
      %swap3A_1514 = vector.shape_cast %swap3A_1513 : vector<1x1x16xf32> to vector<16xf32>
      %swap3A_1515 = vector.shape_cast %get3A_1508 : vector<16xf32> to vector<1x1x16xf32>
      tpu.vector_store %arg5[%swap3A_1510, %swap3A_1511, %swap3A_1512], %swap3A_1515 {strides = array<i32>} : memref<63x32x32xf32, #tpu.memory_space<vmem>>, vector<1x1x16xf32>,
      %get3A_1516 = arith.index_cast %scan3A_1099 : i32 to index
      %get3A_1517 = arith.constant 12 : index
      %get3A_1518 = tpu.vector_load %arg4[%get3A_1516, %get3A_1517] {strides = array<i32>} : memref<64x64xf32, #tpu.memory_space<vmem>>, vector<1x16xf32>,
      %get3A_1519 = vector.shape_cast %get3A_1518 : vector<1x16xf32> to vector<16xf32>
      %swap3A_1520 = arith.constant 19 : i32
      %swap3A_1521 = arith.index_cast %scan3A_1099 : i32 to index
      %swap3A_1522 = arith.index_cast %swap3A_1520 : i32 to index
      %swap3A_1523 = arith.constant 0 : index
      %swap3A_1524 = tpu.vector_load %arg5[%swap3A_1521, %swap3A_1522, %swap3A_1523] {strides = array<i32>} : memref<63x32x32xf32, #tpu.memory_space<vmem>>, vector<1x1x16xf32>,
      %swap3A_1525 = vector.shape_cast %swap3A_1524 : vector<1x1x16xf32> to vector<16xf32>
      %swap3A_1526 = vector.shape_cast %get3A_1519 : vector<16xf32> to vector<1x1x16xf32>
      tpu.vector_store %arg5[%swap3A_1521, %swap3A_1522, %swap3A_1523], %swap3A_1526 {strides = array<i32>} : memref<63x32x32xf32, #tpu.memory_space<vmem>>, vector<1x1x16xf32>,
      %get3A_1527 = arith.index_cast %scan3A_1099 : i32 to index
      %get3A_1528 = arith.constant 28 : index
      %get3A_1529 = tpu.vector_load %arg4[%get3A_1527, %get3A_1528] {strides = array<i32>} : memref<64x64xf32, #tpu.memory_space<vmem>>, vector<1x16xf32>,
      %get3A_1530 = vector.shape_cast %get3A_1529 : vector<1x16xf32> to vector<16xf32>
      %swap3A_1531 = arith.constant 19 : i32
      %swap3A_1532 = arith.index_cast %scan3A_1099 : i32 to index
      %swap3A_1533 = arith.index_cast %swap3A_1531 : i32 to index
      %swap3A_1534 = arith.constant 16 : index
      %swap3A_1535 = tpu.vector_load %arg5[%swap3A_1532, %swap3A_1533, %swap3A_1534] {strides = array<i32>} : memref<63x32x32xf32, #tpu.memory_space<vmem>>, vector<1x1x16xf32>,
      %swap3A_1536 = vector.shape_cast %swap3A_1535 : vector<1x1x16xf32> to vector<16xf32>
      %swap3A_1537 = vector.shape_cast %get3A_1530 : vector<16xf32> to vector<1x1x16xf32>
      tpu.vector_store %arg5[%swap3A_1532, %swap3A_1533, %swap3A_1534], %swap3A_1537 {strides = array<i32>} : memref<63x32x32xf32, #tpu.memory_space<vmem>>, vector<1x1x16xf32>,
      %get3A_1538 = arith.index_cast %scan3A_1099 : i32 to index
      %get3A_1539 = arith.constant 11 : index
      %get3A_1540 = tpu.vector_load %arg4[%get3A_1538, %get3A_1539] {strides = array<i32>} : memref<64x64xf32, #tpu.memory_space<vmem>>, vector<1x16xf32>,
      %get3A_1541 = vector.shape_cast %get3A_1540 : vector<1x16xf32> to vector<16xf32>
      %swap3A_1542 = arith.constant 20 : i32
      %swap3A_1543 = arith.index_cast %scan3A_1099 : i32 to index
      %swap3A_1544 = arith.index_cast %swap3A_1542 : i32 to index
      %swap3A_1545 = arith.constant 0 : index
      %swap3A_1546 = tpu.vector_load %arg5[%swap3A_1543, %swap3A_1544, %swap3A_1545] {strides = array<i32>} : memref<63x32x32xf32, #tpu.memory_space<vmem>>, vector<1x1x16xf32>,
      %swap3A_1547 = vector.shape_cast %swap3A_1546 : vector<1x1x16xf32> to vector<16xf32>
      %swap3A_1548 = vector.shape_cast %get3A_1541 : vector<16xf32> to vector<1x1x16xf32>
      tpu.vector_store %arg5[%swap3A_1543, %swap3A_1544, %swap3A_1545], %swap3A_1548 {strides = array<i32>} : memref<63x32x32xf32, #tpu.memory_space<vmem>>, vector<1x1x16xf32>,
      %get3A_1549 = arith.index_cast %scan3A_1099 : i32 to index
      %get3A_1550 = arith.constant 27 : index
      %get3A_1551 = tpu.vector_load %arg4[%get3A_1549, %get3A_1550] {strides = array<i32>} : memref<64x64xf32, #tpu.memory_space<vmem>>, vector<1x16xf32>,
      %get3A_1552 = vector.shape_cast %get3A_1551 : vector<1x16xf32> to vector<16xf32>
      %swap3A_1553 = arith.constant 20 : i32
      %swap3A_1554 = arith.index_cast %scan3A_1099 : i32 to index
      %swap3A_1555 = arith.index_cast %swap3A_1553 : i32 to index
      %swap3A_1556 = arith.constant 16 : index
      %swap3A_1557 = tpu.vector_load %arg5[%swap3A_1554, %swap3A_1555, %swap3A_1556] {strides = array<i32>} : memref<63x32x32xf32, #tpu.memory_space<vmem>>, vector<1x1x16xf32>,
      %swap3A_1558 = vector.shape_cast %swap3A_1557 : vector<1x1x16xf32> to vector<16xf32>
      %swap3A_1559 = vector.shape_cast %get3A_1552 : vector<16xf32> to vector<1x1x16xf32>
      tpu.vector_store %arg5[%swap3A_1554, %swap3A_1555, %swap3A_1556], %swap3A_1559 {strides = array<i32>} : memref<63x32x32xf32, #tpu.memory_space<vmem>>, vector<1x1x16xf32>,
      %get3A_1560 = arith.index_cast %scan3A_1099 : i32 to index
      %get3A_1561 = arith.constant 10 : index
      %get3A_1562 = tpu.vector_load %arg4[%get3A_1560, %get3A_1561] {strides = array<i32>} : memref<64x64xf32, #tpu.memory_space<vmem>>, vector<1x16xf32>,
      %get3A_1563 = vector.shape_cast %get3A_1562 : vector<1x16xf32> to vector<16xf32>
      %swap3A_1564 = arith.constant 21 : i32
      %swap3A_1565 = arith.index_cast %scan3A_1099 : i32 to index
      %swap3A_1566 = arith.index_cast %swap3A_1564 : i32 to index
      %swap3A_1567 = arith.constant 0 : index
      %swap3A_1568 = tpu.vector_load %arg5[%swap3A_1565, %swap3A_1566, %swap3A_1567] {strides = array<i32>} : memref<63x32x32xf32, #tpu.memory_space<vmem>>, vector<1x1x16xf32>,
      %swap3A_1569 = vector.shape_cast %swap3A_1568 : vector<1x1x16xf32> to vector<16xf32>
      %swap3A_1570 = vector.shape_cast %get3A_1563 : vector<16xf32> to vector<1x1x16xf32>
      tpu.vector_store %arg5[%swap3A_1565, %swap3A_1566, %swap3A_1567], %swap3A_1570 {strides = array<i32>} : memref<63x32x32xf32, #tpu.memory_space<vmem>>, vector<1x1x16xf32>,
      %get3A_1571 = arith.index_cast %scan3A_1099 : i32 to index
      %get3A_1572 = arith.constant 26 : index
      %get3A_1573 = tpu.vector_load %arg4[%get3A_1571, %get3A_1572] {strides = array<i32>} : memref<64x64xf32, #tpu.memory_space<vmem>>, vector<1x16xf32>,
      %get3A_1574 = vector.shape_cast %get3A_1573 : vector<1x16xf32> to vector<16xf32>
      %swap3A_1575 = arith.constant 21 : i32
      %swap3A_1576 = arith.index_cast %scan3A_1099 : i32 to index
      %swap3A_1577 = arith.index_cast %swap3A_1575 : i32 to index
      %swap3A_1578 = arith.constant 16 : index
      %swap3A_1579 = tpu.vector_load %arg5[%swap3A_1576, %swap3A_1577, %swap3A_1578] {strides = array<i32>} : memref<63x32x32xf32, #tpu.memory_space<vmem>>, vector<1x1x16xf32>,
      %swap3A_1580 = vector.shape_cast %swap3A_1579 : vector<1x1x16xf32> to vector<16xf32>
      %swap3A_1581 = vector.shape_cast %get3A_1574 : vector<16xf32> to vector<1x1x16xf32>
      tpu.vector_store %arg5[%swap3A_1576, %swap3A_1577, %swap3A_1578], %swap3A_1581 {strides = array<i32>} : memref<63x32x32xf32, #tpu.memory_space<vmem>>, vector<1x1x16xf32>,
      %get3A_1582 = arith.index_cast %scan3A_1099 : i32 to index
      %get3A_1583 = arith.constant 9 : index
      %get3A_1584 = tpu.vector_load %arg4[%get3A_1582, %get3A_1583] {strides = array<i32>} : memref<64x64xf32, #tpu.memory_space<vmem>>, vector<1x16xf32>,
      %get3A_1585 = vector.shape_cast %get3A_1584 : vector<1x16xf32> to vector<16xf32>
      %swap3A_1586 = arith.constant 22 : i32
      %swap3A_1587 = arith.index_cast %scan3A_1099 : i32 to index
      %swap3A_1588 = arith.index_cast %swap3A_1586 : i32 to index
      %swap3A_1589 = arith.constant 0 : index
      %swap3A_1590 = tpu.vector_load %arg5[%swap3A_1587, %swap3A_1588, %swap3A_1589] {strides = array<i32>} : memref<63x32x32xf32, #tpu.memory_space<vmem>>, vector<1x1x16xf32>,
      %swap3A_1591 = vector.shape_cast %swap3A_1590 : vector<1x1x16xf32> to vector<16xf32>
      %swap3A_1592 = vector.shape_cast %get3A_1585 : vector<16xf32> to vector<1x1x16xf32>
      tpu.vector_store %arg5[%swap3A_1587, %swap3A_1588, %swap3A_1589], %swap3A_1592 {strides = array<i32>} : memref<63x32x32xf32, #tpu.memory_space<vmem>>, vector<1x1x16xf32>,
      %get3A_1593 = arith.index_cast %scan3A_1099 : i32 to index
      %get3A_1594 = arith.constant 25 : index
      %get3A_1595 = tpu.vector_load %arg4[%get3A_1593, %get3A_1594] {strides = array<i32>} : memref<64x64xf32, #tpu.memory_space<vmem>>, vector<1x16xf32>,
      %get3A_1596 = vector.shape_cast %get3A_1595 : vector<1x16xf32> to vector<16xf32>
      %swap3A_1597 = arith.constant 22 : i32
      %swap3A_1598 = arith.index_cast %scan3A_1099 : i32 to index
      %swap3A_1599 = arith.index_cast %swap3A_1597 : i32 to index
      %swap3A_1600 = arith.constant 16 : index
      %swap3A_1601 = tpu.vector_load %arg5[%swap3A_1598, %swap3A_1599, %swap3A_1600] {strides = array<i32>} : memref<63x32x32xf32, #tpu.memory_space<vmem>>, vector<1x1x16xf32>,
      %swap3A_1602 = vector.shape_cast %swap3A_1601 : vector<1x1x16xf32> to vector<16xf32>
      %swap3A_1603 = vector.shape_cast %get3A_1596 : vector<16xf32> to vector<1x1x16xf32>
      tpu.vector_store %arg5[%swap3A_1598, %swap3A_1599, %swap3A_1600], %swap3A_1603 {strides = array<i32>} : memref<63x32x32xf32, #tpu.memory_space<vmem>>, vector<1x1x16xf32>,
      %get3A_1604 = arith.index_cast %scan3A_1099 : i32 to index
      %get3A_1605 = arith.constant 8 : index
      %get3A_1606 = tpu.vector_load %arg4[%get3A_1604, %get3A_1605] {strides = array<i32>} : memref<64x64xf32, #tpu.memory_space<vmem>>, vector<1x16xf32>,
      %get3A_1607 = vector.shape_cast %get3A_1606 : vector<1x16xf32> to vector<16xf32>
      %swap3A_1608 = arith.constant 23 : i32
      %swap3A_1609 = arith.index_cast %scan3A_1099 : i32 to index
      %swap3A_1610 = arith.index_cast %swap3A_1608 : i32 to index
      %swap3A_1611 = arith.constant 0 : index
      %swap3A_1612 = tpu.vector_load %arg5[%swap3A_1609, %swap3A_1610, %swap3A_1611] {strides = array<i32>} : memref<63x32x32xf32, #tpu.memory_space<vmem>>, vector<1x1x16xf32>,
      %swap3A_1613 = vector.shape_cast %swap3A_1612 : vector<1x1x16xf32> to vector<16xf32>
      %swap3A_1614 = vector.shape_cast %get3A_1607 : vector<16xf32> to vector<1x1x16xf32>
      tpu.vector_store %arg5[%swap3A_1609, %swap3A_1610, %swap3A_1611], %swap3A_1614 {strides = array<i32>} : memref<63x32x32xf32, #tpu.memory_space<vmem>>, vector<1x1x16xf32>,
      %get3A_1615 = arith.index_cast %scan3A_1099 : i32 to index
      %get3A_1616 = arith.constant 24 : index
      %get3A_1617 = tpu.vector_load %arg4[%get3A_1615, %get3A_1616] {strides = array<i32>} : memref<64x64xf32, #tpu.memory_space<vmem>>, vector<1x16xf32>,
      %get3A_1618 = vector.shape_cast %get3A_1617 : vector<1x16xf32> to vector<16xf32>
      %swap3A_1619 = arith.constant 23 : i32
      %swap3A_1620 = arith.index_cast %scan3A_1099 : i32 to index
      %swap3A_1621 = arith.index_cast %swap3A_1619 : i32 to index
      %swap3A_1622 = arith.constant 16 : index
      %swap3A_1623 = tpu.vector_load %arg5[%swap3A_1620, %swap3A_1621, %swap3A_1622] {strides = array<i32>} : memref<63x32x32xf32, #tpu.memory_space<vmem>>, vector<1x1x16xf32>,
      %swap3A_1624 = vector.shape_cast %swap3A_1623 : vector<1x1x16xf32> to vector<16xf32>
      %swap3A_1625 = vector.shape_cast %get3A_1618 : vector<16xf32> to vector<1x1x16xf32>
      tpu.vector_store %arg5[%swap3A_1620, %swap3A_1621, %swap3A_1622], %swap3A_1625 {strides = array<i32>} : memref<63x32x32xf32, #tpu.memory_space<vmem>>, vector<1x1x16xf32>,
      %get3A_1626 = arith.index_cast %scan3A_1099 : i32 to index
      %get3A_1627 = arith.constant 7 : index
      %get3A_1628 = tpu.vector_load %arg4[%get3A_1626, %get3A_1627] {strides = array<i32>} : memref<64x64xf32, #tpu.memory_space<vmem>>, vector<1x16xf32>,
      %get3A_1629 = vector.shape_cast %get3A_1628 : vector<1x16xf32> to vector<16xf32>
      %swap3A_1630 = arith.constant 24 : i32
      %swap3A_1631 = arith.index_cast %scan3A_1099 : i32 to index
      %swap3A_1632 = arith.index_cast %swap3A_1630 : i32 to index
      %swap3A_1633 = arith.constant 0 : index
      %swap3A_1634 = tpu.vector_load %arg5[%swap3A_1631, %swap3A_1632, %swap3A_1633] {strides = array<i32>} : memref<63x32x32xf32, #tpu.memory_space<vmem>>, vector<1x1x16xf32>,
      %swap3A_1635 = vector.shape_cast %swap3A_1634 : vector<1x1x16xf32> to vector<16xf32>
      %swap3A_1636 = vector.shape_cast %get3A_1629 : vector<16xf32> to vector<1x1x16xf32>
      tpu.vector_store %arg5[%swap3A_1631, %swap3A_1632, %swap3A_1633], %swap3A_1636 {strides = array<i32>} : memref<63x32x32xf32, #tpu.memory_space<vmem>>, vector<1x1x16xf32>,
      %get3A_1637 = arith.index_cast %scan3A_1099 : i32 to index
      %get3A_1638 = arith.constant 23 : index
      %get3A_1639 = tpu.vector_load %arg4[%get3A_1637, %get3A_1638] {strides = array<i32>} : memref<64x64xf32, #tpu.memory_space<vmem>>, vector<1x16xf32>,
      %get3A_1640 = vector.shape_cast %get3A_1639 : vector<1x16xf32> to vector<16xf32>
      %swap3A_1641 = arith.constant 24 : i32
      %swap3A_1642 = arith.index_cast %scan3A_1099 : i32 to index
      %swap3A_1643 = arith.index_cast %swap3A_1641 : i32 to index
      %swap3A_1644 = arith.constant 16 : index
      %swap3A_1645 = tpu.vector_load %arg5[%swap3A_1642, %swap3A_1643, %swap3A_1644] {strides = array<i32>} : memref<63x32x32xf32, #tpu.memory_space<vmem>>, vector<1x1x16xf32>,
      %swap3A_1646 = vector.shape_cast %swap3A_1645 : vector<1x1x16xf32> to vector<16xf32>
      %swap3A_1647 = vector.shape_cast %get3A_1640 : vector<16xf32> to vector<1x1x16xf32>
      tpu.vector_store %arg5[%swap3A_1642, %swap3A_1643, %swap3A_1644], %swap3A_1647 {strides = array<i32>} : memref<63x32x32xf32, #tpu.memory_space<vmem>>, vector<1x1x16xf32>,
      %get3A_1648 = arith.index_cast %scan3A_1099 : i32 to index
      %get3A_1649 = arith.constant 6 : index
      %get3A_1650 = tpu.vector_load %arg4[%get3A_1648, %get3A_1649] {strides = array<i32>} : memref<64x64xf32, #tpu.memory_space<vmem>>, vector<1x16xf32>,
      %get3A_1651 = vector.shape_cast %get3A_1650 : vector<1x16xf32> to vector<16xf32>
      %swap3A_1652 = arith.constant 25 : i32
      %swap3A_1653 = arith.index_cast %scan3A_1099 : i32 to index
      %swap3A_1654 = arith.index_cast %swap3A_1652 : i32 to index
      %swap3A_1655 = arith.constant 0 : index
      %swap3A_1656 = tpu.vector_load %arg5[%swap3A_1653, %swap3A_1654, %swap3A_1655] {strides = array<i32>} : memref<63x32x32xf32, #tpu.memory_space<vmem>>, vector<1x1x16xf32>,
      %swap3A_1657 = vector.shape_cast %swap3A_1656 : vector<1x1x16xf32> to vector<16xf32>
      %swap3A_1658 = vector.shape_cast %get3A_1651 : vector<16xf32> to vector<1x1x16xf32>
      tpu.vector_store %arg5[%swap3A_1653, %swap3A_1654, %swap3A_1655], %swap3A_1658 {strides = array<i32>} : memref<63x32x32xf32, #tpu.memory_space<vmem>>, vector<1x1x16xf32>,
      %get3A_1659 = arith.index_cast %scan3A_1099 : i32 to index
      %get3A_1660 = arith.constant 22 : index
      %get3A_1661 = tpu.vector_load %arg4[%get3A_1659, %get3A_1660] {strides = array<i32>} : memref<64x64xf32, #tpu.memory_space<vmem>>, vector<1x16xf32>,
      %get3A_1662 = vector.shape_cast %get3A_1661 : vector<1x16xf32> to vector<16xf32>
      %swap3A_1663 = arith.constant 25 : i32
      %swap3A_1664 = arith.index_cast %scan3A_1099 : i32 to index
      %swap3A_1665 = arith.index_cast %swap3A_1663 : i32 to index
      %swap3A_1666 = arith.constant 16 : index
      %swap3A_1667 = tpu.vector_load %arg5[%swap3A_1664, %swap3A_1665, %swap3A_1666] {strides = array<i32>} : memref<63x32x32xf32, #tpu.memory_space<vmem>>, vector<1x1x16xf32>,
      %swap3A_1668 = vector.shape_cast %swap3A_1667 : vector<1x1x16xf32> to vector<16xf32>
      %swap3A_1669 = vector.shape_cast %get3A_1662 : vector<16xf32> to vector<1x1x16xf32>
      tpu.vector_store %arg5[%swap3A_1664, %swap3A_1665, %swap3A_1666], %swap3A_1669 {strides = array<i32>} : memref<63x32x32xf32, #tpu.memory_space<vmem>>, vector<1x1x16xf32>,
      %get3A_1670 = arith.index_cast %scan3A_1099 : i32 to index
      %get3A_1671 = arith.constant 5 : index
      %get3A_1672 = tpu.vector_load %arg4[%get3A_1670, %get3A_1671] {strides = array<i32>} : memref<64x64xf32, #tpu.memory_space<vmem>>, vector<1x16xf32>,
      %get3A_1673 = vector.shape_cast %get3A_1672 : vector<1x16xf32> to vector<16xf32>
      %swap3A_1674 = arith.constant 26 : i32
      %swap3A_1675 = arith.index_cast %scan3A_1099 : i32 to index
      %swap3A_1676 = arith.index_cast %swap3A_1674 : i32 to index
      %swap3A_1677 = arith.constant 0 : index
      %swap3A_1678 = tpu.vector_load %arg5[%swap3A_1675, %swap3A_1676, %swap3A_1677] {strides = array<i32>} : memref<63x32x32xf32, #tpu.memory_space<vmem>>, vector<1x1x16xf32>,
      %swap3A_1679 = vector.shape_cast %swap3A_1678 : vector<1x1x16xf32> to vector<16xf32>
      %swap3A_1680 = vector.shape_cast %get3A_1673 : vector<16xf32> to vector<1x1x16xf32>
      tpu.vector_store %arg5[%swap3A_1675, %swap3A_1676, %swap3A_1677], %swap3A_1680 {strides = array<i32>} : memref<63x32x32xf32, #tpu.memory_space<vmem>>, vector<1x1x16xf32>,
      %get3A_1681 = arith.index_cast %scan3A_1099 : i32 to index
      %get3A_1682 = arith.constant 21 : index
      %get3A_1683 = tpu.vector_load %arg4[%get3A_1681, %get3A_1682] {strides = array<i32>} : memref<64x64xf32, #tpu.memory_space<vmem>>, vector<1x16xf32>,
      %get3A_1684 = vector.shape_cast %get3A_1683 : vector<1x16xf32> to vector<16xf32>
      %swap3A_1685 = arith.constant 26 : i32
      %swap3A_1686 = arith.index_cast %scan3A_1099 : i32 to index
      %swap3A_1687 = arith.index_cast %swap3A_1685 : i32 to index
      %swap3A_1688 = arith.constant 16 : index
      %swap3A_1689 = tpu.vector_load %arg5[%swap3A_1686, %swap3A_1687, %swap3A_1688] {strides = array<i32>} : memref<63x32x32xf32, #tpu.memory_space<vmem>>, vector<1x1x16xf32>,
      %swap3A_1690 = vector.shape_cast %swap3A_1689 : vector<1x1x16xf32> to vector<16xf32>
      %swap3A_1691 = vector.shape_cast %get3A_1684 : vector<16xf32> to vector<1x1x16xf32>
      tpu.vector_store %arg5[%swap3A_1686, %swap3A_1687, %swap3A_1688], %swap3A_1691 {strides = array<i32>} : memref<63x32x32xf32, #tpu.memory_space<vmem>>, vector<1x1x16xf32>,
      %get3A_1692 = arith.index_cast %scan3A_1099 : i32 to index
      %get3A_1693 = arith.constant 4 : index
      %get3A_1694 = tpu.vector_load %arg4[%get3A_1692, %get3A_1693] {strides = array<i32>} : memref<64x64xf32, #tpu.memory_space<vmem>>, vector<1x16xf32>,
      %get3A_1695 = vector.shape_cast %get3A_1694 : vector<1x16xf32> to vector<16xf32>
      %swap3A_1696 = arith.constant 27 : i32
      %swap3A_1697 = arith.index_cast %scan3A_1099 : i32 to index
      %swap3A_1698 = arith.index_cast %swap3A_1696 : i32 to index
      %swap3A_1699 = arith.constant 0 : index
      %swap3A_1700 = tpu.vector_load %arg5[%swap3A_1697, %swap3A_1698, %swap3A_1699] {strides = array<i32>} : memref<63x32x32xf32, #tpu.memory_space<vmem>>, vector<1x1x16xf32>,
      %swap3A_1701 = vector.shape_cast %swap3A_1700 : vector<1x1x16xf32> to vector<16xf32>
      %swap3A_1702 = vector.shape_cast %get3A_1695 : vector<16xf32> to vector<1x1x16xf32>
      tpu.vector_store %arg5[%swap3A_1697, %swap3A_1698, %swap3A_1699], %swap3A_1702 {strides = array<i32>} : memref<63x32x32xf32, #tpu.memory_space<vmem>>, vector<1x1x16xf32>,
      %get3A_1703 = arith.index_cast %scan3A_1099 : i32 to index
      %get3A_1704 = arith.constant 20 : index
      %get3A_1705 = tpu.vector_load %arg4[%get3A_1703, %get3A_1704] {strides = array<i32>} : memref<64x64xf32, #tpu.memory_space<vmem>>, vector<1x16xf32>,
      %get3A_1706 = vector.shape_cast %get3A_1705 : vector<1x16xf32> to vector<16xf32>
      %swap3A_1707 = arith.constant 27 : i32
      %swap3A_1708 = arith.index_cast %scan3A_1099 : i32 to index
      %swap3A_1709 = arith.index_cast %swap3A_1707 : i32 to index
      %swap3A_1710 = arith.constant 16 : index
      %swap3A_1711 = tpu.vector_load %arg5[%swap3A_1708, %swap3A_1709, %swap3A_1710] {strides = array<i32>} : memref<63x32x32xf32, #tpu.memory_space<vmem>>, vector<1x1x16xf32>,
      %swap3A_1712 = vector.shape_cast %swap3A_1711 : vector<1x1x16xf32> to vector<16xf32>
      %swap3A_1713 = vector.shape_cast %get3A_1706 : vector<16xf32> to vector<1x1x16xf32>
      tpu.vector_store %arg5[%swap3A_1708, %swap3A_1709, %swap3A_1710], %swap3A_1713 {strides = array<i32>} : memref<63x32x32xf32, #tpu.memory_space<vmem>>, vector<1x1x16xf32>,
      %get3A_1714 = arith.index_cast %scan3A_1099 : i32 to index
      %get3A_1715 = arith.constant 3 : index
      %get3A_1716 = tpu.vector_load %arg4[%get3A_1714, %get3A_1715] {strides = array<i32>} : memref<64x64xf32, #tpu.memory_space<vmem>>, vector<1x16xf32>,
      %get3A_1717 = vector.shape_cast %get3A_1716 : vector<1x16xf32> to vector<16xf32>
      %swap3A_1718 = arith.constant 28 : i32
      %swap3A_1719 = arith.index_cast %scan3A_1099 : i32 to index
      %swap3A_1720 = arith.index_cast %swap3A_1718 : i32 to index
      %swap3A_1721 = arith.constant 0 : index
      %swap3A_1722 = tpu.vector_load %arg5[%swap3A_1719, %swap3A_1720, %swap3A_1721] {strides = array<i32>} : memref<63x32x32xf32, #tpu.memory_space<vmem>>, vector<1x1x16xf32>,
      %swap3A_1723 = vector.shape_cast %swap3A_1722 : vector<1x1x16xf32> to vector<16xf32>
      %swap3A_1724 = vector.shape_cast %get3A_1717 : vector<16xf32> to vector<1x1x16xf32>
      tpu.vector_store %arg5[%swap3A_1719, %swap3A_1720, %swap3A_1721], %swap3A_1724 {strides = array<i32>} : memref<63x32x32xf32, #tpu.memory_space<vmem>>, vector<1x1x16xf32>,
      %get3A_1725 = arith.index_cast %scan3A_1099 : i32 to index
      %get3A_1726 = arith.constant 19 : index
      %get3A_1727 = tpu.vector_load %arg4[%get3A_1725, %get3A_1726] {strides = array<i32>} : memref<64x64xf32, #tpu.memory_space<vmem>>, vector<1x16xf32>,
      %get3A_1728 = vector.shape_cast %get3A_1727 : vector<1x16xf32> to vector<16xf32>
      %swap3A_1729 = arith.constant 28 : i32
      %swap3A_1730 = arith.index_cast %scan3A_1099 : i32 to index
      %swap3A_1731 = arith.index_cast %swap3A_1729 : i32 to index
      %swap3A_1732 = arith.constant 16 : index
      %swap3A_1733 = tpu.vector_load %arg5[%swap3A_1730, %swap3A_1731, %swap3A_1732] {strides = array<i32>} : memref<63x32x32xf32, #tpu.memory_space<vmem>>, vector<1x1x16xf32>,
      %swap3A_1734 = vector.shape_cast %swap3A_1733 : vector<1x1x16xf32> to vector<16xf32>
      %swap3A_1735 = vector.shape_cast %get3A_1728 : vector<16xf32> to vector<1x1x16xf32>
      tpu.vector_store %arg5[%swap3A_1730, %swap3A_1731, %swap3A_1732], %swap3A_1735 {strides = array<i32>} : memref<63x32x32xf32, #tpu.memory_space<vmem>>, vector<1x1x16xf32>,
      %get3A_1736 = arith.index_cast %scan3A_1099 : i32 to index
      %get3A_1737 = arith.constant 2 : index
      %get3A_1738 = tpu.vector_load %arg4[%get3A_1736, %get3A_1737] {strides = array<i32>} : memref<64x64xf32, #tpu.memory_space<vmem>>, vector<1x16xf32>,
      %get3A_1739 = vector.shape_cast %get3A_1738 : vector<1x16xf32> to vector<16xf32>
      %swap3A_1740 = arith.constant 29 : i32
      %swap3A_1741 = arith.index_cast %scan3A_1099 : i32 to index
      %swap3A_1742 = arith.index_cast %swap3A_1740 : i32 to index
      %swap3A_1743 = arith.constant 0 : index
      %swap3A_1744 = tpu.vector_load %arg5[%swap3A_1741, %swap3A_1742, %swap3A_1743] {strides = array<i32>} : memref<63x32x32xf32, #tpu.memory_space<vmem>>, vector<1x1x16xf32>,
      %swap3A_1745 = vector.shape_cast %swap3A_1744 : vector<1x1x16xf32> to vector<16xf32>
      %swap3A_1746 = vector.shape_cast %get3A_1739 : vector<16xf32> to vector<1x1x16xf32>
      tpu.vector_store %arg5[%swap3A_1741, %swap3A_1742, %swap3A_1743], %swap3A_1746 {strides = array<i32>} : memref<63x32x32xf32, #tpu.memory_space<vmem>>, vector<1x1x16xf32>,
      %get3A_1747 = arith.index_cast %scan3A_1099 : i32 to index
      %get3A_1748 = arith.constant 18 : index
      %get3A_1749 = tpu.vector_load %arg4[%get3A_1747, %get3A_1748] {strides = array<i32>} : memref<64x64xf32, #tpu.memory_space<vmem>>, vector<1x16xf32>,
      %get3A_1750 = vector.shape_cast %get3A_1749 : vector<1x16xf32> to vector<16xf32>
      %swap3A_1751 = arith.constant 29 : i32
      %swap3A_1752 = arith.index_cast %scan3A_1099 : i32 to index
      %swap3A_1753 = arith.index_cast %swap3A_1751 : i32 to index
      %swap3A_1754 = arith.constant 16 : index
      %swap3A_1755 = tpu.vector_load %arg5[%swap3A_1752, %swap3A_1753, %swap3A_1754] {strides = array<i32>} : memref<63x32x32xf32, #tpu.memory_space<vmem>>, vector<1x1x16xf32>,
      %swap3A_1756 = vector.shape_cast %swap3A_1755 : vector<1x1x16xf32> to vector<16xf32>
      %swap3A_1757 = vector.shape_cast %get3A_1750 : vector<16xf32> to vector<1x1x16xf32>
      tpu.vector_store %arg5[%swap3A_1752, %swap3A_1753, %swap3A_1754], %swap3A_1757 {strides = array<i32>} : memref<63x32x32xf32, #tpu.memory_space<vmem>>, vector<1x1x16xf32>,
      %get3A_1758 = arith.index_cast %scan3A_1099 : i32 to index
      %get3A_1759 = arith.constant 1 : index
      %get3A_1760 = tpu.vector_load %arg4[%get3A_1758, %get3A_1759] {strides = array<i32>} : memref<64x64xf32, #tpu.memory_space<vmem>>, vector<1x16xf32>,
      %get3A_1761 = vector.shape_cast %get3A_1760 : vector<1x16xf32> to vector<16xf32>
      %swap3A_1762 = arith.constant 30 : i32
      %swap3A_1763 = arith.index_cast %scan3A_1099 : i32 to index
      %swap3A_1764 = arith.index_cast %swap3A_1762 : i32 to index
      %swap3A_1765 = arith.constant 0 : index
      %swap3A_1766 = tpu.vector_load %arg5[%swap3A_1763, %swap3A_1764, %swap3A_1765] {strides = array<i32>} : memref<63x32x32xf32, #tpu.memory_space<vmem>>, vector<1x1x16xf32>,
      %swap3A_1767 = vector.shape_cast %swap3A_1766 : vector<1x1x16xf32> to vector<16xf32>
      %swap3A_1768 = vector.shape_cast %get3A_1761 : vector<16xf32> to vector<1x1x16xf32>
      tpu.vector_store %arg5[%swap3A_1763, %swap3A_1764, %swap3A_1765], %swap3A_1768 {strides = array<i32>} : memref<63x32x32xf32, #tpu.memory_space<vmem>>, vector<1x1x16xf32>,
      %get3A_1769 = arith.index_cast %scan3A_1099 : i32 to index
      %get3A_1770 = arith.constant 17 : index
      %get3A_1771 = tpu.vector_load %arg4[%get3A_1769, %get3A_1770] {strides = array<i32>} : memref<64x64xf32, #tpu.memory_space<vmem>>, vector<1x16xf32>,
      %get3A_1772 = vector.shape_cast %get3A_1771 : vector<1x16xf32> to vector<16xf32>
      %swap3A_1773 = arith.constant 30 : i32
      %swap3A_1774 = arith.index_cast %scan3A_1099 : i32 to index
      %swap3A_1775 = arith.index_cast %swap3A_1773 : i32 to index
      %swap3A_1776 = arith.constant 16 : index
      %swap3A_1777 = tpu.vector_load %arg5[%swap3A_1774, %swap3A_1775, %swap3A_1776] {strides = array<i32>} : memref<63x32x32xf32, #tpu.memory_space<vmem>>, vector<1x1x16xf32>,
      %swap3A_1778 = vector.shape_cast %swap3A_1777 : vector<1x1x16xf32> to vector<16xf32>
      %swap3A_1779 = vector.shape_cast %get3A_1772 : vector<16xf32> to vector<1x1x16xf32>
      tpu.vector_store %arg5[%swap3A_1774, %swap3A_1775, %swap3A_1776], %swap3A_1779 {strides = array<i32>} : memref<63x32x32xf32, #tpu.memory_space<vmem>>, vector<1x1x16xf32>,
      %get3A_1780 = arith.index_cast %scan3A_1099 : i32 to index
      %get3A_1781 = arith.constant 0 : index
      %get3A_1782 = tpu.vector_load %arg4[%get3A_1780, %get3A_1781] {strides = array<i32>} : memref<64x64xf32, #tpu.memory_space<vmem>>, vector<1x16xf32>,
      %get3A_1783 = vector.shape_cast %get3A_1782 : vector<1x16xf32> to vector<16xf32>
      %swap3A_1784 = arith.constant 31 : i32
      %swap3A_1785 = arith.index_cast %scan3A_1099 : i32 to index
      %swap3A_1786 = arith.index_cast %swap3A_1784 : i32 to index
      %swap3A_1787 = arith.constant 0 : index
      %swap3A_1788 = tpu.vector_load %arg5[%swap3A_1785, %swap3A_1786, %swap3A_1787] {strides = array<i32>} : memref<63x32x32xf32, #tpu.memory_space<vmem>>, vector<1x1x16xf32>,
      %swap3A_1789 = vector.shape_cast %swap3A_1788 : vector<1x1x16xf32> to vector<16xf32>
      %swap3A_1790 = vector.shape_cast %get3A_1783 : vector<16xf32> to vector<1x1x16xf32>
      tpu.vector_store %arg5[%swap3A_1785, %swap3A_1786, %swap3A_1787], %swap3A_1790 {strides = array<i32>} : memref<63x32x32xf32, #tpu.memory_space<vmem>>, vector<1x1x16xf32>,
      %get3A_1791 = arith.index_cast %scan3A_1099 : i32 to index
      %get3A_1792 = arith.constant 16 : index
      %get3A_1793 = tpu.vector_load %arg4[%get3A_1791, %get3A_1792] {strides = array<i32>} : memref<64x64xf32, #tpu.memory_space<vmem>>, vector<1x16xf32>,
      %get3A_1794 = vector.shape_cast %get3A_1793 : vector<1x16xf32> to vector<16xf32>
      %swap3A_1795 = arith.constant 31 : i32
      %swap3A_1796 = arith.index_cast %scan3A_1099 : i32 to index
      %swap3A_1797 = arith.index_cast %swap3A_1795 : i32 to index
      %swap3A_1798 = arith.constant 16 : index
      %swap3A_1799 = tpu.vector_load %arg5[%swap3A_1796, %swap3A_1797, %swap3A_1798] {strides = array<i32>} : memref<63x32x32xf32, #tpu.memory_space<vmem>>, vector<1x1x16xf32>,
      %swap3A_1800 = vector.shape_cast %swap3A_1799 : vector<1x1x16xf32> to vector<16xf32>
      %swap3A_1801 = vector.shape_cast %get3A_1794 : vector<16xf32> to vector<1x1x16xf32>
      tpu.vector_store %arg5[%swap3A_1796, %swap3A_1797, %swap3A_1798], %swap3A_1801 {strides = array<i32>} : memref<63x32x32xf32, #tpu.memory_space<vmem>>, vector<1x1x16xf32>,
    }
    %scan3A_4 = arith.constant 63 : i32
    %mul3A = arith.constant 16 : i32
    %mul3A_5 = arith.muli %arg0, %mul3A : i32
    %mul3A_6 = arith.constant 32 : i32
    %mul3A_7 = arith.muli %mul3A_5, %mul3A_6 : i32
    %add3A = arith.constant 31 : i32
    %add3A_8 = arith.addi %mul3A_5, %add3A : i32
    %dma_start3A = arith.constant 0 : i32
    %dma_start3A_9 = arith.constant 0 : i32
    %dma_start3A_10 = tpu.memref_slice %arg5[%add3A_8, %dma_start3A, %dma_start3A_9] : memref<63x32x32xf32, #tpu.memory_space<vmem>> -> memref<1x32x32xf32, #tpu.memory_space<vmem>>
    %dma_start3A_11 = tpu.memref_squeeze %dma_start3A_10 : memref<1x32x32xf32, #tpu.memory_space<vmem>> -> memref<32x32xf32, #tpu.memory_space<vmem>>
    %dma_start3A_12 = arith.constant 0 : i32
    %dma_start3A_13 = tpu.memref_slice %arg3[%arg1, %mul3A_7, %dma_start3A_12] : memref<16x1024x1024xf32, #tpu.memory_space<hbm>> -> memref<1x32x32xf32, #tpu.memory_space<hbm>>
    %dma_start3A_14 = tpu.memref_squeeze %dma_start3A_13 : memref<1x32x32xf32, #tpu.memory_space<hbm>> -> memref<32x32xf32, #tpu.memory_space<hbm>>
    %dma_start3A_15 = arith.constant 0 : i32
    %dma_start3A_16 = tpu.memref_slice %arg3[%arg1, %mul3A_7, %dma_start3A_15] : memref<16x1024x1024xf32, #tpu.memory_space<hbm>> -> memref<1x32x32xf32, #tpu.memory_space<hbm>>
    %dma_start3A_17 = tpu.memref_squeeze %dma_start3A_16 : memref<1x32x32xf32, #tpu.memory_space<hbm>> -> memref<32x32xf32, #tpu.memory_space<hbm>>
    %dma_start3A_18 = arith.constant 0 : i32
    %dma_start3A_19 = arith.constant 0 : i32
    %dma_start3A_20 = tpu.memref_slice %arg5[%add3A_8, %dma_start3A_18, %dma_start3A_19] : memref<63x32x32xf32, #tpu.memory_space<vmem>> -> memref<1x32x32xf32, #tpu.memory_space<vmem>>
    %dma_start3A_21 = tpu.memref_squeeze %dma_start3A_20 : memref<1x32x32xf32, #tpu.memory_space<vmem>> -> memref<32x32xf32, #tpu.memory_space<vmem>>
    tpu.enqueue_dma source(%dma_start3A_21 : memref<32x32xf32, #tpu.memory_space<vmem>>) target(%dma_start3A_17 : memref<32x32xf32, #tpu.memory_space<hbm>>) target_semaphore(%arg6 : memref<!tpu.dma_semaphore, #tpu.memory_space<semaphore_mem>>)
    %add3A_22 = arith.constant 30 : i32
    %add3A_23 = arith.addi %mul3A_5, %add3A_22 : i32
    %dma_start3A_24 = arith.constant 0 : i32
    %dma_start3A_25 = arith.constant 0 : i32
    %dma_start3A_26 = tpu.memref_slice %arg5[%add3A_23, %dma_start3A_24, %dma_start3A_25] : memref<63x32x32xf32, #tpu.memory_space<vmem>> -> memref<1x32x32xf32, #tpu.memory_space<vmem>>
    %dma_start3A_27 = tpu.memref_squeeze %dma_start3A_26 : memref<1x32x32xf32, #tpu.memory_space<vmem>> -> memref<32x32xf32, #tpu.memory_space<vmem>>
    %dma_start3A_28 = arith.constant 32 : i32
    %dma_start3A_29 = tpu.memref_slice %arg3[%arg1, %mul3A_7, %dma_start3A_28] : memref<16x1024x1024xf32, #tpu.memory_space<hbm>> -> memref<1x32x32xf32, #tpu.memory_space<hbm>>
    %dma_start3A_30 = tpu.memref_squeeze %dma_start3A_29 : memref<1x32x32xf32, #tpu.memory_space<hbm>> -> memref<32x32xf32, #tpu.memory_space<hbm>>
    %dma_start3A_31 = arith.constant 32 : i32
    %dma_start3A_32 = tpu.memref_slice %arg3[%arg1, %mul3A_7, %dma_start3A_31] : memref<16x1024x1024xf32, #tpu.memory_space<hbm>> -> memref<1x32x32xf32, #tpu.memory_space<hbm>>
    %dma_start3A_33 = tpu.memref_squeeze %dma_start3A_32 : memref<1x32x32xf32, #tpu.memory_space<hbm>> -> memref<32x32xf32, #tpu.memory_space<hbm>>
    %dma_start3A_34 = arith.constant 0 : i32
    %dma_start3A_35 = arith.constant 0 : i32
    %dma_start3A_36 = tpu.memref_slice %arg5[%add3A_23, %dma_start3A_34, %dma_start3A_35] : memref<63x32x32xf32, #tpu.memory_space<vmem>> -> memref<1x32x32xf32, #tpu.memory_space<vmem>>
    %dma_start3A_37 = tpu.memref_squeeze %dma_start3A_36 : memref<1x32x32xf32, #tpu.memory_space<vmem>> -> memref<32x32xf32, #tpu.memory_space<vmem>>
    tpu.enqueue_dma source(%dma_start3A_37 : memref<32x32xf32, #tpu.memory_space<vmem>>) target(%dma_start3A_33 : memref<32x32xf32, #tpu.memory_space<hbm>>) target_semaphore(%arg6 : memref<!tpu.dma_semaphore, #tpu.memory_space<semaphore_mem>>)
    %add3A_38 = arith.constant 29 : i32
    %add3A_39 = arith.addi %mul3A_5, %add3A_38 : i32
    %dma_start3A_40 = arith.constant 0 : i32
    %dma_start3A_41 = arith.constant 0 : i32
    %dma_start3A_42 = tpu.memref_slice %arg5[%add3A_39, %dma_start3A_40, %dma_start3A_41] : memref<63x32x32xf32, #tpu.memory_space<vmem>> -> memref<1x32x32xf32, #tpu.memory_space<vmem>>
    %dma_start3A_43 = tpu.memref_squeeze %dma_start3A_42 : memref<1x32x32xf32, #tpu.memory_space<vmem>> -> memref<32x32xf32, #tpu.memory_space<vmem>>
    %dma_start3A_44 = arith.constant 64 : i32
    %dma_start3A_45 = tpu.memref_slice %arg3[%arg1, %mul3A_7, %dma_start3A_44] : memref<16x1024x1024xf32, #tpu.memory_space<hbm>> -> memref<1x32x32xf32, #tpu.memory_space<hbm>>
    %dma_start3A_46 = tpu.memref_squeeze %dma_start3A_45 : memref<1x32x32xf32, #tpu.memory_space<hbm>> -> memref<32x32xf32, #tpu.memory_space<hbm>>
    %dma_start3A_47 = arith.constant 64 : i32
    %dma_start3A_48 = tpu.memref_slice %arg3[%arg1, %mul3A_7, %dma_start3A_47] : memref<16x1024x1024xf32, #tpu.memory_space<hbm>> -> memref<1x32x32xf32, #tpu.memory_space<hbm>>
    %dma_start3A_49 = tpu.memref_squeeze %dma_start3A_48 : memref<1x32x32xf32, #tpu.memory_space<hbm>> -> memref<32x32xf32, #tpu.memory_space<hbm>>
    %dma_start3A_50 = arith.constant 0 : i32
    %dma_start3A_51 = arith.constant 0 : i32
    %dma_start3A_52 = tpu.memref_slice %arg5[%add3A_39, %dma_start3A_50, %dma_start3A_51] : memref<63x32x32xf32, #tpu.memory_space<vmem>> -> memref<1x32x32xf32, #tpu.memory_space<vmem>>
    %dma_start3A_53 = tpu.memref_squeeze %dma_start3A_52 : memref<1x32x32xf32, #tpu.memory_space<vmem>> -> memref<32x32xf32, #tpu.memory_space<vmem>>
    tpu.enqueue_dma source(%dma_start3A_53 : memref<32x32xf32, #tpu.memory_space<vmem>>) target(%dma_start3A_49 : memref<32x32xf32, #tpu.memory_space<hbm>>) target_semaphore(%arg6 : memref<!tpu.dma_semaphore, #tpu.memory_space<semaphore_mem>>)
    %add3A_54 = arith.constant 28 : i32
    %add3A_55 = arith.addi %mul3A_5, %add3A_54 : i32
    %dma_start3A_56 = arith.constant 0 : i32
    %dma_start3A_57 = arith.constant 0 : i32
    %dma_start3A_58 = tpu.memref_slice %arg5[%add3A_55, %dma_start3A_56, %dma_start3A_57] : memref<63x32x32xf32, #tpu.memory_space<vmem>> -> memref<1x32x32xf32, #tpu.memory_space<vmem>>
    %dma_start3A_59 = tpu.memref_squeeze %dma_start3A_58 : memref<1x32x32xf32, #tpu.memory_space<vmem>> -> memref<32x32xf32, #tpu.memory_space<vmem>>
    %dma_start3A_60 = arith.constant 96 : i32
    %dma_start3A_61 = tpu.memref_slice %arg3[%arg1, %mul3A_7, %dma_start3A_60] : memref<16x1024x1024xf32, #tpu.memory_space<hbm>> -> memref<1x32x32xf32, #tpu.memory_space<hbm>>
    %dma_start3A_62 = tpu.memref_squeeze %dma_start3A_61 : memref<1x32x32xf32, #tpu.memory_space<hbm>> -> memref<32x32xf32, #tpu.memory_space<hbm>>
    %dma_start3A_63 = arith.constant 96 : i32
    %dma_start3A_64 = tpu.memref_slice %arg3[%arg1, %mul3A_7, %dma_start3A_63] : memref<16x1024x1024xf32, #tpu.memory_space<hbm>> -> memref<1x32x32xf32, #tpu.memory_space<hbm>>
    %dma_start3A_65 = tpu.memref_squeeze %dma_start3A_64 : memref<1x32x32xf32, #tpu.memory_space<hbm>> -> memref<32x32xf32, #tpu.memory_space<hbm>>
    %dma_start3A_66 = arith.constant 0 : i32
    %dma_start3A_67 = arith.constant 0 : i32
    %dma_start3A_68 = tpu.memref_slice %arg5[%add3A_55, %dma_start3A_66, %dma_start3A_67] : memref<63x32x32xf32, #tpu.memory_space<vmem>> -> memref<1x32x32xf32, #tpu.memory_space<vmem>>
    %dma_start3A_69 = tpu.memref_squeeze %dma_start3A_68 : memref<1x32x32xf32, #tpu.memory_space<vmem>> -> memref<32x32xf32, #tpu.memory_space<vmem>>
    tpu.enqueue_dma source(%dma_start3A_69 : memref<32x32xf32, #tpu.memory_space<vmem>>) target(%dma_start3A_65 : memref<32x32xf32, #tpu.memory_space<hbm>>) target_semaphore(%arg6 : memref<!tpu.dma_semaphore, #tpu.memory_space<semaphore_mem>>)
    %add3A_70 = arith.constant 27 : i32
    %add3A_71 = arith.addi %mul3A_5, %add3A_70 : i32
    %dma_start3A_72 = arith.constant 0 : i32
    %dma_start3A_73 = arith.constant 0 : i32
    %dma_start3A_74 = tpu.memref_slice %arg5[%add3A_71, %dma_start3A_72, %dma_start3A_73] : memref<63x32x32xf32, #tpu.memory_space<vmem>> -> memref<1x32x32xf32, #tpu.memory_space<vmem>>
    %dma_start3A_75 = tpu.memref_squeeze %dma_start3A_74 : memref<1x32x32xf32, #tpu.memory_space<vmem>> -> memref<32x32xf32, #tpu.memory_space<vmem>>
    %dma_start3A_76 = arith.constant 128 : i32
    %dma_start3A_77 = tpu.memref_slice %arg3[%arg1, %mul3A_7, %dma_start3A_76] : memref<16x1024x1024xf32, #tpu.memory_space<hbm>> -> memref<1x32x32xf32, #tpu.memory_space<hbm>>
    %dma_start3A_78 = tpu.memref_squeeze %dma_start3A_77 : memref<1x32x32xf32, #tpu.memory_space<hbm>> -> memref<32x32xf32, #tpu.memory_space<hbm>>
    %dma_start3A_79 = arith.constant 128 : i32
    %dma_start3A_80 = tpu.memref_slice %arg3[%arg1, %mul3A_7, %dma_start3A_79] : memref<16x1024x1024xf32, #tpu.memory_space<hbm>> -> memref<1x32x32xf32, #tpu.memory_space<hbm>>
    %dma_start3A_81 = tpu.memref_squeeze %dma_start3A_80 : memref<1x32x32xf32, #tpu.memory_space<hbm>> -> memref<32x32xf32, #tpu.memory_space<hbm>>
    %dma_start3A_82 = arith.constant 0 : i32
    %dma_start3A_83 = arith.constant 0 : i32
    %dma_start3A_84 = tpu.memref_slice %arg5[%add3A_71, %dma_start3A_82, %dma_start3A_83] : memref<63x32x32xf32, #tpu.memory_space<vmem>> -> memref<1x32x32xf32, #tpu.memory_space<vmem>>
    %dma_start3A_85 = tpu.memref_squeeze %dma_start3A_84 : memref<1x32x32xf32, #tpu.memory_space<vmem>> -> memref<32x32xf32, #tpu.memory_space<vmem>>
    tpu.enqueue_dma source(%dma_start3A_85 : memref<32x32xf32, #tpu.memory_space<vmem>>) target(%dma_start3A_81 : memref<32x32xf32, #tpu.memory_space<hbm>>) target_semaphore(%arg6 : memref<!tpu.dma_semaphore, #tpu.memory_space<semaphore_mem>>)
    %add3A_86 = arith.constant 26 : i32
    %add3A_87 = arith.addi %mul3A_5, %add3A_86 : i32
    %dma_start3A_88 = arith.constant 0 : i32
    %dma_start3A_89 = arith.constant 0 : i32
    %dma_start3A_90 = tpu.memref_slice %arg5[%add3A_87, %dma_start3A_88, %dma_start3A_89] : memref<63x32x32xf32, #tpu.memory_space<vmem>> -> memref<1x32x32xf32, #tpu.memory_space<vmem>>
    %dma_start3A_91 = tpu.memref_squeeze %dma_start3A_90 : memref<1x32x32xf32, #tpu.memory_space<vmem>> -> memref<32x32xf32, #tpu.memory_space<vmem>>
    %dma_start3A_92 = arith.constant 160 : i32
    %dma_start3A_93 = tpu.memref_slice %arg3[%arg1, %mul3A_7, %dma_start3A_92] : memref<16x1024x1024xf32, #tpu.memory_space<hbm>> -> memref<1x32x32xf32, #tpu.memory_space<hbm>>
    %dma_start3A_94 = tpu.memref_squeeze %dma_start3A_93 : memref<1x32x32xf32, #tpu.memory_space<hbm>> -> memref<32x32xf32, #tpu.memory_space<hbm>>
    %dma_start3A_95 = arith.constant 160 : i32
    %dma_start3A_96 = tpu.memref_slice %arg3[%arg1, %mul3A_7, %dma_start3A_95] : memref<16x1024x1024xf32, #tpu.memory_space<hbm>> -> memref<1x32x32xf32, #tpu.memory_space<hbm>>
    %dma_start3A_97 = tpu.memref_squeeze %dma_start3A_96 : memref<1x32x32xf32, #tpu.memory_space<hbm>> -> memref<32x32xf32, #tpu.memory_space<hbm>>
    %dma_start3A_98 = arith.constant 0 : i32
    %dma_start3A_99 = arith.constant 0 : i32
    %dma_start3A_100 = tpu.memref_slice %arg5[%add3A_87, %dma_start3A_98, %dma_start3A_99] : memref<63x32x32xf32, #tpu.memory_space<vmem>> -> memref<1x32x32xf32, #tpu.memory_space<vmem>>
    %dma_start3A_101 = tpu.memref_squeeze %dma_start3A_100 : memref<1x32x32xf32, #tpu.memory_space<vmem>> -> memref<32x32xf32, #tpu.memory_space<vmem>>
    tpu.enqueue_dma source(%dma_start3A_101 : memref<32x32xf32, #tpu.memory_space<vmem>>) target(%dma_start3A_97 : memref<32x32xf32, #tpu.memory_space<hbm>>) target_semaphore(%arg6 : memref<!tpu.dma_semaphore, #tpu.memory_space<semaphore_mem>>)
    %add3A_102 = arith.constant 25 : i32
    %add3A_103 = arith.addi %mul3A_5, %add3A_102 : i32
    %dma_start3A_104 = arith.constant 0 : i32
    %dma_start3A_105 = arith.constant 0 : i32
    %dma_start3A_106 = tpu.memref_slice %arg5[%add3A_103, %dma_start3A_104, %dma_start3A_105] : memref<63x32x32xf32, #tpu.memory_space<vmem>> -> memref<1x32x32xf32, #tpu.memory_space<vmem>>
    %dma_start3A_107 = tpu.memref_squeeze %dma_start3A_106 : memref<1x32x32xf32, #tpu.memory_space<vmem>> -> memref<32x32xf32, #tpu.memory_space<vmem>>
    %dma_start3A_108 = arith.constant 192 : i32
    %dma_start3A_109 = tpu.memref_slice %arg3[%arg1, %mul3A_7, %dma_start3A_108] : memref<16x1024x1024xf32, #tpu.memory_space<hbm>> -> memref<1x32x32xf32, #tpu.memory_space<hbm>>
    %dma_start3A_110 = tpu.memref_squeeze %dma_start3A_109 : memref<1x32x32xf32, #tpu.memory_space<hbm>> -> memref<32x32xf32, #tpu.memory_space<hbm>>
    %dma_start3A_111 = arith.constant 192 : i32
    %dma_start3A_112 = tpu.memref_slice %arg3[%arg1, %mul3A_7, %dma_start3A_111] : memref<16x1024x1024xf32, #tpu.memory_space<hbm>> -> memref<1x32x32xf32, #tpu.memory_space<hbm>>
    %dma_start3A_113 = tpu.memref_squeeze %dma_start3A_112 : memref<1x32x32xf32, #tpu.memory_space<hbm>> -> memref<32x32xf32, #tpu.memory_space<hbm>>
    %dma_start3A_114 = arith.constant 0 : i32
    %dma_start3A_115 = arith.constant 0 : i32
    %dma_start3A_116 = tpu.memref_slice %arg5[%add3A_103, %dma_start3A_114, %dma_start3A_115] : memref<63x32x32xf32, #tpu.memory_space<vmem>> -> memref<1x32x32xf32, #tpu.memory_space<vmem>>
    %dma_start3A_117 = tpu.memref_squeeze %dma_start3A_116 : memref<1x32x32xf32, #tpu.memory_space<vmem>> -> memref<32x32xf32, #tpu.memory_space<vmem>>
    tpu.enqueue_dma source(%dma_start3A_117 : memref<32x32xf32, #tpu.memory_space<vmem>>) target(%dma_start3A_113 : memref<32x32xf32, #tpu.memory_space<hbm>>) target_semaphore(%arg6 : memref<!tpu.dma_semaphore, #tpu.memory_space<semaphore_mem>>)
    %add3A_118 = arith.constant 24 : i32
    %add3A_119 = arith.addi %mul3A_5, %add3A_118 : i32
    %dma_start3A_120 = arith.constant 0 : i32
    %dma_start3A_121 = arith.constant 0 : i32
    %dma_start3A_122 = tpu.memref_slice %arg5[%add3A_119, %dma_start3A_120, %dma_start3A_121] : memref<63x32x32xf32, #tpu.memory_space<vmem>> -> memref<1x32x32xf32, #tpu.memory_space<vmem>>
    %dma_start3A_123 = tpu.memref_squeeze %dma_start3A_122 : memref<1x32x32xf32, #tpu.memory_space<vmem>> -> memref<32x32xf32, #tpu.memory_space<vmem>>
    %dma_start3A_124 = arith.constant 224 : i32
    %dma_start3A_125 = tpu.memref_slice %arg3[%arg1, %mul3A_7, %dma_start3A_124] : memref<16x1024x1024xf32, #tpu.memory_space<hbm>> -> memref<1x32x32xf32, #tpu.memory_space<hbm>>
    %dma_start3A_126 = tpu.memref_squeeze %dma_start3A_125 : memref<1x32x32xf32, #tpu.memory_space<hbm>> -> memref<32x32xf32, #tpu.memory_space<hbm>>
    %dma_start3A_127 = arith.constant 224 : i32
    %dma_start3A_128 = tpu.memref_slice %arg3[%arg1, %mul3A_7, %dma_start3A_127] : memref<16x1024x1024xf32, #tpu.memory_space<hbm>> -> memref<1x32x32xf32, #tpu.memory_space<hbm>>
    %dma_start3A_129 = tpu.memref_squeeze %dma_start3A_128 : memref<1x32x32xf32, #tpu.memory_space<hbm>> -> memref<32x32xf32, #tpu.memory_space<hbm>>
    %dma_start3A_130 = arith.constant 0 : i32
    %dma_start3A_131 = arith.constant 0 : i32
    %dma_start3A_132 = tpu.memref_slice %arg5[%add3A_119, %dma_start3A_130, %dma_start3A_131] : memref<63x32x32xf32, #tpu.memory_space<vmem>> -> memref<1x32x32xf32, #tpu.memory_space<vmem>>
    %dma_start3A_133 = tpu.memref_squeeze %dma_start3A_132 : memref<1x32x32xf32, #tpu.memory_space<vmem>> -> memref<32x32xf32, #tpu.memory_space<vmem>>
    tpu.enqueue_dma source(%dma_start3A_133 : memref<32x32xf32, #tpu.memory_space<vmem>>) target(%dma_start3A_129 : memref<32x32xf32, #tpu.memory_space<hbm>>) target_semaphore(%arg6 : memref<!tpu.dma_semaphore, #tpu.memory_space<semaphore_mem>>)
    %add3A_134 = arith.constant 23 : i32
    %add3A_135 = arith.addi %mul3A_5, %add3A_134 : i32
    %dma_start3A_136 = arith.constant 0 : i32
    %dma_start3A_137 = arith.constant 0 : i32
    %dma_start3A_138 = tpu.memref_slice %arg5[%add3A_135, %dma_start3A_136, %dma_start3A_137] : memref<63x32x32xf32, #tpu.memory_space<vmem>> -> memref<1x32x32xf32, #tpu.memory_space<vmem>>
    %dma_start3A_139 = tpu.memref_squeeze %dma_start3A_138 : memref<1x32x32xf32, #tpu.memory_space<vmem>> -> memref<32x32xf32, #tpu.memory_space<vmem>>
    %dma_start3A_140 = arith.constant 256 : i32
    %dma_start3A_141 = tpu.memref_slice %arg3[%arg1, %mul3A_7, %dma_start3A_140] : memref<16x1024x1024xf32, #tpu.memory_space<hbm>> -> memref<1x32x32xf32, #tpu.memory_space<hbm>>
    %dma_start3A_142 = tpu.memref_squeeze %dma_start3A_141 : memref<1x32x32xf32, #tpu.memory_space<hbm>> -> memref<32x32xf32, #tpu.memory_space<hbm>>
    %dma_start3A_143 = arith.constant 256 : i32
    %dma_start3A_144 = tpu.memref_slice %arg3[%arg1, %mul3A_7, %dma_start3A_143] : memref<16x1024x1024xf32, #tpu.memory_space<hbm>> -> memref<1x32x32xf32, #tpu.memory_space<hbm>>
    %dma_start3A_145 = tpu.memref_squeeze %dma_start3A_144 : memref<1x32x32xf32, #tpu.memory_space<hbm>> -> memref<32x32xf32, #tpu.memory_space<hbm>>
    %dma_start3A_146 = arith.constant 0 : i32
    %dma_start3A_147 = arith.constant 0 : i32
    %dma_start3A_148 = tpu.memref_slice %arg5[%add3A_135, %dma_start3A_146, %dma_start3A_147] : memref<63x32x32xf32, #tpu.memory_space<vmem>> -> memref<1x32x32xf32, #tpu.memory_space<vmem>>
    %dma_start3A_149 = tpu.memref_squeeze %dma_start3A_148 : memref<1x32x32xf32, #tpu.memory_space<vmem>> -> memref<32x32xf32, #tpu.memory_space<vmem>>
    tpu.enqueue_dma source(%dma_start3A_149 : memref<32x32xf32, #tpu.memory_space<vmem>>) target(%dma_start3A_145 : memref<32x32xf32, #tpu.memory_space<hbm>>) target_semaphore(%arg6 : memref<!tpu.dma_semaphore, #tpu.memory_space<semaphore_mem>>)
    %add3A_150 = arith.constant 22 : i32
    %add3A_151 = arith.addi %mul3A_5, %add3A_150 : i32
    %dma_start3A_152 = arith.constant 0 : i32
    %dma_start3A_153 = arith.constant 0 : i32
    %dma_start3A_154 = tpu.memref_slice %arg5[%add3A_151, %dma_start3A_152, %dma_start3A_153] : memref<63x32x32xf32, #tpu.memory_space<vmem>> -> memref<1x32x32xf32, #tpu.memory_space<vmem>>
    %dma_start3A_155 = tpu.memref_squeeze %dma_start3A_154 : memref<1x32x32xf32, #tpu.memory_space<vmem>> -> memref<32x32xf32, #tpu.memory_space<vmem>>
    %dma_start3A_156 = arith.constant 288 : i32
    %dma_start3A_157 = tpu.memref_slice %arg3[%arg1, %mul3A_7, %dma_start3A_156] : memref<16x1024x1024xf32, #tpu.memory_space<hbm>> -> memref<1x32x32xf32, #tpu.memory_space<hbm>>
    %dma_start3A_158 = tpu.memref_squeeze %dma_start3A_157 : memref<1x32x32xf32, #tpu.memory_space<hbm>> -> memref<32x32xf32, #tpu.memory_space<hbm>>
    %dma_start3A_159 = arith.constant 288 : i32
    %dma_start3A_160 = tpu.memref_slice %arg3[%arg1, %mul3A_7, %dma_start3A_159] : memref<16x1024x1024xf32, #tpu.memory_space<hbm>> -> memref<1x32x32xf32, #tpu.memory_space<hbm>>
    %dma_start3A_161 = tpu.memref_squeeze %dma_start3A_160 : memref<1x32x32xf32, #tpu.memory_space<hbm>> -> memref<32x32xf32, #tpu.memory_space<hbm>>
    %dma_start3A_162 = arith.constant 0 : i32
    %dma_start3A_163 = arith.constant 0 : i32
    %dma_start3A_164 = tpu.memref_slice %arg5[%add3A_151, %dma_start3A_162, %dma_start3A_163] : memref<63x32x32xf32, #tpu.memory_space<vmem>> -> memref<1x32x32xf32, #tpu.memory_space<vmem>>
    %dma_start3A_165 = tpu.memref_squeeze %dma_start3A_164 : memref<1x32x32xf32, #tpu.memory_space<vmem>> -> memref<32x32xf32, #tpu.memory_space<vmem>>
    tpu.enqueue_dma source(%dma_start3A_165 : memref<32x32xf32, #tpu.memory_space<vmem>>) target(%dma_start3A_161 : memref<32x32xf32, #tpu.memory_space<hbm>>) target_semaphore(%arg6 : memref<!tpu.dma_semaphore, #tpu.memory_space<semaphore_mem>>)
    %add3A_166 = arith.constant 21 : i32
    %add3A_167 = arith.addi %mul3A_5, %add3A_166 : i32
    %dma_start3A_168 = arith.constant 0 : i32
    %dma_start3A_169 = arith.constant 0 : i32
    %dma_start3A_170 = tpu.memref_slice %arg5[%add3A_167, %dma_start3A_168, %dma_start3A_169] : memref<63x32x32xf32, #tpu.memory_space<vmem>> -> memref<1x32x32xf32, #tpu.memory_space<vmem>>
    %dma_start3A_171 = tpu.memref_squeeze %dma_start3A_170 : memref<1x32x32xf32, #tpu.memory_space<vmem>> -> memref<32x32xf32, #tpu.memory_space<vmem>>
    %dma_start3A_172 = arith.constant 320 : i32
    %dma_start3A_173 = tpu.memref_slice %arg3[%arg1, %mul3A_7, %dma_start3A_172] : memref<16x1024x1024xf32, #tpu.memory_space<hbm>> -> memref<1x32x32xf32, #tpu.memory_space<hbm>>
    %dma_start3A_174 = tpu.memref_squeeze %dma_start3A_173 : memref<1x32x32xf32, #tpu.memory_space<hbm>> -> memref<32x32xf32, #tpu.memory_space<hbm>>
    %dma_start3A_175 = arith.constant 320 : i32
    %dma_start3A_176 = tpu.memref_slice %arg3[%arg1, %mul3A_7, %dma_start3A_175] : memref<16x1024x1024xf32, #tpu.memory_space<hbm>> -> memref<1x32x32xf32, #tpu.memory_space<hbm>>
    %dma_start3A_177 = tpu.memref_squeeze %dma_start3A_176 : memref<1x32x32xf32, #tpu.memory_space<hbm>> -> memref<32x32xf32, #tpu.memory_space<hbm>>
    %dma_start3A_178 = arith.constant 0 : i32
    %dma_start3A_179 = arith.constant 0 : i32
    %dma_start3A_180 = tpu.memref_slice %arg5[%add3A_167, %dma_start3A_178, %dma_start3A_179] : memref<63x32x32xf32, #tpu.memory_space<vmem>> -> memref<1x32x32xf32, #tpu.memory_space<vmem>>
    %dma_start3A_181 = tpu.memref_squeeze %dma_start3A_180 : memref<1x32x32xf32, #tpu.memory_space<vmem>> -> memref<32x32xf32, #tpu.memory_space<vmem>>
    tpu.enqueue_dma source(%dma_start3A_181 : memref<32x32xf32, #tpu.memory_space<vmem>>) target(%dma_start3A_177 : memref<32x32xf32, #tpu.memory_space<hbm>>) target_semaphore(%arg6 : memref<!tpu.dma_semaphore, #tpu.memory_space<semaphore_mem>>)
    %add3A_182 = arith.constant 20 : i32
    %add3A_183 = arith.addi %mul3A_5, %add3A_182 : i32
    %dma_start3A_184 = arith.constant 0 : i32
    %dma_start3A_185 = arith.constant 0 : i32
    %dma_start3A_186 = tpu.memref_slice %arg5[%add3A_183, %dma_start3A_184, %dma_start3A_185] : memref<63x32x32xf32, #tpu.memory_space<vmem>> -> memref<1x32x32xf32, #tpu.memory_space<vmem>>
    %dma_start3A_187 = tpu.memref_squeeze %dma_start3A_186 : memref<1x32x32xf32, #tpu.memory_space<vmem>> -> memref<32x32xf32, #tpu.memory_space<vmem>>
    %dma_start3A_188 = arith.constant 352 : i32
    %dma_start3A_189 = tpu.memref_slice %arg3[%arg1, %mul3A_7, %dma_start3A_188] : memref<16x1024x1024xf32, #tpu.memory_space<hbm>> -> memref<1x32x32xf32, #tpu.memory_space<hbm>>
    %dma_start3A_190 = tpu.memref_squeeze %dma_start3A_189 : memref<1x32x32xf32, #tpu.memory_space<hbm>> -> memref<32x32xf32, #tpu.memory_space<hbm>>
    %dma_start3A_191 = arith.constant 352 : i32
    %dma_start3A_192 = tpu.memref_slice %arg3[%arg1, %mul3A_7, %dma_start3A_191] : memref<16x1024x1024xf32, #tpu.memory_space<hbm>> -> memref<1x32x32xf32, #tpu.memory_space<hbm>>
    %dma_start3A_193 = tpu.memref_squeeze %dma_start3A_192 : memref<1x32x32xf32, #tpu.memory_space<hbm>> -> memref<32x32xf32, #tpu.memory_space<hbm>>
    %dma_start3A_194 = arith.constant 0 : i32
    %dma_start3A_195 = arith.constant 0 : i32
    %dma_start3A_196 = tpu.memref_slice %arg5[%add3A_183, %dma_start3A_194, %dma_start3A_195] : memref<63x32x32xf32, #tpu.memory_space<vmem>> -> memref<1x32x32xf32, #tpu.memory_space<vmem>>
    %dma_start3A_197 = tpu.memref_squeeze %dma_start3A_196 : memref<1x32x32xf32, #tpu.memory_space<vmem>> -> memref<32x32xf32, #tpu.memory_space<vmem>>
    tpu.enqueue_dma source(%dma_start3A_197 : memref<32x32xf32, #tpu.memory_space<vmem>>) target(%dma_start3A_193 : memref<32x32xf32, #tpu.memory_space<hbm>>) target_semaphore(%arg6 : memref<!tpu.dma_semaphore, #tpu.memory_space<semaphore_mem>>)
    %add3A_198 = arith.constant 19 : i32
    %add3A_199 = arith.addi %mul3A_5, %add3A_198 : i32
    %dma_start3A_200 = arith.constant 0 : i32
    %dma_start3A_201 = arith.constant 0 : i32
    %dma_start3A_202 = tpu.memref_slice %arg5[%add3A_199, %dma_start3A_200, %dma_start3A_201] : memref<63x32x32xf32, #tpu.memory_space<vmem>> -> memref<1x32x32xf32, #tpu.memory_space<vmem>>
    %dma_start3A_203 = tpu.memref_squeeze %dma_start3A_202 : memref<1x32x32xf32, #tpu.memory_space<vmem>> -> memref<32x32xf32, #tpu.memory_space<vmem>>
    %dma_start3A_204 = arith.constant 384 : i32
    %dma_start3A_205 = tpu.memref_slice %arg3[%arg1, %mul3A_7, %dma_start3A_204] : memref<16x1024x1024xf32, #tpu.memory_space<hbm>> -> memref<1x32x32xf32, #tpu.memory_space<hbm>>
    %dma_start3A_206 = tpu.memref_squeeze %dma_start3A_205 : memref<1x32x32xf32, #tpu.memory_space<hbm>> -> memref<32x32xf32, #tpu.memory_space<hbm>>
    %dma_start3A_207 = arith.constant 384 : i32
    %dma_start3A_208 = tpu.memref_slice %arg3[%arg1, %mul3A_7, %dma_start3A_207] : memref<16x1024x1024xf32, #tpu.memory_space<hbm>> -> memref<1x32x32xf32, #tpu.memory_space<hbm>>
    %dma_start3A_209 = tpu.memref_squeeze %dma_start3A_208 : memref<1x32x32xf32, #tpu.memory_space<hbm>> -> memref<32x32xf32, #tpu.memory_space<hbm>>
    %dma_start3A_210 = arith.constant 0 : i32
    %dma_start3A_211 = arith.constant 0 : i32
    %dma_start3A_212 = tpu.memref_slice %arg5[%add3A_199, %dma_start3A_210, %dma_start3A_211] : memref<63x32x32xf32, #tpu.memory_space<vmem>> -> memref<1x32x32xf32, #tpu.memory_space<vmem>>
    %dma_start3A_213 = tpu.memref_squeeze %dma_start3A_212 : memref<1x32x32xf32, #tpu.memory_space<vmem>> -> memref<32x32xf32, #tpu.memory_space<vmem>>
    tpu.enqueue_dma source(%dma_start3A_213 : memref<32x32xf32, #tpu.memory_space<vmem>>) target(%dma_start3A_209 : memref<32x32xf32, #tpu.memory_space<hbm>>) target_semaphore(%arg6 : memref<!tpu.dma_semaphore, #tpu.memory_space<semaphore_mem>>)
    %add3A_214 = arith.constant 18 : i32
    %add3A_215 = arith.addi %mul3A_5, %add3A_214 : i32
    %dma_start3A_216 = arith.constant 0 : i32
    %dma_start3A_217 = arith.constant 0 : i32
    %dma_start3A_218 = tpu.memref_slice %arg5[%add3A_215, %dma_start3A_216, %dma_start3A_217] : memref<63x32x32xf32, #tpu.memory_space<vmem>> -> memref<1x32x32xf32, #tpu.memory_space<vmem>>
    %dma_start3A_219 = tpu.memref_squeeze %dma_start3A_218 : memref<1x32x32xf32, #tpu.memory_space<vmem>> -> memref<32x32xf32, #tpu.memory_space<vmem>>
    %dma_start3A_220 = arith.constant 416 : i32
    %dma_start3A_221 = tpu.memref_slice %arg3[%arg1, %mul3A_7, %dma_start3A_220] : memref<16x1024x1024xf32, #tpu.memory_space<hbm>> -> memref<1x32x32xf32, #tpu.memory_space<hbm>>
    %dma_start3A_222 = tpu.memref_squeeze %dma_start3A_221 : memref<1x32x32xf32, #tpu.memory_space<hbm>> -> memref<32x32xf32, #tpu.memory_space<hbm>>
    %dma_start3A_223 = arith.constant 416 : i32
    %dma_start3A_224 = tpu.memref_slice %arg3[%arg1, %mul3A_7, %dma_start3A_223] : memref<16x1024x1024xf32, #tpu.memory_space<hbm>> -> memref<1x32x32xf32, #tpu.memory_space<hbm>>
    %dma_start3A_225 = tpu.memref_squeeze %dma_start3A_224 : memref<1x32x32xf32, #tpu.memory_space<hbm>> -> memref<32x32xf32, #tpu.memory_space<hbm>>
    %dma_start3A_226 = arith.constant 0 : i32
    %dma_start3A_227 = arith.constant 0 : i32
    %dma_start3A_228 = tpu.memref_slice %arg5[%add3A_215, %dma_start3A_226, %dma_start3A_227] : memref<63x32x32xf32, #tpu.memory_space<vmem>> -> memref<1x32x32xf32, #tpu.memory_space<vmem>>
    %dma_start3A_229 = tpu.memref_squeeze %dma_start3A_228 : memref<1x32x32xf32, #tpu.memory_space<vmem>> -> memref<32x32xf32, #tpu.memory_space<vmem>>
    tpu.enqueue_dma source(%dma_start3A_229 : memref<32x32xf32, #tpu.memory_space<vmem>>) target(%dma_start3A_225 : memref<32x32xf32, #tpu.memory_space<hbm>>) target_semaphore(%arg6 : memref<!tpu.dma_semaphore, #tpu.memory_space<semaphore_mem>>)
    %add3A_230 = arith.constant 17 : i32
    %add3A_231 = arith.addi %mul3A_5, %add3A_230 : i32
    %dma_start3A_232 = arith.constant 0 : i32
    %dma_start3A_233 = arith.constant 0 : i32
    %dma_start3A_234 = tpu.memref_slice %arg5[%add3A_231, %dma_start3A_232, %dma_start3A_233] : memref<63x32x32xf32, #tpu.memory_space<vmem>> -> memref<1x32x32xf32, #tpu.memory_space<vmem>>
    %dma_start3A_235 = tpu.memref_squeeze %dma_start3A_234 : memref<1x32x32xf32, #tpu.memory_space<vmem>> -> memref<32x32xf32, #tpu.memory_space<vmem>>
    %dma_start3A_236 = arith.constant 448 : i32
    %dma_start3A_237 = tpu.memref_slice %arg3[%arg1, %mul3A_7, %dma_start3A_236] : memref<16x1024x1024xf32, #tpu.memory_space<hbm>> -> memref<1x32x32xf32, #tpu.memory_space<hbm>>
    %dma_start3A_238 = tpu.memref_squeeze %dma_start3A_237 : memref<1x32x32xf32, #tpu.memory_space<hbm>> -> memref<32x32xf32, #tpu.memory_space<hbm>>
    %dma_start3A_239 = arith.constant 448 : i32
    %dma_start3A_240 = tpu.memref_slice %arg3[%arg1, %mul3A_7, %dma_start3A_239] : memref<16x1024x1024xf32, #tpu.memory_space<hbm>> -> memref<1x32x32xf32, #tpu.memory_space<hbm>>
    %dma_start3A_241 = tpu.memref_squeeze %dma_start3A_240 : memref<1x32x32xf32, #tpu.memory_space<hbm>> -> memref<32x32xf32, #tpu.memory_space<hbm>>
    %dma_start3A_242 = arith.constant 0 : i32
    %dma_start3A_243 = arith.constant 0 : i32
    %dma_start3A_244 = tpu.memref_slice %arg5[%add3A_231, %dma_start3A_242, %dma_start3A_243] : memref<63x32x32xf32, #tpu.memory_space<vmem>> -> memref<1x32x32xf32, #tpu.memory_space<vmem>>
    %dma_start3A_245 = tpu.memref_squeeze %dma_start3A_244 : memref<1x32x32xf32, #tpu.memory_space<vmem>> -> memref<32x32xf32, #tpu.memory_space<vmem>>
    tpu.enqueue_dma source(%dma_start3A_245 : memref<32x32xf32, #tpu.memory_space<vmem>>) target(%dma_start3A_241 : memref<32x32xf32, #tpu.memory_space<hbm>>) target_semaphore(%arg6 : memref<!tpu.dma_semaphore, #tpu.memory_space<semaphore_mem>>)
    %add3A_246 = arith.constant 16 : i32
    %add3A_247 = arith.addi %mul3A_5, %add3A_246 : i32
    %dma_start3A_248 = arith.constant 0 : i32
    %dma_start3A_249 = arith.constant 0 : i32
    %dma_start3A_250 = tpu.memref_slice %arg5[%add3A_247, %dma_start3A_248, %dma_start3A_249] : memref<63x32x32xf32, #tpu.memory_space<vmem>> -> memref<1x32x32xf32, #tpu.memory_space<vmem>>
    %dma_start3A_251 = tpu.memref_squeeze %dma_start3A_250 : memref<1x32x32xf32, #tpu.memory_space<vmem>> -> memref<32x32xf32, #tpu.memory_space<vmem>>
    %dma_start3A_252 = arith.constant 480 : i32
    %dma_start3A_253 = tpu.memref_slice %arg3[%arg1, %mul3A_7, %dma_start3A_252] : memref<16x1024x1024xf32, #tpu.memory_space<hbm>> -> memref<1x32x32xf32, #tpu.memory_space<hbm>>
    %dma_start3A_254 = tpu.memref_squeeze %dma_start3A_253 : memref<1x32x32xf32, #tpu.memory_space<hbm>> -> memref<32x32xf32, #tpu.memory_space<hbm>>
    %dma_start3A_255 = arith.constant 480 : i32
    %dma_start3A_256 = tpu.memref_slice %arg3[%arg1, %mul3A_7, %dma_start3A_255] : memref<16x1024x1024xf32, #tpu.memory_space<hbm>> -> memref<1x32x32xf32, #tpu.memory_space<hbm>>
    %dma_start3A_257 = tpu.memref_squeeze %dma_start3A_256 : memref<1x32x32xf32, #tpu.memory_space<hbm>> -> memref<32x32xf32, #tpu.memory_space<hbm>>
    %dma_start3A_258 = arith.constant 0 : i32
    %dma_start3A_259 = arith.constant 0 : i32
    %dma_start3A_260 = tpu.memref_slice %arg5[%add3A_247, %dma_start3A_258, %dma_start3A_259] : memref<63x32x32xf32, #tpu.memory_space<vmem>> -> memref<1x32x32xf32, #tpu.memory_space<vmem>>
    %dma_start3A_261 = tpu.memref_squeeze %dma_start3A_260 : memref<1x32x32xf32, #tpu.memory_space<vmem>> -> memref<32x32xf32, #tpu.memory_space<vmem>>
    tpu.enqueue_dma source(%dma_start3A_261 : memref<32x32xf32, #tpu.memory_space<vmem>>) target(%dma_start3A_257 : memref<32x32xf32, #tpu.memory_space<hbm>>) target_semaphore(%arg6 : memref<!tpu.dma_semaphore, #tpu.memory_space<semaphore_mem>>)
    %add3A_262 = arith.constant 15 : i32
    %add3A_263 = arith.addi %mul3A_5, %add3A_262 : i32
    %dma_start3A_264 = arith.constant 0 : i32
    %dma_start3A_265 = arith.constant 0 : i32
    %dma_start3A_266 = tpu.memref_slice %arg5[%add3A_263, %dma_start3A_264, %dma_start3A_265] : memref<63x32x32xf32, #tpu.memory_space<vmem>> -> memref<1x32x32xf32, #tpu.memory_space<vmem>>
    %dma_start3A_267 = tpu.memref_squeeze %dma_start3A_266 : memref<1x32x32xf32, #tpu.memory_space<vmem>> -> memref<32x32xf32, #tpu.memory_space<vmem>>
    %dma_start3A_268 = arith.constant 512 : i32
    %dma_start3A_269 = tpu.memref_slice %arg3[%arg1, %mul3A_7, %dma_start3A_268] : memref<16x1024x1024xf32, #tpu.memory_space<hbm>> -> memref<1x32x32xf32, #tpu.memory_space<hbm>>
    %dma_start3A_270 = tpu.memref_squeeze %dma_start3A_269 : memref<1x32x32xf32, #tpu.memory_space<hbm>> -> memref<32x32xf32, #tpu.memory_space<hbm>>
    %dma_start3A_271 = arith.constant 512 : i32
    %dma_start3A_272 = tpu.memref_slice %arg3[%arg1, %mul3A_7, %dma_start3A_271] : memref<16x1024x1024xf32, #tpu.memory_space<hbm>> -> memref<1x32x32xf32, #tpu.memory_space<hbm>>
    %dma_start3A_273 = tpu.memref_squeeze %dma_start3A_272 : memref<1x32x32xf32, #tpu.memory_space<hbm>> -> memref<32x32xf32, #tpu.memory_space<hbm>>
    %dma_start3A_274 = arith.constant 0 : i32
    %dma_start3A_275 = arith.constant 0 : i32
    %dma_start3A_276 = tpu.memref_slice %arg5[%add3A_263, %dma_start3A_274, %dma_start3A_275] : memref<63x32x32xf32, #tpu.memory_space<vmem>> -> memref<1x32x32xf32, #tpu.memory_space<vmem>>
    %dma_start3A_277 = tpu.memref_squeeze %dma_start3A_276 : memref<1x32x32xf32, #tpu.memory_space<vmem>> -> memref<32x32xf32, #tpu.memory_space<vmem>>
    tpu.enqueue_dma source(%dma_start3A_277 : memref<32x32xf32, #tpu.memory_space<vmem>>) target(%dma_start3A_273 : memref<32x32xf32, #tpu.memory_space<hbm>>) target_semaphore(%arg6 : memref<!tpu.dma_semaphore, #tpu.memory_space<semaphore_mem>>)
    %add3A_278 = arith.constant 14 : i32
    %add3A_279 = arith.addi %mul3A_5, %add3A_278 : i32
    %dma_start3A_280 = arith.constant 0 : i32
    %dma_start3A_281 = arith.constant 0 : i32
    %dma_start3A_282 = tpu.memref_slice %arg5[%add3A_279, %dma_start3A_280, %dma_start3A_281] : memref<63x32x32xf32, #tpu.memory_space<vmem>> -> memref<1x32x32xf32, #tpu.memory_space<vmem>>
    %dma_start3A_283 = tpu.memref_squeeze %dma_start3A_282 : memref<1x32x32xf32, #tpu.memory_space<vmem>> -> memref<32x32xf32, #tpu.memory_space<vmem>>
    %dma_start3A_284 = arith.constant 544 : i32
    %dma_start3A_285 = tpu.memref_slice %arg3[%arg1, %mul3A_7, %dma_start3A_284] : memref<16x1024x1024xf32, #tpu.memory_space<hbm>> -> memref<1x32x32xf32, #tpu.memory_space<hbm>>
    %dma_start3A_286 = tpu.memref_squeeze %dma_start3A_285 : memref<1x32x32xf32, #tpu.memory_space<hbm>> -> memref<32x32xf32, #tpu.memory_space<hbm>>
    %dma_start3A_287 = arith.constant 544 : i32
    %dma_start3A_288 = tpu.memref_slice %arg3[%arg1, %mul3A_7, %dma_start3A_287] : memref<16x1024x1024xf32, #tpu.memory_space<hbm>> -> memref<1x32x32xf32, #tpu.memory_space<hbm>>
    %dma_start3A_289 = tpu.memref_squeeze %dma_start3A_288 : memref<1x32x32xf32, #tpu.memory_space<hbm>> -> memref<32x32xf32, #tpu.memory_space<hbm>>
    %dma_start3A_290 = arith.constant 0 : i32
    %dma_start3A_291 = arith.constant 0 : i32
    %dma_start3A_292 = tpu.memref_slice %arg5[%add3A_279, %dma_start3A_290, %dma_start3A_291] : memref<63x32x32xf32, #tpu.memory_space<vmem>> -> memref<1x32x32xf32, #tpu.memory_space<vmem>>
    %dma_start3A_293 = tpu.memref_squeeze %dma_start3A_292 : memref<1x32x32xf32, #tpu.memory_space<vmem>> -> memref<32x32xf32, #tpu.memory_space<vmem>>
    tpu.enqueue_dma source(%dma_start3A_293 : memref<32x32xf32, #tpu.memory_space<vmem>>) target(%dma_start3A_289 : memref<32x32xf32, #tpu.memory_space<hbm>>) target_semaphore(%arg6 : memref<!tpu.dma_semaphore, #tpu.memory_space<semaphore_mem>>)
    %add3A_294 = arith.constant 13 : i32
    %add3A_295 = arith.addi %mul3A_5, %add3A_294 : i32
    %dma_start3A_296 = arith.constant 0 : i32
    %dma_start3A_297 = arith.constant 0 : i32
    %dma_start3A_298 = tpu.memref_slice %arg5[%add3A_295, %dma_start3A_296, %dma_start3A_297] : memref<63x32x32xf32, #tpu.memory_space<vmem>> -> memref<1x32x32xf32, #tpu.memory_space<vmem>>
    %dma_start3A_299 = tpu.memref_squeeze %dma_start3A_298 : memref<1x32x32xf32, #tpu.memory_space<vmem>> -> memref<32x32xf32, #tpu.memory_space<vmem>>
    %dma_start3A_300 = arith.constant 576 : i32
    %dma_start3A_301 = tpu.memref_slice %arg3[%arg1, %mul3A_7, %dma_start3A_300] : memref<16x1024x1024xf32, #tpu.memory_space<hbm>> -> memref<1x32x32xf32, #tpu.memory_space<hbm>>
    %dma_start3A_302 = tpu.memref_squeeze %dma_start3A_301 : memref<1x32x32xf32, #tpu.memory_space<hbm>> -> memref<32x32xf32, #tpu.memory_space<hbm>>
    %dma_start3A_303 = arith.constant 576 : i32
    %dma_start3A_304 = tpu.memref_slice %arg3[%arg1, %mul3A_7, %dma_start3A_303] : memref<16x1024x1024xf32, #tpu.memory_space<hbm>> -> memref<1x32x32xf32, #tpu.memory_space<hbm>>
    %dma_start3A_305 = tpu.memref_squeeze %dma_start3A_304 : memref<1x32x32xf32, #tpu.memory_space<hbm>> -> memref<32x32xf32, #tpu.memory_space<hbm>>
    %dma_start3A_306 = arith.constant 0 : i32
    %dma_start3A_307 = arith.constant 0 : i32
    %dma_start3A_308 = tpu.memref_slice %arg5[%add3A_295, %dma_start3A_306, %dma_start3A_307] : memref<63x32x32xf32, #tpu.memory_space<vmem>> -> memref<1x32x32xf32, #tpu.memory_space<vmem>>
    %dma_start3A_309 = tpu.memref_squeeze %dma_start3A_308 : memref<1x32x32xf32, #tpu.memory_space<vmem>> -> memref<32x32xf32, #tpu.memory_space<vmem>>
    tpu.enqueue_dma source(%dma_start3A_309 : memref<32x32xf32, #tpu.memory_space<vmem>>) target(%dma_start3A_305 : memref<32x32xf32, #tpu.memory_space<hbm>>) target_semaphore(%arg6 : memref<!tpu.dma_semaphore, #tpu.memory_space<semaphore_mem>>)
    %add3A_310 = arith.constant 12 : i32
    %add3A_311 = arith.addi %mul3A_5, %add3A_310 : i32
    %dma_start3A_312 = arith.constant 0 : i32
    %dma_start3A_313 = arith.constant 0 : i32
    %dma_start3A_314 = tpu.memref_slice %arg5[%add3A_311, %dma_start3A_312, %dma_start3A_313] : memref<63x32x32xf32, #tpu.memory_space<vmem>> -> memref<1x32x32xf32, #tpu.memory_space<vmem>>
    %dma_start3A_315 = tpu.memref_squeeze %dma_start3A_314 : memref<1x32x32xf32, #tpu.memory_space<vmem>> -> memref<32x32xf32, #tpu.memory_space<vmem>>
    %dma_start3A_316 = arith.constant 608 : i32
    %dma_start3A_317 = tpu.memref_slice %arg3[%arg1, %mul3A_7, %dma_start3A_316] : memref<16x1024x1024xf32, #tpu.memory_space<hbm>> -> memref<1x32x32xf32, #tpu.memory_space<hbm>>
    %dma_start3A_318 = tpu.memref_squeeze %dma_start3A_317 : memref<1x32x32xf32, #tpu.memory_space<hbm>> -> memref<32x32xf32, #tpu.memory_space<hbm>>
    %dma_start3A_319 = arith.constant 608 : i32
    %dma_start3A_320 = tpu.memref_slice %arg3[%arg1, %mul3A_7, %dma_start3A_319] : memref<16x1024x1024xf32, #tpu.memory_space<hbm>> -> memref<1x32x32xf32, #tpu.memory_space<hbm>>
    %dma_start3A_321 = tpu.memref_squeeze %dma_start3A_320 : memref<1x32x32xf32, #tpu.memory_space<hbm>> -> memref<32x32xf32, #tpu.memory_space<hbm>>
    %dma_start3A_322 = arith.constant 0 : i32
    %dma_start3A_323 = arith.constant 0 : i32
    %dma_start3A_324 = tpu.memref_slice %arg5[%add3A_311, %dma_start3A_322, %dma_start3A_323] : memref<63x32x32xf32, #tpu.memory_space<vmem>> -> memref<1x32x32xf32, #tpu.memory_space<vmem>>
    %dma_start3A_325 = tpu.memref_squeeze %dma_start3A_324 : memref<1x32x32xf32, #tpu.memory_space<vmem>> -> memref<32x32xf32, #tpu.memory_space<vmem>>
    tpu.enqueue_dma source(%dma_start3A_325 : memref<32x32xf32, #tpu.memory_space<vmem>>) target(%dma_start3A_321 : memref<32x32xf32, #tpu.memory_space<hbm>>) target_semaphore(%arg6 : memref<!tpu.dma_semaphore, #tpu.memory_space<semaphore_mem>>)
    %add3A_326 = arith.constant 11 : i32
    %add3A_327 = arith.addi %mul3A_5, %add3A_326 : i32
    %dma_start3A_328 = arith.constant 0 : i32
    %dma_start3A_329 = arith.constant 0 : i32
    %dma_start3A_330 = tpu.memref_slice %arg5[%add3A_327, %dma_start3A_328, %dma_start3A_329] : memref<63x32x32xf32, #tpu.memory_space<vmem>> -> memref<1x32x32xf32, #tpu.memory_space<vmem>>
    %dma_start3A_331 = tpu.memref_squeeze %dma_start3A_330 : memref<1x32x32xf32, #tpu.memory_space<vmem>> -> memref<32x32xf32, #tpu.memory_space<vmem>>
    %dma_start3A_332 = arith.constant 640 : i32
    %dma_start3A_333 = tpu.memref_slice %arg3[%arg1, %mul3A_7, %dma_start3A_332] : memref<16x1024x1024xf32, #tpu.memory_space<hbm>> -> memref<1x32x32xf32, #tpu.memory_space<hbm>>
    %dma_start3A_334 = tpu.memref_squeeze %dma_start3A_333 : memref<1x32x32xf32, #tpu.memory_space<hbm>> -> memref<32x32xf32, #tpu.memory_space<hbm>>
    %dma_start3A_335 = arith.constant 640 : i32
    %dma_start3A_336 = tpu.memref_slice %arg3[%arg1, %mul3A_7, %dma_start3A_335] : memref<16x1024x1024xf32, #tpu.memory_space<hbm>> -> memref<1x32x32xf32, #tpu.memory_space<hbm>>
    %dma_start3A_337 = tpu.memref_squeeze %dma_start3A_336 : memref<1x32x32xf32, #tpu.memory_space<hbm>> -> memref<32x32xf32, #tpu.memory_space<hbm>>
    %dma_start3A_338 = arith.constant 0 : i32
    %dma_start3A_339 = arith.constant 0 : i32
    %dma_start3A_340 = tpu.memref_slice %arg5[%add3A_327, %dma_start3A_338, %dma_start3A_339] : memref<63x32x32xf32, #tpu.memory_space<vmem>> -> memref<1x32x32xf32, #tpu.memory_space<vmem>>
    %dma_start3A_341 = tpu.memref_squeeze %dma_start3A_340 : memref<1x32x32xf32, #tpu.memory_space<vmem>> -> memref<32x32xf32, #tpu.memory_space<vmem>>
    tpu.enqueue_dma source(%dma_start3A_341 : memref<32x32xf32, #tpu.memory_space<vmem>>) target(%dma_start3A_337 : memref<32x32xf32, #tpu.memory_space<hbm>>) target_semaphore(%arg6 : memref<!tpu.dma_semaphore, #tpu.memory_space<semaphore_mem>>)
    %add3A_342 = arith.constant 10 : i32
    %add3A_343 = arith.addi %mul3A_5, %add3A_342 : i32
    %dma_start3A_344 = arith.constant 0 : i32
    %dma_start3A_345 = arith.constant 0 : i32
    %dma_start3A_346 = tpu.memref_slice %arg5[%add3A_343, %dma_start3A_344, %dma_start3A_345] : memref<63x32x32xf32, #tpu.memory_space<vmem>> -> memref<1x32x32xf32, #tpu.memory_space<vmem>>
    %dma_start3A_347 = tpu.memref_squeeze %dma_start3A_346 : memref<1x32x32xf32, #tpu.memory_space<vmem>> -> memref<32x32xf32, #tpu.memory_space<vmem>>
    %dma_start3A_348 = arith.constant 672 : i32
    %dma_start3A_349 = tpu.memref_slice %arg3[%arg1, %mul3A_7, %dma_start3A_348] : memref<16x1024x1024xf32, #tpu.memory_space<hbm>> -> memref<1x32x32xf32, #tpu.memory_space<hbm>>
    %dma_start3A_350 = tpu.memref_squeeze %dma_start3A_349 : memref<1x32x32xf32, #tpu.memory_space<hbm>> -> memref<32x32xf32, #tpu.memory_space<hbm>>
    %dma_start3A_351 = arith.constant 672 : i32
    %dma_start3A_352 = tpu.memref_slice %arg3[%arg1, %mul3A_7, %dma_start3A_351] : memref<16x1024x1024xf32, #tpu.memory_space<hbm>> -> memref<1x32x32xf32, #tpu.memory_space<hbm>>
    %dma_start3A_353 = tpu.memref_squeeze %dma_start3A_352 : memref<1x32x32xf32, #tpu.memory_space<hbm>> -> memref<32x32xf32, #tpu.memory_space<hbm>>
    %dma_start3A_354 = arith.constant 0 : i32
    %dma_start3A_355 = arith.constant 0 : i32
    %dma_start3A_356 = tpu.memref_slice %arg5[%add3A_343, %dma_start3A_354, %dma_start3A_355] : memref<63x32x32xf32, #tpu.memory_space<vmem>> -> memref<1x32x32xf32, #tpu.memory_space<vmem>>
    %dma_start3A_357 = tpu.memref_squeeze %dma_start3A_356 : memref<1x32x32xf32, #tpu.memory_space<vmem>> -> memref<32x32xf32, #tpu.memory_space<vmem>>
    tpu.enqueue_dma source(%dma_start3A_357 : memref<32x32xf32, #tpu.memory_space<vmem>>) target(%dma_start3A_353 : memref<32x32xf32, #tpu.memory_space<hbm>>) target_semaphore(%arg6 : memref<!tpu.dma_semaphore, #tpu.memory_space<semaphore_mem>>)
    %add3A_358 = arith.constant 9 : i32
    %add3A_359 = arith.addi %mul3A_5, %add3A_358 : i32
    %dma_start3A_360 = arith.constant 0 : i32
    %dma_start3A_361 = arith.constant 0 : i32
    %dma_start3A_362 = tpu.memref_slice %arg5[%add3A_359, %dma_start3A_360, %dma_start3A_361] : memref<63x32x32xf32, #tpu.memory_space<vmem>> -> memref<1x32x32xf32, #tpu.memory_space<vmem>>
    %dma_start3A_363 = tpu.memref_squeeze %dma_start3A_362 : memref<1x32x32xf32, #tpu.memory_space<vmem>> -> memref<32x32xf32, #tpu.memory_space<vmem>>
    %dma_start3A_364 = arith.constant 704 : i32
    %dma_start3A_365 = tpu.memref_slice %arg3[%arg1, %mul3A_7, %dma_start3A_364] : memref<16x1024x1024xf32, #tpu.memory_space<hbm>> -> memref<1x32x32xf32, #tpu.memory_space<hbm>>
    %dma_start3A_366 = tpu.memref_squeeze %dma_start3A_365 : memref<1x32x32xf32, #tpu.memory_space<hbm>> -> memref<32x32xf32, #tpu.memory_space<hbm>>
    %dma_start3A_367 = arith.constant 704 : i32
    %dma_start3A_368 = tpu.memref_slice %arg3[%arg1, %mul3A_7, %dma_start3A_367] : memref<16x1024x1024xf32, #tpu.memory_space<hbm>> -> memref<1x32x32xf32, #tpu.memory_space<hbm>>
    %dma_start3A_369 = tpu.memref_squeeze %dma_start3A_368 : memref<1x32x32xf32, #tpu.memory_space<hbm>> -> memref<32x32xf32, #tpu.memory_space<hbm>>
    %dma_start3A_370 = arith.constant 0 : i32
    %dma_start3A_371 = arith.constant 0 : i32
    %dma_start3A_372 = tpu.memref_slice %arg5[%add3A_359, %dma_start3A_370, %dma_start3A_371] : memref<63x32x32xf32, #tpu.memory_space<vmem>> -> memref<1x32x32xf32, #tpu.memory_space<vmem>>
    %dma_start3A_373 = tpu.memref_squeeze %dma_start3A_372 : memref<1x32x32xf32, #tpu.memory_space<vmem>> -> memref<32x32xf32, #tpu.memory_space<vmem>>
    tpu.enqueue_dma source(%dma_start3A_373 : memref<32x32xf32, #tpu.memory_space<vmem>>) target(%dma_start3A_369 : memref<32x32xf32, #tpu.memory_space<hbm>>) target_semaphore(%arg6 : memref<!tpu.dma_semaphore, #tpu.memory_space<semaphore_mem>>)
    %add3A_374 = arith.constant 8 : i32
    %add3A_375 = arith.addi %mul3A_5, %add3A_374 : i32
    %dma_start3A_376 = arith.constant 0 : i32
    %dma_start3A_377 = arith.constant 0 : i32
    %dma_start3A_378 = tpu.memref_slice %arg5[%add3A_375, %dma_start3A_376, %dma_start3A_377] : memref<63x32x32xf32, #tpu.memory_space<vmem>> -> memref<1x32x32xf32, #tpu.memory_space<vmem>>
    %dma_start3A_379 = tpu.memref_squeeze %dma_start3A_378 : memref<1x32x32xf32, #tpu.memory_space<vmem>> -> memref<32x32xf32, #tpu.memory_space<vmem>>
    %dma_start3A_380 = arith.constant 736 : i32
    %dma_start3A_381 = tpu.memref_slice %arg3[%arg1, %mul3A_7, %dma_start3A_380] : memref<16x1024x1024xf32, #tpu.memory_space<hbm>> -> memref<1x32x32xf32, #tpu.memory_space<hbm>>
    %dma_start3A_382 = tpu.memref_squeeze %dma_start3A_381 : memref<1x32x32xf32, #tpu.memory_space<hbm>> -> memref<32x32xf32, #tpu.memory_space<hbm>>
    %dma_start3A_383 = arith.constant 736 : i32
    %dma_start3A_384 = tpu.memref_slice %arg3[%arg1, %mul3A_7, %dma_start3A_383] : memref<16x1024x1024xf32, #tpu.memory_space<hbm>> -> memref<1x32x32xf32, #tpu.memory_space<hbm>>
    %dma_start3A_385 = tpu.memref_squeeze %dma_start3A_384 : memref<1x32x32xf32, #tpu.memory_space<hbm>> -> memref<32x32xf32, #tpu.memory_space<hbm>>
    %dma_start3A_386 = arith.constant 0 : i32
    %dma_start3A_387 = arith.constant 0 : i32
    %dma_start3A_388 = tpu.memref_slice %arg5[%add3A_375, %dma_start3A_386, %dma_start3A_387] : memref<63x32x32xf32, #tpu.memory_space<vmem>> -> memref<1x32x32xf32, #tpu.memory_space<vmem>>
    %dma_start3A_389 = tpu.memref_squeeze %dma_start3A_388 : memref<1x32x32xf32, #tpu.memory_space<vmem>> -> memref<32x32xf32, #tpu.memory_space<vmem>>
    tpu.enqueue_dma source(%dma_start3A_389 : memref<32x32xf32, #tpu.memory_space<vmem>>) target(%dma_start3A_385 : memref<32x32xf32, #tpu.memory_space<hbm>>) target_semaphore(%arg6 : memref<!tpu.dma_semaphore, #tpu.memory_space<semaphore_mem>>)
    %add3A_390 = arith.constant 7 : i32
    %add3A_391 = arith.addi %mul3A_5, %add3A_390 : i32
    %dma_start3A_392 = arith.constant 0 : i32
    %dma_start3A_393 = arith.constant 0 : i32
    %dma_start3A_394 = tpu.memref_slice %arg5[%add3A_391, %dma_start3A_392, %dma_start3A_393] : memref<63x32x32xf32, #tpu.memory_space<vmem>> -> memref<1x32x32xf32, #tpu.memory_space<vmem>>
    %dma_start3A_395 = tpu.memref_squeeze %dma_start3A_394 : memref<1x32x32xf32, #tpu.memory_space<vmem>> -> memref<32x32xf32, #tpu.memory_space<vmem>>
    %dma_start3A_396 = arith.constant 768 : i32
    %dma_start3A_397 = tpu.memref_slice %arg3[%arg1, %mul3A_7, %dma_start3A_396] : memref<16x1024x1024xf32, #tpu.memory_space<hbm>> -> memref<1x32x32xf32, #tpu.memory_space<hbm>>
    %dma_start3A_398 = tpu.memref_squeeze %dma_start3A_397 : memref<1x32x32xf32, #tpu.memory_space<hbm>> -> memref<32x32xf32, #tpu.memory_space<hbm>>
    %dma_start3A_399 = arith.constant 768 : i32
    %dma_start3A_400 = tpu.memref_slice %arg3[%arg1, %mul3A_7, %dma_start3A_399] : memref<16x1024x1024xf32, #tpu.memory_space<hbm>> -> memref<1x32x32xf32, #tpu.memory_space<hbm>>
    %dma_start3A_401 = tpu.memref_squeeze %dma_start3A_400 : memref<1x32x32xf32, #tpu.memory_space<hbm>> -> memref<32x32xf32, #tpu.memory_space<hbm>>
    %dma_start3A_402 = arith.constant 0 : i32
    %dma_start3A_403 = arith.constant 0 : i32
    %dma_start3A_404 = tpu.memref_slice %arg5[%add3A_391, %dma_start3A_402, %dma_start3A_403] : memref<63x32x32xf32, #tpu.memory_space<vmem>> -> memref<1x32x32xf32, #tpu.memory_space<vmem>>
    %dma_start3A_405 = tpu.memref_squeeze %dma_start3A_404 : memref<1x32x32xf32, #tpu.memory_space<vmem>> -> memref<32x32xf32, #tpu.memory_space<vmem>>
    tpu.enqueue_dma source(%dma_start3A_405 : memref<32x32xf32, #tpu.memory_space<vmem>>) target(%dma_start3A_401 : memref<32x32xf32, #tpu.memory_space<hbm>>) target_semaphore(%arg6 : memref<!tpu.dma_semaphore, #tpu.memory_space<semaphore_mem>>)
    %add3A_406 = arith.constant 6 : i32
    %add3A_407 = arith.addi %mul3A_5, %add3A_406 : i32
    %dma_start3A_408 = arith.constant 0 : i32
    %dma_start3A_409 = arith.constant 0 : i32
    %dma_start3A_410 = tpu.memref_slice %arg5[%add3A_407, %dma_start3A_408, %dma_start3A_409] : memref<63x32x32xf32, #tpu.memory_space<vmem>> -> memref<1x32x32xf32, #tpu.memory_space<vmem>>
    %dma_start3A_411 = tpu.memref_squeeze %dma_start3A_410 : memref<1x32x32xf32, #tpu.memory_space<vmem>> -> memref<32x32xf32, #tpu.memory_space<vmem>>
    %dma_start3A_412 = arith.constant 800 : i32
    %dma_start3A_413 = tpu.memref_slice %arg3[%arg1, %mul3A_7, %dma_start3A_412] : memref<16x1024x1024xf32, #tpu.memory_space<hbm>> -> memref<1x32x32xf32, #tpu.memory_space<hbm>>
    %dma_start3A_414 = tpu.memref_squeeze %dma_start3A_413 : memref<1x32x32xf32, #tpu.memory_space<hbm>> -> memref<32x32xf32, #tpu.memory_space<hbm>>
    %dma_start3A_415 = arith.constant 800 : i32
    %dma_start3A_416 = tpu.memref_slice %arg3[%arg1, %mul3A_7, %dma_start3A_415] : memref<16x1024x1024xf32, #tpu.memory_space<hbm>> -> memref<1x32x32xf32, #tpu.memory_space<hbm>>
    %dma_start3A_417 = tpu.memref_squeeze %dma_start3A_416 : memref<1x32x32xf32, #tpu.memory_space<hbm>> -> memref<32x32xf32, #tpu.memory_space<hbm>>
    %dma_start3A_418 = arith.constant 0 : i32
    %dma_start3A_419 = arith.constant 0 : i32
    %dma_start3A_420 = tpu.memref_slice %arg5[%add3A_407, %dma_start3A_418, %dma_start3A_419] : memref<63x32x32xf32, #tpu.memory_space<vmem>> -> memref<1x32x32xf32, #tpu.memory_space<vmem>>
    %dma_start3A_421 = tpu.memref_squeeze %dma_start3A_420 : memref<1x32x32xf32, #tpu.memory_space<vmem>> -> memref<32x32xf32, #tpu.memory_space<vmem>>
    tpu.enqueue_dma source(%dma_start3A_421 : memref<32x32xf32, #tpu.memory_space<vmem>>) target(%dma_start3A_417 : memref<32x32xf32, #tpu.memory_space<hbm>>) target_semaphore(%arg6 : memref<!tpu.dma_semaphore, #tpu.memory_space<semaphore_mem>>)
    %add3A_422 = arith.constant 5 : i32
    %add3A_423 = arith.addi %mul3A_5, %add3A_422 : i32
    %dma_start3A_424 = arith.constant 0 : i32
    %dma_start3A_425 = arith.constant 0 : i32
    %dma_start3A_426 = tpu.memref_slice %arg5[%add3A_423, %dma_start3A_424, %dma_start3A_425] : memref<63x32x32xf32, #tpu.memory_space<vmem>> -> memref<1x32x32xf32, #tpu.memory_space<vmem>>
    %dma_start3A_427 = tpu.memref_squeeze %dma_start3A_426 : memref<1x32x32xf32, #tpu.memory_space<vmem>> -> memref<32x32xf32, #tpu.memory_space<vmem>>
    %dma_start3A_428 = arith.constant 832 : i32
    %dma_start3A_429 = tpu.memref_slice %arg3[%arg1, %mul3A_7, %dma_start3A_428] : memref<16x1024x1024xf32, #tpu.memory_space<hbm>> -> memref<1x32x32xf32, #tpu.memory_space<hbm>>
    %dma_start3A_430 = tpu.memref_squeeze %dma_start3A_429 : memref<1x32x32xf32, #tpu.memory_space<hbm>> -> memref<32x32xf32, #tpu.memory_space<hbm>>
    %dma_start3A_431 = arith.constant 832 : i32
    %dma_start3A_432 = tpu.memref_slice %arg3[%arg1, %mul3A_7, %dma_start3A_431] : memref<16x1024x1024xf32, #tpu.memory_space<hbm>> -> memref<1x32x32xf32, #tpu.memory_space<hbm>>
    %dma_start3A_433 = tpu.memref_squeeze %dma_start3A_432 : memref<1x32x32xf32, #tpu.memory_space<hbm>> -> memref<32x32xf32, #tpu.memory_space<hbm>>
    %dma_start3A_434 = arith.constant 0 : i32
    %dma_start3A_435 = arith.constant 0 : i32
    %dma_start3A_436 = tpu.memref_slice %arg5[%add3A_423, %dma_start3A_434, %dma_start3A_435] : memref<63x32x32xf32, #tpu.memory_space<vmem>> -> memref<1x32x32xf32, #tpu.memory_space<vmem>>
    %dma_start3A_437 = tpu.memref_squeeze %dma_start3A_436 : memref<1x32x32xf32, #tpu.memory_space<vmem>> -> memref<32x32xf32, #tpu.memory_space<vmem>>
    tpu.enqueue_dma source(%dma_start3A_437 : memref<32x32xf32, #tpu.memory_space<vmem>>) target(%dma_start3A_433 : memref<32x32xf32, #tpu.memory_space<hbm>>) target_semaphore(%arg6 : memref<!tpu.dma_semaphore, #tpu.memory_space<semaphore_mem>>)
    %add3A_438 = arith.constant 4 : i32
    %add3A_439 = arith.addi %mul3A_5, %add3A_438 : i32
    %dma_start3A_440 = arith.constant 0 : i32
    %dma_start3A_441 = arith.constant 0 : i32
    %dma_start3A_442 = tpu.memref_slice %arg5[%add3A_439, %dma_start3A_440, %dma_start3A_441] : memref<63x32x32xf32, #tpu.memory_space<vmem>> -> memref<1x32x32xf32, #tpu.memory_space<vmem>>
    %dma_start3A_443 = tpu.memref_squeeze %dma_start3A_442 : memref<1x32x32xf32, #tpu.memory_space<vmem>> -> memref<32x32xf32, #tpu.memory_space<vmem>>
    %dma_start3A_444 = arith.constant 864 : i32
    %dma_start3A_445 = tpu.memref_slice %arg3[%arg1, %mul3A_7, %dma_start3A_444] : memref<16x1024x1024xf32, #tpu.memory_space<hbm>> -> memref<1x32x32xf32, #tpu.memory_space<hbm>>
    %dma_start3A_446 = tpu.memref_squeeze %dma_start3A_445 : memref<1x32x32xf32, #tpu.memory_space<hbm>> -> memref<32x32xf32, #tpu.memory_space<hbm>>
    %dma_start3A_447 = arith.constant 864 : i32
    %dma_start3A_448 = tpu.memref_slice %arg3[%arg1, %mul3A_7, %dma_start3A_447] : memref<16x1024x1024xf32, #tpu.memory_space<hbm>> -> memref<1x32x32xf32, #tpu.memory_space<hbm>>
    %dma_start3A_449 = tpu.memref_squeeze %dma_start3A_448 : memref<1x32x32xf32, #tpu.memory_space<hbm>> -> memref<32x32xf32, #tpu.memory_space<hbm>>
    %dma_start3A_450 = arith.constant 0 : i32
    %dma_start3A_451 = arith.constant 0 : i32
    %dma_start3A_452 = tpu.memref_slice %arg5[%add3A_439, %dma_start3A_450, %dma_start3A_451] : memref<63x32x32xf32, #tpu.memory_space<vmem>> -> memref<1x32x32xf32, #tpu.memory_space<vmem>>
    %dma_start3A_453 = tpu.memref_squeeze %dma_start3A_452 : memref<1x32x32xf32, #tpu.memory_space<vmem>> -> memref<32x32xf32, #tpu.memory_space<vmem>>
    tpu.enqueue_dma source(%dma_start3A_453 : memref<32x32xf32, #tpu.memory_space<vmem>>) target(%dma_start3A_449 : memref<32x32xf32, #tpu.memory_space<hbm>>) target_semaphore(%arg6 : memref<!tpu.dma_semaphore, #tpu.memory_space<semaphore_mem>>)
    %add3A_454 = arith.constant 3 : i32
    %add3A_455 = arith.addi %mul3A_5, %add3A_454 : i32
    %dma_start3A_456 = arith.constant 0 : i32
    %dma_start3A_457 = arith.constant 0 : i32
    %dma_start3A_458 = tpu.memref_slice %arg5[%add3A_455, %dma_start3A_456, %dma_start3A_457] : memref<63x32x32xf32, #tpu.memory_space<vmem>> -> memref<1x32x32xf32, #tpu.memory_space<vmem>>
    %dma_start3A_459 = tpu.memref_squeeze %dma_start3A_458 : memref<1x32x32xf32, #tpu.memory_space<vmem>> -> memref<32x32xf32, #tpu.memory_space<vmem>>
    %dma_start3A_460 = arith.constant 896 : i32
    %dma_start3A_461 = tpu.memref_slice %arg3[%arg1, %mul3A_7, %dma_start3A_460] : memref<16x1024x1024xf32, #tpu.memory_space<hbm>> -> memref<1x32x32xf32, #tpu.memory_space<hbm>>
    %dma_start3A_462 = tpu.memref_squeeze %dma_start3A_461 : memref<1x32x32xf32, #tpu.memory_space<hbm>> -> memref<32x32xf32, #tpu.memory_space<hbm>>
    %dma_start3A_463 = arith.constant 896 : i32
    %dma_start3A_464 = tpu.memref_slice %arg3[%arg1, %mul3A_7, %dma_start3A_463] : memref<16x1024x1024xf32, #tpu.memory_space<hbm>> -> memref<1x32x32xf32, #tpu.memory_space<hbm>>
    %dma_start3A_465 = tpu.memref_squeeze %dma_start3A_464 : memref<1x32x32xf32, #tpu.memory_space<hbm>> -> memref<32x32xf32, #tpu.memory_space<hbm>>
    %dma_start3A_466 = arith.constant 0 : i32
    %dma_start3A_467 = arith.constant 0 : i32
    %dma_start3A_468 = tpu.memref_slice %arg5[%add3A_455, %dma_start3A_466, %dma_start3A_467] : memref<63x32x32xf32, #tpu.memory_space<vmem>> -> memref<1x32x32xf32, #tpu.memory_space<vmem>>
    %dma_start3A_469 = tpu.memref_squeeze %dma_start3A_468 : memref<1x32x32xf32, #tpu.memory_space<vmem>> -> memref<32x32xf32, #tpu.memory_space<vmem>>
    tpu.enqueue_dma source(%dma_start3A_469 : memref<32x32xf32, #tpu.memory_space<vmem>>) target(%dma_start3A_465 : memref<32x32xf32, #tpu.memory_space<hbm>>) target_semaphore(%arg6 : memref<!tpu.dma_semaphore, #tpu.memory_space<semaphore_mem>>)
    %add3A_470 = arith.constant 2 : i32
    %add3A_471 = arith.addi %mul3A_5, %add3A_470 : i32
    %dma_start3A_472 = arith.constant 0 : i32
    %dma_start3A_473 = arith.constant 0 : i32
    %dma_start3A_474 = tpu.memref_slice %arg5[%add3A_471, %dma_start3A_472, %dma_start3A_473] : memref<63x32x32xf32, #tpu.memory_space<vmem>> -> memref<1x32x32xf32, #tpu.memory_space<vmem>>
    %dma_start3A_475 = tpu.memref_squeeze %dma_start3A_474 : memref<1x32x32xf32, #tpu.memory_space<vmem>> -> memref<32x32xf32, #tpu.memory_space<vmem>>
    %dma_start3A_476 = arith.constant 928 : i32
    %dma_start3A_477 = tpu.memref_slice %arg3[%arg1, %mul3A_7, %dma_start3A_476] : memref<16x1024x1024xf32, #tpu.memory_space<hbm>> -> memref<1x32x32xf32, #tpu.memory_space<hbm>>
    %dma_start3A_478 = tpu.memref_squeeze %dma_start3A_477 : memref<1x32x32xf32, #tpu.memory_space<hbm>> -> memref<32x32xf32, #tpu.memory_space<hbm>>
    %dma_start3A_479 = arith.constant 928 : i32
    %dma_start3A_480 = tpu.memref_slice %arg3[%arg1, %mul3A_7, %dma_start3A_479] : memref<16x1024x1024xf32, #tpu.memory_space<hbm>> -> memref<1x32x32xf32, #tpu.memory_space<hbm>>
    %dma_start3A_481 = tpu.memref_squeeze %dma_start3A_480 : memref<1x32x32xf32, #tpu.memory_space<hbm>> -> memref<32x32xf32, #tpu.memory_space<hbm>>
    %dma_start3A_482 = arith.constant 0 : i32
    %dma_start3A_483 = arith.constant 0 : i32
    %dma_start3A_484 = tpu.memref_slice %arg5[%add3A_471, %dma_start3A_482, %dma_start3A_483] : memref<63x32x32xf32, #tpu.memory_space<vmem>> -> memref<1x32x32xf32, #tpu.memory_space<vmem>>
    %dma_start3A_485 = tpu.memref_squeeze %dma_start3A_484 : memref<1x32x32xf32, #tpu.memory_space<vmem>> -> memref<32x32xf32, #tpu.memory_space<vmem>>
    tpu.enqueue_dma source(%dma_start3A_485 : memref<32x32xf32, #tpu.memory_space<vmem>>) target(%dma_start3A_481 : memref<32x32xf32, #tpu.memory_space<hbm>>) target_semaphore(%arg6 : memref<!tpu.dma_semaphore, #tpu.memory_space<semaphore_mem>>)
    %add3A_486 = arith.constant 1 : i32
    %add3A_487 = arith.addi %mul3A_5, %add3A_486 : i32
    %dma_start3A_488 = arith.constant 0 : i32
    %dma_start3A_489 = arith.constant 0 : i32
    %dma_start3A_490 = tpu.memref_slice %arg5[%add3A_487, %dma_start3A_488, %dma_start3A_489] : memref<63x32x32xf32, #tpu.memory_space<vmem>> -> memref<1x32x32xf32, #tpu.memory_space<vmem>>
    %dma_start3A_491 = tpu.memref_squeeze %dma_start3A_490 : memref<1x32x32xf32, #tpu.memory_space<vmem>> -> memref<32x32xf32, #tpu.memory_space<vmem>>
    %dma_start3A_492 = arith.constant 960 : i32
    %dma_start3A_493 = tpu.memref_slice %arg3[%arg1, %mul3A_7, %dma_start3A_492] : memref<16x1024x1024xf32, #tpu.memory_space<hbm>> -> memref<1x32x32xf32, #tpu.memory_space<hbm>>
    %dma_start3A_494 = tpu.memref_squeeze %dma_start3A_493 : memref<1x32x32xf32, #tpu.memory_space<hbm>> -> memref<32x32xf32, #tpu.memory_space<hbm>>
    %dma_start3A_495 = arith.constant 960 : i32
    %dma_start3A_496 = tpu.memref_slice %arg3[%arg1, %mul3A_7, %dma_start3A_495] : memref<16x1024x1024xf32, #tpu.memory_space<hbm>> -> memref<1x32x32xf32, #tpu.memory_space<hbm>>
    %dma_start3A_497 = tpu.memref_squeeze %dma_start3A_496 : memref<1x32x32xf32, #tpu.memory_space<hbm>> -> memref<32x32xf32, #tpu.memory_space<hbm>>
    %dma_start3A_498 = arith.constant 0 : i32
    %dma_start3A_499 = arith.constant 0 : i32
    %dma_start3A_500 = tpu.memref_slice %arg5[%add3A_487, %dma_start3A_498, %dma_start3A_499] : memref<63x32x32xf32, #tpu.memory_space<vmem>> -> memref<1x32x32xf32, #tpu.memory_space<vmem>>
    %dma_start3A_501 = tpu.memref_squeeze %dma_start3A_500 : memref<1x32x32xf32, #tpu.memory_space<vmem>> -> memref<32x32xf32, #tpu.memory_space<vmem>>
    tpu.enqueue_dma source(%dma_start3A_501 : memref<32x32xf32, #tpu.memory_space<vmem>>) target(%dma_start3A_497 : memref<32x32xf32, #tpu.memory_space<hbm>>) target_semaphore(%arg6 : memref<!tpu.dma_semaphore, #tpu.memory_space<semaphore_mem>>)
    %add3A_502 = arith.constant 0 : i32
    %add3A_503 = arith.addi %mul3A_5, %add3A_502 : i32
    %dma_start3A_504 = arith.constant 0 : i32
    %dma_start3A_505 = arith.constant 0 : i32
    %dma_start3A_506 = tpu.memref_slice %arg5[%add3A_503, %dma_start3A_504, %dma_start3A_505] : memref<63x32x32xf32, #tpu.memory_space<vmem>> -> memref<1x32x32xf32, #tpu.memory_space<vmem>>
    %dma_start3A_507 = tpu.memref_squeeze %dma_start3A_506 : memref<1x32x32xf32, #tpu.memory_space<vmem>> -> memref<32x32xf32, #tpu.memory_space<vmem>>
    %dma_start3A_508 = arith.constant 992 : i32
    %dma_start3A_509 = tpu.memref_slice %arg3[%arg1, %mul3A_7, %dma_start3A_508] : memref<16x1024x1024xf32, #tpu.memory_space<hbm>> -> memref<1x32x32xf32, #tpu.memory_space<hbm>>
    %dma_start3A_510 = tpu.memref_squeeze %dma_start3A_509 : memref<1x32x32xf32, #tpu.memory_space<hbm>> -> memref<32x32xf32, #tpu.memory_space<hbm>>
    %dma_start3A_511 = arith.constant 992 : i32
    %dma_start3A_512 = tpu.memref_slice %arg3[%arg1, %mul3A_7, %dma_start3A_511] : memref<16x1024x1024xf32, #tpu.memory_space<hbm>> -> memref<1x32x32xf32, #tpu.memory_space<hbm>>
    %dma_start3A_513 = tpu.memref_squeeze %dma_start3A_512 : memref<1x32x32xf32, #tpu.memory_space<hbm>> -> memref<32x32xf32, #tpu.memory_space<hbm>>
    %dma_start3A_514 = arith.constant 0 : i32
    %dma_start3A_515 = arith.constant 0 : i32
    %dma_start3A_516 = tpu.memref_slice %arg5[%add3A_503, %dma_start3A_514, %dma_start3A_515] : memref<63x32x32xf32, #tpu.memory_space<vmem>> -> memref<1x32x32xf32, #tpu.memory_space<vmem>>
    %dma_start3A_517 = tpu.memref_squeeze %dma_start3A_516 : memref<1x32x32xf32, #tpu.memory_space<vmem>> -> memref<32x32xf32, #tpu.memory_space<vmem>>
    tpu.enqueue_dma source(%dma_start3A_517 : memref<32x32xf32, #tpu.memory_space<vmem>>) target(%dma_start3A_513 : memref<32x32xf32, #tpu.memory_space<hbm>>) target_semaphore(%arg6 : memref<!tpu.dma_semaphore, #tpu.memory_space<semaphore_mem>>)
    %scan3A_518 = arith.constant 0 : i32
    %scan3A_519 = arith.constant 0 : i32
    %scan3A_520 = arith.constant 15 : i32
    %scan3A_521 = arith.addi %scan3A_519, %scan3A_520 : i32
    %scan3A_522 = arith.constant 1 : i32
    scf.for %scan3A_1099 = %scan3A_519 to %scan3A_521 step %scan3A_522  : i32 {
      %mul3A_1100 = arith.constant 16 : i32
      %mul3A_1101 = arith.muli %arg0, %mul3A_1100 : i32
      %add3A_1102 = arith.addi %mul3A_1101, %scan3A_1099 : i32
      %add3A_1103 = arith.constant 1 : i32
      %add3A_1104 = arith.addi %add3A_1102, %add3A_1103 : i32
      %mul3A_1105 = arith.constant 32 : i32
      %mul3A_1106 = arith.muli %add3A_1104, %mul3A_1105 : i32
      %add3A_1107 = arith.constant 31 : i32
      %add3A_1108 = arith.addi %add3A_1104, %add3A_1107 : i32
      %dma_start3A_1109 = arith.constant 0 : i32
      %dma_start3A_1110 = arith.constant 0 : i32
      %dma_start3A_1111 = tpu.memref_slice %arg5[%add3A_1108, %dma_start3A_1109, %dma_start3A_1110] : memref<63x32x32xf32, #tpu.memory_space<vmem>> -> memref<1x32x32xf32, #tpu.memory_space<vmem>>
      %dma_start3A_1112 = tpu.memref_squeeze %dma_start3A_1111 : memref<1x32x32xf32, #tpu.memory_space<vmem>> -> memref<32x32xf32, #tpu.memory_space<vmem>>
      %dma_start3A_1113 = arith.constant 0 : i32
      %dma_start3A_1114 = tpu.memref_slice %arg3[%arg1, %mul3A_1106, %dma_start3A_1113] : memref<16x1024x1024xf32, #tpu.memory_space<hbm>> -> memref<1x32x32xf32, #tpu.memory_space<hbm>>
      %dma_start3A_1115 = tpu.memref_squeeze %dma_start3A_1114 : memref<1x32x32xf32, #tpu.memory_space<hbm>> -> memref<32x32xf32, #tpu.memory_space<hbm>>
      %dma_start3A_1116 = arith.constant 0 : i32
      %dma_start3A_1117 = tpu.memref_slice %arg3[%arg1, %mul3A_1106, %dma_start3A_1116] : memref<16x1024x1024xf32, #tpu.memory_space<hbm>> -> memref<1x32x32xf32, #tpu.memory_space<hbm>>
      %dma_start3A_1118 = tpu.memref_squeeze %dma_start3A_1117 : memref<1x32x32xf32, #tpu.memory_space<hbm>> -> memref<32x32xf32, #tpu.memory_space<hbm>>
      %dma_start3A_1119 = arith.constant 0 : i32
      %dma_start3A_1120 = arith.constant 0 : i32
      %dma_start3A_1121 = tpu.memref_slice %arg5[%add3A_1108, %dma_start3A_1119, %dma_start3A_1120] : memref<63x32x32xf32, #tpu.memory_space<vmem>> -> memref<1x32x32xf32, #tpu.memory_space<vmem>>
      %dma_start3A_1122 = tpu.memref_squeeze %dma_start3A_1121 : memref<1x32x32xf32, #tpu.memory_space<vmem>> -> memref<32x32xf32, #tpu.memory_space<vmem>>
      tpu.enqueue_dma source(%dma_start3A_1122 : memref<32x32xf32, #tpu.memory_space<vmem>>) target(%dma_start3A_1118 : memref<32x32xf32, #tpu.memory_space<hbm>>) target_semaphore(%arg6 : memref<!tpu.dma_semaphore, #tpu.memory_space<semaphore_mem>>)
      %add3A_1123 = arith.constant 30 : i32
      %add3A_1124 = arith.addi %add3A_1104, %add3A_1123 : i32
      %dma_start3A_1125 = arith.constant 0 : i32
      %dma_start3A_1126 = arith.constant 0 : i32
      %dma_start3A_1127 = tpu.memref_slice %arg5[%add3A_1124, %dma_start3A_1125, %dma_start3A_1126] : memref<63x32x32xf32, #tpu.memory_space<vmem>> -> memref<1x32x32xf32, #tpu.memory_space<vmem>>
      %dma_start3A_1128 = tpu.memref_squeeze %dma_start3A_1127 : memref<1x32x32xf32, #tpu.memory_space<vmem>> -> memref<32x32xf32, #tpu.memory_space<vmem>>
      %dma_start3A_1129 = arith.constant 32 : i32
      %dma_start3A_1130 = tpu.memref_slice %arg3[%arg1, %mul3A_1106, %dma_start3A_1129] : memref<16x1024x1024xf32, #tpu.memory_space<hbm>> -> memref<1x32x32xf32, #tpu.memory_space<hbm>>
      %dma_start3A_1131 = tpu.memref_squeeze %dma_start3A_1130 : memref<1x32x32xf32, #tpu.memory_space<hbm>> -> memref<32x32xf32, #tpu.memory_space<hbm>>
      %dma_start3A_1132 = arith.constant 32 : i32
      %dma_start3A_1133 = tpu.memref_slice %arg3[%arg1, %mul3A_1106, %dma_start3A_1132] : memref<16x1024x1024xf32, #tpu.memory_space<hbm>> -> memref<1x32x32xf32, #tpu.memory_space<hbm>>
      %dma_start3A_1134 = tpu.memref_squeeze %dma_start3A_1133 : memref<1x32x32xf32, #tpu.memory_space<hbm>> -> memref<32x32xf32, #tpu.memory_space<hbm>>
      %dma_start3A_1135 = arith.constant 0 : i32
      %dma_start3A_1136 = arith.constant 0 : i32
      %dma_start3A_1137 = tpu.memref_slice %arg5[%add3A_1124, %dma_start3A_1135, %dma_start3A_1136] : memref<63x32x32xf32, #tpu.memory_space<vmem>> -> memref<1x32x32xf32, #tpu.memory_space<vmem>>
      %dma_start3A_1138 = tpu.memref_squeeze %dma_start3A_1137 : memref<1x32x32xf32, #tpu.memory_space<vmem>> -> memref<32x32xf32, #tpu.memory_space<vmem>>
      tpu.enqueue_dma source(%dma_start3A_1138 : memref<32x32xf32, #tpu.memory_space<vmem>>) target(%dma_start3A_1134 : memref<32x32xf32, #tpu.memory_space<hbm>>) target_semaphore(%arg6 : memref<!tpu.dma_semaphore, #tpu.memory_space<semaphore_mem>>)
      %add3A_1139 = arith.constant 29 : i32
      %add3A_1140 = arith.addi %add3A_1104, %add3A_1139 : i32
      %dma_start3A_1141 = arith.constant 0 : i32
      %dma_start3A_1142 = arith.constant 0 : i32
      %dma_start3A_1143 = tpu.memref_slice %arg5[%add3A_1140, %dma_start3A_1141, %dma_start3A_1142] : memref<63x32x32xf32, #tpu.memory_space<vmem>> -> memref<1x32x32xf32, #tpu.memory_space<vmem>>
      %dma_start3A_1144 = tpu.memref_squeeze %dma_start3A_1143 : memref<1x32x32xf32, #tpu.memory_space<vmem>> -> memref<32x32xf32, #tpu.memory_space<vmem>>
      %dma_start3A_1145 = arith.constant 64 : i32
      %dma_start3A_1146 = tpu.memref_slice %arg3[%arg1, %mul3A_1106, %dma_start3A_1145] : memref<16x1024x1024xf32, #tpu.memory_space<hbm>> -> memref<1x32x32xf32, #tpu.memory_space<hbm>>
      %dma_start3A_1147 = tpu.memref_squeeze %dma_start3A_1146 : memref<1x32x32xf32, #tpu.memory_space<hbm>> -> memref<32x32xf32, #tpu.memory_space<hbm>>
      %dma_start3A_1148 = arith.constant 64 : i32
      %dma_start3A_1149 = tpu.memref_slice %arg3[%arg1, %mul3A_1106, %dma_start3A_1148] : memref<16x1024x1024xf32, #tpu.memory_space<hbm>> -> memref<1x32x32xf32, #tpu.memory_space<hbm>>
      %dma_start3A_1150 = tpu.memref_squeeze %dma_start3A_1149 : memref<1x32x32xf32, #tpu.memory_space<hbm>> -> memref<32x32xf32, #tpu.memory_space<hbm>>
      %dma_start3A_1151 = arith.constant 0 : i32
      %dma_start3A_1152 = arith.constant 0 : i32
      %dma_start3A_1153 = tpu.memref_slice %arg5[%add3A_1140, %dma_start3A_1151, %dma_start3A_1152] : memref<63x32x32xf32, #tpu.memory_space<vmem>> -> memref<1x32x32xf32, #tpu.memory_space<vmem>>
      %dma_start3A_1154 = tpu.memref_squeeze %dma_start3A_1153 : memref<1x32x32xf32, #tpu.memory_space<vmem>> -> memref<32x32xf32, #tpu.memory_space<vmem>>
      tpu.enqueue_dma source(%dma_start3A_1154 : memref<32x32xf32, #tpu.memory_space<vmem>>) target(%dma_start3A_1150 : memref<32x32xf32, #tpu.memory_space<hbm>>) target_semaphore(%arg6 : memref<!tpu.dma_semaphore, #tpu.memory_space<semaphore_mem>>)
      %add3A_1155 = arith.constant 28 : i32
      %add3A_1156 = arith.addi %add3A_1104, %add3A_1155 : i32
      %dma_start3A_1157 = arith.constant 0 : i32
      %dma_start3A_1158 = arith.constant 0 : i32
      %dma_start3A_1159 = tpu.memref_slice %arg5[%add3A_1156, %dma_start3A_1157, %dma_start3A_1158] : memref<63x32x32xf32, #tpu.memory_space<vmem>> -> memref<1x32x32xf32, #tpu.memory_space<vmem>>
      %dma_start3A_1160 = tpu.memref_squeeze %dma_start3A_1159 : memref<1x32x32xf32, #tpu.memory_space<vmem>> -> memref<32x32xf32, #tpu.memory_space<vmem>>
      %dma_start3A_1161 = arith.constant 96 : i32
      %dma_start3A_1162 = tpu.memref_slice %arg3[%arg1, %mul3A_1106, %dma_start3A_1161] : memref<16x1024x1024xf32, #tpu.memory_space<hbm>> -> memref<1x32x32xf32, #tpu.memory_space<hbm>>
      %dma_start3A_1163 = tpu.memref_squeeze %dma_start3A_1162 : memref<1x32x32xf32, #tpu.memory_space<hbm>> -> memref<32x32xf32, #tpu.memory_space<hbm>>
      %dma_start3A_1164 = arith.constant 96 : i32
      %dma_start3A_1165 = tpu.memref_slice %arg3[%arg1, %mul3A_1106, %dma_start3A_1164] : memref<16x1024x1024xf32, #tpu.memory_space<hbm>> -> memref<1x32x32xf32, #tpu.memory_space<hbm>>
      %dma_start3A_1166 = tpu.memref_squeeze %dma_start3A_1165 : memref<1x32x32xf32, #tpu.memory_space<hbm>> -> memref<32x32xf32, #tpu.memory_space<hbm>>
      %dma_start3A_1167 = arith.constant 0 : i32
      %dma_start3A_1168 = arith.constant 0 : i32
      %dma_start3A_1169 = tpu.memref_slice %arg5[%add3A_1156, %dma_start3A_1167, %dma_start3A_1168] : memref<63x32x32xf32, #tpu.memory_space<vmem>> -> memref<1x32x32xf32, #tpu.memory_space<vmem>>
      %dma_start3A_1170 = tpu.memref_squeeze %dma_start3A_1169 : memref<1x32x32xf32, #tpu.memory_space<vmem>> -> memref<32x32xf32, #tpu.memory_space<vmem>>
      tpu.enqueue_dma source(%dma_start3A_1170 : memref<32x32xf32, #tpu.memory_space<vmem>>) target(%dma_start3A_1166 : memref<32x32xf32, #tpu.memory_space<hbm>>) target_semaphore(%arg6 : memref<!tpu.dma_semaphore, #tpu.memory_space<semaphore_mem>>)
      %add3A_1171 = arith.constant 27 : i32
      %add3A_1172 = arith.addi %add3A_1104, %add3A_1171 : i32
      %dma_start3A_1173 = arith.constant 0 : i32
      %dma_start3A_1174 = arith.constant 0 : i32
      %dma_start3A_1175 = tpu.memref_slice %arg5[%add3A_1172, %dma_start3A_1173, %dma_start3A_1174] : memref<63x32x32xf32, #tpu.memory_space<vmem>> -> memref<1x32x32xf32, #tpu.memory_space<vmem>>
      %dma_start3A_1176 = tpu.memref_squeeze %dma_start3A_1175 : memref<1x32x32xf32, #tpu.memory_space<vmem>> -> memref<32x32xf32, #tpu.memory_space<vmem>>
      %dma_start3A_1177 = arith.constant 128 : i32
      %dma_start3A_1178 = tpu.memref_slice %arg3[%arg1, %mul3A_1106, %dma_start3A_1177] : memref<16x1024x1024xf32, #tpu.memory_space<hbm>> -> memref<1x32x32xf32, #tpu.memory_space<hbm>>
      %dma_start3A_1179 = tpu.memref_squeeze %dma_start3A_1178 : memref<1x32x32xf32, #tpu.memory_space<hbm>> -> memref<32x32xf32, #tpu.memory_space<hbm>>
      %dma_start3A_1180 = arith.constant 128 : i32
      %dma_start3A_1181 = tpu.memref_slice %arg3[%arg1, %mul3A_1106, %dma_start3A_1180] : memref<16x1024x1024xf32, #tpu.memory_space<hbm>> -> memref<1x32x32xf32, #tpu.memory_space<hbm>>
      %dma_start3A_1182 = tpu.memref_squeeze %dma_start3A_1181 : memref<1x32x32xf32, #tpu.memory_space<hbm>> -> memref<32x32xf32, #tpu.memory_space<hbm>>
      %dma_start3A_1183 = arith.constant 0 : i32
      %dma_start3A_1184 = arith.constant 0 : i32
      %dma_start3A_1185 = tpu.memref_slice %arg5[%add3A_1172, %dma_start3A_1183, %dma_start3A_1184] : memref<63x32x32xf32, #tpu.memory_space<vmem>> -> memref<1x32x32xf32, #tpu.memory_space<vmem>>
      %dma_start3A_1186 = tpu.memref_squeeze %dma_start3A_1185 : memref<1x32x32xf32, #tpu.memory_space<vmem>> -> memref<32x32xf32, #tpu.memory_space<vmem>>
      tpu.enqueue_dma source(%dma_start3A_1186 : memref<32x32xf32, #tpu.memory_space<vmem>>) target(%dma_start3A_1182 : memref<32x32xf32, #tpu.memory_space<hbm>>) target_semaphore(%arg6 : memref<!tpu.dma_semaphore, #tpu.memory_space<semaphore_mem>>)
      %add3A_1187 = arith.constant 26 : i32
      %add3A_1188 = arith.addi %add3A_1104, %add3A_1187 : i32
      %dma_start3A_1189 = arith.constant 0 : i32
      %dma_start3A_1190 = arith.constant 0 : i32
      %dma_start3A_1191 = tpu.memref_slice %arg5[%add3A_1188, %dma_start3A_1189, %dma_start3A_1190] : memref<63x32x32xf32, #tpu.memory_space<vmem>> -> memref<1x32x32xf32, #tpu.memory_space<vmem>>
      %dma_start3A_1192 = tpu.memref_squeeze %dma_start3A_1191 : memref<1x32x32xf32, #tpu.memory_space<vmem>> -> memref<32x32xf32, #tpu.memory_space<vmem>>
      %dma_start3A_1193 = arith.constant 160 : i32
      %dma_start3A_1194 = tpu.memref_slice %arg3[%arg1, %mul3A_1106, %dma_start3A_1193] : memref<16x1024x1024xf32, #tpu.memory_space<hbm>> -> memref<1x32x32xf32, #tpu.memory_space<hbm>>
      %dma_start3A_1195 = tpu.memref_squeeze %dma_start3A_1194 : memref<1x32x32xf32, #tpu.memory_space<hbm>> -> memref<32x32xf32, #tpu.memory_space<hbm>>
      %dma_start3A_1196 = arith.constant 160 : i32
      %dma_start3A_1197 = tpu.memref_slice %arg3[%arg1, %mul3A_1106, %dma_start3A_1196] : memref<16x1024x1024xf32, #tpu.memory_space<hbm>> -> memref<1x32x32xf32, #tpu.memory_space<hbm>>
      %dma_start3A_1198 = tpu.memref_squeeze %dma_start3A_1197 : memref<1x32x32xf32, #tpu.memory_space<hbm>> -> memref<32x32xf32, #tpu.memory_space<hbm>>
      %dma_start3A_1199 = arith.constant 0 : i32
      %dma_start3A_1200 = arith.constant 0 : i32
      %dma_start3A_1201 = tpu.memref_slice %arg5[%add3A_1188, %dma_start3A_1199, %dma_start3A_1200] : memref<63x32x32xf32, #tpu.memory_space<vmem>> -> memref<1x32x32xf32, #tpu.memory_space<vmem>>
      %dma_start3A_1202 = tpu.memref_squeeze %dma_start3A_1201 : memref<1x32x32xf32, #tpu.memory_space<vmem>> -> memref<32x32xf32, #tpu.memory_space<vmem>>
      tpu.enqueue_dma source(%dma_start3A_1202 : memref<32x32xf32, #tpu.memory_space<vmem>>) target(%dma_start3A_1198 : memref<32x32xf32, #tpu.memory_space<hbm>>) target_semaphore(%arg6 : memref<!tpu.dma_semaphore, #tpu.memory_space<semaphore_mem>>)
      %add3A_1203 = arith.constant 25 : i32
      %add3A_1204 = arith.addi %add3A_1104, %add3A_1203 : i32
      %dma_start3A_1205 = arith.constant 0 : i32
      %dma_start3A_1206 = arith.constant 0 : i32
      %dma_start3A_1207 = tpu.memref_slice %arg5[%add3A_1204, %dma_start3A_1205, %dma_start3A_1206] : memref<63x32x32xf32, #tpu.memory_space<vmem>> -> memref<1x32x32xf32, #tpu.memory_space<vmem>>
      %dma_start3A_1208 = tpu.memref_squeeze %dma_start3A_1207 : memref<1x32x32xf32, #tpu.memory_space<vmem>> -> memref<32x32xf32, #tpu.memory_space<vmem>>
      %dma_start3A_1209 = arith.constant 192 : i32
      %dma_start3A_1210 = tpu.memref_slice %arg3[%arg1, %mul3A_1106, %dma_start3A_1209] : memref<16x1024x1024xf32, #tpu.memory_space<hbm>> -> memref<1x32x32xf32, #tpu.memory_space<hbm>>
      %dma_start3A_1211 = tpu.memref_squeeze %dma_start3A_1210 : memref<1x32x32xf32, #tpu.memory_space<hbm>> -> memref<32x32xf32, #tpu.memory_space<hbm>>
      %dma_start3A_1212 = arith.constant 192 : i32
      %dma_start3A_1213 = tpu.memref_slice %arg3[%arg1, %mul3A_1106, %dma_start3A_1212] : memref<16x1024x1024xf32, #tpu.memory_space<hbm>> -> memref<1x32x32xf32, #tpu.memory_space<hbm>>
      %dma_start3A_1214 = tpu.memref_squeeze %dma_start3A_1213 : memref<1x32x32xf32, #tpu.memory_space<hbm>> -> memref<32x32xf32, #tpu.memory_space<hbm>>
      %dma_start3A_1215 = arith.constant 0 : i32
      %dma_start3A_1216 = arith.constant 0 : i32
      %dma_start3A_1217 = tpu.memref_slice %arg5[%add3A_1204, %dma_start3A_1215, %dma_start3A_1216] : memref<63x32x32xf32, #tpu.memory_space<vmem>> -> memref<1x32x32xf32, #tpu.memory_space<vmem>>
      %dma_start3A_1218 = tpu.memref_squeeze %dma_start3A_1217 : memref<1x32x32xf32, #tpu.memory_space<vmem>> -> memref<32x32xf32, #tpu.memory_space<vmem>>
      tpu.enqueue_dma source(%dma_start3A_1218 : memref<32x32xf32, #tpu.memory_space<vmem>>) target(%dma_start3A_1214 : memref<32x32xf32, #tpu.memory_space<hbm>>) target_semaphore(%arg6 : memref<!tpu.dma_semaphore, #tpu.memory_space<semaphore_mem>>)
      %add3A_1219 = arith.constant 24 : i32
      %add3A_1220 = arith.addi %add3A_1104, %add3A_1219 : i32
      %dma_start3A_1221 = arith.constant 0 : i32
      %dma_start3A_1222 = arith.constant 0 : i32
      %dma_start3A_1223 = tpu.memref_slice %arg5[%add3A_1220, %dma_start3A_1221, %dma_start3A_1222] : memref<63x32x32xf32, #tpu.memory_space<vmem>> -> memref<1x32x32xf32, #tpu.memory_space<vmem>>
      %dma_start3A_1224 = tpu.memref_squeeze %dma_start3A_1223 : memref<1x32x32xf32, #tpu.memory_space<vmem>> -> memref<32x32xf32, #tpu.memory_space<vmem>>
      %dma_start3A_1225 = arith.constant 224 : i32
      %dma_start3A_1226 = tpu.memref_slice %arg3[%arg1, %mul3A_1106, %dma_start3A_1225] : memref<16x1024x1024xf32, #tpu.memory_space<hbm>> -> memref<1x32x32xf32, #tpu.memory_space<hbm>>
      %dma_start3A_1227 = tpu.memref_squeeze %dma_start3A_1226 : memref<1x32x32xf32, #tpu.memory_space<hbm>> -> memref<32x32xf32, #tpu.memory_space<hbm>>
      %dma_start3A_1228 = arith.constant 224 : i32
      %dma_start3A_1229 = tpu.memref_slice %arg3[%arg1, %mul3A_1106, %dma_start3A_1228] : memref<16x1024x1024xf32, #tpu.memory_space<hbm>> -> memref<1x32x32xf32, #tpu.memory_space<hbm>>
      %dma_start3A_1230 = tpu.memref_squeeze %dma_start3A_1229 : memref<1x32x32xf32, #tpu.memory_space<hbm>> -> memref<32x32xf32, #tpu.memory_space<hbm>>
      %dma_start3A_1231 = arith.constant 0 : i32
      %dma_start3A_1232 = arith.constant 0 : i32
      %dma_start3A_1233 = tpu.memref_slice %arg5[%add3A_1220, %dma_start3A_1231, %dma_start3A_1232] : memref<63x32x32xf32, #tpu.memory_space<vmem>> -> memref<1x32x32xf32, #tpu.memory_space<vmem>>
      %dma_start3A_1234 = tpu.memref_squeeze %dma_start3A_1233 : memref<1x32x32xf32, #tpu.memory_space<vmem>> -> memref<32x32xf32, #tpu.memory_space<vmem>>
      tpu.enqueue_dma source(%dma_start3A_1234 : memref<32x32xf32, #tpu.memory_space<vmem>>) target(%dma_start3A_1230 : memref<32x32xf32, #tpu.memory_space<hbm>>) target_semaphore(%arg6 : memref<!tpu.dma_semaphore, #tpu.memory_space<semaphore_mem>>)
      %add3A_1235 = arith.constant 23 : i32
      %add3A_1236 = arith.addi %add3A_1104, %add3A_1235 : i32
      %dma_start3A_1237 = arith.constant 0 : i32
      %dma_start3A_1238 = arith.constant 0 : i32
      %dma_start3A_1239 = tpu.memref_slice %arg5[%add3A_1236, %dma_start3A_1237, %dma_start3A_1238] : memref<63x32x32xf32, #tpu.memory_space<vmem>> -> memref<1x32x32xf32, #tpu.memory_space<vmem>>
      %dma_start3A_1240 = tpu.memref_squeeze %dma_start3A_1239 : memref<1x32x32xf32, #tpu.memory_space<vmem>> -> memref<32x32xf32, #tpu.memory_space<vmem>>
      %dma_start3A_1241 = arith.constant 256 : i32
      %dma_start3A_1242 = tpu.memref_slice %arg3[%arg1, %mul3A_1106, %dma_start3A_1241] : memref<16x1024x1024xf32, #tpu.memory_space<hbm>> -> memref<1x32x32xf32, #tpu.memory_space<hbm>>
      %dma_start3A_1243 = tpu.memref_squeeze %dma_start3A_1242 : memref<1x32x32xf32, #tpu.memory_space<hbm>> -> memref<32x32xf32, #tpu.memory_space<hbm>>
      %dma_start3A_1244 = arith.constant 256 : i32
      %dma_start3A_1245 = tpu.memref_slice %arg3[%arg1, %mul3A_1106, %dma_start3A_1244] : memref<16x1024x1024xf32, #tpu.memory_space<hbm>> -> memref<1x32x32xf32, #tpu.memory_space<hbm>>
      %dma_start3A_1246 = tpu.memref_squeeze %dma_start3A_1245 : memref<1x32x32xf32, #tpu.memory_space<hbm>> -> memref<32x32xf32, #tpu.memory_space<hbm>>
      %dma_start3A_1247 = arith.constant 0 : i32
      %dma_start3A_1248 = arith.constant 0 : i32
      %dma_start3A_1249 = tpu.memref_slice %arg5[%add3A_1236, %dma_start3A_1247, %dma_start3A_1248] : memref<63x32x32xf32, #tpu.memory_space<vmem>> -> memref<1x32x32xf32, #tpu.memory_space<vmem>>
      %dma_start3A_1250 = tpu.memref_squeeze %dma_start3A_1249 : memref<1x32x32xf32, #tpu.memory_space<vmem>> -> memref<32x32xf32, #tpu.memory_space<vmem>>
      tpu.enqueue_dma source(%dma_start3A_1250 : memref<32x32xf32, #tpu.memory_space<vmem>>) target(%dma_start3A_1246 : memref<32x32xf32, #tpu.memory_space<hbm>>) target_semaphore(%arg6 : memref<!tpu.dma_semaphore, #tpu.memory_space<semaphore_mem>>)
      %add3A_1251 = arith.constant 22 : i32
      %add3A_1252 = arith.addi %add3A_1104, %add3A_1251 : i32
      %dma_start3A_1253 = arith.constant 0 : i32
      %dma_start3A_1254 = arith.constant 0 : i32
      %dma_start3A_1255 = tpu.memref_slice %arg5[%add3A_1252, %dma_start3A_1253, %dma_start3A_1254] : memref<63x32x32xf32, #tpu.memory_space<vmem>> -> memref<1x32x32xf32, #tpu.memory_space<vmem>>
      %dma_start3A_1256 = tpu.memref_squeeze %dma_start3A_1255 : memref<1x32x32xf32, #tpu.memory_space<vmem>> -> memref<32x32xf32, #tpu.memory_space<vmem>>
      %dma_start3A_1257 = arith.constant 288 : i32
      %dma_start3A_1258 = tpu.memref_slice %arg3[%arg1, %mul3A_1106, %dma_start3A_1257] : memref<16x1024x1024xf32, #tpu.memory_space<hbm>> -> memref<1x32x32xf32, #tpu.memory_space<hbm>>
      %dma_start3A_1259 = tpu.memref_squeeze %dma_start3A_1258 : memref<1x32x32xf32, #tpu.memory_space<hbm>> -> memref<32x32xf32, #tpu.memory_space<hbm>>
      %dma_start3A_1260 = arith.constant 288 : i32
      %dma_start3A_1261 = tpu.memref_slice %arg3[%arg1, %mul3A_1106, %dma_start3A_1260] : memref<16x1024x1024xf32, #tpu.memory_space<hbm>> -> memref<1x32x32xf32, #tpu.memory_space<hbm>>
      %dma_start3A_1262 = tpu.memref_squeeze %dma_start3A_1261 : memref<1x32x32xf32, #tpu.memory_space<hbm>> -> memref<32x32xf32, #tpu.memory_space<hbm>>
      %dma_start3A_1263 = arith.constant 0 : i32
      %dma_start3A_1264 = arith.constant 0 : i32
      %dma_start3A_1265 = tpu.memref_slice %arg5[%add3A_1252, %dma_start3A_1263, %dma_start3A_1264] : memref<63x32x32xf32, #tpu.memory_space<vmem>> -> memref<1x32x32xf32, #tpu.memory_space<vmem>>
      %dma_start3A_1266 = tpu.memref_squeeze %dma_start3A_1265 : memref<1x32x32xf32, #tpu.memory_space<vmem>> -> memref<32x32xf32, #tpu.memory_space<vmem>>
      tpu.enqueue_dma source(%dma_start3A_1266 : memref<32x32xf32, #tpu.memory_space<vmem>>) target(%dma_start3A_1262 : memref<32x32xf32, #tpu.memory_space<hbm>>) target_semaphore(%arg6 : memref<!tpu.dma_semaphore, #tpu.memory_space<semaphore_mem>>)
      %add3A_1267 = arith.constant 21 : i32
      %add3A_1268 = arith.addi %add3A_1104, %add3A_1267 : i32
      %dma_start3A_1269 = arith.constant 0 : i32
      %dma_start3A_1270 = arith.constant 0 : i32
      %dma_start3A_1271 = tpu.memref_slice %arg5[%add3A_1268, %dma_start3A_1269, %dma_start3A_1270] : memref<63x32x32xf32, #tpu.memory_space<vmem>> -> memref<1x32x32xf32, #tpu.memory_space<vmem>>
      %dma_start3A_1272 = tpu.memref_squeeze %dma_start3A_1271 : memref<1x32x32xf32, #tpu.memory_space<vmem>> -> memref<32x32xf32, #tpu.memory_space<vmem>>
      %dma_start3A_1273 = arith.constant 320 : i32
      %dma_start3A_1274 = tpu.memref_slice %arg3[%arg1, %mul3A_1106, %dma_start3A_1273] : memref<16x1024x1024xf32, #tpu.memory_space<hbm>> -> memref<1x32x32xf32, #tpu.memory_space<hbm>>
      %dma_start3A_1275 = tpu.memref_squeeze %dma_start3A_1274 : memref<1x32x32xf32, #tpu.memory_space<hbm>> -> memref<32x32xf32, #tpu.memory_space<hbm>>
      %dma_start3A_1276 = arith.constant 320 : i32
      %dma_start3A_1277 = tpu.memref_slice %arg3[%arg1, %mul3A_1106, %dma_start3A_1276] : memref<16x1024x1024xf32, #tpu.memory_space<hbm>> -> memref<1x32x32xf32, #tpu.memory_space<hbm>>
      %dma_start3A_1278 = tpu.memref_squeeze %dma_start3A_1277 : memref<1x32x32xf32, #tpu.memory_space<hbm>> -> memref<32x32xf32, #tpu.memory_space<hbm>>
      %dma_start3A_1279 = arith.constant 0 : i32
      %dma_start3A_1280 = arith.constant 0 : i32
      %dma_start3A_1281 = tpu.memref_slice %arg5[%add3A_1268, %dma_start3A_1279, %dma_start3A_1280] : memref<63x32x32xf32, #tpu.memory_space<vmem>> -> memref<1x32x32xf32, #tpu.memory_space<vmem>>
      %dma_start3A_1282 = tpu.memref_squeeze %dma_start3A_1281 : memref<1x32x32xf32, #tpu.memory_space<vmem>> -> memref<32x32xf32, #tpu.memory_space<vmem>>
      tpu.enqueue_dma source(%dma_start3A_1282 : memref<32x32xf32, #tpu.memory_space<vmem>>) target(%dma_start3A_1278 : memref<32x32xf32, #tpu.memory_space<hbm>>) target_semaphore(%arg6 : memref<!tpu.dma_semaphore, #tpu.memory_space<semaphore_mem>>)
      %add3A_1283 = arith.constant 20 : i32
      %add3A_1284 = arith.addi %add3A_1104, %add3A_1283 : i32
      %dma_start3A_1285 = arith.constant 0 : i32
      %dma_start3A_1286 = arith.constant 0 : i32
      %dma_start3A_1287 = tpu.memref_slice %arg5[%add3A_1284, %dma_start3A_1285, %dma_start3A_1286] : memref<63x32x32xf32, #tpu.memory_space<vmem>> -> memref<1x32x32xf32, #tpu.memory_space<vmem>>
      %dma_start3A_1288 = tpu.memref_squeeze %dma_start3A_1287 : memref<1x32x32xf32, #tpu.memory_space<vmem>> -> memref<32x32xf32, #tpu.memory_space<vmem>>
      %dma_start3A_1289 = arith.constant 352 : i32
      %dma_start3A_1290 = tpu.memref_slice %arg3[%arg1, %mul3A_1106, %dma_start3A_1289] : memref<16x1024x1024xf32, #tpu.memory_space<hbm>> -> memref<1x32x32xf32, #tpu.memory_space<hbm>>
      %dma_start3A_1291 = tpu.memref_squeeze %dma_start3A_1290 : memref<1x32x32xf32, #tpu.memory_space<hbm>> -> memref<32x32xf32, #tpu.memory_space<hbm>>
      %dma_start3A_1292 = arith.constant 352 : i32
      %dma_start3A_1293 = tpu.memref_slice %arg3[%arg1, %mul3A_1106, %dma_start3A_1292] : memref<16x1024x1024xf32, #tpu.memory_space<hbm>> -> memref<1x32x32xf32, #tpu.memory_space<hbm>>
      %dma_start3A_1294 = tpu.memref_squeeze %dma_start3A_1293 : memref<1x32x32xf32, #tpu.memory_space<hbm>> -> memref<32x32xf32, #tpu.memory_space<hbm>>
      %dma_start3A_1295 = arith.constant 0 : i32
      %dma_start3A_1296 = arith.constant 0 : i32
      %dma_start3A_1297 = tpu.memref_slice %arg5[%add3A_1284, %dma_start3A_1295, %dma_start3A_1296] : memref<63x32x32xf32, #tpu.memory_space<vmem>> -> memref<1x32x32xf32, #tpu.memory_space<vmem>>
      %dma_start3A_1298 = tpu.memref_squeeze %dma_start3A_1297 : memref<1x32x32xf32, #tpu.memory_space<vmem>> -> memref<32x32xf32, #tpu.memory_space<vmem>>
      tpu.enqueue_dma source(%dma_start3A_1298 : memref<32x32xf32, #tpu.memory_space<vmem>>) target(%dma_start3A_1294 : memref<32x32xf32, #tpu.memory_space<hbm>>) target_semaphore(%arg6 : memref<!tpu.dma_semaphore, #tpu.memory_space<semaphore_mem>>)
      %add3A_1299 = arith.constant 19 : i32
      %add3A_1300 = arith.addi %add3A_1104, %add3A_1299 : i32
      %dma_start3A_1301 = arith.constant 0 : i32
      %dma_start3A_1302 = arith.constant 0 : i32
      %dma_start3A_1303 = tpu.memref_slice %arg5[%add3A_1300, %dma_start3A_1301, %dma_start3A_1302] : memref<63x32x32xf32, #tpu.memory_space<vmem>> -> memref<1x32x32xf32, #tpu.memory_space<vmem>>
      %dma_start3A_1304 = tpu.memref_squeeze %dma_start3A_1303 : memref<1x32x32xf32, #tpu.memory_space<vmem>> -> memref<32x32xf32, #tpu.memory_space<vmem>>
      %dma_start3A_1305 = arith.constant 384 : i32
      %dma_start3A_1306 = tpu.memref_slice %arg3[%arg1, %mul3A_1106, %dma_start3A_1305] : memref<16x1024x1024xf32, #tpu.memory_space<hbm>> -> memref<1x32x32xf32, #tpu.memory_space<hbm>>
      %dma_start3A_1307 = tpu.memref_squeeze %dma_start3A_1306 : memref<1x32x32xf32, #tpu.memory_space<hbm>> -> memref<32x32xf32, #tpu.memory_space<hbm>>
      %dma_start3A_1308 = arith.constant 384 : i32
      %dma_start3A_1309 = tpu.memref_slice %arg3[%arg1, %mul3A_1106, %dma_start3A_1308] : memref<16x1024x1024xf32, #tpu.memory_space<hbm>> -> memref<1x32x32xf32, #tpu.memory_space<hbm>>
      %dma_start3A_1310 = tpu.memref_squeeze %dma_start3A_1309 : memref<1x32x32xf32, #tpu.memory_space<hbm>> -> memref<32x32xf32, #tpu.memory_space<hbm>>
      %dma_start3A_1311 = arith.constant 0 : i32
      %dma_start3A_1312 = arith.constant 0 : i32
      %dma_start3A_1313 = tpu.memref_slice %arg5[%add3A_1300, %dma_start3A_1311, %dma_start3A_1312] : memref<63x32x32xf32, #tpu.memory_space<vmem>> -> memref<1x32x32xf32, #tpu.memory_space<vmem>>
      %dma_start3A_1314 = tpu.memref_squeeze %dma_start3A_1313 : memref<1x32x32xf32, #tpu.memory_space<vmem>> -> memref<32x32xf32, #tpu.memory_space<vmem>>
      tpu.enqueue_dma source(%dma_start3A_1314 : memref<32x32xf32, #tpu.memory_space<vmem>>) target(%dma_start3A_1310 : memref<32x32xf32, #tpu.memory_space<hbm>>) target_semaphore(%arg6 : memref<!tpu.dma_semaphore, #tpu.memory_space<semaphore_mem>>)
      %add3A_1315 = arith.constant 18 : i32
      %add3A_1316 = arith.addi %add3A_1104, %add3A_1315 : i32
      %dma_start3A_1317 = arith.constant 0 : i32
      %dma_start3A_1318 = arith.constant 0 : i32
      %dma_start3A_1319 = tpu.memref_slice %arg5[%add3A_1316, %dma_start3A_1317, %dma_start3A_1318] : memref<63x32x32xf32, #tpu.memory_space<vmem>> -> memref<1x32x32xf32, #tpu.memory_space<vmem>>
      %dma_start3A_1320 = tpu.memref_squeeze %dma_start3A_1319 : memref<1x32x32xf32, #tpu.memory_space<vmem>> -> memref<32x32xf32, #tpu.memory_space<vmem>>
      %dma_start3A_1321 = arith.constant 416 : i32
      %dma_start3A_1322 = tpu.memref_slice %arg3[%arg1, %mul3A_1106, %dma_start3A_1321] : memref<16x1024x1024xf32, #tpu.memory_space<hbm>> -> memref<1x32x32xf32, #tpu.memory_space<hbm>>
      %dma_start3A_1323 = tpu.memref_squeeze %dma_start3A_1322 : memref<1x32x32xf32, #tpu.memory_space<hbm>> -> memref<32x32xf32, #tpu.memory_space<hbm>>
      %dma_start3A_1324 = arith.constant 416 : i32
      %dma_start3A_1325 = tpu.memref_slice %arg3[%arg1, %mul3A_1106, %dma_start3A_1324] : memref<16x1024x1024xf32, #tpu.memory_space<hbm>> -> memref<1x32x32xf32, #tpu.memory_space<hbm>>
      %dma_start3A_1326 = tpu.memref_squeeze %dma_start3A_1325 : memref<1x32x32xf32, #tpu.memory_space<hbm>> -> memref<32x32xf32, #tpu.memory_space<hbm>>
      %dma_start3A_1327 = arith.constant 0 : i32
      %dma_start3A_1328 = arith.constant 0 : i32
      %dma_start3A_1329 = tpu.memref_slice %arg5[%add3A_1316, %dma_start3A_1327, %dma_start3A_1328] : memref<63x32x32xf32, #tpu.memory_space<vmem>> -> memref<1x32x32xf32, #tpu.memory_space<vmem>>
      %dma_start3A_1330 = tpu.memref_squeeze %dma_start3A_1329 : memref<1x32x32xf32, #tpu.memory_space<vmem>> -> memref<32x32xf32, #tpu.memory_space<vmem>>
      tpu.enqueue_dma source(%dma_start3A_1330 : memref<32x32xf32, #tpu.memory_space<vmem>>) target(%dma_start3A_1326 : memref<32x32xf32, #tpu.memory_space<hbm>>) target_semaphore(%arg6 : memref<!tpu.dma_semaphore, #tpu.memory_space<semaphore_mem>>)
      %add3A_1331 = arith.constant 17 : i32
      %add3A_1332 = arith.addi %add3A_1104, %add3A_1331 : i32
      %dma_start3A_1333 = arith.constant 0 : i32
      %dma_start3A_1334 = arith.constant 0 : i32
      %dma_start3A_1335 = tpu.memref_slice %arg5[%add3A_1332, %dma_start3A_1333, %dma_start3A_1334] : memref<63x32x32xf32, #tpu.memory_space<vmem>> -> memref<1x32x32xf32, #tpu.memory_space<vmem>>
      %dma_start3A_1336 = tpu.memref_squeeze %dma_start3A_1335 : memref<1x32x32xf32, #tpu.memory_space<vmem>> -> memref<32x32xf32, #tpu.memory_space<vmem>>
      %dma_start3A_1337 = arith.constant 448 : i32
      %dma_start3A_1338 = tpu.memref_slice %arg3[%arg1, %mul3A_1106, %dma_start3A_1337] : memref<16x1024x1024xf32, #tpu.memory_space<hbm>> -> memref<1x32x32xf32, #tpu.memory_space<hbm>>
      %dma_start3A_1339 = tpu.memref_squeeze %dma_start3A_1338 : memref<1x32x32xf32, #tpu.memory_space<hbm>> -> memref<32x32xf32, #tpu.memory_space<hbm>>
      %dma_start3A_1340 = arith.constant 448 : i32
      %dma_start3A_1341 = tpu.memref_slice %arg3[%arg1, %mul3A_1106, %dma_start3A_1340] : memref<16x1024x1024xf32, #tpu.memory_space<hbm>> -> memref<1x32x32xf32, #tpu.memory_space<hbm>>
      %dma_start3A_1342 = tpu.memref_squeeze %dma_start3A_1341 : memref<1x32x32xf32, #tpu.memory_space<hbm>> -> memref<32x32xf32, #tpu.memory_space<hbm>>
      %dma_start3A_1343 = arith.constant 0 : i32
      %dma_start3A_1344 = arith.constant 0 : i32
      %dma_start3A_1345 = tpu.memref_slice %arg5[%add3A_1332, %dma_start3A_1343, %dma_start3A_1344] : memref<63x32x32xf32, #tpu.memory_space<vmem>> -> memref<1x32x32xf32, #tpu.memory_space<vmem>>
      %dma_start3A_1346 = tpu.memref_squeeze %dma_start3A_1345 : memref<1x32x32xf32, #tpu.memory_space<vmem>> -> memref<32x32xf32, #tpu.memory_space<vmem>>
      tpu.enqueue_dma source(%dma_start3A_1346 : memref<32x32xf32, #tpu.memory_space<vmem>>) target(%dma_start3A_1342 : memref<32x32xf32, #tpu.memory_space<hbm>>) target_semaphore(%arg6 : memref<!tpu.dma_semaphore, #tpu.memory_space<semaphore_mem>>)
      %add3A_1347 = arith.constant 16 : i32
      %add3A_1348 = arith.addi %add3A_1104, %add3A_1347 : i32
      %dma_start3A_1349 = arith.constant 0 : i32
      %dma_start3A_1350 = arith.constant 0 : i32
      %dma_start3A_1351 = tpu.memref_slice %arg5[%add3A_1348, %dma_start3A_1349, %dma_start3A_1350] : memref<63x32x32xf32, #tpu.memory_space<vmem>> -> memref<1x32x32xf32, #tpu.memory_space<vmem>>
      %dma_start3A_1352 = tpu.memref_squeeze %dma_start3A_1351 : memref<1x32x32xf32, #tpu.memory_space<vmem>> -> memref<32x32xf32, #tpu.memory_space<vmem>>
      %dma_start3A_1353 = arith.constant 480 : i32
      %dma_start3A_1354 = tpu.memref_slice %arg3[%arg1, %mul3A_1106, %dma_start3A_1353] : memref<16x1024x1024xf32, #tpu.memory_space<hbm>> -> memref<1x32x32xf32, #tpu.memory_space<hbm>>
      %dma_start3A_1355 = tpu.memref_squeeze %dma_start3A_1354 : memref<1x32x32xf32, #tpu.memory_space<hbm>> -> memref<32x32xf32, #tpu.memory_space<hbm>>
      %dma_start3A_1356 = arith.constant 480 : i32
      %dma_start3A_1357 = tpu.memref_slice %arg3[%arg1, %mul3A_1106, %dma_start3A_1356] : memref<16x1024x1024xf32, #tpu.memory_space<hbm>> -> memref<1x32x32xf32, #tpu.memory_space<hbm>>
      %dma_start3A_1358 = tpu.memref_squeeze %dma_start3A_1357 : memref<1x32x32xf32, #tpu.memory_space<hbm>> -> memref<32x32xf32, #tpu.memory_space<hbm>>
      %dma_start3A_1359 = arith.constant 0 : i32
      %dma_start3A_1360 = arith.constant 0 : i32
      %dma_start3A_1361 = tpu.memref_slice %arg5[%add3A_1348, %dma_start3A_1359, %dma_start3A_1360] : memref<63x32x32xf32, #tpu.memory_space<vmem>> -> memref<1x32x32xf32, #tpu.memory_space<vmem>>
      %dma_start3A_1362 = tpu.memref_squeeze %dma_start3A_1361 : memref<1x32x32xf32, #tpu.memory_space<vmem>> -> memref<32x32xf32, #tpu.memory_space<vmem>>
      tpu.enqueue_dma source(%dma_start3A_1362 : memref<32x32xf32, #tpu.memory_space<vmem>>) target(%dma_start3A_1358 : memref<32x32xf32, #tpu.memory_space<hbm>>) target_semaphore(%arg6 : memref<!tpu.dma_semaphore, #tpu.memory_space<semaphore_mem>>)
      %add3A_1363 = arith.constant 15 : i32
      %add3A_1364 = arith.addi %add3A_1104, %add3A_1363 : i32
      %dma_start3A_1365 = arith.constant 0 : i32
      %dma_start3A_1366 = arith.constant 0 : i32
      %dma_start3A_1367 = tpu.memref_slice %arg5[%add3A_1364, %dma_start3A_1365, %dma_start3A_1366] : memref<63x32x32xf32, #tpu.memory_space<vmem>> -> memref<1x32x32xf32, #tpu.memory_space<vmem>>
      %dma_start3A_1368 = tpu.memref_squeeze %dma_start3A_1367 : memref<1x32x32xf32, #tpu.memory_space<vmem>> -> memref<32x32xf32, #tpu.memory_space<vmem>>
      %dma_start3A_1369 = arith.constant 512 : i32
      %dma_start3A_1370 = tpu.memref_slice %arg3[%arg1, %mul3A_1106, %dma_start3A_1369] : memref<16x1024x1024xf32, #tpu.memory_space<hbm>> -> memref<1x32x32xf32, #tpu.memory_space<hbm>>
      %dma_start3A_1371 = tpu.memref_squeeze %dma_start3A_1370 : memref<1x32x32xf32, #tpu.memory_space<hbm>> -> memref<32x32xf32, #tpu.memory_space<hbm>>
      %dma_start3A_1372 = arith.constant 512 : i32
      %dma_start3A_1373 = tpu.memref_slice %arg3[%arg1, %mul3A_1106, %dma_start3A_1372] : memref<16x1024x1024xf32, #tpu.memory_space<hbm>> -> memref<1x32x32xf32, #tpu.memory_space<hbm>>
      %dma_start3A_1374 = tpu.memref_squeeze %dma_start3A_1373 : memref<1x32x32xf32, #tpu.memory_space<hbm>> -> memref<32x32xf32, #tpu.memory_space<hbm>>
      %dma_start3A_1375 = arith.constant 0 : i32
      %dma_start3A_1376 = arith.constant 0 : i32
      %dma_start3A_1377 = tpu.memref_slice %arg5[%add3A_1364, %dma_start3A_1375, %dma_start3A_1376] : memref<63x32x32xf32, #tpu.memory_space<vmem>> -> memref<1x32x32xf32, #tpu.memory_space<vmem>>
      %dma_start3A_1378 = tpu.memref_squeeze %dma_start3A_1377 : memref<1x32x32xf32, #tpu.memory_space<vmem>> -> memref<32x32xf32, #tpu.memory_space<vmem>>
      tpu.enqueue_dma source(%dma_start3A_1378 : memref<32x32xf32, #tpu.memory_space<vmem>>) target(%dma_start3A_1374 : memref<32x32xf32, #tpu.memory_space<hbm>>) target_semaphore(%arg6 : memref<!tpu.dma_semaphore, #tpu.memory_space<semaphore_mem>>)
      %add3A_1379 = arith.constant 14 : i32
      %add3A_1380 = arith.addi %add3A_1104, %add3A_1379 : i32
      %dma_start3A_1381 = arith.constant 0 : i32
      %dma_start3A_1382 = arith.constant 0 : i32
      %dma_start3A_1383 = tpu.memref_slice %arg5[%add3A_1380, %dma_start3A_1381, %dma_start3A_1382] : memref<63x32x32xf32, #tpu.memory_space<vmem>> -> memref<1x32x32xf32, #tpu.memory_space<vmem>>
      %dma_start3A_1384 = tpu.memref_squeeze %dma_start3A_1383 : memref<1x32x32xf32, #tpu.memory_space<vmem>> -> memref<32x32xf32, #tpu.memory_space<vmem>>
      %dma_start3A_1385 = arith.constant 544 : i32
      %dma_start3A_1386 = tpu.memref_slice %arg3[%arg1, %mul3A_1106, %dma_start3A_1385] : memref<16x1024x1024xf32, #tpu.memory_space<hbm>> -> memref<1x32x32xf32, #tpu.memory_space<hbm>>
      %dma_start3A_1387 = tpu.memref_squeeze %dma_start3A_1386 : memref<1x32x32xf32, #tpu.memory_space<hbm>> -> memref<32x32xf32, #tpu.memory_space<hbm>>
      %dma_start3A_1388 = arith.constant 544 : i32
      %dma_start3A_1389 = tpu.memref_slice %arg3[%arg1, %mul3A_1106, %dma_start3A_1388] : memref<16x1024x1024xf32, #tpu.memory_space<hbm>> -> memref<1x32x32xf32, #tpu.memory_space<hbm>>
      %dma_start3A_1390 = tpu.memref_squeeze %dma_start3A_1389 : memref<1x32x32xf32, #tpu.memory_space<hbm>> -> memref<32x32xf32, #tpu.memory_space<hbm>>
      %dma_start3A_1391 = arith.constant 0 : i32
      %dma_start3A_1392 = arith.constant 0 : i32
      %dma_start3A_1393 = tpu.memref_slice %arg5[%add3A_1380, %dma_start3A_1391, %dma_start3A_1392] : memref<63x32x32xf32, #tpu.memory_space<vmem>> -> memref<1x32x32xf32, #tpu.memory_space<vmem>>
      %dma_start3A_1394 = tpu.memref_squeeze %dma_start3A_1393 : memref<1x32x32xf32, #tpu.memory_space<vmem>> -> memref<32x32xf32, #tpu.memory_space<vmem>>
      tpu.enqueue_dma source(%dma_start3A_1394 : memref<32x32xf32, #tpu.memory_space<vmem>>) target(%dma_start3A_1390 : memref<32x32xf32, #tpu.memory_space<hbm>>) target_semaphore(%arg6 : memref<!tpu.dma_semaphore, #tpu.memory_space<semaphore_mem>>)
      %add3A_1395 = arith.constant 13 : i32
      %add3A_1396 = arith.addi %add3A_1104, %add3A_1395 : i32
      %dma_start3A_1397 = arith.constant 0 : i32
      %dma_start3A_1398 = arith.constant 0 : i32
      %dma_start3A_1399 = tpu.memref_slice %arg5[%add3A_1396, %dma_start3A_1397, %dma_start3A_1398] : memref<63x32x32xf32, #tpu.memory_space<vmem>> -> memref<1x32x32xf32, #tpu.memory_space<vmem>>
      %dma_start3A_1400 = tpu.memref_squeeze %dma_start3A_1399 : memref<1x32x32xf32, #tpu.memory_space<vmem>> -> memref<32x32xf32, #tpu.memory_space<vmem>>
      %dma_start3A_1401 = arith.constant 576 : i32
      %dma_start3A_1402 = tpu.memref_slice %arg3[%arg1, %mul3A_1106, %dma_start3A_1401] : memref<16x1024x1024xf32, #tpu.memory_space<hbm>> -> memref<1x32x32xf32, #tpu.memory_space<hbm>>
      %dma_start3A_1403 = tpu.memref_squeeze %dma_start3A_1402 : memref<1x32x32xf32, #tpu.memory_space<hbm>> -> memref<32x32xf32, #tpu.memory_space<hbm>>
      %dma_start3A_1404 = arith.constant 576 : i32
      %dma_start3A_1405 = tpu.memref_slice %arg3[%arg1, %mul3A_1106, %dma_start3A_1404] : memref<16x1024x1024xf32, #tpu.memory_space<hbm>> -> memref<1x32x32xf32, #tpu.memory_space<hbm>>
      %dma_start3A_1406 = tpu.memref_squeeze %dma_start3A_1405 : memref<1x32x32xf32, #tpu.memory_space<hbm>> -> memref<32x32xf32, #tpu.memory_space<hbm>>
      %dma_start3A_1407 = arith.constant 0 : i32
      %dma_start3A_1408 = arith.constant 0 : i32
      %dma_start3A_1409 = tpu.memref_slice %arg5[%add3A_1396, %dma_start3A_1407, %dma_start3A_1408] : memref<63x32x32xf32, #tpu.memory_space<vmem>> -> memref<1x32x32xf32, #tpu.memory_space<vmem>>
      %dma_start3A_1410 = tpu.memref_squeeze %dma_start3A_1409 : memref<1x32x32xf32, #tpu.memory_space<vmem>> -> memref<32x32xf32, #tpu.memory_space<vmem>>
      tpu.enqueue_dma source(%dma_start3A_1410 : memref<32x32xf32, #tpu.memory_space<vmem>>) target(%dma_start3A_1406 : memref<32x32xf32, #tpu.memory_space<hbm>>) target_semaphore(%arg6 : memref<!tpu.dma_semaphore, #tpu.memory_space<semaphore_mem>>)
      %add3A_1411 = arith.constant 12 : i32
      %add3A_1412 = arith.addi %add3A_1104, %add3A_1411 : i32
      %dma_start3A_1413 = arith.constant 0 : i32
      %dma_start3A_1414 = arith.constant 0 : i32
      %dma_start3A_1415 = tpu.memref_slice %arg5[%add3A_1412, %dma_start3A_1413, %dma_start3A_1414] : memref<63x32x32xf32, #tpu.memory_space<vmem>> -> memref<1x32x32xf32, #tpu.memory_space<vmem>>
      %dma_start3A_1416 = tpu.memref_squeeze %dma_start3A_1415 : memref<1x32x32xf32, #tpu.memory_space<vmem>> -> memref<32x32xf32, #tpu.memory_space<vmem>>
      %dma_start3A_1417 = arith.constant 608 : i32
      %dma_start3A_1418 = tpu.memref_slice %arg3[%arg1, %mul3A_1106, %dma_start3A_1417] : memref<16x1024x1024xf32, #tpu.memory_space<hbm>> -> memref<1x32x32xf32, #tpu.memory_space<hbm>>
      %dma_start3A_1419 = tpu.memref_squeeze %dma_start3A_1418 : memref<1x32x32xf32, #tpu.memory_space<hbm>> -> memref<32x32xf32, #tpu.memory_space<hbm>>
      %dma_start3A_1420 = arith.constant 608 : i32
      %dma_start3A_1421 = tpu.memref_slice %arg3[%arg1, %mul3A_1106, %dma_start3A_1420] : memref<16x1024x1024xf32, #tpu.memory_space<hbm>> -> memref<1x32x32xf32, #tpu.memory_space<hbm>>
      %dma_start3A_1422 = tpu.memref_squeeze %dma_start3A_1421 : memref<1x32x32xf32, #tpu.memory_space<hbm>> -> memref<32x32xf32, #tpu.memory_space<hbm>>
      %dma_start3A_1423 = arith.constant 0 : i32
      %dma_start3A_1424 = arith.constant 0 : i32
      %dma_start3A_1425 = tpu.memref_slice %arg5[%add3A_1412, %dma_start3A_1423, %dma_start3A_1424] : memref<63x32x32xf32, #tpu.memory_space<vmem>> -> memref<1x32x32xf32, #tpu.memory_space<vmem>>
      %dma_start3A_1426 = tpu.memref_squeeze %dma_start3A_1425 : memref<1x32x32xf32, #tpu.memory_space<vmem>> -> memref<32x32xf32, #tpu.memory_space<vmem>>
      tpu.enqueue_dma source(%dma_start3A_1426 : memref<32x32xf32, #tpu.memory_space<vmem>>) target(%dma_start3A_1422 : memref<32x32xf32, #tpu.memory_space<hbm>>) target_semaphore(%arg6 : memref<!tpu.dma_semaphore, #tpu.memory_space<semaphore_mem>>)
      %add3A_1427 = arith.constant 11 : i32
      %add3A_1428 = arith.addi %add3A_1104, %add3A_1427 : i32
      %dma_start3A_1429 = arith.constant 0 : i32
      %dma_start3A_1430 = arith.constant 0 : i32
      %dma_start3A_1431 = tpu.memref_slice %arg5[%add3A_1428, %dma_start3A_1429, %dma_start3A_1430] : memref<63x32x32xf32, #tpu.memory_space<vmem>> -> memref<1x32x32xf32, #tpu.memory_space<vmem>>
      %dma_start3A_1432 = tpu.memref_squeeze %dma_start3A_1431 : memref<1x32x32xf32, #tpu.memory_space<vmem>> -> memref<32x32xf32, #tpu.memory_space<vmem>>
      %dma_start3A_1433 = arith.constant 640 : i32
      %dma_start3A_1434 = tpu.memref_slice %arg3[%arg1, %mul3A_1106, %dma_start3A_1433] : memref<16x1024x1024xf32, #tpu.memory_space<hbm>> -> memref<1x32x32xf32, #tpu.memory_space<hbm>>
      %dma_start3A_1435 = tpu.memref_squeeze %dma_start3A_1434 : memref<1x32x32xf32, #tpu.memory_space<hbm>> -> memref<32x32xf32, #tpu.memory_space<hbm>>
      %dma_start3A_1436 = arith.constant 640 : i32
      %dma_start3A_1437 = tpu.memref_slice %arg3[%arg1, %mul3A_1106, %dma_start3A_1436] : memref<16x1024x1024xf32, #tpu.memory_space<hbm>> -> memref<1x32x32xf32, #tpu.memory_space<hbm>>
      %dma_start3A_1438 = tpu.memref_squeeze %dma_start3A_1437 : memref<1x32x32xf32, #tpu.memory_space<hbm>> -> memref<32x32xf32, #tpu.memory_space<hbm>>
      %dma_start3A_1439 = arith.constant 0 : i32
      %dma_start3A_1440 = arith.constant 0 : i32
      %dma_start3A_1441 = tpu.memref_slice %arg5[%add3A_1428, %dma_start3A_1439, %dma_start3A_1440] : memref<63x32x32xf32, #tpu.memory_space<vmem>> -> memref<1x32x32xf32, #tpu.memory_space<vmem>>
      %dma_start3A_1442 = tpu.memref_squeeze %dma_start3A_1441 : memref<1x32x32xf32, #tpu.memory_space<vmem>> -> memref<32x32xf32, #tpu.memory_space<vmem>>
      tpu.enqueue_dma source(%dma_start3A_1442 : memref<32x32xf32, #tpu.memory_space<vmem>>) target(%dma_start3A_1438 : memref<32x32xf32, #tpu.memory_space<hbm>>) target_semaphore(%arg6 : memref<!tpu.dma_semaphore, #tpu.memory_space<semaphore_mem>>)
      %add3A_1443 = arith.constant 10 : i32
      %add3A_1444 = arith.addi %add3A_1104, %add3A_1443 : i32
      %dma_start3A_1445 = arith.constant 0 : i32
      %dma_start3A_1446 = arith.constant 0 : i32
      %dma_start3A_1447 = tpu.memref_slice %arg5[%add3A_1444, %dma_start3A_1445, %dma_start3A_1446] : memref<63x32x32xf32, #tpu.memory_space<vmem>> -> memref<1x32x32xf32, #tpu.memory_space<vmem>>
      %dma_start3A_1448 = tpu.memref_squeeze %dma_start3A_1447 : memref<1x32x32xf32, #tpu.memory_space<vmem>> -> memref<32x32xf32, #tpu.memory_space<vmem>>
      %dma_start3A_1449 = arith.constant 672 : i32
      %dma_start3A_1450 = tpu.memref_slice %arg3[%arg1, %mul3A_1106, %dma_start3A_1449] : memref<16x1024x1024xf32, #tpu.memory_space<hbm>> -> memref<1x32x32xf32, #tpu.memory_space<hbm>>
      %dma_start3A_1451 = tpu.memref_squeeze %dma_start3A_1450 : memref<1x32x32xf32, #tpu.memory_space<hbm>> -> memref<32x32xf32, #tpu.memory_space<hbm>>
      %dma_start3A_1452 = arith.constant 672 : i32
      %dma_start3A_1453 = tpu.memref_slice %arg3[%arg1, %mul3A_1106, %dma_start3A_1452] : memref<16x1024x1024xf32, #tpu.memory_space<hbm>> -> memref<1x32x32xf32, #tpu.memory_space<hbm>>
      %dma_start3A_1454 = tpu.memref_squeeze %dma_start3A_1453 : memref<1x32x32xf32, #tpu.memory_space<hbm>> -> memref<32x32xf32, #tpu.memory_space<hbm>>
      %dma_start3A_1455 = arith.constant 0 : i32
      %dma_start3A_1456 = arith.constant 0 : i32
      %dma_start3A_1457 = tpu.memref_slice %arg5[%add3A_1444, %dma_start3A_1455, %dma_start3A_1456] : memref<63x32x32xf32, #tpu.memory_space<vmem>> -> memref<1x32x32xf32, #tpu.memory_space<vmem>>
      %dma_start3A_1458 = tpu.memref_squeeze %dma_start3A_1457 : memref<1x32x32xf32, #tpu.memory_space<vmem>> -> memref<32x32xf32, #tpu.memory_space<vmem>>
      tpu.enqueue_dma source(%dma_start3A_1458 : memref<32x32xf32, #tpu.memory_space<vmem>>) target(%dma_start3A_1454 : memref<32x32xf32, #tpu.memory_space<hbm>>) target_semaphore(%arg6 : memref<!tpu.dma_semaphore, #tpu.memory_space<semaphore_mem>>)
      %add3A_1459 = arith.constant 9 : i32
      %add3A_1460 = arith.addi %add3A_1104, %add3A_1459 : i32
      %dma_start3A_1461 = arith.constant 0 : i32
      %dma_start3A_1462 = arith.constant 0 : i32
      %dma_start3A_1463 = tpu.memref_slice %arg5[%add3A_1460, %dma_start3A_1461, %dma_start3A_1462] : memref<63x32x32xf32, #tpu.memory_space<vmem>> -> memref<1x32x32xf32, #tpu.memory_space<vmem>>
      %dma_start3A_1464 = tpu.memref_squeeze %dma_start3A_1463 : memref<1x32x32xf32, #tpu.memory_space<vmem>> -> memref<32x32xf32, #tpu.memory_space<vmem>>
      %dma_start3A_1465 = arith.constant 704 : i32
      %dma_start3A_1466 = tpu.memref_slice %arg3[%arg1, %mul3A_1106, %dma_start3A_1465] : memref<16x1024x1024xf32, #tpu.memory_space<hbm>> -> memref<1x32x32xf32, #tpu.memory_space<hbm>>
      %dma_start3A_1467 = tpu.memref_squeeze %dma_start3A_1466 : memref<1x32x32xf32, #tpu.memory_space<hbm>> -> memref<32x32xf32, #tpu.memory_space<hbm>>
      %dma_start3A_1468 = arith.constant 704 : i32
      %dma_start3A_1469 = tpu.memref_slice %arg3[%arg1, %mul3A_1106, %dma_start3A_1468] : memref<16x1024x1024xf32, #tpu.memory_space<hbm>> -> memref<1x32x32xf32, #tpu.memory_space<hbm>>
      %dma_start3A_1470 = tpu.memref_squeeze %dma_start3A_1469 : memref<1x32x32xf32, #tpu.memory_space<hbm>> -> memref<32x32xf32, #tpu.memory_space<hbm>>
      %dma_start3A_1471 = arith.constant 0 : i32
      %dma_start3A_1472 = arith.constant 0 : i32
      %dma_start3A_1473 = tpu.memref_slice %arg5[%add3A_1460, %dma_start3A_1471, %dma_start3A_1472] : memref<63x32x32xf32, #tpu.memory_space<vmem>> -> memref<1x32x32xf32, #tpu.memory_space<vmem>>
      %dma_start3A_1474 = tpu.memref_squeeze %dma_start3A_1473 : memref<1x32x32xf32, #tpu.memory_space<vmem>> -> memref<32x32xf32, #tpu.memory_space<vmem>>
      tpu.enqueue_dma source(%dma_start3A_1474 : memref<32x32xf32, #tpu.memory_space<vmem>>) target(%dma_start3A_1470 : memref<32x32xf32, #tpu.memory_space<hbm>>) target_semaphore(%arg6 : memref<!tpu.dma_semaphore, #tpu.memory_space<semaphore_mem>>)
      %add3A_1475 = arith.constant 8 : i32
      %add3A_1476 = arith.addi %add3A_1104, %add3A_1475 : i32
      %dma_start3A_1477 = arith.constant 0 : i32
      %dma_start3A_1478 = arith.constant 0 : i32
      %dma_start3A_1479 = tpu.memref_slice %arg5[%add3A_1476, %dma_start3A_1477, %dma_start3A_1478] : memref<63x32x32xf32, #tpu.memory_space<vmem>> -> memref<1x32x32xf32, #tpu.memory_space<vmem>>
      %dma_start3A_1480 = tpu.memref_squeeze %dma_start3A_1479 : memref<1x32x32xf32, #tpu.memory_space<vmem>> -> memref<32x32xf32, #tpu.memory_space<vmem>>
      %dma_start3A_1481 = arith.constant 736 : i32
      %dma_start3A_1482 = tpu.memref_slice %arg3[%arg1, %mul3A_1106, %dma_start3A_1481] : memref<16x1024x1024xf32, #tpu.memory_space<hbm>> -> memref<1x32x32xf32, #tpu.memory_space<hbm>>
      %dma_start3A_1483 = tpu.memref_squeeze %dma_start3A_1482 : memref<1x32x32xf32, #tpu.memory_space<hbm>> -> memref<32x32xf32, #tpu.memory_space<hbm>>
      %dma_start3A_1484 = arith.constant 736 : i32
      %dma_start3A_1485 = tpu.memref_slice %arg3[%arg1, %mul3A_1106, %dma_start3A_1484] : memref<16x1024x1024xf32, #tpu.memory_space<hbm>> -> memref<1x32x32xf32, #tpu.memory_space<hbm>>
      %dma_start3A_1486 = tpu.memref_squeeze %dma_start3A_1485 : memref<1x32x32xf32, #tpu.memory_space<hbm>> -> memref<32x32xf32, #tpu.memory_space<hbm>>
      %dma_start3A_1487 = arith.constant 0 : i32
      %dma_start3A_1488 = arith.constant 0 : i32
      %dma_start3A_1489 = tpu.memref_slice %arg5[%add3A_1476, %dma_start3A_1487, %dma_start3A_1488] : memref<63x32x32xf32, #tpu.memory_space<vmem>> -> memref<1x32x32xf32, #tpu.memory_space<vmem>>
      %dma_start3A_1490 = tpu.memref_squeeze %dma_start3A_1489 : memref<1x32x32xf32, #tpu.memory_space<vmem>> -> memref<32x32xf32, #tpu.memory_space<vmem>>
      tpu.enqueue_dma source(%dma_start3A_1490 : memref<32x32xf32, #tpu.memory_space<vmem>>) target(%dma_start3A_1486 : memref<32x32xf32, #tpu.memory_space<hbm>>) target_semaphore(%arg6 : memref<!tpu.dma_semaphore, #tpu.memory_space<semaphore_mem>>)
      %add3A_1491 = arith.constant 7 : i32
      %add3A_1492 = arith.addi %add3A_1104, %add3A_1491 : i32
      %dma_start3A_1493 = arith.constant 0 : i32
      %dma_start3A_1494 = arith.constant 0 : i32
      %dma_start3A_1495 = tpu.memref_slice %arg5[%add3A_1492, %dma_start3A_1493, %dma_start3A_1494] : memref<63x32x32xf32, #tpu.memory_space<vmem>> -> memref<1x32x32xf32, #tpu.memory_space<vmem>>
      %dma_start3A_1496 = tpu.memref_squeeze %dma_start3A_1495 : memref<1x32x32xf32, #tpu.memory_space<vmem>> -> memref<32x32xf32, #tpu.memory_space<vmem>>
      %dma_start3A_1497 = arith.constant 768 : i32
      %dma_start3A_1498 = tpu.memref_slice %arg3[%arg1, %mul3A_1106, %dma_start3A_1497] : memref<16x1024x1024xf32, #tpu.memory_space<hbm>> -> memref<1x32x32xf32, #tpu.memory_space<hbm>>
      %dma_start3A_1499 = tpu.memref_squeeze %dma_start3A_1498 : memref<1x32x32xf32, #tpu.memory_space<hbm>> -> memref<32x32xf32, #tpu.memory_space<hbm>>
      %dma_start3A_1500 = arith.constant 768 : i32
      %dma_start3A_1501 = tpu.memref_slice %arg3[%arg1, %mul3A_1106, %dma_start3A_1500] : memref<16x1024x1024xf32, #tpu.memory_space<hbm>> -> memref<1x32x32xf32, #tpu.memory_space<hbm>>
      %dma_start3A_1502 = tpu.memref_squeeze %dma_start3A_1501 : memref<1x32x32xf32, #tpu.memory_space<hbm>> -> memref<32x32xf32, #tpu.memory_space<hbm>>
      %dma_start3A_1503 = arith.constant 0 : i32
      %dma_start3A_1504 = arith.constant 0 : i32
      %dma_start3A_1505 = tpu.memref_slice %arg5[%add3A_1492, %dma_start3A_1503, %dma_start3A_1504] : memref<63x32x32xf32, #tpu.memory_space<vmem>> -> memref<1x32x32xf32, #tpu.memory_space<vmem>>
      %dma_start3A_1506 = tpu.memref_squeeze %dma_start3A_1505 : memref<1x32x32xf32, #tpu.memory_space<vmem>> -> memref<32x32xf32, #tpu.memory_space<vmem>>
      tpu.enqueue_dma source(%dma_start3A_1506 : memref<32x32xf32, #tpu.memory_space<vmem>>) target(%dma_start3A_1502 : memref<32x32xf32, #tpu.memory_space<hbm>>) target_semaphore(%arg6 : memref<!tpu.dma_semaphore, #tpu.memory_space<semaphore_mem>>)
      %add3A_1507 = arith.constant 6 : i32
      %add3A_1508 = arith.addi %add3A_1104, %add3A_1507 : i32
      %dma_start3A_1509 = arith.constant 0 : i32
      %dma_start3A_1510 = arith.constant 0 : i32
      %dma_start3A_1511 = tpu.memref_slice %arg5[%add3A_1508, %dma_start3A_1509, %dma_start3A_1510] : memref<63x32x32xf32, #tpu.memory_space<vmem>> -> memref<1x32x32xf32, #tpu.memory_space<vmem>>
      %dma_start3A_1512 = tpu.memref_squeeze %dma_start3A_1511 : memref<1x32x32xf32, #tpu.memory_space<vmem>> -> memref<32x32xf32, #tpu.memory_space<vmem>>
      %dma_start3A_1513 = arith.constant 800 : i32
      %dma_start3A_1514 = tpu.memref_slice %arg3[%arg1, %mul3A_1106, %dma_start3A_1513] : memref<16x1024x1024xf32, #tpu.memory_space<hbm>> -> memref<1x32x32xf32, #tpu.memory_space<hbm>>
      %dma_start3A_1515 = tpu.memref_squeeze %dma_start3A_1514 : memref<1x32x32xf32, #tpu.memory_space<hbm>> -> memref<32x32xf32, #tpu.memory_space<hbm>>
      %dma_start3A_1516 = arith.constant 800 : i32
      %dma_start3A_1517 = tpu.memref_slice %arg3[%arg1, %mul3A_1106, %dma_start3A_1516] : memref<16x1024x1024xf32, #tpu.memory_space<hbm>> -> memref<1x32x32xf32, #tpu.memory_space<hbm>>
      %dma_start3A_1518 = tpu.memref_squeeze %dma_start3A_1517 : memref<1x32x32xf32, #tpu.memory_space<hbm>> -> memref<32x32xf32, #tpu.memory_space<hbm>>
      %dma_start3A_1519 = arith.constant 0 : i32
      %dma_start3A_1520 = arith.constant 0 : i32
      %dma_start3A_1521 = tpu.memref_slice %arg5[%add3A_1508, %dma_start3A_1519, %dma_start3A_1520] : memref<63x32x32xf32, #tpu.memory_space<vmem>> -> memref<1x32x32xf32, #tpu.memory_space<vmem>>
      %dma_start3A_1522 = tpu.memref_squeeze %dma_start3A_1521 : memref<1x32x32xf32, #tpu.memory_space<vmem>> -> memref<32x32xf32, #tpu.memory_space<vmem>>
      tpu.enqueue_dma source(%dma_start3A_1522 : memref<32x32xf32, #tpu.memory_space<vmem>>) target(%dma_start3A_1518 : memref<32x32xf32, #tpu.memory_space<hbm>>) target_semaphore(%arg6 : memref<!tpu.dma_semaphore, #tpu.memory_space<semaphore_mem>>)
      %add3A_1523 = arith.constant 5 : i32
      %add3A_1524 = arith.addi %add3A_1104, %add3A_1523 : i32
      %dma_start3A_1525 = arith.constant 0 : i32
      %dma_start3A_1526 = arith.constant 0 : i32
      %dma_start3A_1527 = tpu.memref_slice %arg5[%add3A_1524, %dma_start3A_1525, %dma_start3A_1526] : memref<63x32x32xf32, #tpu.memory_space<vmem>> -> memref<1x32x32xf32, #tpu.memory_space<vmem>>
      %dma_start3A_1528 = tpu.memref_squeeze %dma_start3A_1527 : memref<1x32x32xf32, #tpu.memory_space<vmem>> -> memref<32x32xf32, #tpu.memory_space<vmem>>
      %dma_start3A_1529 = arith.constant 832 : i32
      %dma_start3A_1530 = tpu.memref_slice %arg3[%arg1, %mul3A_1106, %dma_start3A_1529] : memref<16x1024x1024xf32, #tpu.memory_space<hbm>> -> memref<1x32x32xf32, #tpu.memory_space<hbm>>
      %dma_start3A_1531 = tpu.memref_squeeze %dma_start3A_1530 : memref<1x32x32xf32, #tpu.memory_space<hbm>> -> memref<32x32xf32, #tpu.memory_space<hbm>>
      %dma_start3A_1532 = arith.constant 832 : i32
      %dma_start3A_1533 = tpu.memref_slice %arg3[%arg1, %mul3A_1106, %dma_start3A_1532] : memref<16x1024x1024xf32, #tpu.memory_space<hbm>> -> memref<1x32x32xf32, #tpu.memory_space<hbm>>
      %dma_start3A_1534 = tpu.memref_squeeze %dma_start3A_1533 : memref<1x32x32xf32, #tpu.memory_space<hbm>> -> memref<32x32xf32, #tpu.memory_space<hbm>>
      %dma_start3A_1535 = arith.constant 0 : i32
      %dma_start3A_1536 = arith.constant 0 : i32
      %dma_start3A_1537 = tpu.memref_slice %arg5[%add3A_1524, %dma_start3A_1535, %dma_start3A_1536] : memref<63x32x32xf32, #tpu.memory_space<vmem>> -> memref<1x32x32xf32, #tpu.memory_space<vmem>>
      %dma_start3A_1538 = tpu.memref_squeeze %dma_start3A_1537 : memref<1x32x32xf32, #tpu.memory_space<vmem>> -> memref<32x32xf32, #tpu.memory_space<vmem>>
      tpu.enqueue_dma source(%dma_start3A_1538 : memref<32x32xf32, #tpu.memory_space<vmem>>) target(%dma_start3A_1534 : memref<32x32xf32, #tpu.memory_space<hbm>>) target_semaphore(%arg6 : memref<!tpu.dma_semaphore, #tpu.memory_space<semaphore_mem>>)
      %add3A_1539 = arith.constant 4 : i32
      %add3A_1540 = arith.addi %add3A_1104, %add3A_1539 : i32
      %dma_start3A_1541 = arith.constant 0 : i32
      %dma_start3A_1542 = arith.constant 0 : i32
      %dma_start3A_1543 = tpu.memref_slice %arg5[%add3A_1540, %dma_start3A_1541, %dma_start3A_1542] : memref<63x32x32xf32, #tpu.memory_space<vmem>> -> memref<1x32x32xf32, #tpu.memory_space<vmem>>
      %dma_start3A_1544 = tpu.memref_squeeze %dma_start3A_1543 : memref<1x32x32xf32, #tpu.memory_space<vmem>> -> memref<32x32xf32, #tpu.memory_space<vmem>>
      %dma_start3A_1545 = arith.constant 864 : i32
      %dma_start3A_1546 = tpu.memref_slice %arg3[%arg1, %mul3A_1106, %dma_start3A_1545] : memref<16x1024x1024xf32, #tpu.memory_space<hbm>> -> memref<1x32x32xf32, #tpu.memory_space<hbm>>
      %dma_start3A_1547 = tpu.memref_squeeze %dma_start3A_1546 : memref<1x32x32xf32, #tpu.memory_space<hbm>> -> memref<32x32xf32, #tpu.memory_space<hbm>>
      %dma_start3A_1548 = arith.constant 864 : i32
      %dma_start3A_1549 = tpu.memref_slice %arg3[%arg1, %mul3A_1106, %dma_start3A_1548] : memref<16x1024x1024xf32, #tpu.memory_space<hbm>> -> memref<1x32x32xf32, #tpu.memory_space<hbm>>
      %dma_start3A_1550 = tpu.memref_squeeze %dma_start3A_1549 : memref<1x32x32xf32, #tpu.memory_space<hbm>> -> memref<32x32xf32, #tpu.memory_space<hbm>>
      %dma_start3A_1551 = arith.constant 0 : i32
      %dma_start3A_1552 = arith.constant 0 : i32
      %dma_start3A_1553 = tpu.memref_slice %arg5[%add3A_1540, %dma_start3A_1551, %dma_start3A_1552] : memref<63x32x32xf32, #tpu.memory_space<vmem>> -> memref<1x32x32xf32, #tpu.memory_space<vmem>>
      %dma_start3A_1554 = tpu.memref_squeeze %dma_start3A_1553 : memref<1x32x32xf32, #tpu.memory_space<vmem>> -> memref<32x32xf32, #tpu.memory_space<vmem>>
      tpu.enqueue_dma source(%dma_start3A_1554 : memref<32x32xf32, #tpu.memory_space<vmem>>) target(%dma_start3A_1550 : memref<32x32xf32, #tpu.memory_space<hbm>>) target_semaphore(%arg6 : memref<!tpu.dma_semaphore, #tpu.memory_space<semaphore_mem>>)
      %add3A_1555 = arith.constant 3 : i32
      %add3A_1556 = arith.addi %add3A_1104, %add3A_1555 : i32
      %dma_start3A_1557 = arith.constant 0 : i32
      %dma_start3A_1558 = arith.constant 0 : i32
      %dma_start3A_1559 = tpu.memref_slice %arg5[%add3A_1556, %dma_start3A_1557, %dma_start3A_1558] : memref<63x32x32xf32, #tpu.memory_space<vmem>> -> memref<1x32x32xf32, #tpu.memory_space<vmem>>
      %dma_start3A_1560 = tpu.memref_squeeze %dma_start3A_1559 : memref<1x32x32xf32, #tpu.memory_space<vmem>> -> memref<32x32xf32, #tpu.memory_space<vmem>>
      %dma_start3A_1561 = arith.constant 896 : i32
      %dma_start3A_1562 = tpu.memref_slice %arg3[%arg1, %mul3A_1106, %dma_start3A_1561] : memref<16x1024x1024xf32, #tpu.memory_space<hbm>> -> memref<1x32x32xf32, #tpu.memory_space<hbm>>
      %dma_start3A_1563 = tpu.memref_squeeze %dma_start3A_1562 : memref<1x32x32xf32, #tpu.memory_space<hbm>> -> memref<32x32xf32, #tpu.memory_space<hbm>>
      %dma_start3A_1564 = arith.constant 896 : i32
      %dma_start3A_1565 = tpu.memref_slice %arg3[%arg1, %mul3A_1106, %dma_start3A_1564] : memref<16x1024x1024xf32, #tpu.memory_space<hbm>> -> memref<1x32x32xf32, #tpu.memory_space<hbm>>
      %dma_start3A_1566 = tpu.memref_squeeze %dma_start3A_1565 : memref<1x32x32xf32, #tpu.memory_space<hbm>> -> memref<32x32xf32, #tpu.memory_space<hbm>>
      %dma_start3A_1567 = arith.constant 0 : i32
      %dma_start3A_1568 = arith.constant 0 : i32
      %dma_start3A_1569 = tpu.memref_slice %arg5[%add3A_1556, %dma_start3A_1567, %dma_start3A_1568] : memref<63x32x32xf32, #tpu.memory_space<vmem>> -> memref<1x32x32xf32, #tpu.memory_space<vmem>>
      %dma_start3A_1570 = tpu.memref_squeeze %dma_start3A_1569 : memref<1x32x32xf32, #tpu.memory_space<vmem>> -> memref<32x32xf32, #tpu.memory_space<vmem>>
      tpu.enqueue_dma source(%dma_start3A_1570 : memref<32x32xf32, #tpu.memory_space<vmem>>) target(%dma_start3A_1566 : memref<32x32xf32, #tpu.memory_space<hbm>>) target_semaphore(%arg6 : memref<!tpu.dma_semaphore, #tpu.memory_space<semaphore_mem>>)
      %add3A_1571 = arith.constant 2 : i32
      %add3A_1572 = arith.addi %add3A_1104, %add3A_1571 : i32
      %dma_start3A_1573 = arith.constant 0 : i32
      %dma_start3A_1574 = arith.constant 0 : i32
      %dma_start3A_1575 = tpu.memref_slice %arg5[%add3A_1572, %dma_start3A_1573, %dma_start3A_1574] : memref<63x32x32xf32, #tpu.memory_space<vmem>> -> memref<1x32x32xf32, #tpu.memory_space<vmem>>
      %dma_start3A_1576 = tpu.memref_squeeze %dma_start3A_1575 : memref<1x32x32xf32, #tpu.memory_space<vmem>> -> memref<32x32xf32, #tpu.memory_space<vmem>>
      %dma_start3A_1577 = arith.constant 928 : i32
      %dma_start3A_1578 = tpu.memref_slice %arg3[%arg1, %mul3A_1106, %dma_start3A_1577] : memref<16x1024x1024xf32, #tpu.memory_space<hbm>> -> memref<1x32x32xf32, #tpu.memory_space<hbm>>
      %dma_start3A_1579 = tpu.memref_squeeze %dma_start3A_1578 : memref<1x32x32xf32, #tpu.memory_space<hbm>> -> memref<32x32xf32, #tpu.memory_space<hbm>>
      %dma_start3A_1580 = arith.constant 928 : i32
      %dma_start3A_1581 = tpu.memref_slice %arg3[%arg1, %mul3A_1106, %dma_start3A_1580] : memref<16x1024x1024xf32, #tpu.memory_space<hbm>> -> memref<1x32x32xf32, #tpu.memory_space<hbm>>
      %dma_start3A_1582 = tpu.memref_squeeze %dma_start3A_1581 : memref<1x32x32xf32, #tpu.memory_space<hbm>> -> memref<32x32xf32, #tpu.memory_space<hbm>>
      %dma_start3A_1583 = arith.constant 0 : i32
      %dma_start3A_1584 = arith.constant 0 : i32
      %dma_start3A_1585 = tpu.memref_slice %arg5[%add3A_1572, %dma_start3A_1583, %dma_start3A_1584] : memref<63x32x32xf32, #tpu.memory_space<vmem>> -> memref<1x32x32xf32, #tpu.memory_space<vmem>>
      %dma_start3A_1586 = tpu.memref_squeeze %dma_start3A_1585 : memref<1x32x32xf32, #tpu.memory_space<vmem>> -> memref<32x32xf32, #tpu.memory_space<vmem>>
      tpu.enqueue_dma source(%dma_start3A_1586 : memref<32x32xf32, #tpu.memory_space<vmem>>) target(%dma_start3A_1582 : memref<32x32xf32, #tpu.memory_space<hbm>>) target_semaphore(%arg6 : memref<!tpu.dma_semaphore, #tpu.memory_space<semaphore_mem>>)
      %add3A_1587 = arith.constant 1 : i32
      %add3A_1588 = arith.addi %add3A_1104, %add3A_1587 : i32
      %dma_start3A_1589 = arith.constant 0 : i32
      %dma_start3A_1590 = arith.constant 0 : i32
      %dma_start3A_1591 = tpu.memref_slice %arg5[%add3A_1588, %dma_start3A_1589, %dma_start3A_1590] : memref<63x32x32xf32, #tpu.memory_space<vmem>> -> memref<1x32x32xf32, #tpu.memory_space<vmem>>
      %dma_start3A_1592 = tpu.memref_squeeze %dma_start3A_1591 : memref<1x32x32xf32, #tpu.memory_space<vmem>> -> memref<32x32xf32, #tpu.memory_space<vmem>>
      %dma_start3A_1593 = arith.constant 960 : i32
      %dma_start3A_1594 = tpu.memref_slice %arg3[%arg1, %mul3A_1106, %dma_start3A_1593] : memref<16x1024x1024xf32, #tpu.memory_space<hbm>> -> memref<1x32x32xf32, #tpu.memory_space<hbm>>
      %dma_start3A_1595 = tpu.memref_squeeze %dma_start3A_1594 : memref<1x32x32xf32, #tpu.memory_space<hbm>> -> memref<32x32xf32, #tpu.memory_space<hbm>>
      %dma_start3A_1596 = arith.constant 960 : i32
      %dma_start3A_1597 = tpu.memref_slice %arg3[%arg1, %mul3A_1106, %dma_start3A_1596] : memref<16x1024x1024xf32, #tpu.memory_space<hbm>> -> memref<1x32x32xf32, #tpu.memory_space<hbm>>
      %dma_start3A_1598 = tpu.memref_squeeze %dma_start3A_1597 : memref<1x32x32xf32, #tpu.memory_space<hbm>> -> memref<32x32xf32, #tpu.memory_space<hbm>>
      %dma_start3A_1599 = arith.constant 0 : i32
      %dma_start3A_1600 = arith.constant 0 : i32
      %dma_start3A_1601 = tpu.memref_slice %arg5[%add3A_1588, %dma_start3A_1599, %dma_start3A_1600] : memref<63x32x32xf32, #tpu.memory_space<vmem>> -> memref<1x32x32xf32, #tpu.memory_space<vmem>>
      %dma_start3A_1602 = tpu.memref_squeeze %dma_start3A_1601 : memref<1x32x32xf32, #tpu.memory_space<vmem>> -> memref<32x32xf32, #tpu.memory_space<vmem>>
      tpu.enqueue_dma source(%dma_start3A_1602 : memref<32x32xf32, #tpu.memory_space<vmem>>) target(%dma_start3A_1598 : memref<32x32xf32, #tpu.memory_space<hbm>>) target_semaphore(%arg6 : memref<!tpu.dma_semaphore, #tpu.memory_space<semaphore_mem>>)
      %add3A_1603 = arith.constant 0 : i32
      %add3A_1604 = arith.addi %add3A_1104, %add3A_1603 : i32
      %dma_start3A_1605 = arith.constant 0 : i32
      %dma_start3A_1606 = arith.constant 0 : i32
      %dma_start3A_1607 = tpu.memref_slice %arg5[%add3A_1604, %dma_start3A_1605, %dma_start3A_1606] : memref<63x32x32xf32, #tpu.memory_space<vmem>> -> memref<1x32x32xf32, #tpu.memory_space<vmem>>
      %dma_start3A_1608 = tpu.memref_squeeze %dma_start3A_1607 : memref<1x32x32xf32, #tpu.memory_space<vmem>> -> memref<32x32xf32, #tpu.memory_space<vmem>>
      %dma_start3A_1609 = arith.constant 992 : i32
      %dma_start3A_1610 = tpu.memref_slice %arg3[%arg1, %mul3A_1106, %dma_start3A_1609] : memref<16x1024x1024xf32, #tpu.memory_space<hbm>> -> memref<1x32x32xf32, #tpu.memory_space<hbm>>
      %dma_start3A_1611 = tpu.memref_squeeze %dma_start3A_1610 : memref<1x32x32xf32, #tpu.memory_space<hbm>> -> memref<32x32xf32, #tpu.memory_space<hbm>>
      %dma_start3A_1612 = arith.constant 992 : i32
      %dma_start3A_1613 = tpu.memref_slice %arg3[%arg1, %mul3A_1106, %dma_start3A_1612] : memref<16x1024x1024xf32, #tpu.memory_space<hbm>> -> memref<1x32x32xf32, #tpu.memory_space<hbm>>
      %dma_start3A_1614 = tpu.memref_squeeze %dma_start3A_1613 : memref<1x32x32xf32, #tpu.memory_space<hbm>> -> memref<32x32xf32, #tpu.memory_space<hbm>>
      %dma_start3A_1615 = arith.constant 0 : i32
      %dma_start3A_1616 = arith.constant 0 : i32
      %dma_start3A_1617 = tpu.memref_slice %arg5[%add3A_1604, %dma_start3A_1615, %dma_start3A_1616] : memref<63x32x32xf32, #tpu.memory_space<vmem>> -> memref<1x32x32xf32, #tpu.memory_space<vmem>>
      %dma_start3A_1618 = tpu.memref_squeeze %dma_start3A_1617 : memref<1x32x32xf32, #tpu.memory_space<vmem>> -> memref<32x32xf32, #tpu.memory_space<vmem>>
      tpu.enqueue_dma source(%dma_start3A_1618 : memref<32x32xf32, #tpu.memory_space<vmem>>) target(%dma_start3A_1614 : memref<32x32xf32, #tpu.memory_space<hbm>>) target_semaphore(%arg6 : memref<!tpu.dma_semaphore, #tpu.memory_space<semaphore_mem>>)
      %dma_wait3A_1619 = arith.constant 0 : i32
      %dma_wait3A_1620 = arith.constant 0 : i32
      %dma_wait3A_1621 = arith.constant 0 : i32
      %dma_wait3A_1622 = arith.constant 0 : i32
      %dma_wait3A_1623 = tpu.memref_slice %arg5[%dma_wait3A_1619, %dma_wait3A_1621, %dma_wait3A_1622] : memref<63x32x32xf32, #tpu.memory_space<vmem>> -> memref<1x32x32xf32, #tpu.memory_space<vmem>>
      %dma_wait3A_1624 = tpu.memref_squeeze %dma_wait3A_1623 : memref<1x32x32xf32, #tpu.memory_space<vmem>> -> memref<32x32xf32, #tpu.memory_space<vmem>>
      %dma_wait3A_1625 = arith.constant 0 : i32
      %dma_wait3A_1626 = arith.constant 0 : i32
      %dma_wait3A_1627 = tpu.memref_slice %arg3[%dma_wait3A_1620, %dma_wait3A_1625, %dma_wait3A_1626] : memref<16x1024x1024xf32, #tpu.memory_space<hbm>> -> memref<1x32x32xf32, #tpu.memory_space<hbm>>
      %dma_wait3A_1628 = tpu.memref_squeeze %dma_wait3A_1627 : memref<1x32x32xf32, #tpu.memory_space<hbm>> -> memref<32x32xf32, #tpu.memory_space<hbm>>
      %dma_wait3A_1629 = arith.constant 0 : i32
      %dma_wait3A_1630 = arith.constant 0 : i32
      %dma_wait3A_1631 = tpu.memref_slice %arg3[%dma_wait3A_1620, %dma_wait3A_1629, %dma_wait3A_1630] : memref<16x1024x1024xf32, #tpu.memory_space<hbm>> -> memref<1x32x32xf32, #tpu.memory_space<hbm>>
      %dma_wait3A_1632 = tpu.memref_squeeze %dma_wait3A_1631 : memref<1x32x32xf32, #tpu.memory_space<hbm>> -> memref<32x32xf32, #tpu.memory_space<hbm>>
      %dma_wait3A_1633 = arith.constant 0 : i32
      %dma_wait3A_1634 = arith.constant 0 : i32
      %dma_wait3A_1635 = tpu.memref_slice %arg5[%dma_wait3A_1619, %dma_wait3A_1633, %dma_wait3A_1634] : memref<63x32x32xf32, #tpu.memory_space<vmem>> -> memref<1x32x32xf32, #tpu.memory_space<vmem>>
      %dma_wait3A_1636 = tpu.memref_squeeze %dma_wait3A_1635 : memref<1x32x32xf32, #tpu.memory_space<vmem>> -> memref<32x32xf32, #tpu.memory_space<vmem>>
      tpu.wait_dma2 semaphore(%arg6 : memref<!tpu.dma_semaphore, #tpu.memory_space<semaphore_mem>>) src(%dma_wait3A_1636 : memref<32x32xf32, #tpu.memory_space<vmem>>) dst(%dma_wait3A_1632 : memref<32x32xf32, #tpu.memory_space<hbm>>)
      %dma_wait3A_1637 = arith.constant 0 : i32
      %dma_wait3A_1638 = arith.constant 0 : i32
      %dma_wait3A_1639 = arith.constant 0 : i32
      %dma_wait3A_1640 = arith.constant 0 : i32
      %dma_wait3A_1641 = tpu.memref_slice %arg5[%dma_wait3A_1637, %dma_wait3A_1639, %dma_wait3A_1640] : memref<63x32x32xf32, #tpu.memory_space<vmem>> -> memref<1x32x32xf32, #tpu.memory_space<vmem>>
      %dma_wait3A_1642 = tpu.memref_squeeze %dma_wait3A_1641 : memref<1x32x32xf32, #tpu.memory_space<vmem>> -> memref<32x32xf32, #tpu.memory_space<vmem>>
      %dma_wait3A_1643 = arith.constant 0 : i32
      %dma_wait3A_1644 = arith.constant 0 : i32
      %dma_wait3A_1645 = tpu.memref_slice %arg3[%dma_wait3A_1638, %dma_wait3A_1643, %dma_wait3A_1644] : memref<16x1024x1024xf32, #tpu.memory_space<hbm>> -> memref<1x32x32xf32, #tpu.memory_space<hbm>>
      %dma_wait3A_1646 = tpu.memref_squeeze %dma_wait3A_1645 : memref<1x32x32xf32, #tpu.memory_space<hbm>> -> memref<32x32xf32, #tpu.memory_space<hbm>>
      %dma_wait3A_1647 = arith.constant 0 : i32
      %dma_wait3A_1648 = arith.constant 0 : i32
      %dma_wait3A_1649 = tpu.memref_slice %arg3[%dma_wait3A_1638, %dma_wait3A_1647, %dma_wait3A_1648] : memref<16x1024x1024xf32, #tpu.memory_space<hbm>> -> memref<1x32x32xf32, #tpu.memory_space<hbm>>
      %dma_wait3A_1650 = tpu.memref_squeeze %dma_wait3A_1649 : memref<1x32x32xf32, #tpu.memory_space<hbm>> -> memref<32x32xf32, #tpu.memory_space<hbm>>
      %dma_wait3A_1651 = arith.constant 0 : i32
      %dma_wait3A_1652 = arith.constant 0 : i32
      %dma_wait3A_1653 = tpu.memref_slice %arg5[%dma_wait3A_1637, %dma_wait3A_1651, %dma_wait3A_1652] : memref<63x32x32xf32, #tpu.memory_space<vmem>> -> memref<1x32x32xf32, #tpu.memory_space<vmem>>
      %dma_wait3A_1654 = tpu.memref_squeeze %dma_wait3A_1653 : memref<1x32x32xf32, #tpu.memory_space<vmem>> -> memref<32x32xf32, #tpu.memory_space<vmem>>
      tpu.wait_dma2 semaphore(%arg6 : memref<!tpu.dma_semaphore, #tpu.memory_space<semaphore_mem>>) src(%dma_wait3A_1654 : memref<32x32xf32, #tpu.memory_space<vmem>>) dst(%dma_wait3A_1650 : memref<32x32xf32, #tpu.memory_space<hbm>>)
      %dma_wait3A_1655 = arith.constant 0 : i32
      %dma_wait3A_1656 = arith.constant 0 : i32
      %dma_wait3A_1657 = arith.constant 0 : i32
      %dma_wait3A_1658 = arith.constant 0 : i32
      %dma_wait3A_1659 = tpu.memref_slice %arg5[%dma_wait3A_1655, %dma_wait3A_1657, %dma_wait3A_1658] : memref<63x32x32xf32, #tpu.memory_space<vmem>> -> memref<1x32x32xf32, #tpu.memory_space<vmem>>
      %dma_wait3A_1660 = tpu.memref_squeeze %dma_wait3A_1659 : memref<1x32x32xf32, #tpu.memory_space<vmem>> -> memref<32x32xf32, #tpu.memory_space<vmem>>
      %dma_wait3A_1661 = arith.constant 0 : i32
      %dma_wait3A_1662 = arith.constant 0 : i32
      %dma_wait3A_1663 = tpu.memref_slice %arg3[%dma_wait3A_1656, %dma_wait3A_1661, %dma_wait3A_1662] : memref<16x1024x1024xf32, #tpu.memory_space<hbm>> -> memref<1x32x32xf32, #tpu.memory_space<hbm>>
      %dma_wait3A_1664 = tpu.memref_squeeze %dma_wait3A_1663 : memref<1x32x32xf32, #tpu.memory_space<hbm>> -> memref<32x32xf32, #tpu.memory_space<hbm>>
      %dma_wait3A_1665 = arith.constant 0 : i32
      %dma_wait3A_1666 = arith.constant 0 : i32
      %dma_wait3A_1667 = tpu.memref_slice %arg3[%dma_wait3A_1656, %dma_wait3A_1665, %dma_wait3A_1666] : memref<16x1024x1024xf32, #tpu.memory_space<hbm>> -> memref<1x32x32xf32, #tpu.memory_space<hbm>>
      %dma_wait3A_1668 = tpu.memref_squeeze %dma_wait3A_1667 : memref<1x32x32xf32, #tpu.memory_space<hbm>> -> memref<32x32xf32, #tpu.memory_space<hbm>>
      %dma_wait3A_1669 = arith.constant 0 : i32
      %dma_wait3A_1670 = arith.constant 0 : i32
      %dma_wait3A_1671 = tpu.memref_slice %arg5[%dma_wait3A_1655, %dma_wait3A_1669, %dma_wait3A_1670] : memref<63x32x32xf32, #tpu.memory_space<vmem>> -> memref<1x32x32xf32, #tpu.memory_space<vmem>>
      %dma_wait3A_1672 = tpu.memref_squeeze %dma_wait3A_1671 : memref<1x32x32xf32, #tpu.memory_space<vmem>> -> memref<32x32xf32, #tpu.memory_space<vmem>>
      tpu.wait_dma2 semaphore(%arg6 : memref<!tpu.dma_semaphore, #tpu.memory_space<semaphore_mem>>) src(%dma_wait3A_1672 : memref<32x32xf32, #tpu.memory_space<vmem>>) dst(%dma_wait3A_1668 : memref<32x32xf32, #tpu.memory_space<hbm>>)
      %dma_wait3A_1673 = arith.constant 0 : i32
      %dma_wait3A_1674 = arith.constant 0 : i32
      %dma_wait3A_1675 = arith.constant 0 : i32
      %dma_wait3A_1676 = arith.constant 0 : i32
      %dma_wait3A_1677 = tpu.memref_slice %arg5[%dma_wait3A_1673, %dma_wait3A_1675, %dma_wait3A_1676] : memref<63x32x32xf32, #tpu.memory_space<vmem>> -> memref<1x32x32xf32, #tpu.memory_space<vmem>>
      %dma_wait3A_1678 = tpu.memref_squeeze %dma_wait3A_1677 : memref<1x32x32xf32, #tpu.memory_space<vmem>> -> memref<32x32xf32, #tpu.memory_space<vmem>>
      %dma_wait3A_1679 = arith.constant 0 : i32
      %dma_wait3A_1680 = arith.constant 0 : i32
      %dma_wait3A_1681 = tpu.memref_slice %arg3[%dma_wait3A_1674, %dma_wait3A_1679, %dma_wait3A_1680] : memref<16x1024x1024xf32, #tpu.memory_space<hbm>> -> memref<1x32x32xf32, #tpu.memory_space<hbm>>
      %dma_wait3A_1682 = tpu.memref_squeeze %dma_wait3A_1681 : memref<1x32x32xf32, #tpu.memory_space<hbm>> -> memref<32x32xf32, #tpu.memory_space<hbm>>
      %dma_wait3A_1683 = arith.constant 0 : i32
      %dma_wait3A_1684 = arith.constant 0 : i32
      %dma_wait3A_1685 = tpu.memref_slice %arg3[%dma_wait3A_1674, %dma_wait3A_1683, %dma_wait3A_1684] : memref<16x1024x1024xf32, #tpu.memory_space<hbm>> -> memref<1x32x32xf32, #tpu.memory_space<hbm>>
      %dma_wait3A_1686 = tpu.memref_squeeze %dma_wait3A_1685 : memref<1x32x32xf32, #tpu.memory_space<hbm>> -> memref<32x32xf32, #tpu.memory_space<hbm>>
      %dma_wait3A_1687 = arith.constant 0 : i32
      %dma_wait3A_1688 = arith.constant 0 : i32
      %dma_wait3A_1689 = tpu.memref_slice %arg5[%dma_wait3A_1673, %dma_wait3A_1687, %dma_wait3A_1688] : memref<63x32x32xf32, #tpu.memory_space<vmem>> -> memref<1x32x32xf32, #tpu.memory_space<vmem>>
      %dma_wait3A_1690 = tpu.memref_squeeze %dma_wait3A_1689 : memref<1x32x32xf32, #tpu.memory_space<vmem>> -> memref<32x32xf32, #tpu.memory_space<vmem>>
      tpu.wait_dma2 semaphore(%arg6 : memref<!tpu.dma_semaphore, #tpu.memory_space<semaphore_mem>>) src(%dma_wait3A_1690 : memref<32x32xf32, #tpu.memory_space<vmem>>) dst(%dma_wait3A_1686 : memref<32x32xf32, #tpu.memory_space<hbm>>)
      %dma_wait3A_1691 = arith.constant 0 : i32
      %dma_wait3A_1692 = arith.constant 0 : i32
      %dma_wait3A_1693 = arith.constant 0 : i32
      %dma_wait3A_1694 = arith.constant 0 : i32
      %dma_wait3A_1695 = tpu.memref_slice %arg5[%dma_wait3A_1691, %dma_wait3A_1693, %dma_wait3A_1694] : memref<63x32x32xf32, #tpu.memory_space<vmem>> -> memref<1x32x32xf32, #tpu.memory_space<vmem>>
      %dma_wait3A_1696 = tpu.memref_squeeze %dma_wait3A_1695 : memref<1x32x32xf32, #tpu.memory_space<vmem>> -> memref<32x32xf32, #tpu.memory_space<vmem>>
      %dma_wait3A_1697 = arith.constant 0 : i32
      %dma_wait3A_1698 = arith.constant 0 : i32
      %dma_wait3A_1699 = tpu.memref_slice %arg3[%dma_wait3A_1692, %dma_wait3A_1697, %dma_wait3A_1698] : memref<16x1024x1024xf32, #tpu.memory_space<hbm>> -> memref<1x32x32xf32, #tpu.memory_space<hbm>>
      %dma_wait3A_1700 = tpu.memref_squeeze %dma_wait3A_1699 : memref<1x32x32xf32, #tpu.memory_space<hbm>> -> memref<32x32xf32, #tpu.memory_space<hbm>>
      %dma_wait3A_1701 = arith.constant 0 : i32
      %dma_wait3A_1702 = arith.constant 0 : i32
      %dma_wait3A_1703 = tpu.memref_slice %arg3[%dma_wait3A_1692, %dma_wait3A_1701, %dma_wait3A_1702] : memref<16x1024x1024xf32, #tpu.memory_space<hbm>> -> memref<1x32x32xf32, #tpu.memory_space<hbm>>
      %dma_wait3A_1704 = tpu.memref_squeeze %dma_wait3A_1703 : memref<1x32x32xf32, #tpu.memory_space<hbm>> -> memref<32x32xf32, #tpu.memory_space<hbm>>
      %dma_wait3A_1705 = arith.constant 0 : i32
      %dma_wait3A_1706 = arith.constant 0 : i32
      %dma_wait3A_1707 = tpu.memref_slice %arg5[%dma_wait3A_1691, %dma_wait3A_1705, %dma_wait3A_1706] : memref<63x32x32xf32, #tpu.memory_space<vmem>> -> memref<1x32x32xf32, #tpu.memory_space<vmem>>
      %dma_wait3A_1708 = tpu.memref_squeeze %dma_wait3A_1707 : memref<1x32x32xf32, #tpu.memory_space<vmem>> -> memref<32x32xf32, #tpu.memory_space<vmem>>
      tpu.wait_dma2 semaphore(%arg6 : memref<!tpu.dma_semaphore, #tpu.memory_space<semaphore_mem>>) src(%dma_wait3A_1708 : memref<32x32xf32, #tpu.memory_space<vmem>>) dst(%dma_wait3A_1704 : memref<32x32xf32, #tpu.memory_space<hbm>>)
      %dma_wait3A_1709 = arith.constant 0 : i32
      %dma_wait3A_1710 = arith.constant 0 : i32
      %dma_wait3A_1711 = arith.constant 0 : i32
      %dma_wait3A_1712 = arith.constant 0 : i32
      %dma_wait3A_1713 = tpu.memref_slice %arg5[%dma_wait3A_1709, %dma_wait3A_1711, %dma_wait3A_1712] : memref<63x32x32xf32, #tpu.memory_space<vmem>> -> memref<1x32x32xf32, #tpu.memory_space<vmem>>
      %dma_wait3A_1714 = tpu.memref_squeeze %dma_wait3A_1713 : memref<1x32x32xf32, #tpu.memory_space<vmem>> -> memref<32x32xf32, #tpu.memory_space<vmem>>
      %dma_wait3A_1715 = arith.constant 0 : i32
      %dma_wait3A_1716 = arith.constant 0 : i32
      %dma_wait3A_1717 = tpu.memref_slice %arg3[%dma_wait3A_1710, %dma_wait3A_1715, %dma_wait3A_1716] : memref<16x1024x1024xf32, #tpu.memory_space<hbm>> -> memref<1x32x32xf32, #tpu.memory_space<hbm>>
      %dma_wait3A_1718 = tpu.memref_squeeze %dma_wait3A_1717 : memref<1x32x32xf32, #tpu.memory_space<hbm>> -> memref<32x32xf32, #tpu.memory_space<hbm>>
      %dma_wait3A_1719 = arith.constant 0 : i32
      %dma_wait3A_1720 = arith.constant 0 : i32
      %dma_wait3A_1721 = tpu.memref_slice %arg3[%dma_wait3A_1710, %dma_wait3A_1719, %dma_wait3A_1720] : memref<16x1024x1024xf32, #tpu.memory_space<hbm>> -> memref<1x32x32xf32, #tpu.memory_space<hbm>>
      %dma_wait3A_1722 = tpu.memref_squeeze %dma_wait3A_1721 : memref<1x32x32xf32, #tpu.memory_space<hbm>> -> memref<32x32xf32, #tpu.memory_space<hbm>>
      %dma_wait3A_1723 = arith.constant 0 : i32
      %dma_wait3A_1724 = arith.constant 0 : i32
      %dma_wait3A_1725 = tpu.memref_slice %arg5[%dma_wait3A_1709, %dma_wait3A_1723, %dma_wait3A_1724] : memref<63x32x32xf32, #tpu.memory_space<vmem>> -> memref<1x32x32xf32, #tpu.memory_space<vmem>>
      %dma_wait3A_1726 = tpu.memref_squeeze %dma_wait3A_1725 : memref<1x32x32xf32, #tpu.memory_space<vmem>> -> memref<32x32xf32, #tpu.memory_space<vmem>>
      tpu.wait_dma2 semaphore(%arg6 : memref<!tpu.dma_semaphore, #tpu.memory_space<semaphore_mem>>) src(%dma_wait3A_1726 : memref<32x32xf32, #tpu.memory_space<vmem>>) dst(%dma_wait3A_1722 : memref<32x32xf32, #tpu.memory_space<hbm>>)
      %dma_wait3A_1727 = arith.constant 0 : i32
      %dma_wait3A_1728 = arith.constant 0 : i32
      %dma_wait3A_1729 = arith.constant 0 : i32
      %dma_wait3A_1730 = arith.constant 0 : i32
      %dma_wait3A_1731 = tpu.memref_slice %arg5[%dma_wait3A_1727, %dma_wait3A_1729, %dma_wait3A_1730] : memref<63x32x32xf32, #tpu.memory_space<vmem>> -> memref<1x32x32xf32, #tpu.memory_space<vmem>>
      %dma_wait3A_1732 = tpu.memref_squeeze %dma_wait3A_1731 : memref<1x32x32xf32, #tpu.memory_space<vmem>> -> memref<32x32xf32, #tpu.memory_space<vmem>>
      %dma_wait3A_1733 = arith.constant 0 : i32
      %dma_wait3A_1734 = arith.constant 0 : i32
      %dma_wait3A_1735 = tpu.memref_slice %arg3[%dma_wait3A_1728, %dma_wait3A_1733, %dma_wait3A_1734] : memref<16x1024x1024xf32, #tpu.memory_space<hbm>> -> memref<1x32x32xf32, #tpu.memory_space<hbm>>
      %dma_wait3A_1736 = tpu.memref_squeeze %dma_wait3A_1735 : memref<1x32x32xf32, #tpu.memory_space<hbm>> -> memref<32x32xf32, #tpu.memory_space<hbm>>
      %dma_wait3A_1737 = arith.constant 0 : i32
      %dma_wait3A_1738 = arith.constant 0 : i32
      %dma_wait3A_1739 = tpu.memref_slice %arg3[%dma_wait3A_1728, %dma_wait3A_1737, %dma_wait3A_1738] : memref<16x1024x1024xf32, #tpu.memory_space<hbm>> -> memref<1x32x32xf32, #tpu.memory_space<hbm>>
      %dma_wait3A_1740 = tpu.memref_squeeze %dma_wait3A_1739 : memref<1x32x32xf32, #tpu.memory_space<hbm>> -> memref<32x32xf32, #tpu.memory_space<hbm>>
      %dma_wait3A_1741 = arith.constant 0 : i32
      %dma_wait3A_1742 = arith.constant 0 : i32
      %dma_wait3A_1743 = tpu.memref_slice %arg5[%dma_wait3A_1727, %dma_wait3A_1741, %dma_wait3A_1742] : memref<63x32x32xf32, #tpu.memory_space<vmem>> -> memref<1x32x32xf32, #tpu.memory_space<vmem>>
      %dma_wait3A_1744 = tpu.memref_squeeze %dma_wait3A_1743 : memref<1x32x32xf32, #tpu.memory_space<vmem>> -> memref<32x32xf32, #tpu.memory_space<vmem>>
      tpu.wait_dma2 semaphore(%arg6 : memref<!tpu.dma_semaphore, #tpu.memory_space<semaphore_mem>>) src(%dma_wait3A_1744 : memref<32x32xf32, #tpu.memory_space<vmem>>) dst(%dma_wait3A_1740 : memref<32x32xf32, #tpu.memory_space<hbm>>)
      %dma_wait3A_1745 = arith.constant 0 : i32
      %dma_wait3A_1746 = arith.constant 0 : i32
      %dma_wait3A_1747 = arith.constant 0 : i32
      %dma_wait3A_1748 = arith.constant 0 : i32
      %dma_wait3A_1749 = tpu.memref_slice %arg5[%dma_wait3A_1745, %dma_wait3A_1747, %dma_wait3A_1748] : memref<63x32x32xf32, #tpu.memory_space<vmem>> -> memref<1x32x32xf32, #tpu.memory_space<vmem>>
      %dma_wait3A_1750 = tpu.memref_squeeze %dma_wait3A_1749 : memref<1x32x32xf32, #tpu.memory_space<vmem>> -> memref<32x32xf32, #tpu.memory_space<vmem>>
      %dma_wait3A_1751 = arith.constant 0 : i32
      %dma_wait3A_1752 = arith.constant 0 : i32
      %dma_wait3A_1753 = tpu.memref_slice %arg3[%dma_wait3A_1746, %dma_wait3A_1751, %dma_wait3A_1752] : memref<16x1024x1024xf32, #tpu.memory_space<hbm>> -> memref<1x32x32xf32, #tpu.memory_space<hbm>>
      %dma_wait3A_1754 = tpu.memref_squeeze %dma_wait3A_1753 : memref<1x32x32xf32, #tpu.memory_space<hbm>> -> memref<32x32xf32, #tpu.memory_space<hbm>>
      %dma_wait3A_1755 = arith.constant 0 : i32
      %dma_wait3A_1756 = arith.constant 0 : i32
      %dma_wait3A_1757 = tpu.memref_slice %arg3[%dma_wait3A_1746, %dma_wait3A_1755, %dma_wait3A_1756] : memref<16x1024x1024xf32, #tpu.memory_space<hbm>> -> memref<1x32x32xf32, #tpu.memory_space<hbm>>
      %dma_wait3A_1758 = tpu.memref_squeeze %dma_wait3A_1757 : memref<1x32x32xf32, #tpu.memory_space<hbm>> -> memref<32x32xf32, #tpu.memory_space<hbm>>
      %dma_wait3A_1759 = arith.constant 0 : i32
      %dma_wait3A_1760 = arith.constant 0 : i32
      %dma_wait3A_1761 = tpu.memref_slice %arg5[%dma_wait3A_1745, %dma_wait3A_1759, %dma_wait3A_1760] : memref<63x32x32xf32, #tpu.memory_space<vmem>> -> memref<1x32x32xf32, #tpu.memory_space<vmem>>
      %dma_wait3A_1762 = tpu.memref_squeeze %dma_wait3A_1761 : memref<1x32x32xf32, #tpu.memory_space<vmem>> -> memref<32x32xf32, #tpu.memory_space<vmem>>
      tpu.wait_dma2 semaphore(%arg6 : memref<!tpu.dma_semaphore, #tpu.memory_space<semaphore_mem>>) src(%dma_wait3A_1762 : memref<32x32xf32, #tpu.memory_space<vmem>>) dst(%dma_wait3A_1758 : memref<32x32xf32, #tpu.memory_space<hbm>>)
      %dma_wait3A_1763 = arith.constant 0 : i32
      %dma_wait3A_1764 = arith.constant 0 : i32
      %dma_wait3A_1765 = arith.constant 0 : i32
      %dma_wait3A_1766 = arith.constant 0 : i32
      %dma_wait3A_1767 = tpu.memref_slice %arg5[%dma_wait3A_1763, %dma_wait3A_1765, %dma_wait3A_1766] : memref<63x32x32xf32, #tpu.memory_space<vmem>> -> memref<1x32x32xf32, #tpu.memory_space<vmem>>
      %dma_wait3A_1768 = tpu.memref_squeeze %dma_wait3A_1767 : memref<1x32x32xf32, #tpu.memory_space<vmem>> -> memref<32x32xf32, #tpu.memory_space<vmem>>
      %dma_wait3A_1769 = arith.constant 0 : i32
      %dma_wait3A_1770 = arith.constant 0 : i32
      %dma_wait3A_1771 = tpu.memref_slice %arg3[%dma_wait3A_1764, %dma_wait3A_1769, %dma_wait3A_1770] : memref<16x1024x1024xf32, #tpu.memory_space<hbm>> -> memref<1x32x32xf32, #tpu.memory_space<hbm>>
      %dma_wait3A_1772 = tpu.memref_squeeze %dma_wait3A_1771 : memref<1x32x32xf32, #tpu.memory_space<hbm>> -> memref<32x32xf32, #tpu.memory_space<hbm>>
      %dma_wait3A_1773 = arith.constant 0 : i32
      %dma_wait3A_1774 = arith.constant 0 : i32
      %dma_wait3A_1775 = tpu.memref_slice %arg3[%dma_wait3A_1764, %dma_wait3A_1773, %dma_wait3A_1774] : memref<16x1024x1024xf32, #tpu.memory_space<hbm>> -> memref<1x32x32xf32, #tpu.memory_space<hbm>>
      %dma_wait3A_1776 = tpu.memref_squeeze %dma_wait3A_1775 : memref<1x32x32xf32, #tpu.memory_space<hbm>> -> memref<32x32xf32, #tpu.memory_space<hbm>>
      %dma_wait3A_1777 = arith.constant 0 : i32
      %dma_wait3A_1778 = arith.constant 0 : i32
      %dma_wait3A_1779 = tpu.memref_slice %arg5[%dma_wait3A_1763, %dma_wait3A_1777, %dma_wait3A_1778] : memref<63x32x32xf32, #tpu.memory_space<vmem>> -> memref<1x32x32xf32, #tpu.memory_space<vmem>>
      %dma_wait3A_1780 = tpu.memref_squeeze %dma_wait3A_1779 : memref<1x32x32xf32, #tpu.memory_space<vmem>> -> memref<32x32xf32, #tpu.memory_space<vmem>>
      tpu.wait_dma2 semaphore(%arg6 : memref<!tpu.dma_semaphore, #tpu.memory_space<semaphore_mem>>) src(%dma_wait3A_1780 : memref<32x32xf32, #tpu.memory_space<vmem>>) dst(%dma_wait3A_1776 : memref<32x32xf32, #tpu.memory_space<hbm>>)
      %dma_wait3A_1781 = arith.constant 0 : i32
      %dma_wait3A_1782 = arith.constant 0 : i32
      %dma_wait3A_1783 = arith.constant 0 : i32
      %dma_wait3A_1784 = arith.constant 0 : i32
      %dma_wait3A_1785 = tpu.memref_slice %arg5[%dma_wait3A_1781, %dma_wait3A_1783, %dma_wait3A_1784] : memref<63x32x32xf32, #tpu.memory_space<vmem>> -> memref<1x32x32xf32, #tpu.memory_space<vmem>>
      %dma_wait3A_1786 = tpu.memref_squeeze %dma_wait3A_1785 : memref<1x32x32xf32, #tpu.memory_space<vmem>> -> memref<32x32xf32, #tpu.memory_space<vmem>>
      %dma_wait3A_1787 = arith.constant 0 : i32
      %dma_wait3A_1788 = arith.constant 0 : i32
      %dma_wait3A_1789 = tpu.memref_slice %arg3[%dma_wait3A_1782, %dma_wait3A_1787, %dma_wait3A_1788] : memref<16x1024x1024xf32, #tpu.memory_space<hbm>> -> memref<1x32x32xf32, #tpu.memory_space<hbm>>
      %dma_wait3A_1790 = tpu.memref_squeeze %dma_wait3A_1789 : memref<1x32x32xf32, #tpu.memory_space<hbm>> -> memref<32x32xf32, #tpu.memory_space<hbm>>
      %dma_wait3A_1791 = arith.constant 0 : i32
      %dma_wait3A_1792 = arith.constant 0 : i32
      %dma_wait3A_1793 = tpu.memref_slice %arg3[%dma_wait3A_1782, %dma_wait3A_1791, %dma_wait3A_1792] : memref<16x1024x1024xf32, #tpu.memory_space<hbm>> -> memref<1x32x32xf32, #tpu.memory_space<hbm>>
      %dma_wait3A_1794 = tpu.memref_squeeze %dma_wait3A_1793 : memref<1x32x32xf32, #tpu.memory_space<hbm>> -> memref<32x32xf32, #tpu.memory_space<hbm>>
      %dma_wait3A_1795 = arith.constant 0 : i32
      %dma_wait3A_1796 = arith.constant 0 : i32
      %dma_wait3A_1797 = tpu.memref_slice %arg5[%dma_wait3A_1781, %dma_wait3A_1795, %dma_wait3A_1796] : memref<63x32x32xf32, #tpu.memory_space<vmem>> -> memref<1x32x32xf32, #tpu.memory_space<vmem>>
      %dma_wait3A_1798 = tpu.memref_squeeze %dma_wait3A_1797 : memref<1x32x32xf32, #tpu.memory_space<vmem>> -> memref<32x32xf32, #tpu.memory_space<vmem>>
      tpu.wait_dma2 semaphore(%arg6 : memref<!tpu.dma_semaphore, #tpu.memory_space<semaphore_mem>>) src(%dma_wait3A_1798 : memref<32x32xf32, #tpu.memory_space<vmem>>) dst(%dma_wait3A_1794 : memref<32x32xf32, #tpu.memory_space<hbm>>)
      %dma_wait3A_1799 = arith.constant 0 : i32
      %dma_wait3A_1800 = arith.constant 0 : i32
      %dma_wait3A_1801 = arith.constant 0 : i32
      %dma_wait3A_1802 = arith.constant 0 : i32
      %dma_wait3A_1803 = tpu.memref_slice %arg5[%dma_wait3A_1799, %dma_wait3A_1801, %dma_wait3A_1802] : memref<63x32x32xf32, #tpu.memory_space<vmem>> -> memref<1x32x32xf32, #tpu.memory_space<vmem>>
      %dma_wait3A_1804 = tpu.memref_squeeze %dma_wait3A_1803 : memref<1x32x32xf32, #tpu.memory_space<vmem>> -> memref<32x32xf32, #tpu.memory_space<vmem>>
      %dma_wait3A_1805 = arith.constant 0 : i32
      %dma_wait3A_1806 = arith.constant 0 : i32
      %dma_wait3A_1807 = tpu.memref_slice %arg3[%dma_wait3A_1800, %dma_wait3A_1805, %dma_wait3A_1806] : memref<16x1024x1024xf32, #tpu.memory_space<hbm>> -> memref<1x32x32xf32, #tpu.memory_space<hbm>>
      %dma_wait3A_1808 = tpu.memref_squeeze %dma_wait3A_1807 : memref<1x32x32xf32, #tpu.memory_space<hbm>> -> memref<32x32xf32, #tpu.memory_space<hbm>>
      %dma_wait3A_1809 = arith.constant 0 : i32
      %dma_wait3A_1810 = arith.constant 0 : i32
      %dma_wait3A_1811 = tpu.memref_slice %arg3[%dma_wait3A_1800, %dma_wait3A_1809, %dma_wait3A_1810] : memref<16x1024x1024xf32, #tpu.memory_space<hbm>> -> memref<1x32x32xf32, #tpu.memory_space<hbm>>
      %dma_wait3A_1812 = tpu.memref_squeeze %dma_wait3A_1811 : memref<1x32x32xf32, #tpu.memory_space<hbm>> -> memref<32x32xf32, #tpu.memory_space<hbm>>
      %dma_wait3A_1813 = arith.constant 0 : i32
      %dma_wait3A_1814 = arith.constant 0 : i32
      %dma_wait3A_1815 = tpu.memref_slice %arg5[%dma_wait3A_1799, %dma_wait3A_1813, %dma_wait3A_1814] : memref<63x32x32xf32, #tpu.memory_space<vmem>> -> memref<1x32x32xf32, #tpu.memory_space<vmem>>
      %dma_wait3A_1816 = tpu.memref_squeeze %dma_wait3A_1815 : memref<1x32x32xf32, #tpu.memory_space<vmem>> -> memref<32x32xf32, #tpu.memory_space<vmem>>
      tpu.wait_dma2 semaphore(%arg6 : memref<!tpu.dma_semaphore, #tpu.memory_space<semaphore_mem>>) src(%dma_wait3A_1816 : memref<32x32xf32, #tpu.memory_space<vmem>>) dst(%dma_wait3A_1812 : memref<32x32xf32, #tpu.memory_space<hbm>>)
      %dma_wait3A_1817 = arith.constant 0 : i32
      %dma_wait3A_1818 = arith.constant 0 : i32
      %dma_wait3A_1819 = arith.constant 0 : i32
      %dma_wait3A_1820 = arith.constant 0 : i32
      %dma_wait3A_1821 = tpu.memref_slice %arg5[%dma_wait3A_1817, %dma_wait3A_1819, %dma_wait3A_1820] : memref<63x32x32xf32, #tpu.memory_space<vmem>> -> memref<1x32x32xf32, #tpu.memory_space<vmem>>
      %dma_wait3A_1822 = tpu.memref_squeeze %dma_wait3A_1821 : memref<1x32x32xf32, #tpu.memory_space<vmem>> -> memref<32x32xf32, #tpu.memory_space<vmem>>
      %dma_wait3A_1823 = arith.constant 0 : i32
      %dma_wait3A_1824 = arith.constant 0 : i32
      %dma_wait3A_1825 = tpu.memref_slice %arg3[%dma_wait3A_1818, %dma_wait3A_1823, %dma_wait3A_1824] : memref<16x1024x1024xf32, #tpu.memory_space<hbm>> -> memref<1x32x32xf32, #tpu.memory_space<hbm>>
      %dma_wait3A_1826 = tpu.memref_squeeze %dma_wait3A_1825 : memref<1x32x32xf32, #tpu.memory_space<hbm>> -> memref<32x32xf32, #tpu.memory_space<hbm>>
      %dma_wait3A_1827 = arith.constant 0 : i32
      %dma_wait3A_1828 = arith.constant 0 : i32
      %dma_wait3A_1829 = tpu.memref_slice %arg3[%dma_wait3A_1818, %dma_wait3A_1827, %dma_wait3A_1828] : memref<16x1024x1024xf32, #tpu.memory_space<hbm>> -> memref<1x32x32xf32, #tpu.memory_space<hbm>>
      %dma_wait3A_1830 = tpu.memref_squeeze %dma_wait3A_1829 : memref<1x32x32xf32, #tpu.memory_space<hbm>> -> memref<32x32xf32, #tpu.memory_space<hbm>>
      %dma_wait3A_1831 = arith.constant 0 : i32
      %dma_wait3A_1832 = arith.constant 0 : i32
      %dma_wait3A_1833 = tpu.memref_slice %arg5[%dma_wait3A_1817, %dma_wait3A_1831, %dma_wait3A_1832] : memref<63x32x32xf32, #tpu.memory_space<vmem>> -> memref<1x32x32xf32, #tpu.memory_space<vmem>>
      %dma_wait3A_1834 = tpu.memref_squeeze %dma_wait3A_1833 : memref<1x32x32xf32, #tpu.memory_space<vmem>> -> memref<32x32xf32, #tpu.memory_space<vmem>>
      tpu.wait_dma2 semaphore(%arg6 : memref<!tpu.dma_semaphore, #tpu.memory_space<semaphore_mem>>) src(%dma_wait3A_1834 : memref<32x32xf32, #tpu.memory_space<vmem>>) dst(%dma_wait3A_1830 : memref<32x32xf32, #tpu.memory_space<hbm>>)
      %dma_wait3A_1835 = arith.constant 0 : i32
      %dma_wait3A_1836 = arith.constant 0 : i32
      %dma_wait3A_1837 = arith.constant 0 : i32
      %dma_wait3A_1838 = arith.constant 0 : i32
      %dma_wait3A_1839 = tpu.memref_slice %arg5[%dma_wait3A_1835, %dma_wait3A_1837, %dma_wait3A_1838] : memref<63x32x32xf32, #tpu.memory_space<vmem>> -> memref<1x32x32xf32, #tpu.memory_space<vmem>>
      %dma_wait3A_1840 = tpu.memref_squeeze %dma_wait3A_1839 : memref<1x32x32xf32, #tpu.memory_space<vmem>> -> memref<32x32xf32, #tpu.memory_space<vmem>>
      %dma_wait3A_1841 = arith.constant 0 : i32
      %dma_wait3A_1842 = arith.constant 0 : i32
      %dma_wait3A_1843 = tpu.memref_slice %arg3[%dma_wait3A_1836, %dma_wait3A_1841, %dma_wait3A_1842] : memref<16x1024x1024xf32, #tpu.memory_space<hbm>> -> memref<1x32x32xf32, #tpu.memory_space<hbm>>
      %dma_wait3A_1844 = tpu.memref_squeeze %dma_wait3A_1843 : memref<1x32x32xf32, #tpu.memory_space<hbm>> -> memref<32x32xf32, #tpu.memory_space<hbm>>
      %dma_wait3A_1845 = arith.constant 0 : i32
      %dma_wait3A_1846 = arith.constant 0 : i32
      %dma_wait3A_1847 = tpu.memref_slice %arg3[%dma_wait3A_1836, %dma_wait3A_1845, %dma_wait3A_1846] : memref<16x1024x1024xf32, #tpu.memory_space<hbm>> -> memref<1x32x32xf32, #tpu.memory_space<hbm>>
      %dma_wait3A_1848 = tpu.memref_squeeze %dma_wait3A_1847 : memref<1x32x32xf32, #tpu.memory_space<hbm>> -> memref<32x32xf32, #tpu.memory_space<hbm>>
      %dma_wait3A_1849 = arith.constant 0 : i32
      %dma_wait3A_1850 = arith.constant 0 : i32
      %dma_wait3A_1851 = tpu.memref_slice %arg5[%dma_wait3A_1835, %dma_wait3A_1849, %dma_wait3A_1850] : memref<63x32x32xf32, #tpu.memory_space<vmem>> -> memref<1x32x32xf32, #tpu.memory_space<vmem>>
      %dma_wait3A_1852 = tpu.memref_squeeze %dma_wait3A_1851 : memref<1x32x32xf32, #tpu.memory_space<vmem>> -> memref<32x32xf32, #tpu.memory_space<vmem>>
      tpu.wait_dma2 semaphore(%arg6 : memref<!tpu.dma_semaphore, #tpu.memory_space<semaphore_mem>>) src(%dma_wait3A_1852 : memref<32x32xf32, #tpu.memory_space<vmem>>) dst(%dma_wait3A_1848 : memref<32x32xf32, #tpu.memory_space<hbm>>)
      %dma_wait3A_1853 = arith.constant 0 : i32
      %dma_wait3A_1854 = arith.constant 0 : i32
      %dma_wait3A_1855 = arith.constant 0 : i32
      %dma_wait3A_1856 = arith.constant 0 : i32
      %dma_wait3A_1857 = tpu.memref_slice %arg5[%dma_wait3A_1853, %dma_wait3A_1855, %dma_wait3A_1856] : memref<63x32x32xf32, #tpu.memory_space<vmem>> -> memref<1x32x32xf32, #tpu.memory_space<vmem>>
      %dma_wait3A_1858 = tpu.memref_squeeze %dma_wait3A_1857 : memref<1x32x32xf32, #tpu.memory_space<vmem>> -> memref<32x32xf32, #tpu.memory_space<vmem>>
      %dma_wait3A_1859 = arith.constant 0 : i32
      %dma_wait3A_1860 = arith.constant 0 : i32
      %dma_wait3A_1861 = tpu.memref_slice %arg3[%dma_wait3A_1854, %dma_wait3A_1859, %dma_wait3A_1860] : memref<16x1024x1024xf32, #tpu.memory_space<hbm>> -> memref<1x32x32xf32, #tpu.memory_space<hbm>>
      %dma_wait3A_1862 = tpu.memref_squeeze %dma_wait3A_1861 : memref<1x32x32xf32, #tpu.memory_space<hbm>> -> memref<32x32xf32, #tpu.memory_space<hbm>>
      %dma_wait3A_1863 = arith.constant 0 : i32
      %dma_wait3A_1864 = arith.constant 0 : i32
      %dma_wait3A_1865 = tpu.memref_slice %arg3[%dma_wait3A_1854, %dma_wait3A_1863, %dma_wait3A_1864] : memref<16x1024x1024xf32, #tpu.memory_space<hbm>> -> memref<1x32x32xf32, #tpu.memory_space<hbm>>
      %dma_wait3A_1866 = tpu.memref_squeeze %dma_wait3A_1865 : memref<1x32x32xf32, #tpu.memory_space<hbm>> -> memref<32x32xf32, #tpu.memory_space<hbm>>
      %dma_wait3A_1867 = arith.constant 0 : i32
      %dma_wait3A_1868 = arith.constant 0 : i32
      %dma_wait3A_1869 = tpu.memref_slice %arg5[%dma_wait3A_1853, %dma_wait3A_1867, %dma_wait3A_1868] : memref<63x32x32xf32, #tpu.memory_space<vmem>> -> memref<1x32x32xf32, #tpu.memory_space<vmem>>
      %dma_wait3A_1870 = tpu.memref_squeeze %dma_wait3A_1869 : memref<1x32x32xf32, #tpu.memory_space<vmem>> -> memref<32x32xf32, #tpu.memory_space<vmem>>
      tpu.wait_dma2 semaphore(%arg6 : memref<!tpu.dma_semaphore, #tpu.memory_space<semaphore_mem>>) src(%dma_wait3A_1870 : memref<32x32xf32, #tpu.memory_space<vmem>>) dst(%dma_wait3A_1866 : memref<32x32xf32, #tpu.memory_space<hbm>>)
      %dma_wait3A_1871 = arith.constant 0 : i32
      %dma_wait3A_1872 = arith.constant 0 : i32
      %dma_wait3A_1873 = arith.constant 0 : i32
      %dma_wait3A_1874 = arith.constant 0 : i32
      %dma_wait3A_1875 = tpu.memref_slice %arg5[%dma_wait3A_1871, %dma_wait3A_1873, %dma_wait3A_1874] : memref<63x32x32xf32, #tpu.memory_space<vmem>> -> memref<1x32x32xf32, #tpu.memory_space<vmem>>
      %dma_wait3A_1876 = tpu.memref_squeeze %dma_wait3A_1875 : memref<1x32x32xf32, #tpu.memory_space<vmem>> -> memref<32x32xf32, #tpu.memory_space<vmem>>
      %dma_wait3A_1877 = arith.constant 0 : i32
      %dma_wait3A_1878 = arith.constant 0 : i32
      %dma_wait3A_1879 = tpu.memref_slice %arg3[%dma_wait3A_1872, %dma_wait3A_1877, %dma_wait3A_1878] : memref<16x1024x1024xf32, #tpu.memory_space<hbm>> -> memref<1x32x32xf32, #tpu.memory_space<hbm>>
      %dma_wait3A_1880 = tpu.memref_squeeze %dma_wait3A_1879 : memref<1x32x32xf32, #tpu.memory_space<hbm>> -> memref<32x32xf32, #tpu.memory_space<hbm>>
      %dma_wait3A_1881 = arith.constant 0 : i32
      %dma_wait3A_1882 = arith.constant 0 : i32
      %dma_wait3A_1883 = tpu.memref_slice %arg3[%dma_wait3A_1872, %dma_wait3A_1881, %dma_wait3A_1882] : memref<16x1024x1024xf32, #tpu.memory_space<hbm>> -> memref<1x32x32xf32, #tpu.memory_space<hbm>>
      %dma_wait3A_1884 = tpu.memref_squeeze %dma_wait3A_1883 : memref<1x32x32xf32, #tpu.memory_space<hbm>> -> memref<32x32xf32, #tpu.memory_space<hbm>>
      %dma_wait3A_1885 = arith.constant 0 : i32
      %dma_wait3A_1886 = arith.constant 0 : i32
      %dma_wait3A_1887 = tpu.memref_slice %arg5[%dma_wait3A_1871, %dma_wait3A_1885, %dma_wait3A_1886] : memref<63x32x32xf32, #tpu.memory_space<vmem>> -> memref<1x32x32xf32, #tpu.memory_space<vmem>>
      %dma_wait3A_1888 = tpu.memref_squeeze %dma_wait3A_1887 : memref<1x32x32xf32, #tpu.memory_space<vmem>> -> memref<32x32xf32, #tpu.memory_space<vmem>>
      tpu.wait_dma2 semaphore(%arg6 : memref<!tpu.dma_semaphore, #tpu.memory_space<semaphore_mem>>) src(%dma_wait3A_1888 : memref<32x32xf32, #tpu.memory_space<vmem>>) dst(%dma_wait3A_1884 : memref<32x32xf32, #tpu.memory_space<hbm>>)
      %dma_wait3A_1889 = arith.constant 0 : i32
      %dma_wait3A_1890 = arith.constant 0 : i32
      %dma_wait3A_1891 = arith.constant 0 : i32
      %dma_wait3A_1892 = arith.constant 0 : i32
      %dma_wait3A_1893 = tpu.memref_slice %arg5[%dma_wait3A_1889, %dma_wait3A_1891, %dma_wait3A_1892] : memref<63x32x32xf32, #tpu.memory_space<vmem>> -> memref<1x32x32xf32, #tpu.memory_space<vmem>>
      %dma_wait3A_1894 = tpu.memref_squeeze %dma_wait3A_1893 : memref<1x32x32xf32, #tpu.memory_space<vmem>> -> memref<32x32xf32, #tpu.memory_space<vmem>>
      %dma_wait3A_1895 = arith.constant 0 : i32
      %dma_wait3A_1896 = arith.constant 0 : i32
      %dma_wait3A_1897 = tpu.memref_slice %arg3[%dma_wait3A_1890, %dma_wait3A_1895, %dma_wait3A_1896] : memref<16x1024x1024xf32, #tpu.memory_space<hbm>> -> memref<1x32x32xf32, #tpu.memory_space<hbm>>
      %dma_wait3A_1898 = tpu.memref_squeeze %dma_wait3A_1897 : memref<1x32x32xf32, #tpu.memory_space<hbm>> -> memref<32x32xf32, #tpu.memory_space<hbm>>
      %dma_wait3A_1899 = arith.constant 0 : i32
      %dma_wait3A_1900 = arith.constant 0 : i32
      %dma_wait3A_1901 = tpu.memref_slice %arg3[%dma_wait3A_1890, %dma_wait3A_1899, %dma_wait3A_1900] : memref<16x1024x1024xf32, #tpu.memory_space<hbm>> -> memref<1x32x32xf32, #tpu.memory_space<hbm>>
      %dma_wait3A_1902 = tpu.memref_squeeze %dma_wait3A_1901 : memref<1x32x32xf32, #tpu.memory_space<hbm>> -> memref<32x32xf32, #tpu.memory_space<hbm>>
      %dma_wait3A_1903 = arith.constant 0 : i32
      %dma_wait3A_1904 = arith.constant 0 : i32
      %dma_wait3A_1905 = tpu.memref_slice %arg5[%dma_wait3A_1889, %dma_wait3A_1903, %dma_wait3A_1904] : memref<63x32x32xf32, #tpu.memory_space<vmem>> -> memref<1x32x32xf32, #tpu.memory_space<vmem>>
      %dma_wait3A_1906 = tpu.memref_squeeze %dma_wait3A_1905 : memref<1x32x32xf32, #tpu.memory_space<vmem>> -> memref<32x32xf32, #tpu.memory_space<vmem>>
      tpu.wait_dma2 semaphore(%arg6 : memref<!tpu.dma_semaphore, #tpu.memory_space<semaphore_mem>>) src(%dma_wait3A_1906 : memref<32x32xf32, #tpu.memory_space<vmem>>) dst(%dma_wait3A_1902 : memref<32x32xf32, #tpu.memory_space<hbm>>)
      %dma_wait3A_1907 = arith.constant 0 : i32
      %dma_wait3A_1908 = arith.constant 0 : i32
      %dma_wait3A_1909 = arith.constant 0 : i32
      %dma_wait3A_1910 = arith.constant 0 : i32
      %dma_wait3A_1911 = tpu.memref_slice %arg5[%dma_wait3A_1907, %dma_wait3A_1909, %dma_wait3A_1910] : memref<63x32x32xf32, #tpu.memory_space<vmem>> -> memref<1x32x32xf32, #tpu.memory_space<vmem>>
      %dma_wait3A_1912 = tpu.memref_squeeze %dma_wait3A_1911 : memref<1x32x32xf32, #tpu.memory_space<vmem>> -> memref<32x32xf32, #tpu.memory_space<vmem>>
      %dma_wait3A_1913 = arith.constant 0 : i32
      %dma_wait3A_1914 = arith.constant 0 : i32
      %dma_wait3A_1915 = tpu.memref_slice %arg3[%dma_wait3A_1908, %dma_wait3A_1913, %dma_wait3A_1914] : memref<16x1024x1024xf32, #tpu.memory_space<hbm>> -> memref<1x32x32xf32, #tpu.memory_space<hbm>>
      %dma_wait3A_1916 = tpu.memref_squeeze %dma_wait3A_1915 : memref<1x32x32xf32, #tpu.memory_space<hbm>> -> memref<32x32xf32, #tpu.memory_space<hbm>>
      %dma_wait3A_1917 = arith.constant 0 : i32
      %dma_wait3A_1918 = arith.constant 0 : i32
      %dma_wait3A_1919 = tpu.memref_slice %arg3[%dma_wait3A_1908, %dma_wait3A_1917, %dma_wait3A_1918] : memref<16x1024x1024xf32, #tpu.memory_space<hbm>> -> memref<1x32x32xf32, #tpu.memory_space<hbm>>
      %dma_wait3A_1920 = tpu.memref_squeeze %dma_wait3A_1919 : memref<1x32x32xf32, #tpu.memory_space<hbm>> -> memref<32x32xf32, #tpu.memory_space<hbm>>
      %dma_wait3A_1921 = arith.constant 0 : i32
      %dma_wait3A_1922 = arith.constant 0 : i32
      %dma_wait3A_1923 = tpu.memref_slice %arg5[%dma_wait3A_1907, %dma_wait3A_1921, %dma_wait3A_1922] : memref<63x32x32xf32, #tpu.memory_space<vmem>> -> memref<1x32x32xf32, #tpu.memory_space<vmem>>
      %dma_wait3A_1924 = tpu.memref_squeeze %dma_wait3A_1923 : memref<1x32x32xf32, #tpu.memory_space<vmem>> -> memref<32x32xf32, #tpu.memory_space<vmem>>
      tpu.wait_dma2 semaphore(%arg6 : memref<!tpu.dma_semaphore, #tpu.memory_space<semaphore_mem>>) src(%dma_wait3A_1924 : memref<32x32xf32, #tpu.memory_space<vmem>>) dst(%dma_wait3A_1920 : memref<32x32xf32, #tpu.memory_space<hbm>>)
      %dma_wait3A_1925 = arith.constant 0 : i32
      %dma_wait3A_1926 = arith.constant 0 : i32
      %dma_wait3A_1927 = arith.constant 0 : i32
      %dma_wait3A_1928 = arith.constant 0 : i32
      %dma_wait3A_1929 = tpu.memref_slice %arg5[%dma_wait3A_1925, %dma_wait3A_1927, %dma_wait3A_1928] : memref<63x32x32xf32, #tpu.memory_space<vmem>> -> memref<1x32x32xf32, #tpu.memory_space<vmem>>
      %dma_wait3A_1930 = tpu.memref_squeeze %dma_wait3A_1929 : memref<1x32x32xf32, #tpu.memory_space<vmem>> -> memref<32x32xf32, #tpu.memory_space<vmem>>
      %dma_wait3A_1931 = arith.constant 0 : i32
      %dma_wait3A_1932 = arith.constant 0 : i32
      %dma_wait3A_1933 = tpu.memref_slice %arg3[%dma_wait3A_1926, %dma_wait3A_1931, %dma_wait3A_1932] : memref<16x1024x1024xf32, #tpu.memory_space<hbm>> -> memref<1x32x32xf32, #tpu.memory_space<hbm>>
      %dma_wait3A_1934 = tpu.memref_squeeze %dma_wait3A_1933 : memref<1x32x32xf32, #tpu.memory_space<hbm>> -> memref<32x32xf32, #tpu.memory_space<hbm>>
      %dma_wait3A_1935 = arith.constant 0 : i32
      %dma_wait3A_1936 = arith.constant 0 : i32
      %dma_wait3A_1937 = tpu.memref_slice %arg3[%dma_wait3A_1926, %dma_wait3A_1935, %dma_wait3A_1936] : memref<16x1024x1024xf32, #tpu.memory_space<hbm>> -> memref<1x32x32xf32, #tpu.memory_space<hbm>>
      %dma_wait3A_1938 = tpu.memref_squeeze %dma_wait3A_1937 : memref<1x32x32xf32, #tpu.memory_space<hbm>> -> memref<32x32xf32, #tpu.memory_space<hbm>>
      %dma_wait3A_1939 = arith.constant 0 : i32
      %dma_wait3A_1940 = arith.constant 0 : i32
      %dma_wait3A_1941 = tpu.memref_slice %arg5[%dma_wait3A_1925, %dma_wait3A_1939, %dma_wait3A_1940] : memref<63x32x32xf32, #tpu.memory_space<vmem>> -> memref<1x32x32xf32, #tpu.memory_space<vmem>>
      %dma_wait3A_1942 = tpu.memref_squeeze %dma_wait3A_1941 : memref<1x32x32xf32, #tpu.memory_space<vmem>> -> memref<32x32xf32, #tpu.memory_space<vmem>>
      tpu.wait_dma2 semaphore(%arg6 : memref<!tpu.dma_semaphore, #tpu.memory_space<semaphore_mem>>) src(%dma_wait3A_1942 : memref<32x32xf32, #tpu.memory_space<vmem>>) dst(%dma_wait3A_1938 : memref<32x32xf32, #tpu.memory_space<hbm>>)
      %dma_wait3A_1943 = arith.constant 0 : i32
      %dma_wait3A_1944 = arith.constant 0 : i32
      %dma_wait3A_1945 = arith.constant 0 : i32
      %dma_wait3A_1946 = arith.constant 0 : i32
      %dma_wait3A_1947 = tpu.memref_slice %arg5[%dma_wait3A_1943, %dma_wait3A_1945, %dma_wait3A_1946] : memref<63x32x32xf32, #tpu.memory_space<vmem>> -> memref<1x32x32xf32, #tpu.memory_space<vmem>>
      %dma_wait3A_1948 = tpu.memref_squeeze %dma_wait3A_1947 : memref<1x32x32xf32, #tpu.memory_space<vmem>> -> memref<32x32xf32, #tpu.memory_space<vmem>>
      %dma_wait3A_1949 = arith.constant 0 : i32
      %dma_wait3A_1950 = arith.constant 0 : i32
      %dma_wait3A_1951 = tpu.memref_slice %arg3[%dma_wait3A_1944, %dma_wait3A_1949, %dma_wait3A_1950] : memref<16x1024x1024xf32, #tpu.memory_space<hbm>> -> memref<1x32x32xf32, #tpu.memory_space<hbm>>
      %dma_wait3A_1952 = tpu.memref_squeeze %dma_wait3A_1951 : memref<1x32x32xf32, #tpu.memory_space<hbm>> -> memref<32x32xf32, #tpu.memory_space<hbm>>
      %dma_wait3A_1953 = arith.constant 0 : i32
      %dma_wait3A_1954 = arith.constant 0 : i32
      %dma_wait3A_1955 = tpu.memref_slice %arg3[%dma_wait3A_1944, %dma_wait3A_1953, %dma_wait3A_1954] : memref<16x1024x1024xf32, #tpu.memory_space<hbm>> -> memref<1x32x32xf32, #tpu.memory_space<hbm>>
      %dma_wait3A_1956 = tpu.memref_squeeze %dma_wait3A_1955 : memref<1x32x32xf32, #tpu.memory_space<hbm>> -> memref<32x32xf32, #tpu.memory_space<hbm>>
      %dma_wait3A_1957 = arith.constant 0 : i32
      %dma_wait3A_1958 = arith.constant 0 : i32
      %dma_wait3A_1959 = tpu.memref_slice %arg5[%dma_wait3A_1943, %dma_wait3A_1957, %dma_wait3A_1958] : memref<63x32x32xf32, #tpu.memory_space<vmem>> -> memref<1x32x32xf32, #tpu.memory_space<vmem>>
      %dma_wait3A_1960 = tpu.memref_squeeze %dma_wait3A_1959 : memref<1x32x32xf32, #tpu.memory_space<vmem>> -> memref<32x32xf32, #tpu.memory_space<vmem>>
      tpu.wait_dma2 semaphore(%arg6 : memref<!tpu.dma_semaphore, #tpu.memory_space<semaphore_mem>>) src(%dma_wait3A_1960 : memref<32x32xf32, #tpu.memory_space<vmem>>) dst(%dma_wait3A_1956 : memref<32x32xf32, #tpu.memory_space<hbm>>)
      %dma_wait3A_1961 = arith.constant 0 : i32
      %dma_wait3A_1962 = arith.constant 0 : i32
      %dma_wait3A_1963 = arith.constant 0 : i32
      %dma_wait3A_1964 = arith.constant 0 : i32
      %dma_wait3A_1965 = tpu.memref_slice %arg5[%dma_wait3A_1961, %dma_wait3A_1963, %dma_wait3A_1964] : memref<63x32x32xf32, #tpu.memory_space<vmem>> -> memref<1x32x32xf32, #tpu.memory_space<vmem>>
      %dma_wait3A_1966 = tpu.memref_squeeze %dma_wait3A_1965 : memref<1x32x32xf32, #tpu.memory_space<vmem>> -> memref<32x32xf32, #tpu.memory_space<vmem>>
      %dma_wait3A_1967 = arith.constant 0 : i32
      %dma_wait3A_1968 = arith.constant 0 : i32
      %dma_wait3A_1969 = tpu.memref_slice %arg3[%dma_wait3A_1962, %dma_wait3A_1967, %dma_wait3A_1968] : memref<16x1024x1024xf32, #tpu.memory_space<hbm>> -> memref<1x32x32xf32, #tpu.memory_space<hbm>>
      %dma_wait3A_1970 = tpu.memref_squeeze %dma_wait3A_1969 : memref<1x32x32xf32, #tpu.memory_space<hbm>> -> memref<32x32xf32, #tpu.memory_space<hbm>>
      %dma_wait3A_1971 = arith.constant 0 : i32
      %dma_wait3A_1972 = arith.constant 0 : i32
      %dma_wait3A_1973 = tpu.memref_slice %arg3[%dma_wait3A_1962, %dma_wait3A_1971, %dma_wait3A_1972] : memref<16x1024x1024xf32, #tpu.memory_space<hbm>> -> memref<1x32x32xf32, #tpu.memory_space<hbm>>
      %dma_wait3A_1974 = tpu.memref_squeeze %dma_wait3A_1973 : memref<1x32x32xf32, #tpu.memory_space<hbm>> -> memref<32x32xf32, #tpu.memory_space<hbm>>
      %dma_wait3A_1975 = arith.constant 0 : i32
      %dma_wait3A_1976 = arith.constant 0 : i32
      %dma_wait3A_1977 = tpu.memref_slice %arg5[%dma_wait3A_1961, %dma_wait3A_1975, %dma_wait3A_1976] : memref<63x32x32xf32, #tpu.memory_space<vmem>> -> memref<1x32x32xf32, #tpu.memory_space<vmem>>
      %dma_wait3A_1978 = tpu.memref_squeeze %dma_wait3A_1977 : memref<1x32x32xf32, #tpu.memory_space<vmem>> -> memref<32x32xf32, #tpu.memory_space<vmem>>
      tpu.wait_dma2 semaphore(%arg6 : memref<!tpu.dma_semaphore, #tpu.memory_space<semaphore_mem>>) src(%dma_wait3A_1978 : memref<32x32xf32, #tpu.memory_space<vmem>>) dst(%dma_wait3A_1974 : memref<32x32xf32, #tpu.memory_space<hbm>>)
      %dma_wait3A_1979 = arith.constant 0 : i32
      %dma_wait3A_1980 = arith.constant 0 : i32
      %dma_wait3A_1981 = arith.constant 0 : i32
      %dma_wait3A_1982 = arith.constant 0 : i32
      %dma_wait3A_1983 = tpu.memref_slice %arg5[%dma_wait3A_1979, %dma_wait3A_1981, %dma_wait3A_1982] : memref<63x32x32xf32, #tpu.memory_space<vmem>> -> memref<1x32x32xf32, #tpu.memory_space<vmem>>
      %dma_wait3A_1984 = tpu.memref_squeeze %dma_wait3A_1983 : memref<1x32x32xf32, #tpu.memory_space<vmem>> -> memref<32x32xf32, #tpu.memory_space<vmem>>
      %dma_wait3A_1985 = arith.constant 0 : i32
      %dma_wait3A_1986 = arith.constant 0 : i32
      %dma_wait3A_1987 = tpu.memref_slice %arg3[%dma_wait3A_1980, %dma_wait3A_1985, %dma_wait3A_1986] : memref<16x1024x1024xf32, #tpu.memory_space<hbm>> -> memref<1x32x32xf32, #tpu.memory_space<hbm>>
      %dma_wait3A_1988 = tpu.memref_squeeze %dma_wait3A_1987 : memref<1x32x32xf32, #tpu.memory_space<hbm>> -> memref<32x32xf32, #tpu.memory_space<hbm>>
      %dma_wait3A_1989 = arith.constant 0 : i32
      %dma_wait3A_1990 = arith.constant 0 : i32
      %dma_wait3A_1991 = tpu.memref_slice %arg3[%dma_wait3A_1980, %dma_wait3A_1989, %dma_wait3A_1990] : memref<16x1024x1024xf32, #tpu.memory_space<hbm>> -> memref<1x32x32xf32, #tpu.memory_space<hbm>>
      %dma_wait3A_1992 = tpu.memref_squeeze %dma_wait3A_1991 : memref<1x32x32xf32, #tpu.memory_space<hbm>> -> memref<32x32xf32, #tpu.memory_space<hbm>>
      %dma_wait3A_1993 = arith.constant 0 : i32
      %dma_wait3A_1994 = arith.constant 0 : i32
      %dma_wait3A_1995 = tpu.memref_slice %arg5[%dma_wait3A_1979, %dma_wait3A_1993, %dma_wait3A_1994] : memref<63x32x32xf32, #tpu.memory_space<vmem>> -> memref<1x32x32xf32, #tpu.memory_space<vmem>>
      %dma_wait3A_1996 = tpu.memref_squeeze %dma_wait3A_1995 : memref<1x32x32xf32, #tpu.memory_space<vmem>> -> memref<32x32xf32, #tpu.memory_space<vmem>>
      tpu.wait_dma2 semaphore(%arg6 : memref<!tpu.dma_semaphore, #tpu.memory_space<semaphore_mem>>) src(%dma_wait3A_1996 : memref<32x32xf32, #tpu.memory_space<vmem>>) dst(%dma_wait3A_1992 : memref<32x32xf32, #tpu.memory_space<hbm>>)
      %dma_wait3A_1997 = arith.constant 0 : i32
      %dma_wait3A_1998 = arith.constant 0 : i32
      %dma_wait3A_1999 = arith.constant 0 : i32
      %dma_wait3A_2000 = arith.constant 0 : i32
      %dma_wait3A_2001 = tpu.memref_slice %arg5[%dma_wait3A_1997, %dma_wait3A_1999, %dma_wait3A_2000] : memref<63x32x32xf32, #tpu.memory_space<vmem>> -> memref<1x32x32xf32, #tpu.memory_space<vmem>>
      %dma_wait3A_2002 = tpu.memref_squeeze %dma_wait3A_2001 : memref<1x32x32xf32, #tpu.memory_space<vmem>> -> memref<32x32xf32, #tpu.memory_space<vmem>>
      %dma_wait3A_2003 = arith.constant 0 : i32
      %dma_wait3A_2004 = arith.constant 0 : i32
      %dma_wait3A_2005 = tpu.memref_slice %arg3[%dma_wait3A_1998, %dma_wait3A_2003, %dma_wait3A_2004] : memref<16x1024x1024xf32, #tpu.memory_space<hbm>> -> memref<1x32x32xf32, #tpu.memory_space<hbm>>
      %dma_wait3A_2006 = tpu.memref_squeeze %dma_wait3A_2005 : memref<1x32x32xf32, #tpu.memory_space<hbm>> -> memref<32x32xf32, #tpu.memory_space<hbm>>
      %dma_wait3A_2007 = arith.constant 0 : i32
      %dma_wait3A_2008 = arith.constant 0 : i32
      %dma_wait3A_2009 = tpu.memref_slice %arg3[%dma_wait3A_1998, %dma_wait3A_2007, %dma_wait3A_2008] : memref<16x1024x1024xf32, #tpu.memory_space<hbm>> -> memref<1x32x32xf32, #tpu.memory_space<hbm>>
      %dma_wait3A_2010 = tpu.memref_squeeze %dma_wait3A_2009 : memref<1x32x32xf32, #tpu.memory_space<hbm>> -> memref<32x32xf32, #tpu.memory_space<hbm>>
      %dma_wait3A_2011 = arith.constant 0 : i32
      %dma_wait3A_2012 = arith.constant 0 : i32
      %dma_wait3A_2013 = tpu.memref_slice %arg5[%dma_wait3A_1997, %dma_wait3A_2011, %dma_wait3A_2012] : memref<63x32x32xf32, #tpu.memory_space<vmem>> -> memref<1x32x32xf32, #tpu.memory_space<vmem>>
      %dma_wait3A_2014 = tpu.memref_squeeze %dma_wait3A_2013 : memref<1x32x32xf32, #tpu.memory_space<vmem>> -> memref<32x32xf32, #tpu.memory_space<vmem>>
      tpu.wait_dma2 semaphore(%arg6 : memref<!tpu.dma_semaphore, #tpu.memory_space<semaphore_mem>>) src(%dma_wait3A_2014 : memref<32x32xf32, #tpu.memory_space<vmem>>) dst(%dma_wait3A_2010 : memref<32x32xf32, #tpu.memory_space<hbm>>)
      %dma_wait3A_2015 = arith.constant 0 : i32
      %dma_wait3A_2016 = arith.constant 0 : i32
      %dma_wait3A_2017 = arith.constant 0 : i32
      %dma_wait3A_2018 = arith.constant 0 : i32
      %dma_wait3A_2019 = tpu.memref_slice %arg5[%dma_wait3A_2015, %dma_wait3A_2017, %dma_wait3A_2018] : memref<63x32x32xf32, #tpu.memory_space<vmem>> -> memref<1x32x32xf32, #tpu.memory_space<vmem>>
      %dma_wait3A_2020 = tpu.memref_squeeze %dma_wait3A_2019 : memref<1x32x32xf32, #tpu.memory_space<vmem>> -> memref<32x32xf32, #tpu.memory_space<vmem>>
      %dma_wait3A_2021 = arith.constant 0 : i32
      %dma_wait3A_2022 = arith.constant 0 : i32
      %dma_wait3A_2023 = tpu.memref_slice %arg3[%dma_wait3A_2016, %dma_wait3A_2021, %dma_wait3A_2022] : memref<16x1024x1024xf32, #tpu.memory_space<hbm>> -> memref<1x32x32xf32, #tpu.memory_space<hbm>>
      %dma_wait3A_2024 = tpu.memref_squeeze %dma_wait3A_2023 : memref<1x32x32xf32, #tpu.memory_space<hbm>> -> memref<32x32xf32, #tpu.memory_space<hbm>>
      %dma_wait3A_2025 = arith.constant 0 : i32
      %dma_wait3A_2026 = arith.constant 0 : i32
      %dma_wait3A_2027 = tpu.memref_slice %arg3[%dma_wait3A_2016, %dma_wait3A_2025, %dma_wait3A_2026] : memref<16x1024x1024xf32, #tpu.memory_space<hbm>> -> memref<1x32x32xf32, #tpu.memory_space<hbm>>
      %dma_wait3A_2028 = tpu.memref_squeeze %dma_wait3A_2027 : memref<1x32x32xf32, #tpu.memory_space<hbm>> -> memref<32x32xf32, #tpu.memory_space<hbm>>
      %dma_wait3A_2029 = arith.constant 0 : i32
      %dma_wait3A_2030 = arith.constant 0 : i32
      %dma_wait3A_2031 = tpu.memref_slice %arg5[%dma_wait3A_2015, %dma_wait3A_2029, %dma_wait3A_2030] : memref<63x32x32xf32, #tpu.memory_space<vmem>> -> memref<1x32x32xf32, #tpu.memory_space<vmem>>
      %dma_wait3A_2032 = tpu.memref_squeeze %dma_wait3A_2031 : memref<1x32x32xf32, #tpu.memory_space<vmem>> -> memref<32x32xf32, #tpu.memory_space<vmem>>
      tpu.wait_dma2 semaphore(%arg6 : memref<!tpu.dma_semaphore, #tpu.memory_space<semaphore_mem>>) src(%dma_wait3A_2032 : memref<32x32xf32, #tpu.memory_space<vmem>>) dst(%dma_wait3A_2028 : memref<32x32xf32, #tpu.memory_space<hbm>>)
      %dma_wait3A_2033 = arith.constant 0 : i32
      %dma_wait3A_2034 = arith.constant 0 : i32
      %dma_wait3A_2035 = arith.constant 0 : i32
      %dma_wait3A_2036 = arith.constant 0 : i32
      %dma_wait3A_2037 = tpu.memref_slice %arg5[%dma_wait3A_2033, %dma_wait3A_2035, %dma_wait3A_2036] : memref<63x32x32xf32, #tpu.memory_space<vmem>> -> memref<1x32x32xf32, #tpu.memory_space<vmem>>
      %dma_wait3A_2038 = tpu.memref_squeeze %dma_wait3A_2037 : memref<1x32x32xf32, #tpu.memory_space<vmem>> -> memref<32x32xf32, #tpu.memory_space<vmem>>
      %dma_wait3A_2039 = arith.constant 0 : i32
      %dma_wait3A_2040 = arith.constant 0 : i32
      %dma_wait3A_2041 = tpu.memref_slice %arg3[%dma_wait3A_2034, %dma_wait3A_2039, %dma_wait3A_2040] : memref<16x1024x1024xf32, #tpu.memory_space<hbm>> -> memref<1x32x32xf32, #tpu.memory_space<hbm>>
      %dma_wait3A_2042 = tpu.memref_squeeze %dma_wait3A_2041 : memref<1x32x32xf32, #tpu.memory_space<hbm>> -> memref<32x32xf32, #tpu.memory_space<hbm>>
      %dma_wait3A_2043 = arith.constant 0 : i32
      %dma_wait3A_2044 = arith.constant 0 : i32
      %dma_wait3A_2045 = tpu.memref_slice %arg3[%dma_wait3A_2034, %dma_wait3A_2043, %dma_wait3A_2044] : memref<16x1024x1024xf32, #tpu.memory_space<hbm>> -> memref<1x32x32xf32, #tpu.memory_space<hbm>>
      %dma_wait3A_2046 = tpu.memref_squeeze %dma_wait3A_2045 : memref<1x32x32xf32, #tpu.memory_space<hbm>> -> memref<32x32xf32, #tpu.memory_space<hbm>>
      %dma_wait3A_2047 = arith.constant 0 : i32
      %dma_wait3A_2048 = arith.constant 0 : i32
      %dma_wait3A_2049 = tpu.memref_slice %arg5[%dma_wait3A_2033, %dma_wait3A_2047, %dma_wait3A_2048] : memref<63x32x32xf32, #tpu.memory_space<vmem>> -> memref<1x32x32xf32, #tpu.memory_space<vmem>>
      %dma_wait3A_2050 = tpu.memref_squeeze %dma_wait3A_2049 : memref<1x32x32xf32, #tpu.memory_space<vmem>> -> memref<32x32xf32, #tpu.memory_space<vmem>>
      tpu.wait_dma2 semaphore(%arg6 : memref<!tpu.dma_semaphore, #tpu.memory_space<semaphore_mem>>) src(%dma_wait3A_2050 : memref<32x32xf32, #tpu.memory_space<vmem>>) dst(%dma_wait3A_2046 : memref<32x32xf32, #tpu.memory_space<hbm>>)
      %dma_wait3A_2051 = arith.constant 0 : i32
      %dma_wait3A_2052 = arith.constant 0 : i32
      %dma_wait3A_2053 = arith.constant 0 : i32
      %dma_wait3A_2054 = arith.constant 0 : i32
      %dma_wait3A_2055 = tpu.memref_slice %arg5[%dma_wait3A_2051, %dma_wait3A_2053, %dma_wait3A_2054] : memref<63x32x32xf32, #tpu.memory_space<vmem>> -> memref<1x32x32xf32, #tpu.memory_space<vmem>>
      %dma_wait3A_2056 = tpu.memref_squeeze %dma_wait3A_2055 : memref<1x32x32xf32, #tpu.memory_space<vmem>> -> memref<32x32xf32, #tpu.memory_space<vmem>>
      %dma_wait3A_2057 = arith.constant 0 : i32
      %dma_wait3A_2058 = arith.constant 0 : i32
      %dma_wait3A_2059 = tpu.memref_slice %arg3[%dma_wait3A_2052, %dma_wait3A_2057, %dma_wait3A_2058] : memref<16x1024x1024xf32, #tpu.memory_space<hbm>> -> memref<1x32x32xf32, #tpu.memory_space<hbm>>
      %dma_wait3A_2060 = tpu.memref_squeeze %dma_wait3A_2059 : memref<1x32x32xf32, #tpu.memory_space<hbm>> -> memref<32x32xf32, #tpu.memory_space<hbm>>
      %dma_wait3A_2061 = arith.constant 0 : i32
      %dma_wait3A_2062 = arith.constant 0 : i32
      %dma_wait3A_2063 = tpu.memref_slice %arg3[%dma_wait3A_2052, %dma_wait3A_2061, %dma_wait3A_2062] : memref<16x1024x1024xf32, #tpu.memory_space<hbm>> -> memref<1x32x32xf32, #tpu.memory_space<hbm>>
      %dma_wait3A_2064 = tpu.memref_squeeze %dma_wait3A_2063 : memref<1x32x32xf32, #tpu.memory_space<hbm>> -> memref<32x32xf32, #tpu.memory_space<hbm>>
      %dma_wait3A_2065 = arith.constant 0 : i32
      %dma_wait3A_2066 = arith.constant 0 : i32
      %dma_wait3A_2067 = tpu.memref_slice %arg5[%dma_wait3A_2051, %dma_wait3A_2065, %dma_wait3A_2066] : memref<63x32x32xf32, #tpu.memory_space<vmem>> -> memref<1x32x32xf32, #tpu.memory_space<vmem>>
      %dma_wait3A_2068 = tpu.memref_squeeze %dma_wait3A_2067 : memref<1x32x32xf32, #tpu.memory_space<vmem>> -> memref<32x32xf32, #tpu.memory_space<vmem>>
      tpu.wait_dma2 semaphore(%arg6 : memref<!tpu.dma_semaphore, #tpu.memory_space<semaphore_mem>>) src(%dma_wait3A_2068 : memref<32x32xf32, #tpu.memory_space<vmem>>) dst(%dma_wait3A_2064 : memref<32x32xf32, #tpu.memory_space<hbm>>)
      %dma_wait3A_2069 = arith.constant 0 : i32
      %dma_wait3A_2070 = arith.constant 0 : i32
      %dma_wait3A_2071 = arith.constant 0 : i32
      %dma_wait3A_2072 = arith.constant 0 : i32
      %dma_wait3A_2073 = tpu.memref_slice %arg5[%dma_wait3A_2069, %dma_wait3A_2071, %dma_wait3A_2072] : memref<63x32x32xf32, #tpu.memory_space<vmem>> -> memref<1x32x32xf32, #tpu.memory_space<vmem>>
      %dma_wait3A_2074 = tpu.memref_squeeze %dma_wait3A_2073 : memref<1x32x32xf32, #tpu.memory_space<vmem>> -> memref<32x32xf32, #tpu.memory_space<vmem>>
      %dma_wait3A_2075 = arith.constant 0 : i32
      %dma_wait3A_2076 = arith.constant 0 : i32
      %dma_wait3A_2077 = tpu.memref_slice %arg3[%dma_wait3A_2070, %dma_wait3A_2075, %dma_wait3A_2076] : memref<16x1024x1024xf32, #tpu.memory_space<hbm>> -> memref<1x32x32xf32, #tpu.memory_space<hbm>>
      %dma_wait3A_2078 = tpu.memref_squeeze %dma_wait3A_2077 : memref<1x32x32xf32, #tpu.memory_space<hbm>> -> memref<32x32xf32, #tpu.memory_space<hbm>>
      %dma_wait3A_2079 = arith.constant 0 : i32
      %dma_wait3A_2080 = arith.constant 0 : i32
      %dma_wait3A_2081 = tpu.memref_slice %arg3[%dma_wait3A_2070, %dma_wait3A_2079, %dma_wait3A_2080] : memref<16x1024x1024xf32, #tpu.memory_space<hbm>> -> memref<1x32x32xf32, #tpu.memory_space<hbm>>
      %dma_wait3A_2082 = tpu.memref_squeeze %dma_wait3A_2081 : memref<1x32x32xf32, #tpu.memory_space<hbm>> -> memref<32x32xf32, #tpu.memory_space<hbm>>
      %dma_wait3A_2083 = arith.constant 0 : i32
      %dma_wait3A_2084 = arith.constant 0 : i32
      %dma_wait3A_2085 = tpu.memref_slice %arg5[%dma_wait3A_2069, %dma_wait3A_2083, %dma_wait3A_2084] : memref<63x32x32xf32, #tpu.memory_space<vmem>> -> memref<1x32x32xf32, #tpu.memory_space<vmem>>
      %dma_wait3A_2086 = tpu.memref_squeeze %dma_wait3A_2085 : memref<1x32x32xf32, #tpu.memory_space<vmem>> -> memref<32x32xf32, #tpu.memory_space<vmem>>
      tpu.wait_dma2 semaphore(%arg6 : memref<!tpu.dma_semaphore, #tpu.memory_space<semaphore_mem>>) src(%dma_wait3A_2086 : memref<32x32xf32, #tpu.memory_space<vmem>>) dst(%dma_wait3A_2082 : memref<32x32xf32, #tpu.memory_space<hbm>>)
      %dma_wait3A_2087 = arith.constant 0 : i32
      %dma_wait3A_2088 = arith.constant 0 : i32
      %dma_wait3A_2089 = arith.constant 0 : i32
      %dma_wait3A_2090 = arith.constant 0 : i32
      %dma_wait3A_2091 = tpu.memref_slice %arg5[%dma_wait3A_2087, %dma_wait3A_2089, %dma_wait3A_2090] : memref<63x32x32xf32, #tpu.memory_space<vmem>> -> memref<1x32x32xf32, #tpu.memory_space<vmem>>
      %dma_wait3A_2092 = tpu.memref_squeeze %dma_wait3A_2091 : memref<1x32x32xf32, #tpu.memory_space<vmem>> -> memref<32x32xf32, #tpu.memory_space<vmem>>
      %dma_wait3A_2093 = arith.constant 0 : i32
      %dma_wait3A_2094 = arith.constant 0 : i32
      %dma_wait3A_2095 = tpu.memref_slice %arg3[%dma_wait3A_2088, %dma_wait3A_2093, %dma_wait3A_2094] : memref<16x1024x1024xf32, #tpu.memory_space<hbm>> -> memref<1x32x32xf32, #tpu.memory_space<hbm>>
      %dma_wait3A_2096 = tpu.memref_squeeze %dma_wait3A_2095 : memref<1x32x32xf32, #tpu.memory_space<hbm>> -> memref<32x32xf32, #tpu.memory_space<hbm>>
      %dma_wait3A_2097 = arith.constant 0 : i32
      %dma_wait3A_2098 = arith.constant 0 : i32
      %dma_wait3A_2099 = tpu.memref_slice %arg3[%dma_wait3A_2088, %dma_wait3A_2097, %dma_wait3A_2098] : memref<16x1024x1024xf32, #tpu.memory_space<hbm>> -> memref<1x32x32xf32, #tpu.memory_space<hbm>>
      %dma_wait3A_2100 = tpu.memref_squeeze %dma_wait3A_2099 : memref<1x32x32xf32, #tpu.memory_space<hbm>> -> memref<32x32xf32, #tpu.memory_space<hbm>>
      %dma_wait3A_2101 = arith.constant 0 : i32
      %dma_wait3A_2102 = arith.constant 0 : i32
      %dma_wait3A_2103 = tpu.memref_slice %arg5[%dma_wait3A_2087, %dma_wait3A_2101, %dma_wait3A_2102] : memref<63x32x32xf32, #tpu.memory_space<vmem>> -> memref<1x32x32xf32, #tpu.memory_space<vmem>>
      %dma_wait3A_2104 = tpu.memref_squeeze %dma_wait3A_2103 : memref<1x32x32xf32, #tpu.memory_space<vmem>> -> memref<32x32xf32, #tpu.memory_space<vmem>>
      tpu.wait_dma2 semaphore(%arg6 : memref<!tpu.dma_semaphore, #tpu.memory_space<semaphore_mem>>) src(%dma_wait3A_2104 : memref<32x32xf32, #tpu.memory_space<vmem>>) dst(%dma_wait3A_2100 : memref<32x32xf32, #tpu.memory_space<hbm>>)
      %dma_wait3A_2105 = arith.constant 0 : i32
      %dma_wait3A_2106 = arith.constant 0 : i32
      %dma_wait3A_2107 = arith.constant 0 : i32
      %dma_wait3A_2108 = arith.constant 0 : i32
      %dma_wait3A_2109 = tpu.memref_slice %arg5[%dma_wait3A_2105, %dma_wait3A_2107, %dma_wait3A_2108] : memref<63x32x32xf32, #tpu.memory_space<vmem>> -> memref<1x32x32xf32, #tpu.memory_space<vmem>>
      %dma_wait3A_2110 = tpu.memref_squeeze %dma_wait3A_2109 : memref<1x32x32xf32, #tpu.memory_space<vmem>> -> memref<32x32xf32, #tpu.memory_space<vmem>>
      %dma_wait3A_2111 = arith.constant 0 : i32
      %dma_wait3A_2112 = arith.constant 0 : i32
      %dma_wait3A_2113 = tpu.memref_slice %arg3[%dma_wait3A_2106, %dma_wait3A_2111, %dma_wait3A_2112] : memref<16x1024x1024xf32, #tpu.memory_space<hbm>> -> memref<1x32x32xf32, #tpu.memory_space<hbm>>
      %dma_wait3A_2114 = tpu.memref_squeeze %dma_wait3A_2113 : memref<1x32x32xf32, #tpu.memory_space<hbm>> -> memref<32x32xf32, #tpu.memory_space<hbm>>
      %dma_wait3A_2115 = arith.constant 0 : i32
      %dma_wait3A_2116 = arith.constant 0 : i32
      %dma_wait3A_2117 = tpu.memref_slice %arg3[%dma_wait3A_2106, %dma_wait3A_2115, %dma_wait3A_2116] : memref<16x1024x1024xf32, #tpu.memory_space<hbm>> -> memref<1x32x32xf32, #tpu.memory_space<hbm>>
      %dma_wait3A_2118 = tpu.memref_squeeze %dma_wait3A_2117 : memref<1x32x32xf32, #tpu.memory_space<hbm>> -> memref<32x32xf32, #tpu.memory_space<hbm>>
      %dma_wait3A_2119 = arith.constant 0 : i32
      %dma_wait3A_2120 = arith.constant 0 : i32
      %dma_wait3A_2121 = tpu.memref_slice %arg5[%dma_wait3A_2105, %dma_wait3A_2119, %dma_wait3A_2120] : memref<63x32x32xf32, #tpu.memory_space<vmem>> -> memref<1x32x32xf32, #tpu.memory_space<vmem>>
      %dma_wait3A_2122 = tpu.memref_squeeze %dma_wait3A_2121 : memref<1x32x32xf32, #tpu.memory_space<vmem>> -> memref<32x32xf32, #tpu.memory_space<vmem>>
      tpu.wait_dma2 semaphore(%arg6 : memref<!tpu.dma_semaphore, #tpu.memory_space<semaphore_mem>>) src(%dma_wait3A_2122 : memref<32x32xf32, #tpu.memory_space<vmem>>) dst(%dma_wait3A_2118 : memref<32x32xf32, #tpu.memory_space<hbm>>)
      %dma_wait3A_2123 = arith.constant 0 : i32
      %dma_wait3A_2124 = arith.constant 0 : i32
      %dma_wait3A_2125 = arith.constant 0 : i32
      %dma_wait3A_2126 = arith.constant 0 : i32
      %dma_wait3A_2127 = tpu.memref_slice %arg5[%dma_wait3A_2123, %dma_wait3A_2125, %dma_wait3A_2126] : memref<63x32x32xf32, #tpu.memory_space<vmem>> -> memref<1x32x32xf32, #tpu.memory_space<vmem>>
      %dma_wait3A_2128 = tpu.memref_squeeze %dma_wait3A_2127 : memref<1x32x32xf32, #tpu.memory_space<vmem>> -> memref<32x32xf32, #tpu.memory_space<vmem>>
      %dma_wait3A_2129 = arith.constant 0 : i32
      %dma_wait3A_2130 = arith.constant 0 : i32
      %dma_wait3A_2131 = tpu.memref_slice %arg3[%dma_wait3A_2124, %dma_wait3A_2129, %dma_wait3A_2130] : memref<16x1024x1024xf32, #tpu.memory_space<hbm>> -> memref<1x32x32xf32, #tpu.memory_space<hbm>>
      %dma_wait3A_2132 = tpu.memref_squeeze %dma_wait3A_2131 : memref<1x32x32xf32, #tpu.memory_space<hbm>> -> memref<32x32xf32, #tpu.memory_space<hbm>>
      %dma_wait3A_2133 = arith.constant 0 : i32
      %dma_wait3A_2134 = arith.constant 0 : i32
      %dma_wait3A_2135 = tpu.memref_slice %arg3[%dma_wait3A_2124, %dma_wait3A_2133, %dma_wait3A_2134] : memref<16x1024x1024xf32, #tpu.memory_space<hbm>> -> memref<1x32x32xf32, #tpu.memory_space<hbm>>
      %dma_wait3A_2136 = tpu.memref_squeeze %dma_wait3A_2135 : memref<1x32x32xf32, #tpu.memory_space<hbm>> -> memref<32x32xf32, #tpu.memory_space<hbm>>
      %dma_wait3A_2137 = arith.constant 0 : i32
      %dma_wait3A_2138 = arith.constant 0 : i32
      %dma_wait3A_2139 = tpu.memref_slice %arg5[%dma_wait3A_2123, %dma_wait3A_2137, %dma_wait3A_2138] : memref<63x32x32xf32, #tpu.memory_space<vmem>> -> memref<1x32x32xf32, #tpu.memory_space<vmem>>
      %dma_wait3A_2140 = tpu.memref_squeeze %dma_wait3A_2139 : memref<1x32x32xf32, #tpu.memory_space<vmem>> -> memref<32x32xf32, #tpu.memory_space<vmem>>
      tpu.wait_dma2 semaphore(%arg6 : memref<!tpu.dma_semaphore, #tpu.memory_space<semaphore_mem>>) src(%dma_wait3A_2140 : memref<32x32xf32, #tpu.memory_space<vmem>>) dst(%dma_wait3A_2136 : memref<32x32xf32, #tpu.memory_space<hbm>>)
      %dma_wait3A_2141 = arith.constant 0 : i32
      %dma_wait3A_2142 = arith.constant 0 : i32
      %dma_wait3A_2143 = arith.constant 0 : i32
      %dma_wait3A_2144 = arith.constant 0 : i32
      %dma_wait3A_2145 = tpu.memref_slice %arg5[%dma_wait3A_2141, %dma_wait3A_2143, %dma_wait3A_2144] : memref<63x32x32xf32, #tpu.memory_space<vmem>> -> memref<1x32x32xf32, #tpu.memory_space<vmem>>
      %dma_wait3A_2146 = tpu.memref_squeeze %dma_wait3A_2145 : memref<1x32x32xf32, #tpu.memory_space<vmem>> -> memref<32x32xf32, #tpu.memory_space<vmem>>
      %dma_wait3A_2147 = arith.constant 0 : i32
      %dma_wait3A_2148 = arith.constant 0 : i32
      %dma_wait3A_2149 = tpu.memref_slice %arg3[%dma_wait3A_2142, %dma_wait3A_2147, %dma_wait3A_2148] : memref<16x1024x1024xf32, #tpu.memory_space<hbm>> -> memref<1x32x32xf32, #tpu.memory_space<hbm>>
      %dma_wait3A_2150 = tpu.memref_squeeze %dma_wait3A_2149 : memref<1x32x32xf32, #tpu.memory_space<hbm>> -> memref<32x32xf32, #tpu.memory_space<hbm>>
      %dma_wait3A_2151 = arith.constant 0 : i32
      %dma_wait3A_2152 = arith.constant 0 : i32
      %dma_wait3A_2153 = tpu.memref_slice %arg3[%dma_wait3A_2142, %dma_wait3A_2151, %dma_wait3A_2152] : memref<16x1024x1024xf32, #tpu.memory_space<hbm>> -> memref<1x32x32xf32, #tpu.memory_space<hbm>>
      %dma_wait3A_2154 = tpu.memref_squeeze %dma_wait3A_2153 : memref<1x32x32xf32, #tpu.memory_space<hbm>> -> memref<32x32xf32, #tpu.memory_space<hbm>>
      %dma_wait3A_2155 = arith.constant 0 : i32
      %dma_wait3A_2156 = arith.constant 0 : i32
      %dma_wait3A_2157 = tpu.memref_slice %arg5[%dma_wait3A_2141, %dma_wait3A_2155, %dma_wait3A_2156] : memref<63x32x32xf32, #tpu.memory_space<vmem>> -> memref<1x32x32xf32, #tpu.memory_space<vmem>>
      %dma_wait3A_2158 = tpu.memref_squeeze %dma_wait3A_2157 : memref<1x32x32xf32, #tpu.memory_space<vmem>> -> memref<32x32xf32, #tpu.memory_space<vmem>>
      tpu.wait_dma2 semaphore(%arg6 : memref<!tpu.dma_semaphore, #tpu.memory_space<semaphore_mem>>) src(%dma_wait3A_2158 : memref<32x32xf32, #tpu.memory_space<vmem>>) dst(%dma_wait3A_2154 : memref<32x32xf32, #tpu.memory_space<hbm>>)
      %dma_wait3A_2159 = arith.constant 0 : i32
      %dma_wait3A_2160 = arith.constant 0 : i32
      %dma_wait3A_2161 = arith.constant 0 : i32
      %dma_wait3A_2162 = arith.constant 0 : i32
      %dma_wait3A_2163 = tpu.memref_slice %arg5[%dma_wait3A_2159, %dma_wait3A_2161, %dma_wait3A_2162] : memref<63x32x32xf32, #tpu.memory_space<vmem>> -> memref<1x32x32xf32, #tpu.memory_space<vmem>>
      %dma_wait3A_2164 = tpu.memref_squeeze %dma_wait3A_2163 : memref<1x32x32xf32, #tpu.memory_space<vmem>> -> memref<32x32xf32, #tpu.memory_space<vmem>>
      %dma_wait3A_2165 = arith.constant 0 : i32
      %dma_wait3A_2166 = arith.constant 0 : i32
      %dma_wait3A_2167 = tpu.memref_slice %arg3[%dma_wait3A_2160, %dma_wait3A_2165, %dma_wait3A_2166] : memref<16x1024x1024xf32, #tpu.memory_space<hbm>> -> memref<1x32x32xf32, #tpu.memory_space<hbm>>
      %dma_wait3A_2168 = tpu.memref_squeeze %dma_wait3A_2167 : memref<1x32x32xf32, #tpu.memory_space<hbm>> -> memref<32x32xf32, #tpu.memory_space<hbm>>
      %dma_wait3A_2169 = arith.constant 0 : i32
      %dma_wait3A_2170 = arith.constant 0 : i32
      %dma_wait3A_2171 = tpu.memref_slice %arg3[%dma_wait3A_2160, %dma_wait3A_2169, %dma_wait3A_2170] : memref<16x1024x1024xf32, #tpu.memory_space<hbm>> -> memref<1x32x32xf32, #tpu.memory_space<hbm>>
      %dma_wait3A_2172 = tpu.memref_squeeze %dma_wait3A_2171 : memref<1x32x32xf32, #tpu.memory_space<hbm>> -> memref<32x32xf32, #tpu.memory_space<hbm>>
      %dma_wait3A_2173 = arith.constant 0 : i32
      %dma_wait3A_2174 = arith.constant 0 : i32
      %dma_wait3A_2175 = tpu.memref_slice %arg5[%dma_wait3A_2159, %dma_wait3A_2173, %dma_wait3A_2174] : memref<63x32x32xf32, #tpu.memory_space<vmem>> -> memref<1x32x32xf32, #tpu.memory_space<vmem>>
      %dma_wait3A_2176 = tpu.memref_squeeze %dma_wait3A_2175 : memref<1x32x32xf32, #tpu.memory_space<vmem>> -> memref<32x32xf32, #tpu.memory_space<vmem>>
      tpu.wait_dma2 semaphore(%arg6 : memref<!tpu.dma_semaphore, #tpu.memory_space<semaphore_mem>>) src(%dma_wait3A_2176 : memref<32x32xf32, #tpu.memory_space<vmem>>) dst(%dma_wait3A_2172 : memref<32x32xf32, #tpu.memory_space<hbm>>)
      %dma_wait3A_2177 = arith.constant 0 : i32
      %dma_wait3A_2178 = arith.constant 0 : i32
      %dma_wait3A_2179 = arith.constant 0 : i32
      %dma_wait3A_2180 = arith.constant 0 : i32
      %dma_wait3A_2181 = tpu.memref_slice %arg5[%dma_wait3A_2177, %dma_wait3A_2179, %dma_wait3A_2180] : memref<63x32x32xf32, #tpu.memory_space<vmem>> -> memref<1x32x32xf32, #tpu.memory_space<vmem>>
      %dma_wait3A_2182 = tpu.memref_squeeze %dma_wait3A_2181 : memref<1x32x32xf32, #tpu.memory_space<vmem>> -> memref<32x32xf32, #tpu.memory_space<vmem>>
      %dma_wait3A_2183 = arith.constant 0 : i32
      %dma_wait3A_2184 = arith.constant 0 : i32
      %dma_wait3A_2185 = tpu.memref_slice %arg3[%dma_wait3A_2178, %dma_wait3A_2183, %dma_wait3A_2184] : memref<16x1024x1024xf32, #tpu.memory_space<hbm>> -> memref<1x32x32xf32, #tpu.memory_space<hbm>>
      %dma_wait3A_2186 = tpu.memref_squeeze %dma_wait3A_2185 : memref<1x32x32xf32, #tpu.memory_space<hbm>> -> memref<32x32xf32, #tpu.memory_space<hbm>>
      %dma_wait3A_2187 = arith.constant 0 : i32
      %dma_wait3A_2188 = arith.constant 0 : i32
      %dma_wait3A_2189 = tpu.memref_slice %arg3[%dma_wait3A_2178, %dma_wait3A_2187, %dma_wait3A_2188] : memref<16x1024x1024xf32, #tpu.memory_space<hbm>> -> memref<1x32x32xf32, #tpu.memory_space<hbm>>
      %dma_wait3A_2190 = tpu.memref_squeeze %dma_wait3A_2189 : memref<1x32x32xf32, #tpu.memory_space<hbm>> -> memref<32x32xf32, #tpu.memory_space<hbm>>
      %dma_wait3A_2191 = arith.constant 0 : i32
      %dma_wait3A_2192 = arith.constant 0 : i32
      %dma_wait3A_2193 = tpu.memref_slice %arg5[%dma_wait3A_2177, %dma_wait3A_2191, %dma_wait3A_2192] : memref<63x32x32xf32, #tpu.memory_space<vmem>> -> memref<1x32x32xf32, #tpu.memory_space<vmem>>
      %dma_wait3A_2194 = tpu.memref_squeeze %dma_wait3A_2193 : memref<1x32x32xf32, #tpu.memory_space<vmem>> -> memref<32x32xf32, #tpu.memory_space<vmem>>
      tpu.wait_dma2 semaphore(%arg6 : memref<!tpu.dma_semaphore, #tpu.memory_space<semaphore_mem>>) src(%dma_wait3A_2194 : memref<32x32xf32, #tpu.memory_space<vmem>>) dst(%dma_wait3A_2190 : memref<32x32xf32, #tpu.memory_space<hbm>>)
    }
    %scan3A_523 = arith.constant 15 : i32
    %dma_wait3A = arith.constant 0 : i32
    %dma_wait3A_524 = arith.constant 0 : i32
    %dma_wait3A_525 = arith.constant 0 : i32
    %dma_wait3A_526 = arith.constant 0 : i32
    %dma_wait3A_527 = tpu.memref_slice %arg5[%dma_wait3A, %dma_wait3A_525, %dma_wait3A_526] : memref<63x32x32xf32, #tpu.memory_space<vmem>> -> memref<1x32x32xf32, #tpu.memory_space<vmem>>
    %dma_wait3A_528 = tpu.memref_squeeze %dma_wait3A_527 : memref<1x32x32xf32, #tpu.memory_space<vmem>> -> memref<32x32xf32, #tpu.memory_space<vmem>>
    %dma_wait3A_529 = arith.constant 0 : i32
    %dma_wait3A_530 = arith.constant 0 : i32
    %dma_wait3A_531 = tpu.memref_slice %arg3[%dma_wait3A_524, %dma_wait3A_529, %dma_wait3A_530] : memref<16x1024x1024xf32, #tpu.memory_space<hbm>> -> memref<1x32x32xf32, #tpu.memory_space<hbm>>
    %dma_wait3A_532 = tpu.memref_squeeze %dma_wait3A_531 : memref<1x32x32xf32, #tpu.memory_space<hbm>> -> memref<32x32xf32, #tpu.memory_space<hbm>>
    %dma_wait3A_533 = arith.constant 0 : i32
    %dma_wait3A_534 = arith.constant 0 : i32
    %dma_wait3A_535 = tpu.memref_slice %arg3[%dma_wait3A_524, %dma_wait3A_533, %dma_wait3A_534] : memref<16x1024x1024xf32, #tpu.memory_space<hbm>> -> memref<1x32x32xf32, #tpu.memory_space<hbm>>
    %dma_wait3A_536 = tpu.memref_squeeze %dma_wait3A_535 : memref<1x32x32xf32, #tpu.memory_space<hbm>> -> memref<32x32xf32, #tpu.memory_space<hbm>>
    %dma_wait3A_537 = arith.constant 0 : i32
    %dma_wait3A_538 = arith.constant 0 : i32
    %dma_wait3A_539 = tpu.memref_slice %arg5[%dma_wait3A, %dma_wait3A_537, %dma_wait3A_538] : memref<63x32x32xf32, #tpu.memory_space<vmem>> -> memref<1x32x32xf32, #tpu.memory_space<vmem>>
    %dma_wait3A_540 = tpu.memref_squeeze %dma_wait3A_539 : memref<1x32x32xf32, #tpu.memory_space<vmem>> -> memref<32x32xf32, #tpu.memory_space<vmem>>
    tpu.wait_dma2 semaphore(%arg6 : memref<!tpu.dma_semaphore, #tpu.memory_space<semaphore_mem>>) src(%dma_wait3A_540 : memref<32x32xf32, #tpu.memory_space<vmem>>) dst(%dma_wait3A_536 : memref<32x32xf32, #tpu.memory_space<hbm>>)
    %dma_wait3A_541 = arith.constant 0 : i32
    %dma_wait3A_542 = arith.constant 0 : i32
    %dma_wait3A_543 = arith.constant 0 : i32
    %dma_wait3A_544 = arith.constant 0 : i32
    %dma_wait3A_545 = tpu.memref_slice %arg5[%dma_wait3A_541, %dma_wait3A_543, %dma_wait3A_544] : memref<63x32x32xf32, #tpu.memory_space<vmem>> -> memref<1x32x32xf32, #tpu.memory_space<vmem>>
    %dma_wait3A_546 = tpu.memref_squeeze %dma_wait3A_545 : memref<1x32x32xf32, #tpu.memory_space<vmem>> -> memref<32x32xf32, #tpu.memory_space<vmem>>
    %dma_wait3A_547 = arith.constant 0 : i32
    %dma_wait3A_548 = arith.constant 0 : i32
    %dma_wait3A_549 = tpu.memref_slice %arg3[%dma_wait3A_542, %dma_wait3A_547, %dma_wait3A_548] : memref<16x1024x1024xf32, #tpu.memory_space<hbm>> -> memref<1x32x32xf32, #tpu.memory_space<hbm>>
    %dma_wait3A_550 = tpu.memref_squeeze %dma_wait3A_549 : memref<1x32x32xf32, #tpu.memory_space<hbm>> -> memref<32x32xf32, #tpu.memory_space<hbm>>
    %dma_wait3A_551 = arith.constant 0 : i32
    %dma_wait3A_552 = arith.constant 0 : i32
    %dma_wait3A_553 = tpu.memref_slice %arg3[%dma_wait3A_542, %dma_wait3A_551, %dma_wait3A_552] : memref<16x1024x1024xf32, #tpu.memory_space<hbm>> -> memref<1x32x32xf32, #tpu.memory_space<hbm>>
    %dma_wait3A_554 = tpu.memref_squeeze %dma_wait3A_553 : memref<1x32x32xf32, #tpu.memory_space<hbm>> -> memref<32x32xf32, #tpu.memory_space<hbm>>
    %dma_wait3A_555 = arith.constant 0 : i32
    %dma_wait3A_556 = arith.constant 0 : i32
    %dma_wait3A_557 = tpu.memref_slice %arg5[%dma_wait3A_541, %dma_wait3A_555, %dma_wait3A_556] : memref<63x32x32xf32, #tpu.memory_space<vmem>> -> memref<1x32x32xf32, #tpu.memory_space<vmem>>
    %dma_wait3A_558 = tpu.memref_squeeze %dma_wait3A_557 : memref<1x32x32xf32, #tpu.memory_space<vmem>> -> memref<32x32xf32, #tpu.memory_space<vmem>>
    tpu.wait_dma2 semaphore(%arg6 : memref<!tpu.dma_semaphore, #tpu.memory_space<semaphore_mem>>) src(%dma_wait3A_558 : memref<32x32xf32, #tpu.memory_space<vmem>>) dst(%dma_wait3A_554 : memref<32x32xf32, #tpu.memory_space<hbm>>)
    %dma_wait3A_559 = arith.constant 0 : i32
    %dma_wait3A_560 = arith.constant 0 : i32
    %dma_wait3A_561 = arith.constant 0 : i32
    %dma_wait3A_562 = arith.constant 0 : i32
    %dma_wait3A_563 = tpu.memref_slice %arg5[%dma_wait3A_559, %dma_wait3A_561, %dma_wait3A_562] : memref<63x32x32xf32, #tpu.memory_space<vmem>> -> memref<1x32x32xf32, #tpu.memory_space<vmem>>
    %dma_wait3A_564 = tpu.memref_squeeze %dma_wait3A_563 : memref<1x32x32xf32, #tpu.memory_space<vmem>> -> memref<32x32xf32, #tpu.memory_space<vmem>>
    %dma_wait3A_565 = arith.constant 0 : i32
    %dma_wait3A_566 = arith.constant 0 : i32
    %dma_wait3A_567 = tpu.memref_slice %arg3[%dma_wait3A_560, %dma_wait3A_565, %dma_wait3A_566] : memref<16x1024x1024xf32, #tpu.memory_space<hbm>> -> memref<1x32x32xf32, #tpu.memory_space<hbm>>
    %dma_wait3A_568 = tpu.memref_squeeze %dma_wait3A_567 : memref<1x32x32xf32, #tpu.memory_space<hbm>> -> memref<32x32xf32, #tpu.memory_space<hbm>>
    %dma_wait3A_569 = arith.constant 0 : i32
    %dma_wait3A_570 = arith.constant 0 : i32
    %dma_wait3A_571 = tpu.memref_slice %arg3[%dma_wait3A_560, %dma_wait3A_569, %dma_wait3A_570] : memref<16x1024x1024xf32, #tpu.memory_space<hbm>> -> memref<1x32x32xf32, #tpu.memory_space<hbm>>
    %dma_wait3A_572 = tpu.memref_squeeze %dma_wait3A_571 : memref<1x32x32xf32, #tpu.memory_space<hbm>> -> memref<32x32xf32, #tpu.memory_space<hbm>>
    %dma_wait3A_573 = arith.constant 0 : i32
    %dma_wait3A_574 = arith.constant 0 : i32
    %dma_wait3A_575 = tpu.memref_slice %arg5[%dma_wait3A_559, %dma_wait3A_573, %dma_wait3A_574] : memref<63x32x32xf32, #tpu.memory_space<vmem>> -> memref<1x32x32xf32, #tpu.memory_space<vmem>>
    %dma_wait3A_576 = tpu.memref_squeeze %dma_wait3A_575 : memref<1x32x32xf32, #tpu.memory_space<vmem>> -> memref<32x32xf32, #tpu.memory_space<vmem>>
    tpu.wait_dma2 semaphore(%arg6 : memref<!tpu.dma_semaphore, #tpu.memory_space<semaphore_mem>>) src(%dma_wait3A_576 : memref<32x32xf32, #tpu.memory_space<vmem>>) dst(%dma_wait3A_572 : memref<32x32xf32, #tpu.memory_space<hbm>>)
    %dma_wait3A_577 = arith.constant 0 : i32
    %dma_wait3A_578 = arith.constant 0 : i32
    %dma_wait3A_579 = arith.constant 0 : i32
    %dma_wait3A_580 = arith.constant 0 : i32
    %dma_wait3A_581 = tpu.memref_slice %arg5[%dma_wait3A_577, %dma_wait3A_579, %dma_wait3A_580] : memref<63x32x32xf32, #tpu.memory_space<vmem>> -> memref<1x32x32xf32, #tpu.memory_space<vmem>>
    %dma_wait3A_582 = tpu.memref_squeeze %dma_wait3A_581 : memref<1x32x32xf32, #tpu.memory_space<vmem>> -> memref<32x32xf32, #tpu.memory_space<vmem>>
    %dma_wait3A_583 = arith.constant 0 : i32
    %dma_wait3A_584 = arith.constant 0 : i32
    %dma_wait3A_585 = tpu.memref_slice %arg3[%dma_wait3A_578, %dma_wait3A_583, %dma_wait3A_584] : memref<16x1024x1024xf32, #tpu.memory_space<hbm>> -> memref<1x32x32xf32, #tpu.memory_space<hbm>>
    %dma_wait3A_586 = tpu.memref_squeeze %dma_wait3A_585 : memref<1x32x32xf32, #tpu.memory_space<hbm>> -> memref<32x32xf32, #tpu.memory_space<hbm>>
    %dma_wait3A_587 = arith.constant 0 : i32
    %dma_wait3A_588 = arith.constant 0 : i32
    %dma_wait3A_589 = tpu.memref_slice %arg3[%dma_wait3A_578, %dma_wait3A_587, %dma_wait3A_588] : memref<16x1024x1024xf32, #tpu.memory_space<hbm>> -> memref<1x32x32xf32, #tpu.memory_space<hbm>>
    %dma_wait3A_590 = tpu.memref_squeeze %dma_wait3A_589 : memref<1x32x32xf32, #tpu.memory_space<hbm>> -> memref<32x32xf32, #tpu.memory_space<hbm>>
    %dma_wait3A_591 = arith.constant 0 : i32
    %dma_wait3A_592 = arith.constant 0 : i32
    %dma_wait3A_593 = tpu.memref_slice %arg5[%dma_wait3A_577, %dma_wait3A_591, %dma_wait3A_592] : memref<63x32x32xf32, #tpu.memory_space<vmem>> -> memref<1x32x32xf32, #tpu.memory_space<vmem>>
    %dma_wait3A_594 = tpu.memref_squeeze %dma_wait3A_593 : memref<1x32x32xf32, #tpu.memory_space<vmem>> -> memref<32x32xf32, #tpu.memory_space<vmem>>
    tpu.wait_dma2 semaphore(%arg6 : memref<!tpu.dma_semaphore, #tpu.memory_space<semaphore_mem>>) src(%dma_wait3A_594 : memref<32x32xf32, #tpu.memory_space<vmem>>) dst(%dma_wait3A_590 : memref<32x32xf32, #tpu.memory_space<hbm>>)
    %dma_wait3A_595 = arith.constant 0 : i32
    %dma_wait3A_596 = arith.constant 0 : i32
    %dma_wait3A_597 = arith.constant 0 : i32
    %dma_wait3A_598 = arith.constant 0 : i32
    %dma_wait3A_599 = tpu.memref_slice %arg5[%dma_wait3A_595, %dma_wait3A_597, %dma_wait3A_598] : memref<63x32x32xf32, #tpu.memory_space<vmem>> -> memref<1x32x32xf32, #tpu.memory_space<vmem>>
    %dma_wait3A_600 = tpu.memref_squeeze %dma_wait3A_599 : memref<1x32x32xf32, #tpu.memory_space<vmem>> -> memref<32x32xf32, #tpu.memory_space<vmem>>
    %dma_wait3A_601 = arith.constant 0 : i32
    %dma_wait3A_602 = arith.constant 0 : i32
    %dma_wait3A_603 = tpu.memref_slice %arg3[%dma_wait3A_596, %dma_wait3A_601, %dma_wait3A_602] : memref<16x1024x1024xf32, #tpu.memory_space<hbm>> -> memref<1x32x32xf32, #tpu.memory_space<hbm>>
    %dma_wait3A_604 = tpu.memref_squeeze %dma_wait3A_603 : memref<1x32x32xf32, #tpu.memory_space<hbm>> -> memref<32x32xf32, #tpu.memory_space<hbm>>
    %dma_wait3A_605 = arith.constant 0 : i32
    %dma_wait3A_606 = arith.constant 0 : i32
    %dma_wait3A_607 = tpu.memref_slice %arg3[%dma_wait3A_596, %dma_wait3A_605, %dma_wait3A_606] : memref<16x1024x1024xf32, #tpu.memory_space<hbm>> -> memref<1x32x32xf32, #tpu.memory_space<hbm>>
    %dma_wait3A_608 = tpu.memref_squeeze %dma_wait3A_607 : memref<1x32x32xf32, #tpu.memory_space<hbm>> -> memref<32x32xf32, #tpu.memory_space<hbm>>
    %dma_wait3A_609 = arith.constant 0 : i32
    %dma_wait3A_610 = arith.constant 0 : i32
    %dma_wait3A_611 = tpu.memref_slice %arg5[%dma_wait3A_595, %dma_wait3A_609, %dma_wait3A_610] : memref<63x32x32xf32, #tpu.memory_space<vmem>> -> memref<1x32x32xf32, #tpu.memory_space<vmem>>
    %dma_wait3A_612 = tpu.memref_squeeze %dma_wait3A_611 : memref<1x32x32xf32, #tpu.memory_space<vmem>> -> memref<32x32xf32, #tpu.memory_space<vmem>>
    tpu.wait_dma2 semaphore(%arg6 : memref<!tpu.dma_semaphore, #tpu.memory_space<semaphore_mem>>) src(%dma_wait3A_612 : memref<32x32xf32, #tpu.memory_space<vmem>>) dst(%dma_wait3A_608 : memref<32x32xf32, #tpu.memory_space<hbm>>)
    %dma_wait3A_613 = arith.constant 0 : i32
    %dma_wait3A_614 = arith.constant 0 : i32
    %dma_wait3A_615 = arith.constant 0 : i32
    %dma_wait3A_616 = arith.constant 0 : i32
    %dma_wait3A_617 = tpu.memref_slice %arg5[%dma_wait3A_613, %dma_wait3A_615, %dma_wait3A_616] : memref<63x32x32xf32, #tpu.memory_space<vmem>> -> memref<1x32x32xf32, #tpu.memory_space<vmem>>
    %dma_wait3A_618 = tpu.memref_squeeze %dma_wait3A_617 : memref<1x32x32xf32, #tpu.memory_space<vmem>> -> memref<32x32xf32, #tpu.memory_space<vmem>>
    %dma_wait3A_619 = arith.constant 0 : i32
    %dma_wait3A_620 = arith.constant 0 : i32
    %dma_wait3A_621 = tpu.memref_slice %arg3[%dma_wait3A_614, %dma_wait3A_619, %dma_wait3A_620] : memref<16x1024x1024xf32, #tpu.memory_space<hbm>> -> memref<1x32x32xf32, #tpu.memory_space<hbm>>
    %dma_wait3A_622 = tpu.memref_squeeze %dma_wait3A_621 : memref<1x32x32xf32, #tpu.memory_space<hbm>> -> memref<32x32xf32, #tpu.memory_space<hbm>>
    %dma_wait3A_623 = arith.constant 0 : i32
    %dma_wait3A_624 = arith.constant 0 : i32
    %dma_wait3A_625 = tpu.memref_slice %arg3[%dma_wait3A_614, %dma_wait3A_623, %dma_wait3A_624] : memref<16x1024x1024xf32, #tpu.memory_space<hbm>> -> memref<1x32x32xf32, #tpu.memory_space<hbm>>
    %dma_wait3A_626 = tpu.memref_squeeze %dma_wait3A_625 : memref<1x32x32xf32, #tpu.memory_space<hbm>> -> memref<32x32xf32, #tpu.memory_space<hbm>>
    %dma_wait3A_627 = arith.constant 0 : i32
    %dma_wait3A_628 = arith.constant 0 : i32
    %dma_wait3A_629 = tpu.memref_slice %arg5[%dma_wait3A_613, %dma_wait3A_627, %dma_wait3A_628] : memref<63x32x32xf32, #tpu.memory_space<vmem>> -> memref<1x32x32xf32, #tpu.memory_space<vmem>>
    %dma_wait3A_630 = tpu.memref_squeeze %dma_wait3A_629 : memref<1x32x32xf32, #tpu.memory_space<vmem>> -> memref<32x32xf32, #tpu.memory_space<vmem>>
    tpu.wait_dma2 semaphore(%arg6 : memref<!tpu.dma_semaphore, #tpu.memory_space<semaphore_mem>>) src(%dma_wait3A_630 : memref<32x32xf32, #tpu.memory_space<vmem>>) dst(%dma_wait3A_626 : memref<32x32xf32, #tpu.memory_space<hbm>>)
    %dma_wait3A_631 = arith.constant 0 : i32
    %dma_wait3A_632 = arith.constant 0 : i32
    %dma_wait3A_633 = arith.constant 0 : i32
    %dma_wait3A_634 = arith.constant 0 : i32
    %dma_wait3A_635 = tpu.memref_slice %arg5[%dma_wait3A_631, %dma_wait3A_633, %dma_wait3A_634] : memref<63x32x32xf32, #tpu.memory_space<vmem>> -> memref<1x32x32xf32, #tpu.memory_space<vmem>>
    %dma_wait3A_636 = tpu.memref_squeeze %dma_wait3A_635 : memref<1x32x32xf32, #tpu.memory_space<vmem>> -> memref<32x32xf32, #tpu.memory_space<vmem>>
    %dma_wait3A_637 = arith.constant 0 : i32
    %dma_wait3A_638 = arith.constant 0 : i32
    %dma_wait3A_639 = tpu.memref_slice %arg3[%dma_wait3A_632, %dma_wait3A_637, %dma_wait3A_638] : memref<16x1024x1024xf32, #tpu.memory_space<hbm>> -> memref<1x32x32xf32, #tpu.memory_space<hbm>>
    %dma_wait3A_640 = tpu.memref_squeeze %dma_wait3A_639 : memref<1x32x32xf32, #tpu.memory_space<hbm>> -> memref<32x32xf32, #tpu.memory_space<hbm>>
    %dma_wait3A_641 = arith.constant 0 : i32
    %dma_wait3A_642 = arith.constant 0 : i32
    %dma_wait3A_643 = tpu.memref_slice %arg3[%dma_wait3A_632, %dma_wait3A_641, %dma_wait3A_642] : memref<16x1024x1024xf32, #tpu.memory_space<hbm>> -> memref<1x32x32xf32, #tpu.memory_space<hbm>>
    %dma_wait3A_644 = tpu.memref_squeeze %dma_wait3A_643 : memref<1x32x32xf32, #tpu.memory_space<hbm>> -> memref<32x32xf32, #tpu.memory_space<hbm>>
    %dma_wait3A_645 = arith.constant 0 : i32
    %dma_wait3A_646 = arith.constant 0 : i32
    %dma_wait3A_647 = tpu.memref_slice %arg5[%dma_wait3A_631, %dma_wait3A_645, %dma_wait3A_646] : memref<63x32x32xf32, #tpu.memory_space<vmem>> -> memref<1x32x32xf32, #tpu.memory_space<vmem>>
    %dma_wait3A_648 = tpu.memref_squeeze %dma_wait3A_647 : memref<1x32x32xf32, #tpu.memory_space<vmem>> -> memref<32x32xf32, #tpu.memory_space<vmem>>
    tpu.wait_dma2 semaphore(%arg6 : memref<!tpu.dma_semaphore, #tpu.memory_space<semaphore_mem>>) src(%dma_wait3A_648 : memref<32x32xf32, #tpu.memory_space<vmem>>) dst(%dma_wait3A_644 : memref<32x32xf32, #tpu.memory_space<hbm>>)
    %dma_wait3A_649 = arith.constant 0 : i32
    %dma_wait3A_650 = arith.constant 0 : i32
    %dma_wait3A_651 = arith.constant 0 : i32
    %dma_wait3A_652 = arith.constant 0 : i32
    %dma_wait3A_653 = tpu.memref_slice %arg5[%dma_wait3A_649, %dma_wait3A_651, %dma_wait3A_652] : memref<63x32x32xf32, #tpu.memory_space<vmem>> -> memref<1x32x32xf32, #tpu.memory_space<vmem>>
    %dma_wait3A_654 = tpu.memref_squeeze %dma_wait3A_653 : memref<1x32x32xf32, #tpu.memory_space<vmem>> -> memref<32x32xf32, #tpu.memory_space<vmem>>
    %dma_wait3A_655 = arith.constant 0 : i32
    %dma_wait3A_656 = arith.constant 0 : i32
    %dma_wait3A_657 = tpu.memref_slice %arg3[%dma_wait3A_650, %dma_wait3A_655, %dma_wait3A_656] : memref<16x1024x1024xf32, #tpu.memory_space<hbm>> -> memref<1x32x32xf32, #tpu.memory_space<hbm>>
    %dma_wait3A_658 = tpu.memref_squeeze %dma_wait3A_657 : memref<1x32x32xf32, #tpu.memory_space<hbm>> -> memref<32x32xf32, #tpu.memory_space<hbm>>
    %dma_wait3A_659 = arith.constant 0 : i32
    %dma_wait3A_660 = arith.constant 0 : i32
    %dma_wait3A_661 = tpu.memref_slice %arg3[%dma_wait3A_650, %dma_wait3A_659, %dma_wait3A_660] : memref<16x1024x1024xf32, #tpu.memory_space<hbm>> -> memref<1x32x32xf32, #tpu.memory_space<hbm>>
    %dma_wait3A_662 = tpu.memref_squeeze %dma_wait3A_661 : memref<1x32x32xf32, #tpu.memory_space<hbm>> -> memref<32x32xf32, #tpu.memory_space<hbm>>
    %dma_wait3A_663 = arith.constant 0 : i32
    %dma_wait3A_664 = arith.constant 0 : i32
    %dma_wait3A_665 = tpu.memref_slice %arg5[%dma_wait3A_649, %dma_wait3A_663, %dma_wait3A_664] : memref<63x32x32xf32, #tpu.memory_space<vmem>> -> memref<1x32x32xf32, #tpu.memory_space<vmem>>
    %dma_wait3A_666 = tpu.memref_squeeze %dma_wait3A_665 : memref<1x32x32xf32, #tpu.memory_space<vmem>> -> memref<32x32xf32, #tpu.memory_space<vmem>>
    tpu.wait_dma2 semaphore(%arg6 : memref<!tpu.dma_semaphore, #tpu.memory_space<semaphore_mem>>) src(%dma_wait3A_666 : memref<32x32xf32, #tpu.memory_space<vmem>>) dst(%dma_wait3A_662 : memref<32x32xf32, #tpu.memory_space<hbm>>)
    %dma_wait3A_667 = arith.constant 0 : i32
    %dma_wait3A_668 = arith.constant 0 : i32
    %dma_wait3A_669 = arith.constant 0 : i32
    %dma_wait3A_670 = arith.constant 0 : i32
    %dma_wait3A_671 = tpu.memref_slice %arg5[%dma_wait3A_667, %dma_wait3A_669, %dma_wait3A_670] : memref<63x32x32xf32, #tpu.memory_space<vmem>> -> memref<1x32x32xf32, #tpu.memory_space<vmem>>
    %dma_wait3A_672 = tpu.memref_squeeze %dma_wait3A_671 : memref<1x32x32xf32, #tpu.memory_space<vmem>> -> memref<32x32xf32, #tpu.memory_space<vmem>>
    %dma_wait3A_673 = arith.constant 0 : i32
    %dma_wait3A_674 = arith.constant 0 : i32
    %dma_wait3A_675 = tpu.memref_slice %arg3[%dma_wait3A_668, %dma_wait3A_673, %dma_wait3A_674] : memref<16x1024x1024xf32, #tpu.memory_space<hbm>> -> memref<1x32x32xf32, #tpu.memory_space<hbm>>
    %dma_wait3A_676 = tpu.memref_squeeze %dma_wait3A_675 : memref<1x32x32xf32, #tpu.memory_space<hbm>> -> memref<32x32xf32, #tpu.memory_space<hbm>>
    %dma_wait3A_677 = arith.constant 0 : i32
    %dma_wait3A_678 = arith.constant 0 : i32
    %dma_wait3A_679 = tpu.memref_slice %arg3[%dma_wait3A_668, %dma_wait3A_677, %dma_wait3A_678] : memref<16x1024x1024xf32, #tpu.memory_space<hbm>> -> memref<1x32x32xf32, #tpu.memory_space<hbm>>
    %dma_wait3A_680 = tpu.memref_squeeze %dma_wait3A_679 : memref<1x32x32xf32, #tpu.memory_space<hbm>> -> memref<32x32xf32, #tpu.memory_space<hbm>>
    %dma_wait3A_681 = arith.constant 0 : i32
    %dma_wait3A_682 = arith.constant 0 : i32
    %dma_wait3A_683 = tpu.memref_slice %arg5[%dma_wait3A_667, %dma_wait3A_681, %dma_wait3A_682] : memref<63x32x32xf32, #tpu.memory_space<vmem>> -> memref<1x32x32xf32, #tpu.memory_space<vmem>>
    %dma_wait3A_684 = tpu.memref_squeeze %dma_wait3A_683 : memref<1x32x32xf32, #tpu.memory_space<vmem>> -> memref<32x32xf32, #tpu.memory_space<vmem>>
    tpu.wait_dma2 semaphore(%arg6 : memref<!tpu.dma_semaphore, #tpu.memory_space<semaphore_mem>>) src(%dma_wait3A_684 : memref<32x32xf32, #tpu.memory_space<vmem>>) dst(%dma_wait3A_680 : memref<32x32xf32, #tpu.memory_space<hbm>>)
    %dma_wait3A_685 = arith.constant 0 : i32
    %dma_wait3A_686 = arith.constant 0 : i32
    %dma_wait3A_687 = arith.constant 0 : i32
    %dma_wait3A_688 = arith.constant 0 : i32
    %dma_wait3A_689 = tpu.memref_slice %arg5[%dma_wait3A_685, %dma_wait3A_687, %dma_wait3A_688] : memref<63x32x32xf32, #tpu.memory_space<vmem>> -> memref<1x32x32xf32, #tpu.memory_space<vmem>>
    %dma_wait3A_690 = tpu.memref_squeeze %dma_wait3A_689 : memref<1x32x32xf32, #tpu.memory_space<vmem>> -> memref<32x32xf32, #tpu.memory_space<vmem>>
    %dma_wait3A_691 = arith.constant 0 : i32
    %dma_wait3A_692 = arith.constant 0 : i32
    %dma_wait3A_693 = tpu.memref_slice %arg3[%dma_wait3A_686, %dma_wait3A_691, %dma_wait3A_692] : memref<16x1024x1024xf32, #tpu.memory_space<hbm>> -> memref<1x32x32xf32, #tpu.memory_space<hbm>>
    %dma_wait3A_694 = tpu.memref_squeeze %dma_wait3A_693 : memref<1x32x32xf32, #tpu.memory_space<hbm>> -> memref<32x32xf32, #tpu.memory_space<hbm>>
    %dma_wait3A_695 = arith.constant 0 : i32
    %dma_wait3A_696 = arith.constant 0 : i32
    %dma_wait3A_697 = tpu.memref_slice %arg3[%dma_wait3A_686, %dma_wait3A_695, %dma_wait3A_696] : memref<16x1024x1024xf32, #tpu.memory_space<hbm>> -> memref<1x32x32xf32, #tpu.memory_space<hbm>>
    %dma_wait3A_698 = tpu.memref_squeeze %dma_wait3A_697 : memref<1x32x32xf32, #tpu.memory_space<hbm>> -> memref<32x32xf32, #tpu.memory_space<hbm>>
    %dma_wait3A_699 = arith.constant 0 : i32
    %dma_wait3A_700 = arith.constant 0 : i32
    %dma_wait3A_701 = tpu.memref_slice %arg5[%dma_wait3A_685, %dma_wait3A_699, %dma_wait3A_700] : memref<63x32x32xf32, #tpu.memory_space<vmem>> -> memref<1x32x32xf32, #tpu.memory_space<vmem>>
    %dma_wait3A_702 = tpu.memref_squeeze %dma_wait3A_701 : memref<1x32x32xf32, #tpu.memory_space<vmem>> -> memref<32x32xf32, #tpu.memory_space<vmem>>
    tpu.wait_dma2 semaphore(%arg6 : memref<!tpu.dma_semaphore, #tpu.memory_space<semaphore_mem>>) src(%dma_wait3A_702 : memref<32x32xf32, #tpu.memory_space<vmem>>) dst(%dma_wait3A_698 : memref<32x32xf32, #tpu.memory_space<hbm>>)
    %dma_wait3A_703 = arith.constant 0 : i32
    %dma_wait3A_704 = arith.constant 0 : i32
    %dma_wait3A_705 = arith.constant 0 : i32
    %dma_wait3A_706 = arith.constant 0 : i32
    %dma_wait3A_707 = tpu.memref_slice %arg5[%dma_wait3A_703, %dma_wait3A_705, %dma_wait3A_706] : memref<63x32x32xf32, #tpu.memory_space<vmem>> -> memref<1x32x32xf32, #tpu.memory_space<vmem>>
    %dma_wait3A_708 = tpu.memref_squeeze %dma_wait3A_707 : memref<1x32x32xf32, #tpu.memory_space<vmem>> -> memref<32x32xf32, #tpu.memory_space<vmem>>
    %dma_wait3A_709 = arith.constant 0 : i32
    %dma_wait3A_710 = arith.constant 0 : i32
    %dma_wait3A_711 = tpu.memref_slice %arg3[%dma_wait3A_704, %dma_wait3A_709, %dma_wait3A_710] : memref<16x1024x1024xf32, #tpu.memory_space<hbm>> -> memref<1x32x32xf32, #tpu.memory_space<hbm>>
    %dma_wait3A_712 = tpu.memref_squeeze %dma_wait3A_711 : memref<1x32x32xf32, #tpu.memory_space<hbm>> -> memref<32x32xf32, #tpu.memory_space<hbm>>
    %dma_wait3A_713 = arith.constant 0 : i32
    %dma_wait3A_714 = arith.constant 0 : i32
    %dma_wait3A_715 = tpu.memref_slice %arg3[%dma_wait3A_704, %dma_wait3A_713, %dma_wait3A_714] : memref<16x1024x1024xf32, #tpu.memory_space<hbm>> -> memref<1x32x32xf32, #tpu.memory_space<hbm>>
    %dma_wait3A_716 = tpu.memref_squeeze %dma_wait3A_715 : memref<1x32x32xf32, #tpu.memory_space<hbm>> -> memref<32x32xf32, #tpu.memory_space<hbm>>
    %dma_wait3A_717 = arith.constant 0 : i32
    %dma_wait3A_718 = arith.constant 0 : i32
    %dma_wait3A_719 = tpu.memref_slice %arg5[%dma_wait3A_703, %dma_wait3A_717, %dma_wait3A_718] : memref<63x32x32xf32, #tpu.memory_space<vmem>> -> memref<1x32x32xf32, #tpu.memory_space<vmem>>
    %dma_wait3A_720 = tpu.memref_squeeze %dma_wait3A_719 : memref<1x32x32xf32, #tpu.memory_space<vmem>> -> memref<32x32xf32, #tpu.memory_space<vmem>>
    tpu.wait_dma2 semaphore(%arg6 : memref<!tpu.dma_semaphore, #tpu.memory_space<semaphore_mem>>) src(%dma_wait3A_720 : memref<32x32xf32, #tpu.memory_space<vmem>>) dst(%dma_wait3A_716 : memref<32x32xf32, #tpu.memory_space<hbm>>)
    %dma_wait3A_721 = arith.constant 0 : i32
    %dma_wait3A_722 = arith.constant 0 : i32
    %dma_wait3A_723 = arith.constant 0 : i32
    %dma_wait3A_724 = arith.constant 0 : i32
    %dma_wait3A_725 = tpu.memref_slice %arg5[%dma_wait3A_721, %dma_wait3A_723, %dma_wait3A_724] : memref<63x32x32xf32, #tpu.memory_space<vmem>> -> memref<1x32x32xf32, #tpu.memory_space<vmem>>
    %dma_wait3A_726 = tpu.memref_squeeze %dma_wait3A_725 : memref<1x32x32xf32, #tpu.memory_space<vmem>> -> memref<32x32xf32, #tpu.memory_space<vmem>>
    %dma_wait3A_727 = arith.constant 0 : i32
    %dma_wait3A_728 = arith.constant 0 : i32
    %dma_wait3A_729 = tpu.memref_slice %arg3[%dma_wait3A_722, %dma_wait3A_727, %dma_wait3A_728] : memref<16x1024x1024xf32, #tpu.memory_space<hbm>> -> memref<1x32x32xf32, #tpu.memory_space<hbm>>
    %dma_wait3A_730 = tpu.memref_squeeze %dma_wait3A_729 : memref<1x32x32xf32, #tpu.memory_space<hbm>> -> memref<32x32xf32, #tpu.memory_space<hbm>>
    %dma_wait3A_731 = arith.constant 0 : i32
    %dma_wait3A_732 = arith.constant 0 : i32
    %dma_wait3A_733 = tpu.memref_slice %arg3[%dma_wait3A_722, %dma_wait3A_731, %dma_wait3A_732] : memref<16x1024x1024xf32, #tpu.memory_space<hbm>> -> memref<1x32x32xf32, #tpu.memory_space<hbm>>
    %dma_wait3A_734 = tpu.memref_squeeze %dma_wait3A_733 : memref<1x32x32xf32, #tpu.memory_space<hbm>> -> memref<32x32xf32, #tpu.memory_space<hbm>>
    %dma_wait3A_735 = arith.constant 0 : i32
    %dma_wait3A_736 = arith.constant 0 : i32
    %dma_wait3A_737 = tpu.memref_slice %arg5[%dma_wait3A_721, %dma_wait3A_735, %dma_wait3A_736] : memref<63x32x32xf32, #tpu.memory_space<vmem>> -> memref<1x32x32xf32, #tpu.memory_space<vmem>>
    %dma_wait3A_738 = tpu.memref_squeeze %dma_wait3A_737 : memref<1x32x32xf32, #tpu.memory_space<vmem>> -> memref<32x32xf32, #tpu.memory_space<vmem>>
    tpu.wait_dma2 semaphore(%arg6 : memref<!tpu.dma_semaphore, #tpu.memory_space<semaphore_mem>>) src(%dma_wait3A_738 : memref<32x32xf32, #tpu.memory_space<vmem>>) dst(%dma_wait3A_734 : memref<32x32xf32, #tpu.memory_space<hbm>>)
    %dma_wait3A_739 = arith.constant 0 : i32
    %dma_wait3A_740 = arith.constant 0 : i32
    %dma_wait3A_741 = arith.constant 0 : i32
    %dma_wait3A_742 = arith.constant 0 : i32
    %dma_wait3A_743 = tpu.memref_slice %arg5[%dma_wait3A_739, %dma_wait3A_741, %dma_wait3A_742] : memref<63x32x32xf32, #tpu.memory_space<vmem>> -> memref<1x32x32xf32, #tpu.memory_space<vmem>>
    %dma_wait3A_744 = tpu.memref_squeeze %dma_wait3A_743 : memref<1x32x32xf32, #tpu.memory_space<vmem>> -> memref<32x32xf32, #tpu.memory_space<vmem>>
    %dma_wait3A_745 = arith.constant 0 : i32
    %dma_wait3A_746 = arith.constant 0 : i32
    %dma_wait3A_747 = tpu.memref_slice %arg3[%dma_wait3A_740, %dma_wait3A_745, %dma_wait3A_746] : memref<16x1024x1024xf32, #tpu.memory_space<hbm>> -> memref<1x32x32xf32, #tpu.memory_space<hbm>>
    %dma_wait3A_748 = tpu.memref_squeeze %dma_wait3A_747 : memref<1x32x32xf32, #tpu.memory_space<hbm>> -> memref<32x32xf32, #tpu.memory_space<hbm>>
    %dma_wait3A_749 = arith.constant 0 : i32
    %dma_wait3A_750 = arith.constant 0 : i32
    %dma_wait3A_751 = tpu.memref_slice %arg3[%dma_wait3A_740, %dma_wait3A_749, %dma_wait3A_750] : memref<16x1024x1024xf32, #tpu.memory_space<hbm>> -> memref<1x32x32xf32, #tpu.memory_space<hbm>>
    %dma_wait3A_752 = tpu.memref_squeeze %dma_wait3A_751 : memref<1x32x32xf32, #tpu.memory_space<hbm>> -> memref<32x32xf32, #tpu.memory_space<hbm>>
    %dma_wait3A_753 = arith.constant 0 : i32
    %dma_wait3A_754 = arith.constant 0 : i32
    %dma_wait3A_755 = tpu.memref_slice %arg5[%dma_wait3A_739, %dma_wait3A_753, %dma_wait3A_754] : memref<63x32x32xf32, #tpu.memory_space<vmem>> -> memref<1x32x32xf32, #tpu.memory_space<vmem>>
    %dma_wait3A_756 = tpu.memref_squeeze %dma_wait3A_755 : memref<1x32x32xf32, #tpu.memory_space<vmem>> -> memref<32x32xf32, #tpu.memory_space<vmem>>
    tpu.wait_dma2 semaphore(%arg6 : memref<!tpu.dma_semaphore, #tpu.memory_space<semaphore_mem>>) src(%dma_wait3A_756 : memref<32x32xf32, #tpu.memory_space<vmem>>) dst(%dma_wait3A_752 : memref<32x32xf32, #tpu.memory_space<hbm>>)
    %dma_wait3A_757 = arith.constant 0 : i32
    %dma_wait3A_758 = arith.constant 0 : i32
    %dma_wait3A_759 = arith.constant 0 : i32
    %dma_wait3A_760 = arith.constant 0 : i32
    %dma_wait3A_761 = tpu.memref_slice %arg5[%dma_wait3A_757, %dma_wait3A_759, %dma_wait3A_760] : memref<63x32x32xf32, #tpu.memory_space<vmem>> -> memref<1x32x32xf32, #tpu.memory_space<vmem>>
    %dma_wait3A_762 = tpu.memref_squeeze %dma_wait3A_761 : memref<1x32x32xf32, #tpu.memory_space<vmem>> -> memref<32x32xf32, #tpu.memory_space<vmem>>
    %dma_wait3A_763 = arith.constant 0 : i32
    %dma_wait3A_764 = arith.constant 0 : i32
    %dma_wait3A_765 = tpu.memref_slice %arg3[%dma_wait3A_758, %dma_wait3A_763, %dma_wait3A_764] : memref<16x1024x1024xf32, #tpu.memory_space<hbm>> -> memref<1x32x32xf32, #tpu.memory_space<hbm>>
    %dma_wait3A_766 = tpu.memref_squeeze %dma_wait3A_765 : memref<1x32x32xf32, #tpu.memory_space<hbm>> -> memref<32x32xf32, #tpu.memory_space<hbm>>
    %dma_wait3A_767 = arith.constant 0 : i32
    %dma_wait3A_768 = arith.constant 0 : i32
    %dma_wait3A_769 = tpu.memref_slice %arg3[%dma_wait3A_758, %dma_wait3A_767, %dma_wait3A_768] : memref<16x1024x1024xf32, #tpu.memory_space<hbm>> -> memref<1x32x32xf32, #tpu.memory_space<hbm>>
    %dma_wait3A_770 = tpu.memref_squeeze %dma_wait3A_769 : memref<1x32x32xf32, #tpu.memory_space<hbm>> -> memref<32x32xf32, #tpu.memory_space<hbm>>
    %dma_wait3A_771 = arith.constant 0 : i32
    %dma_wait3A_772 = arith.constant 0 : i32
    %dma_wait3A_773 = tpu.memref_slice %arg5[%dma_wait3A_757, %dma_wait3A_771, %dma_wait3A_772] : memref<63x32x32xf32, #tpu.memory_space<vmem>> -> memref<1x32x32xf32, #tpu.memory_space<vmem>>
    %dma_wait3A_774 = tpu.memref_squeeze %dma_wait3A_773 : memref<1x32x32xf32, #tpu.memory_space<vmem>> -> memref<32x32xf32, #tpu.memory_space<vmem>>
    tpu.wait_dma2 semaphore(%arg6 : memref<!tpu.dma_semaphore, #tpu.memory_space<semaphore_mem>>) src(%dma_wait3A_774 : memref<32x32xf32, #tpu.memory_space<vmem>>) dst(%dma_wait3A_770 : memref<32x32xf32, #tpu.memory_space<hbm>>)
    %dma_wait3A_775 = arith.constant 0 : i32
    %dma_wait3A_776 = arith.constant 0 : i32
    %dma_wait3A_777 = arith.constant 0 : i32
    %dma_wait3A_778 = arith.constant 0 : i32
    %dma_wait3A_779 = tpu.memref_slice %arg5[%dma_wait3A_775, %dma_wait3A_777, %dma_wait3A_778] : memref<63x32x32xf32, #tpu.memory_space<vmem>> -> memref<1x32x32xf32, #tpu.memory_space<vmem>>
    %dma_wait3A_780 = tpu.memref_squeeze %dma_wait3A_779 : memref<1x32x32xf32, #tpu.memory_space<vmem>> -> memref<32x32xf32, #tpu.memory_space<vmem>>
    %dma_wait3A_781 = arith.constant 0 : i32
    %dma_wait3A_782 = arith.constant 0 : i32
    %dma_wait3A_783 = tpu.memref_slice %arg3[%dma_wait3A_776, %dma_wait3A_781, %dma_wait3A_782] : memref<16x1024x1024xf32, #tpu.memory_space<hbm>> -> memref<1x32x32xf32, #tpu.memory_space<hbm>>
    %dma_wait3A_784 = tpu.memref_squeeze %dma_wait3A_783 : memref<1x32x32xf32, #tpu.memory_space<hbm>> -> memref<32x32xf32, #tpu.memory_space<hbm>>
    %dma_wait3A_785 = arith.constant 0 : i32
    %dma_wait3A_786 = arith.constant 0 : i32
    %dma_wait3A_787 = tpu.memref_slice %arg3[%dma_wait3A_776, %dma_wait3A_785, %dma_wait3A_786] : memref<16x1024x1024xf32, #tpu.memory_space<hbm>> -> memref<1x32x32xf32, #tpu.memory_space<hbm>>
    %dma_wait3A_788 = tpu.memref_squeeze %dma_wait3A_787 : memref<1x32x32xf32, #tpu.memory_space<hbm>> -> memref<32x32xf32, #tpu.memory_space<hbm>>
    %dma_wait3A_789 = arith.constant 0 : i32
    %dma_wait3A_790 = arith.constant 0 : i32
    %dma_wait3A_791 = tpu.memref_slice %arg5[%dma_wait3A_775, %dma_wait3A_789, %dma_wait3A_790] : memref<63x32x32xf32, #tpu.memory_space<vmem>> -> memref<1x32x32xf32, #tpu.memory_space<vmem>>
    %dma_wait3A_792 = tpu.memref_squeeze %dma_wait3A_791 : memref<1x32x32xf32, #tpu.memory_space<vmem>> -> memref<32x32xf32, #tpu.memory_space<vmem>>
    tpu.wait_dma2 semaphore(%arg6 : memref<!tpu.dma_semaphore, #tpu.memory_space<semaphore_mem>>) src(%dma_wait3A_792 : memref<32x32xf32, #tpu.memory_space<vmem>>) dst(%dma_wait3A_788 : memref<32x32xf32, #tpu.memory_space<hbm>>)
    %dma_wait3A_793 = arith.constant 0 : i32
    %dma_wait3A_794 = arith.constant 0 : i32
    %dma_wait3A_795 = arith.constant 0 : i32
    %dma_wait3A_796 = arith.constant 0 : i32
    %dma_wait3A_797 = tpu.memref_slice %arg5[%dma_wait3A_793, %dma_wait3A_795, %dma_wait3A_796] : memref<63x32x32xf32, #tpu.memory_space<vmem>> -> memref<1x32x32xf32, #tpu.memory_space<vmem>>
    %dma_wait3A_798 = tpu.memref_squeeze %dma_wait3A_797 : memref<1x32x32xf32, #tpu.memory_space<vmem>> -> memref<32x32xf32, #tpu.memory_space<vmem>>
    %dma_wait3A_799 = arith.constant 0 : i32
    %dma_wait3A_800 = arith.constant 0 : i32
    %dma_wait3A_801 = tpu.memref_slice %arg3[%dma_wait3A_794, %dma_wait3A_799, %dma_wait3A_800] : memref<16x1024x1024xf32, #tpu.memory_space<hbm>> -> memref<1x32x32xf32, #tpu.memory_space<hbm>>
    %dma_wait3A_802 = tpu.memref_squeeze %dma_wait3A_801 : memref<1x32x32xf32, #tpu.memory_space<hbm>> -> memref<32x32xf32, #tpu.memory_space<hbm>>
    %dma_wait3A_803 = arith.constant 0 : i32
    %dma_wait3A_804 = arith.constant 0 : i32
    %dma_wait3A_805 = tpu.memref_slice %arg3[%dma_wait3A_794, %dma_wait3A_803, %dma_wait3A_804] : memref<16x1024x1024xf32, #tpu.memory_space<hbm>> -> memref<1x32x32xf32, #tpu.memory_space<hbm>>
    %dma_wait3A_806 = tpu.memref_squeeze %dma_wait3A_805 : memref<1x32x32xf32, #tpu.memory_space<hbm>> -> memref<32x32xf32, #tpu.memory_space<hbm>>
    %dma_wait3A_807 = arith.constant 0 : i32
    %dma_wait3A_808 = arith.constant 0 : i32
    %dma_wait3A_809 = tpu.memref_slice %arg5[%dma_wait3A_793, %dma_wait3A_807, %dma_wait3A_808] : memref<63x32x32xf32, #tpu.memory_space<vmem>> -> memref<1x32x32xf32, #tpu.memory_space<vmem>>
    %dma_wait3A_810 = tpu.memref_squeeze %dma_wait3A_809 : memref<1x32x32xf32, #tpu.memory_space<vmem>> -> memref<32x32xf32, #tpu.memory_space<vmem>>
    tpu.wait_dma2 semaphore(%arg6 : memref<!tpu.dma_semaphore, #tpu.memory_space<semaphore_mem>>) src(%dma_wait3A_810 : memref<32x32xf32, #tpu.memory_space<vmem>>) dst(%dma_wait3A_806 : memref<32x32xf32, #tpu.memory_space<hbm>>)
    %dma_wait3A_811 = arith.constant 0 : i32
    %dma_wait3A_812 = arith.constant 0 : i32
    %dma_wait3A_813 = arith.constant 0 : i32
    %dma_wait3A_814 = arith.constant 0 : i32
    %dma_wait3A_815 = tpu.memref_slice %arg5[%dma_wait3A_811, %dma_wait3A_813, %dma_wait3A_814] : memref<63x32x32xf32, #tpu.memory_space<vmem>> -> memref<1x32x32xf32, #tpu.memory_space<vmem>>
    %dma_wait3A_816 = tpu.memref_squeeze %dma_wait3A_815 : memref<1x32x32xf32, #tpu.memory_space<vmem>> -> memref<32x32xf32, #tpu.memory_space<vmem>>
    %dma_wait3A_817 = arith.constant 0 : i32
    %dma_wait3A_818 = arith.constant 0 : i32
    %dma_wait3A_819 = tpu.memref_slice %arg3[%dma_wait3A_812, %dma_wait3A_817, %dma_wait3A_818] : memref<16x1024x1024xf32, #tpu.memory_space<hbm>> -> memref<1x32x32xf32, #tpu.memory_space<hbm>>
    %dma_wait3A_820 = tpu.memref_squeeze %dma_wait3A_819 : memref<1x32x32xf32, #tpu.memory_space<hbm>> -> memref<32x32xf32, #tpu.memory_space<hbm>>
    %dma_wait3A_821 = arith.constant 0 : i32
    %dma_wait3A_822 = arith.constant 0 : i32
    %dma_wait3A_823 = tpu.memref_slice %arg3[%dma_wait3A_812, %dma_wait3A_821, %dma_wait3A_822] : memref<16x1024x1024xf32, #tpu.memory_space<hbm>> -> memref<1x32x32xf32, #tpu.memory_space<hbm>>
    %dma_wait3A_824 = tpu.memref_squeeze %dma_wait3A_823 : memref<1x32x32xf32, #tpu.memory_space<hbm>> -> memref<32x32xf32, #tpu.memory_space<hbm>>
    %dma_wait3A_825 = arith.constant 0 : i32
    %dma_wait3A_826 = arith.constant 0 : i32
    %dma_wait3A_827 = tpu.memref_slice %arg5[%dma_wait3A_811, %dma_wait3A_825, %dma_wait3A_826] : memref<63x32x32xf32, #tpu.memory_space<vmem>> -> memref<1x32x32xf32, #tpu.memory_space<vmem>>
    %dma_wait3A_828 = tpu.memref_squeeze %dma_wait3A_827 : memref<1x32x32xf32, #tpu.memory_space<vmem>> -> memref<32x32xf32, #tpu.memory_space<vmem>>
    tpu.wait_dma2 semaphore(%arg6 : memref<!tpu.dma_semaphore, #tpu.memory_space<semaphore_mem>>) src(%dma_wait3A_828 : memref<32x32xf32, #tpu.memory_space<vmem>>) dst(%dma_wait3A_824 : memref<32x32xf32, #tpu.memory_space<hbm>>)
    %dma_wait3A_829 = arith.constant 0 : i32
    %dma_wait3A_830 = arith.constant 0 : i32
    %dma_wait3A_831 = arith.constant 0 : i32
    %dma_wait3A_832 = arith.constant 0 : i32
    %dma_wait3A_833 = tpu.memref_slice %arg5[%dma_wait3A_829, %dma_wait3A_831, %dma_wait3A_832] : memref<63x32x32xf32, #tpu.memory_space<vmem>> -> memref<1x32x32xf32, #tpu.memory_space<vmem>>
    %dma_wait3A_834 = tpu.memref_squeeze %dma_wait3A_833 : memref<1x32x32xf32, #tpu.memory_space<vmem>> -> memref<32x32xf32, #tpu.memory_space<vmem>>
    %dma_wait3A_835 = arith.constant 0 : i32
    %dma_wait3A_836 = arith.constant 0 : i32
    %dma_wait3A_837 = tpu.memref_slice %arg3[%dma_wait3A_830, %dma_wait3A_835, %dma_wait3A_836] : memref<16x1024x1024xf32, #tpu.memory_space<hbm>> -> memref<1x32x32xf32, #tpu.memory_space<hbm>>
    %dma_wait3A_838 = tpu.memref_squeeze %dma_wait3A_837 : memref<1x32x32xf32, #tpu.memory_space<hbm>> -> memref<32x32xf32, #tpu.memory_space<hbm>>
    %dma_wait3A_839 = arith.constant 0 : i32
    %dma_wait3A_840 = arith.constant 0 : i32
    %dma_wait3A_841 = tpu.memref_slice %arg3[%dma_wait3A_830, %dma_wait3A_839, %dma_wait3A_840] : memref<16x1024x1024xf32, #tpu.memory_space<hbm>> -> memref<1x32x32xf32, #tpu.memory_space<hbm>>
    %dma_wait3A_842 = tpu.memref_squeeze %dma_wait3A_841 : memref<1x32x32xf32, #tpu.memory_space<hbm>> -> memref<32x32xf32, #tpu.memory_space<hbm>>
    %dma_wait3A_843 = arith.constant 0 : i32
    %dma_wait3A_844 = arith.constant 0 : i32
    %dma_wait3A_845 = tpu.memref_slice %arg5[%dma_wait3A_829, %dma_wait3A_843, %dma_wait3A_844] : memref<63x32x32xf32, #tpu.memory_space<vmem>> -> memref<1x32x32xf32, #tpu.memory_space<vmem>>
    %dma_wait3A_846 = tpu.memref_squeeze %dma_wait3A_845 : memref<1x32x32xf32, #tpu.memory_space<vmem>> -> memref<32x32xf32, #tpu.memory_space<vmem>>
    tpu.wait_dma2 semaphore(%arg6 : memref<!tpu.dma_semaphore, #tpu.memory_space<semaphore_mem>>) src(%dma_wait3A_846 : memref<32x32xf32, #tpu.memory_space<vmem>>) dst(%dma_wait3A_842 : memref<32x32xf32, #tpu.memory_space<hbm>>)
    %dma_wait3A_847 = arith.constant 0 : i32
    %dma_wait3A_848 = arith.constant 0 : i32
    %dma_wait3A_849 = arith.constant 0 : i32
    %dma_wait3A_850 = arith.constant 0 : i32
    %dma_wait3A_851 = tpu.memref_slice %arg5[%dma_wait3A_847, %dma_wait3A_849, %dma_wait3A_850] : memref<63x32x32xf32, #tpu.memory_space<vmem>> -> memref<1x32x32xf32, #tpu.memory_space<vmem>>
    %dma_wait3A_852 = tpu.memref_squeeze %dma_wait3A_851 : memref<1x32x32xf32, #tpu.memory_space<vmem>> -> memref<32x32xf32, #tpu.memory_space<vmem>>
    %dma_wait3A_853 = arith.constant 0 : i32
    %dma_wait3A_854 = arith.constant 0 : i32
    %dma_wait3A_855 = tpu.memref_slice %arg3[%dma_wait3A_848, %dma_wait3A_853, %dma_wait3A_854] : memref<16x1024x1024xf32, #tpu.memory_space<hbm>> -> memref<1x32x32xf32, #tpu.memory_space<hbm>>
    %dma_wait3A_856 = tpu.memref_squeeze %dma_wait3A_855 : memref<1x32x32xf32, #tpu.memory_space<hbm>> -> memref<32x32xf32, #tpu.memory_space<hbm>>
    %dma_wait3A_857 = arith.constant 0 : i32
    %dma_wait3A_858 = arith.constant 0 : i32
    %dma_wait3A_859 = tpu.memref_slice %arg3[%dma_wait3A_848, %dma_wait3A_857, %dma_wait3A_858] : memref<16x1024x1024xf32, #tpu.memory_space<hbm>> -> memref<1x32x32xf32, #tpu.memory_space<hbm>>
    %dma_wait3A_860 = tpu.memref_squeeze %dma_wait3A_859 : memref<1x32x32xf32, #tpu.memory_space<hbm>> -> memref<32x32xf32, #tpu.memory_space<hbm>>
    %dma_wait3A_861 = arith.constant 0 : i32
    %dma_wait3A_862 = arith.constant 0 : i32
    %dma_wait3A_863 = tpu.memref_slice %arg5[%dma_wait3A_847, %dma_wait3A_861, %dma_wait3A_862] : memref<63x32x32xf32, #tpu.memory_space<vmem>> -> memref<1x32x32xf32, #tpu.memory_space<vmem>>
    %dma_wait3A_864 = tpu.memref_squeeze %dma_wait3A_863 : memref<1x32x32xf32, #tpu.memory_space<vmem>> -> memref<32x32xf32, #tpu.memory_space<vmem>>
    tpu.wait_dma2 semaphore(%arg6 : memref<!tpu.dma_semaphore, #tpu.memory_space<semaphore_mem>>) src(%dma_wait3A_864 : memref<32x32xf32, #tpu.memory_space<vmem>>) dst(%dma_wait3A_860 : memref<32x32xf32, #tpu.memory_space<hbm>>)
    %dma_wait3A_865 = arith.constant 0 : i32
    %dma_wait3A_866 = arith.constant 0 : i32
    %dma_wait3A_867 = arith.constant 0 : i32
    %dma_wait3A_868 = arith.constant 0 : i32
    %dma_wait3A_869 = tpu.memref_slice %arg5[%dma_wait3A_865, %dma_wait3A_867, %dma_wait3A_868] : memref<63x32x32xf32, #tpu.memory_space<vmem>> -> memref<1x32x32xf32, #tpu.memory_space<vmem>>
    %dma_wait3A_870 = tpu.memref_squeeze %dma_wait3A_869 : memref<1x32x32xf32, #tpu.memory_space<vmem>> -> memref<32x32xf32, #tpu.memory_space<vmem>>
    %dma_wait3A_871 = arith.constant 0 : i32
    %dma_wait3A_872 = arith.constant 0 : i32
    %dma_wait3A_873 = tpu.memref_slice %arg3[%dma_wait3A_866, %dma_wait3A_871, %dma_wait3A_872] : memref<16x1024x1024xf32, #tpu.memory_space<hbm>> -> memref<1x32x32xf32, #tpu.memory_space<hbm>>
    %dma_wait3A_874 = tpu.memref_squeeze %dma_wait3A_873 : memref<1x32x32xf32, #tpu.memory_space<hbm>> -> memref<32x32xf32, #tpu.memory_space<hbm>>
    %dma_wait3A_875 = arith.constant 0 : i32
    %dma_wait3A_876 = arith.constant 0 : i32
    %dma_wait3A_877 = tpu.memref_slice %arg3[%dma_wait3A_866, %dma_wait3A_875, %dma_wait3A_876] : memref<16x1024x1024xf32, #tpu.memory_space<hbm>> -> memref<1x32x32xf32, #tpu.memory_space<hbm>>
    %dma_wait3A_878 = tpu.memref_squeeze %dma_wait3A_877 : memref<1x32x32xf32, #tpu.memory_space<hbm>> -> memref<32x32xf32, #tpu.memory_space<hbm>>
    %dma_wait3A_879 = arith.constant 0 : i32
    %dma_wait3A_880 = arith.constant 0 : i32
    %dma_wait3A_881 = tpu.memref_slice %arg5[%dma_wait3A_865, %dma_wait3A_879, %dma_wait3A_880] : memref<63x32x32xf32, #tpu.memory_space<vmem>> -> memref<1x32x32xf32, #tpu.memory_space<vmem>>
    %dma_wait3A_882 = tpu.memref_squeeze %dma_wait3A_881 : memref<1x32x32xf32, #tpu.memory_space<vmem>> -> memref<32x32xf32, #tpu.memory_space<vmem>>
    tpu.wait_dma2 semaphore(%arg6 : memref<!tpu.dma_semaphore, #tpu.memory_space<semaphore_mem>>) src(%dma_wait3A_882 : memref<32x32xf32, #tpu.memory_space<vmem>>) dst(%dma_wait3A_878 : memref<32x32xf32, #tpu.memory_space<hbm>>)
    %dma_wait3A_883 = arith.constant 0 : i32
    %dma_wait3A_884 = arith.constant 0 : i32
    %dma_wait3A_885 = arith.constant 0 : i32
    %dma_wait3A_886 = arith.constant 0 : i32
    %dma_wait3A_887 = tpu.memref_slice %arg5[%dma_wait3A_883, %dma_wait3A_885, %dma_wait3A_886] : memref<63x32x32xf32, #tpu.memory_space<vmem>> -> memref<1x32x32xf32, #tpu.memory_space<vmem>>
    %dma_wait3A_888 = tpu.memref_squeeze %dma_wait3A_887 : memref<1x32x32xf32, #tpu.memory_space<vmem>> -> memref<32x32xf32, #tpu.memory_space<vmem>>
    %dma_wait3A_889 = arith.constant 0 : i32
    %dma_wait3A_890 = arith.constant 0 : i32
    %dma_wait3A_891 = tpu.memref_slice %arg3[%dma_wait3A_884, %dma_wait3A_889, %dma_wait3A_890] : memref<16x1024x1024xf32, #tpu.memory_space<hbm>> -> memref<1x32x32xf32, #tpu.memory_space<hbm>>
    %dma_wait3A_892 = tpu.memref_squeeze %dma_wait3A_891 : memref<1x32x32xf32, #tpu.memory_space<hbm>> -> memref<32x32xf32, #tpu.memory_space<hbm>>
    %dma_wait3A_893 = arith.constant 0 : i32
    %dma_wait3A_894 = arith.constant 0 : i32
    %dma_wait3A_895 = tpu.memref_slice %arg3[%dma_wait3A_884, %dma_wait3A_893, %dma_wait3A_894] : memref<16x1024x1024xf32, #tpu.memory_space<hbm>> -> memref<1x32x32xf32, #tpu.memory_space<hbm>>
    %dma_wait3A_896 = tpu.memref_squeeze %dma_wait3A_895 : memref<1x32x32xf32, #tpu.memory_space<hbm>> -> memref<32x32xf32, #tpu.memory_space<hbm>>
    %dma_wait3A_897 = arith.constant 0 : i32
    %dma_wait3A_898 = arith.constant 0 : i32
    %dma_wait3A_899 = tpu.memref_slice %arg5[%dma_wait3A_883, %dma_wait3A_897, %dma_wait3A_898] : memref<63x32x32xf32, #tpu.memory_space<vmem>> -> memref<1x32x32xf32, #tpu.memory_space<vmem>>
    %dma_wait3A_900 = tpu.memref_squeeze %dma_wait3A_899 : memref<1x32x32xf32, #tpu.memory_space<vmem>> -> memref<32x32xf32, #tpu.memory_space<vmem>>
    tpu.wait_dma2 semaphore(%arg6 : memref<!tpu.dma_semaphore, #tpu.memory_space<semaphore_mem>>) src(%dma_wait3A_900 : memref<32x32xf32, #tpu.memory_space<vmem>>) dst(%dma_wait3A_896 : memref<32x32xf32, #tpu.memory_space<hbm>>)
    %dma_wait3A_901 = arith.constant 0 : i32
    %dma_wait3A_902 = arith.constant 0 : i32
    %dma_wait3A_903 = arith.constant 0 : i32
    %dma_wait3A_904 = arith.constant 0 : i32
    %dma_wait3A_905 = tpu.memref_slice %arg5[%dma_wait3A_901, %dma_wait3A_903, %dma_wait3A_904] : memref<63x32x32xf32, #tpu.memory_space<vmem>> -> memref<1x32x32xf32, #tpu.memory_space<vmem>>
    %dma_wait3A_906 = tpu.memref_squeeze %dma_wait3A_905 : memref<1x32x32xf32, #tpu.memory_space<vmem>> -> memref<32x32xf32, #tpu.memory_space<vmem>>
    %dma_wait3A_907 = arith.constant 0 : i32
    %dma_wait3A_908 = arith.constant 0 : i32
    %dma_wait3A_909 = tpu.memref_slice %arg3[%dma_wait3A_902, %dma_wait3A_907, %dma_wait3A_908] : memref<16x1024x1024xf32, #tpu.memory_space<hbm>> -> memref<1x32x32xf32, #tpu.memory_space<hbm>>
    %dma_wait3A_910 = tpu.memref_squeeze %dma_wait3A_909 : memref<1x32x32xf32, #tpu.memory_space<hbm>> -> memref<32x32xf32, #tpu.memory_space<hbm>>
    %dma_wait3A_911 = arith.constant 0 : i32
    %dma_wait3A_912 = arith.constant 0 : i32
    %dma_wait3A_913 = tpu.memref_slice %arg3[%dma_wait3A_902, %dma_wait3A_911, %dma_wait3A_912] : memref<16x1024x1024xf32, #tpu.memory_space<hbm>> -> memref<1x32x32xf32, #tpu.memory_space<hbm>>
    %dma_wait3A_914 = tpu.memref_squeeze %dma_wait3A_913 : memref<1x32x32xf32, #tpu.memory_space<hbm>> -> memref<32x32xf32, #tpu.memory_space<hbm>>
    %dma_wait3A_915 = arith.constant 0 : i32
    %dma_wait3A_916 = arith.constant 0 : i32
    %dma_wait3A_917 = tpu.memref_slice %arg5[%dma_wait3A_901, %dma_wait3A_915, %dma_wait3A_916] : memref<63x32x32xf32, #tpu.memory_space<vmem>> -> memref<1x32x32xf32, #tpu.memory_space<vmem>>
    %dma_wait3A_918 = tpu.memref_squeeze %dma_wait3A_917 : memref<1x32x32xf32, #tpu.memory_space<vmem>> -> memref<32x32xf32, #tpu.memory_space<vmem>>
    tpu.wait_dma2 semaphore(%arg6 : memref<!tpu.dma_semaphore, #tpu.memory_space<semaphore_mem>>) src(%dma_wait3A_918 : memref<32x32xf32, #tpu.memory_space<vmem>>) dst(%dma_wait3A_914 : memref<32x32xf32, #tpu.memory_space<hbm>>)
    %dma_wait3A_919 = arith.constant 0 : i32
    %dma_wait3A_920 = arith.constant 0 : i32
    %dma_wait3A_921 = arith.constant 0 : i32
    %dma_wait3A_922 = arith.constant 0 : i32
    %dma_wait3A_923 = tpu.memref_slice %arg5[%dma_wait3A_919, %dma_wait3A_921, %dma_wait3A_922] : memref<63x32x32xf32, #tpu.memory_space<vmem>> -> memref<1x32x32xf32, #tpu.memory_space<vmem>>
    %dma_wait3A_924 = tpu.memref_squeeze %dma_wait3A_923 : memref<1x32x32xf32, #tpu.memory_space<vmem>> -> memref<32x32xf32, #tpu.memory_space<vmem>>
    %dma_wait3A_925 = arith.constant 0 : i32
    %dma_wait3A_926 = arith.constant 0 : i32
    %dma_wait3A_927 = tpu.memref_slice %arg3[%dma_wait3A_920, %dma_wait3A_925, %dma_wait3A_926] : memref<16x1024x1024xf32, #tpu.memory_space<hbm>> -> memref<1x32x32xf32, #tpu.memory_space<hbm>>
    %dma_wait3A_928 = tpu.memref_squeeze %dma_wait3A_927 : memref<1x32x32xf32, #tpu.memory_space<hbm>> -> memref<32x32xf32, #tpu.memory_space<hbm>>
    %dma_wait3A_929 = arith.constant 0 : i32
    %dma_wait3A_930 = arith.constant 0 : i32
    %dma_wait3A_931 = tpu.memref_slice %arg3[%dma_wait3A_920, %dma_wait3A_929, %dma_wait3A_930] : memref<16x1024x1024xf32, #tpu.memory_space<hbm>> -> memref<1x32x32xf32, #tpu.memory_space<hbm>>
    %dma_wait3A_932 = tpu.memref_squeeze %dma_wait3A_931 : memref<1x32x32xf32, #tpu.memory_space<hbm>> -> memref<32x32xf32, #tpu.memory_space<hbm>>
    %dma_wait3A_933 = arith.constant 0 : i32
    %dma_wait3A_934 = arith.constant 0 : i32
    %dma_wait3A_935 = tpu.memref_slice %arg5[%dma_wait3A_919, %dma_wait3A_933, %dma_wait3A_934] : memref<63x32x32xf32, #tpu.memory_space<vmem>> -> memref<1x32x32xf32, #tpu.memory_space<vmem>>
    %dma_wait3A_936 = tpu.memref_squeeze %dma_wait3A_935 : memref<1x32x32xf32, #tpu.memory_space<vmem>> -> memref<32x32xf32, #tpu.memory_space<vmem>>
    tpu.wait_dma2 semaphore(%arg6 : memref<!tpu.dma_semaphore, #tpu.memory_space<semaphore_mem>>) src(%dma_wait3A_936 : memref<32x32xf32, #tpu.memory_space<vmem>>) dst(%dma_wait3A_932 : memref<32x32xf32, #tpu.memory_space<hbm>>)
    %dma_wait3A_937 = arith.constant 0 : i32
    %dma_wait3A_938 = arith.constant 0 : i32
    %dma_wait3A_939 = arith.constant 0 : i32
    %dma_wait3A_940 = arith.constant 0 : i32
    %dma_wait3A_941 = tpu.memref_slice %arg5[%dma_wait3A_937, %dma_wait3A_939, %dma_wait3A_940] : memref<63x32x32xf32, #tpu.memory_space<vmem>> -> memref<1x32x32xf32, #tpu.memory_space<vmem>>
    %dma_wait3A_942 = tpu.memref_squeeze %dma_wait3A_941 : memref<1x32x32xf32, #tpu.memory_space<vmem>> -> memref<32x32xf32, #tpu.memory_space<vmem>>
    %dma_wait3A_943 = arith.constant 0 : i32
    %dma_wait3A_944 = arith.constant 0 : i32
    %dma_wait3A_945 = tpu.memref_slice %arg3[%dma_wait3A_938, %dma_wait3A_943, %dma_wait3A_944] : memref<16x1024x1024xf32, #tpu.memory_space<hbm>> -> memref<1x32x32xf32, #tpu.memory_space<hbm>>
    %dma_wait3A_946 = tpu.memref_squeeze %dma_wait3A_945 : memref<1x32x32xf32, #tpu.memory_space<hbm>> -> memref<32x32xf32, #tpu.memory_space<hbm>>
    %dma_wait3A_947 = arith.constant 0 : i32
    %dma_wait3A_948 = arith.constant 0 : i32
    %dma_wait3A_949 = tpu.memref_slice %arg3[%dma_wait3A_938, %dma_wait3A_947, %dma_wait3A_948] : memref<16x1024x1024xf32, #tpu.memory_space<hbm>> -> memref<1x32x32xf32, #tpu.memory_space<hbm>>
    %dma_wait3A_950 = tpu.memref_squeeze %dma_wait3A_949 : memref<1x32x32xf32, #tpu.memory_space<hbm>> -> memref<32x32xf32, #tpu.memory_space<hbm>>
    %dma_wait3A_951 = arith.constant 0 : i32
    %dma_wait3A_952 = arith.constant 0 : i32
    %dma_wait3A_953 = tpu.memref_slice %arg5[%dma_wait3A_937, %dma_wait3A_951, %dma_wait3A_952] : memref<63x32x32xf32, #tpu.memory_space<vmem>> -> memref<1x32x32xf32, #tpu.memory_space<vmem>>
    %dma_wait3A_954 = tpu.memref_squeeze %dma_wait3A_953 : memref<1x32x32xf32, #tpu.memory_space<vmem>> -> memref<32x32xf32, #tpu.memory_space<vmem>>
    tpu.wait_dma2 semaphore(%arg6 : memref<!tpu.dma_semaphore, #tpu.memory_space<semaphore_mem>>) src(%dma_wait3A_954 : memref<32x32xf32, #tpu.memory_space<vmem>>) dst(%dma_wait3A_950 : memref<32x32xf32, #tpu.memory_space<hbm>>)
    %dma_wait3A_955 = arith.constant 0 : i32
    %dma_wait3A_956 = arith.constant 0 : i32
    %dma_wait3A_957 = arith.constant 0 : i32
    %dma_wait3A_958 = arith.constant 0 : i32
    %dma_wait3A_959 = tpu.memref_slice %arg5[%dma_wait3A_955, %dma_wait3A_957, %dma_wait3A_958] : memref<63x32x32xf32, #tpu.memory_space<vmem>> -> memref<1x32x32xf32, #tpu.memory_space<vmem>>
    %dma_wait3A_960 = tpu.memref_squeeze %dma_wait3A_959 : memref<1x32x32xf32, #tpu.memory_space<vmem>> -> memref<32x32xf32, #tpu.memory_space<vmem>>
    %dma_wait3A_961 = arith.constant 0 : i32
    %dma_wait3A_962 = arith.constant 0 : i32
    %dma_wait3A_963 = tpu.memref_slice %arg3[%dma_wait3A_956, %dma_wait3A_961, %dma_wait3A_962] : memref<16x1024x1024xf32, #tpu.memory_space<hbm>> -> memref<1x32x32xf32, #tpu.memory_space<hbm>>
    %dma_wait3A_964 = tpu.memref_squeeze %dma_wait3A_963 : memref<1x32x32xf32, #tpu.memory_space<hbm>> -> memref<32x32xf32, #tpu.memory_space<hbm>>
    %dma_wait3A_965 = arith.constant 0 : i32
    %dma_wait3A_966 = arith.constant 0 : i32
    %dma_wait3A_967 = tpu.memref_slice %arg3[%dma_wait3A_956, %dma_wait3A_965, %dma_wait3A_966] : memref<16x1024x1024xf32, #tpu.memory_space<hbm>> -> memref<1x32x32xf32, #tpu.memory_space<hbm>>
    %dma_wait3A_968 = tpu.memref_squeeze %dma_wait3A_967 : memref<1x32x32xf32, #tpu.memory_space<hbm>> -> memref<32x32xf32, #tpu.memory_space<hbm>>
    %dma_wait3A_969 = arith.constant 0 : i32
    %dma_wait3A_970 = arith.constant 0 : i32
    %dma_wait3A_971 = tpu.memref_slice %arg5[%dma_wait3A_955, %dma_wait3A_969, %dma_wait3A_970] : memref<63x32x32xf32, #tpu.memory_space<vmem>> -> memref<1x32x32xf32, #tpu.memory_space<vmem>>
    %dma_wait3A_972 = tpu.memref_squeeze %dma_wait3A_971 : memref<1x32x32xf32, #tpu.memory_space<vmem>> -> memref<32x32xf32, #tpu.memory_space<vmem>>
    tpu.wait_dma2 semaphore(%arg6 : memref<!tpu.dma_semaphore, #tpu.memory_space<semaphore_mem>>) src(%dma_wait3A_972 : memref<32x32xf32, #tpu.memory_space<vmem>>) dst(%dma_wait3A_968 : memref<32x32xf32, #tpu.memory_space<hbm>>)
    %dma_wait3A_973 = arith.constant 0 : i32
    %dma_wait3A_974 = arith.constant 0 : i32
    %dma_wait3A_975 = arith.constant 0 : i32
    %dma_wait3A_976 = arith.constant 0 : i32
    %dma_wait3A_977 = tpu.memref_slice %arg5[%dma_wait3A_973, %dma_wait3A_975, %dma_wait3A_976] : memref<63x32x32xf32, #tpu.memory_space<vmem>> -> memref<1x32x32xf32, #tpu.memory_space<vmem>>
    %dma_wait3A_978 = tpu.memref_squeeze %dma_wait3A_977 : memref<1x32x32xf32, #tpu.memory_space<vmem>> -> memref<32x32xf32, #tpu.memory_space<vmem>>
    %dma_wait3A_979 = arith.constant 0 : i32
    %dma_wait3A_980 = arith.constant 0 : i32
    %dma_wait3A_981 = tpu.memref_slice %arg3[%dma_wait3A_974, %dma_wait3A_979, %dma_wait3A_980] : memref<16x1024x1024xf32, #tpu.memory_space<hbm>> -> memref<1x32x32xf32, #tpu.memory_space<hbm>>
    %dma_wait3A_982 = tpu.memref_squeeze %dma_wait3A_981 : memref<1x32x32xf32, #tpu.memory_space<hbm>> -> memref<32x32xf32, #tpu.memory_space<hbm>>
    %dma_wait3A_983 = arith.constant 0 : i32
    %dma_wait3A_984 = arith.constant 0 : i32
    %dma_wait3A_985 = tpu.memref_slice %arg3[%dma_wait3A_974, %dma_wait3A_983, %dma_wait3A_984] : memref<16x1024x1024xf32, #tpu.memory_space<hbm>> -> memref<1x32x32xf32, #tpu.memory_space<hbm>>
    %dma_wait3A_986 = tpu.memref_squeeze %dma_wait3A_985 : memref<1x32x32xf32, #tpu.memory_space<hbm>> -> memref<32x32xf32, #tpu.memory_space<hbm>>
    %dma_wait3A_987 = arith.constant 0 : i32
    %dma_wait3A_988 = arith.constant 0 : i32
    %dma_wait3A_989 = tpu.memref_slice %arg5[%dma_wait3A_973, %dma_wait3A_987, %dma_wait3A_988] : memref<63x32x32xf32, #tpu.memory_space<vmem>> -> memref<1x32x32xf32, #tpu.memory_space<vmem>>
    %dma_wait3A_990 = tpu.memref_squeeze %dma_wait3A_989 : memref<1x32x32xf32, #tpu.memory_space<vmem>> -> memref<32x32xf32, #tpu.memory_space<vmem>>
    tpu.wait_dma2 semaphore(%arg6 : memref<!tpu.dma_semaphore, #tpu.memory_space<semaphore_mem>>) src(%dma_wait3A_990 : memref<32x32xf32, #tpu.memory_space<vmem>>) dst(%dma_wait3A_986 : memref<32x32xf32, #tpu.memory_space<hbm>>)
    %dma_wait3A_991 = arith.constant 0 : i32
    %dma_wait3A_992 = arith.constant 0 : i32
    %dma_wait3A_993 = arith.constant 0 : i32
    %dma_wait3A_994 = arith.constant 0 : i32
    %dma_wait3A_995 = tpu.memref_slice %arg5[%dma_wait3A_991, %dma_wait3A_993, %dma_wait3A_994] : memref<63x32x32xf32, #tpu.memory_space<vmem>> -> memref<1x32x32xf32, #tpu.memory_space<vmem>>
    %dma_wait3A_996 = tpu.memref_squeeze %dma_wait3A_995 : memref<1x32x32xf32, #tpu.memory_space<vmem>> -> memref<32x32xf32, #tpu.memory_space<vmem>>
    %dma_wait3A_997 = arith.constant 0 : i32
    %dma_wait3A_998 = arith.constant 0 : i32
    %dma_wait3A_999 = tpu.memref_slice %arg3[%dma_wait3A_992, %dma_wait3A_997, %dma_wait3A_998] : memref<16x1024x1024xf32, #tpu.memory_space<hbm>> -> memref<1x32x32xf32, #tpu.memory_space<hbm>>
    %dma_wait3A_1000 = tpu.memref_squeeze %dma_wait3A_999 : memref<1x32x32xf32, #tpu.memory_space<hbm>> -> memref<32x32xf32, #tpu.memory_space<hbm>>
    %dma_wait3A_1001 = arith.constant 0 : i32
    %dma_wait3A_1002 = arith.constant 0 : i32
    %dma_wait3A_1003 = tpu.memref_slice %arg3[%dma_wait3A_992, %dma_wait3A_1001, %dma_wait3A_1002] : memref<16x1024x1024xf32, #tpu.memory_space<hbm>> -> memref<1x32x32xf32, #tpu.memory_space<hbm>>
    %dma_wait3A_1004 = tpu.memref_squeeze %dma_wait3A_1003 : memref<1x32x32xf32, #tpu.memory_space<hbm>> -> memref<32x32xf32, #tpu.memory_space<hbm>>
    %dma_wait3A_1005 = arith.constant 0 : i32
    %dma_wait3A_1006 = arith.constant 0 : i32
    %dma_wait3A_1007 = tpu.memref_slice %arg5[%dma_wait3A_991, %dma_wait3A_1005, %dma_wait3A_1006] : memref<63x32x32xf32, #tpu.memory_space<vmem>> -> memref<1x32x32xf32, #tpu.memory_space<vmem>>
    %dma_wait3A_1008 = tpu.memref_squeeze %dma_wait3A_1007 : memref<1x32x32xf32, #tpu.memory_space<vmem>> -> memref<32x32xf32, #tpu.memory_space<vmem>>
    tpu.wait_dma2 semaphore(%arg6 : memref<!tpu.dma_semaphore, #tpu.memory_space<semaphore_mem>>) src(%dma_wait3A_1008 : memref<32x32xf32, #tpu.memory_space<vmem>>) dst(%dma_wait3A_1004 : memref<32x32xf32, #tpu.memory_space<hbm>>)
    %dma_wait3A_1009 = arith.constant 0 : i32
    %dma_wait3A_1010 = arith.constant 0 : i32
    %dma_wait3A_1011 = arith.constant 0 : i32
    %dma_wait3A_1012 = arith.constant 0 : i32
    %dma_wait3A_1013 = tpu.memref_slice %arg5[%dma_wait3A_1009, %dma_wait3A_1011, %dma_wait3A_1012] : memref<63x32x32xf32, #tpu.memory_space<vmem>> -> memref<1x32x32xf32, #tpu.memory_space<vmem>>
    %dma_wait3A_1014 = tpu.memref_squeeze %dma_wait3A_1013 : memref<1x32x32xf32, #tpu.memory_space<vmem>> -> memref<32x32xf32, #tpu.memory_space<vmem>>
    %dma_wait3A_1015 = arith.constant 0 : i32
    %dma_wait3A_1016 = arith.constant 0 : i32
    %dma_wait3A_1017 = tpu.memref_slice %arg3[%dma_wait3A_1010, %dma_wait3A_1015, %dma_wait3A_1016] : memref<16x1024x1024xf32, #tpu.memory_space<hbm>> -> memref<1x32x32xf32, #tpu.memory_space<hbm>>
    %dma_wait3A_1018 = tpu.memref_squeeze %dma_wait3A_1017 : memref<1x32x32xf32, #tpu.memory_space<hbm>> -> memref<32x32xf32, #tpu.memory_space<hbm>>
    %dma_wait3A_1019 = arith.constant 0 : i32
    %dma_wait3A_1020 = arith.constant 0 : i32
    %dma_wait3A_1021 = tpu.memref_slice %arg3[%dma_wait3A_1010, %dma_wait3A_1019, %dma_wait3A_1020] : memref<16x1024x1024xf32, #tpu.memory_space<hbm>> -> memref<1x32x32xf32, #tpu.memory_space<hbm>>
    %dma_wait3A_1022 = tpu.memref_squeeze %dma_wait3A_1021 : memref<1x32x32xf32, #tpu.memory_space<hbm>> -> memref<32x32xf32, #tpu.memory_space<hbm>>
    %dma_wait3A_1023 = arith.constant 0 : i32
    %dma_wait3A_1024 = arith.constant 0 : i32
    %dma_wait3A_1025 = tpu.memref_slice %arg5[%dma_wait3A_1009, %dma_wait3A_1023, %dma_wait3A_1024] : memref<63x32x32xf32, #tpu.memory_space<vmem>> -> memref<1x32x32xf32, #tpu.memory_space<vmem>>
    %dma_wait3A_1026 = tpu.memref_squeeze %dma_wait3A_1025 : memref<1x32x32xf32, #tpu.memory_space<vmem>> -> memref<32x32xf32, #tpu.memory_space<vmem>>
    tpu.wait_dma2 semaphore(%arg6 : memref<!tpu.dma_semaphore, #tpu.memory_space<semaphore_mem>>) src(%dma_wait3A_1026 : memref<32x32xf32, #tpu.memory_space<vmem>>) dst(%dma_wait3A_1022 : memref<32x32xf32, #tpu.memory_space<hbm>>)
    %dma_wait3A_1027 = arith.constant 0 : i32
    %dma_wait3A_1028 = arith.constant 0 : i32
    %dma_wait3A_1029 = arith.constant 0 : i32
    %dma_wait3A_1030 = arith.constant 0 : i32
    %dma_wait3A_1031 = tpu.memref_slice %arg5[%dma_wait3A_1027, %dma_wait3A_1029, %dma_wait3A_1030] : memref<63x32x32xf32, #tpu.memory_space<vmem>> -> memref<1x32x32xf32, #tpu.memory_space<vmem>>
    %dma_wait3A_1032 = tpu.memref_squeeze %dma_wait3A_1031 : memref<1x32x32xf32, #tpu.memory_space<vmem>> -> memref<32x32xf32, #tpu.memory_space<vmem>>
    %dma_wait3A_1033 = arith.constant 0 : i32
    %dma_wait3A_1034 = arith.constant 0 : i32
    %dma_wait3A_1035 = tpu.memref_slice %arg3[%dma_wait3A_1028, %dma_wait3A_1033, %dma_wait3A_1034] : memref<16x1024x1024xf32, #tpu.memory_space<hbm>> -> memref<1x32x32xf32, #tpu.memory_space<hbm>>
    %dma_wait3A_1036 = tpu.memref_squeeze %dma_wait3A_1035 : memref<1x32x32xf32, #tpu.memory_space<hbm>> -> memref<32x32xf32, #tpu.memory_space<hbm>>
    %dma_wait3A_1037 = arith.constant 0 : i32
    %dma_wait3A_1038 = arith.constant 0 : i32
    %dma_wait3A_1039 = tpu.memref_slice %arg3[%dma_wait3A_1028, %dma_wait3A_1037, %dma_wait3A_1038] : memref<16x1024x1024xf32, #tpu.memory_space<hbm>> -> memref<1x32x32xf32, #tpu.memory_space<hbm>>
    %dma_wait3A_1040 = tpu.memref_squeeze %dma_wait3A_1039 : memref<1x32x32xf32, #tpu.memory_space<hbm>> -> memref<32x32xf32, #tpu.memory_space<hbm>>
    %dma_wait3A_1041 = arith.constant 0 : i32
    %dma_wait3A_1042 = arith.constant 0 : i32
    %dma_wait3A_1043 = tpu.memref_slice %arg5[%dma_wait3A_1027, %dma_wait3A_1041, %dma_wait3A_1042] : memref<63x32x32xf32, #tpu.memory_space<vmem>> -> memref<1x32x32xf32, #tpu.memory_space<vmem>>
    %dma_wait3A_1044 = tpu.memref_squeeze %dma_wait3A_1043 : memref<1x32x32xf32, #tpu.memory_space<vmem>> -> memref<32x32xf32, #tpu.memory_space<vmem>>
    tpu.wait_dma2 semaphore(%arg6 : memref<!tpu.dma_semaphore, #tpu.memory_space<semaphore_mem>>) src(%dma_wait3A_1044 : memref<32x32xf32, #tpu.memory_space<vmem>>) dst(%dma_wait3A_1040 : memref<32x32xf32, #tpu.memory_space<hbm>>)
    %dma_wait3A_1045 = arith.constant 0 : i32
    %dma_wait3A_1046 = arith.constant 0 : i32
    %dma_wait3A_1047 = arith.constant 0 : i32
    %dma_wait3A_1048 = arith.constant 0 : i32
    %dma_wait3A_1049 = tpu.memref_slice %arg5[%dma_wait3A_1045, %dma_wait3A_1047, %dma_wait3A_1048] : memref<63x32x32xf32, #tpu.memory_space<vmem>> -> memref<1x32x32xf32, #tpu.memory_space<vmem>>
    %dma_wait3A_1050 = tpu.memref_squeeze %dma_wait3A_1049 : memref<1x32x32xf32, #tpu.memory_space<vmem>> -> memref<32x32xf32, #tpu.memory_space<vmem>>
    %dma_wait3A_1051 = arith.constant 0 : i32
    %dma_wait3A_1052 = arith.constant 0 : i32
    %dma_wait3A_1053 = tpu.memref_slice %arg3[%dma_wait3A_1046, %dma_wait3A_1051, %dma_wait3A_1052] : memref<16x1024x1024xf32, #tpu.memory_space<hbm>> -> memref<1x32x32xf32, #tpu.memory_space<hbm>>
    %dma_wait3A_1054 = tpu.memref_squeeze %dma_wait3A_1053 : memref<1x32x32xf32, #tpu.memory_space<hbm>> -> memref<32x32xf32, #tpu.memory_space<hbm>>
    %dma_wait3A_1055 = arith.constant 0 : i32
    %dma_wait3A_1056 = arith.constant 0 : i32
    %dma_wait3A_1057 = tpu.memref_slice %arg3[%dma_wait3A_1046, %dma_wait3A_1055, %dma_wait3A_1056] : memref<16x1024x1024xf32, #tpu.memory_space<hbm>> -> memref<1x32x32xf32, #tpu.memory_space<hbm>>
    %dma_wait3A_1058 = tpu.memref_squeeze %dma_wait3A_1057 : memref<1x32x32xf32, #tpu.memory_space<hbm>> -> memref<32x32xf32, #tpu.memory_space<hbm>>
    %dma_wait3A_1059 = arith.constant 0 : i32
    %dma_wait3A_1060 = arith.constant 0 : i32
    %dma_wait3A_1061 = tpu.memref_slice %arg5[%dma_wait3A_1045, %dma_wait3A_1059, %dma_wait3A_1060] : memref<63x32x32xf32, #tpu.memory_space<vmem>> -> memref<1x32x32xf32, #tpu.memory_space<vmem>>
    %dma_wait3A_1062 = tpu.memref_squeeze %dma_wait3A_1061 : memref<1x32x32xf32, #tpu.memory_space<vmem>> -> memref<32x32xf32, #tpu.memory_space<vmem>>
    tpu.wait_dma2 semaphore(%arg6 : memref<!tpu.dma_semaphore, #tpu.memory_space<semaphore_mem>>) src(%dma_wait3A_1062 : memref<32x32xf32, #tpu.memory_space<vmem>>) dst(%dma_wait3A_1058 : memref<32x32xf32, #tpu.memory_space<hbm>>)
    %dma_wait3A_1063 = arith.constant 0 : i32
    %dma_wait3A_1064 = arith.constant 0 : i32
    %dma_wait3A_1065 = arith.constant 0 : i32
    %dma_wait3A_1066 = arith.constant 0 : i32
    %dma_wait3A_1067 = tpu.memref_slice %arg5[%dma_wait3A_1063, %dma_wait3A_1065, %dma_wait3A_1066] : memref<63x32x32xf32, #tpu.memory_space<vmem>> -> memref<1x32x32xf32, #tpu.memory_space<vmem>>
    %dma_wait3A_1068 = tpu.memref_squeeze %dma_wait3A_1067 : memref<1x32x32xf32, #tpu.memory_space<vmem>> -> memref<32x32xf32, #tpu.memory_space<vmem>>
    %dma_wait3A_1069 = arith.constant 0 : i32
    %dma_wait3A_1070 = arith.constant 0 : i32
    %dma_wait3A_1071 = tpu.memref_slice %arg3[%dma_wait3A_1064, %dma_wait3A_1069, %dma_wait3A_1070] : memref<16x1024x1024xf32, #tpu.memory_space<hbm>> -> memref<1x32x32xf32, #tpu.memory_space<hbm>>
    %dma_wait3A_1072 = tpu.memref_squeeze %dma_wait3A_1071 : memref<1x32x32xf32, #tpu.memory_space<hbm>> -> memref<32x32xf32, #tpu.memory_space<hbm>>
    %dma_wait3A_1073 = arith.constant 0 : i32
    %dma_wait3A_1074 = arith.constant 0 : i32
    %dma_wait3A_1075 = tpu.memref_slice %arg3[%dma_wait3A_1064, %dma_wait3A_1073, %dma_wait3A_1074] : memref<16x1024x1024xf32, #tpu.memory_space<hbm>> -> memref<1x32x32xf32, #tpu.memory_space<hbm>>
    %dma_wait3A_1076 = tpu.memref_squeeze %dma_wait3A_1075 : memref<1x32x32xf32, #tpu.memory_space<hbm>> -> memref<32x32xf32, #tpu.memory_space<hbm>>
    %dma_wait3A_1077 = arith.constant 0 : i32
    %dma_wait3A_1078 = arith.constant 0 : i32
    %dma_wait3A_1079 = tpu.memref_slice %arg5[%dma_wait3A_1063, %dma_wait3A_1077, %dma_wait3A_1078] : memref<63x32x32xf32, #tpu.memory_space<vmem>> -> memref<1x32x32xf32, #tpu.memory_space<vmem>>
    %dma_wait3A_1080 = tpu.memref_squeeze %dma_wait3A_1079 : memref<1x32x32xf32, #tpu.memory_space<vmem>> -> memref<32x32xf32, #tpu.memory_space<vmem>>
    tpu.wait_dma2 semaphore(%arg6 : memref<!tpu.dma_semaphore, #tpu.memory_space<semaphore_mem>>) src(%dma_wait3A_1080 : memref<32x32xf32, #tpu.memory_space<vmem>>) dst(%dma_wait3A_1076 : memref<32x32xf32, #tpu.memory_space<hbm>>)
    %dma_wait3A_1081 = arith.constant 0 : i32
    %dma_wait3A_1082 = arith.constant 0 : i32
    %dma_wait3A_1083 = arith.constant 0 : i32
    %dma_wait3A_1084 = arith.constant 0 : i32
    %dma_wait3A_1085 = tpu.memref_slice %arg5[%dma_wait3A_1081, %dma_wait3A_1083, %dma_wait3A_1084] : memref<63x32x32xf32, #tpu.memory_space<vmem>> -> memref<1x32x32xf32, #tpu.memory_space<vmem>>
    %dma_wait3A_1086 = tpu.memref_squeeze %dma_wait3A_1085 : memref<1x32x32xf32, #tpu.memory_space<vmem>> -> memref<32x32xf32, #tpu.memory_space<vmem>>
    %dma_wait3A_1087 = arith.constant 0 : i32
    %dma_wait3A_1088 = arith.constant 0 : i32
    %dma_wait3A_1089 = tpu.memref_slice %arg3[%dma_wait3A_1082, %dma_wait3A_1087, %dma_wait3A_1088] : memref<16x1024x1024xf32, #tpu.memory_space<hbm>> -> memref<1x32x32xf32, #tpu.memory_space<hbm>>
    %dma_wait3A_1090 = tpu.memref_squeeze %dma_wait3A_1089 : memref<1x32x32xf32, #tpu.memory_space<hbm>> -> memref<32x32xf32, #tpu.memory_space<hbm>>
    %dma_wait3A_1091 = arith.constant 0 : i32
    %dma_wait3A_1092 = arith.constant 0 : i32
    %dma_wait3A_1093 = tpu.memref_slice %arg3[%dma_wait3A_1082, %dma_wait3A_1091, %dma_wait3A_1092] : memref<16x1024x1024xf32, #tpu.memory_space<hbm>> -> memref<1x32x32xf32, #tpu.memory_space<hbm>>
    %dma_wait3A_1094 = tpu.memref_squeeze %dma_wait3A_1093 : memref<1x32x32xf32, #tpu.memory_space<hbm>> -> memref<32x32xf32, #tpu.memory_space<hbm>>
    %dma_wait3A_1095 = arith.constant 0 : i32
    %dma_wait3A_1096 = arith.constant 0 : i32
    %dma_wait3A_1097 = tpu.memref_slice %arg5[%dma_wait3A_1081, %dma_wait3A_1095, %dma_wait3A_1096] : memref<63x32x32xf32, #tpu.memory_space<vmem>> -> memref<1x32x32xf32, #tpu.memory_space<vmem>>
    %dma_wait3A_1098 = tpu.memref_squeeze %dma_wait3A_1097 : memref<1x32x32xf32, #tpu.memory_space<vmem>> -> memref<32x32xf32, #tpu.memory_space<vmem>>
    tpu.wait_dma2 semaphore(%arg6 : memref<!tpu.dma_semaphore, #tpu.memory_space<semaphore_mem>>) src(%dma_wait3A_1098 : memref<32x32xf32, #tpu.memory_space<vmem>>) dst(%dma_wait3A_1094 : memref<32x32xf32, #tpu.memory_space<hbm>>)
    return
  }
}

</mosaic_0001>

<sc_bundles>
// kernel: kernel.3.cloned.1.call-start
scs
__scs_entry_jumppad:
0x0: {  	(pc) =	sbr.rel $0x88, $3  }
0x1: {  	(tag) =	ssettag $0x0;
	lr =	simm.s32 $0x1  }
0x2: {  	[smem:$0x3FA0] =	sst lr;
	_ =	strace $0xD0000000  }
0x3: {  	_ = 	snop  }
0x4: {  	_ = 	snop  }
0x5: {  	_ = 	snop  }
0x6: {  	_ = 	snop  }
0x7: {  	_ = 	snop  }
__scs_overlays_trampoline_lowered:
0x8: {  	[smem:$0x3FAF] =	sst s0  }
0x9: {  	[smem:$0x3FB0] =	sst s1  }
0xa: {  	[smem:$0x3FB1] =	sst s2  }
0xb: {  	[smem:$0x3FB2] =	sst s3  }
0xc: {  	[smem:$0x3FB3] =	sst s4  }
0xd: {  	[smem:$0x3FB4] =	sst s5  }
0xe: {  	[smem:$0x3FB5] =	sst s6  }
0xf: {  	[smem:$0x3FB6] =	sst s7  }
0x10: {  	[smem:$0x3FB7] =	sst s8  }
0x11: {  	[smem:$0x3FB8] =	sst s9;
	s0 =	simm.s32 @!p0 $0x0  }
0x12: {  	s1 =	sld [smem:$0x3F9E];
	s0 =	simm.s32 @p0 $0x1  }
0x13: {  	[smem:$0x3FB9] =	sst s0;
	s0 =	simm.s32 @!p1 $0x0  }
0x14: {  	s2 =	sld [smem:$0x3F9D];
	s0 =	simm.s32 @p1 $0x1  }
0x15: {  	[smem:$0x3FBA] =	sst s0;
	s0 =	simm.s32 @!p2 $0x0  }
0x16: {  	s3 =	sld [smem:$0x3FDB];
	s0 =	simm.s32 @p2 $0x1  }
0x17: {  	s4 =	simm.s32 $0x1BF5;
	[smem:$0x3FBC] =	sst s0  }
0x18: {  	s0 =	sld [smem:$0x3F9F];
	_ =	swait.ge [sflag:s4], $0x0  }
0x19: {  	s7 =	sld [smem:$0x3FA0]  }
0x1a: {  	s8 =	sadd.s32 $0xFFFFE003, lr  }
0x1b: {  	s9 =	sadd.s32 $0xFFFFFEF7, lr;
	s5 =	simm.s32 $0xFFFFFFFF;
	p2 =	slt.u32 s8, $0xFFFFF086  }
0x1c: {  	p1 =	slt.u32 s9, $0xF7A;
	s5 =	simm.s32 @!p2 $0x0  }
0x1d: {  	s5 =	simm.s32 @p1 $0x1;
	p0 =	seq.s32 s7, s2  }
0x1e: {  	s7 =	smul.u32 @!p0 $0xF7A, s2;
	p2 =	seq.s32 @!p0 s5, $0x0  }
0x1f: {  	s9 =	smul.u32 $0xF7A, s1;
	s8 =	simm.s32 @!p0 $0x1BF5;
	p2 =	por !p2, p0  }
0x20: {  	[sflag:s8] =	ssyncset.s32 @!p0 $0xFFFFF086;
	s6 =	sadd.s32 @!p0 s3, s7;
	s7 =	simm.s32 @!p0 $0x108  }
0x21: {  	s3 =	sadd.s32 s3, s9;
	s6 =	sadd.s32 @!p0 $0x88, s6;
	s7 =	simm.s32 @p2 $0x1082  }
0x22: {  	[simem:s7], [sflag:s8] =	dma.local @!p0 [hbm:s6], $0xF7A  }
0x23: {  	s9 =	sor.u32 $0xD0000000, s2;
	s6 =	simm.s32 $0x108;
	_ =	swait.ge @!p0 [sflag:s8], $0x0  }
0x24: {  	s3 =	sadd.s32 $0x88, s3;
	s6 =	simm.s32 @!p1 $0x1082;
	[sflag:s4] =	ssyncset.s32 $0xFFFFF086  }
0x25: {  	[simem:s6], [sflag:s4] =	dma.local [hbm:s3], $0xF7A  }
0x26: {  	[smem:$0x3FA0] =	sst s1;
	(tag) =	ssettag s2;
	_ =	strace s9  }
0x27: {  	s1 =	sld [smem:$0x3FB0]  }
0x28: {  	s2 =	sld [smem:$0x3FB1]  }
0x29: {  	s4 =	sld [smem:$0x3FB3]  }
0x2a: {  	p0 =	seq.s32 s5, $0x0;
	s5 =	sld [smem:$0x3FB4]  }
0x2b: {  	s6 =	sld [smem:$0x3FB5]  }
0x2c: {  	s7 =	sld [smem:$0x3FB6]  }
0x2d: {  	s3 =	simm.s32 $0x108;
	s8 =	sld [smem:$0x3FB7]  }
0x2e: {  	s3 =	simm.s32 @!p0 $0x1082;
	s9 =	sld [smem:$0x3FB8]  }
0x2f: {  	lr =	sadd.s32 s0, s3;
	s0 =	sld [smem:$0x3FAF]  }
0x30: {  	s3 =	sld [smem:$0x3FB2]  }
0x31: {  	[smem:$0x3FBB] =	sst s10  }
0x32: {  	s10 =	sld [smem:$0x3FB9];
	_ =	sdelay $0x3  }
0x33: {  	p0 =	seq.s32 s10, $0x1;
	s10 =	sld [smem:$0x3FBB];
	_ =	sdelay $0x3  }
0x34: {  	[smem:$0x3FBB] =	sst s10  }
0x35: {  	s10 =	sld [smem:$0x3FBA];
	_ =	sdelay $0x3  }
0x36: {  	p1 =	seq.s32 s10, $0x1;
	s10 =	sld [smem:$0x3FBB];
	_ =	sdelay $0x3  }
0x37: {  	[smem:$0x3FBB] =	sst s10  }
0x38: {  	s10 =	sld [smem:$0x3FBC]  }
0x39: {  	_ = 	snop;
	(pc) =	sbr.ind lr, $3  }
0x3a: {  	_ = 	snop  }
0x3b: {  	_ = 	snop  }
0x3c: {  	p2 =	seq.s32 s10, $0x1;
	s10 =	sld [smem:$0x3FBB]  }
0x3d: {  	_ =	shalt  }
0x3e: {  	_ =	shalt  }
0x3f: {  	_ =	shalt  }
0x40: {  	_ =	shalt  }
0x41: {  	_ =	shalt  }
0x42: {  	_ =	shalt  }
0x43: {  	_ =	shalt  }
0x44: {  	_ =	shalt  }
0x45: {  	_ =	shalt  }
0x46: {  	_ =	shalt  }
0x47: {  	_ =	shalt  }
0x48: {  	_ =	shalt  }
0x49: {  	_ =	shalt  }
0x4a: {  	_ =	shalt  }
0x4b: {  	_ =	shalt  }
0x4c: {  	_ =	shalt  }
0x4d: {  	_ =	shalt  }
0x4e: {  	_ =	shalt  }
0x4f: {  	_ =	shalt  }
0x50: {  	_ =	shalt  }
0x51: {  	_ =	shalt  }
0x52: {  	_ =	shalt  }
0x53: {  	_ =	shalt  }
0x54: {  	_ =	shalt  }
0x55: {  	_ =	shalt  }
0x56: {  	_ =	shalt  }
0x57: {  	_ =	shalt  }
0x58: {  	_ =	shalt  }
0x59: {  	_ =	shalt  }
0x5a: {  	_ =	shalt  }
0x5b: {  	_ =	shalt  }
0x5c: {  	_ =	shalt  }
0x5d: {  	_ =	shalt  }
0x5e: {  	_ =	shalt  }
0x5f: {  	_ =	shalt  }
0x60: {  	_ =	shalt  }
0x61: {  	_ =	shalt  }
0x62: {  	_ =	shalt  }
0x63: {  	_ =	shalt  }
0x64: {  	_ =	shalt  }
0x65: {  	_ =	shalt  }
0x66: {  	_ =	shalt  }
0x67: {  	_ =	shalt  }
0x68: {  	_ =	shalt  }
0x69: {  	_ =	shalt  }
0x6a: {  	_ =	shalt  }
0x6b: {  	_ =	shalt  }
0x6c: {  	_ =	shalt  }
0x6d: {  	_ =	shalt  }
0x6e: {  	_ =	shalt  }
0x6f: {  	_ =	shalt  }
0x70: {  	_ =	shalt  }
0x71: {  	_ =	shalt  }
0x72: {  	_ =	shalt  }
0x73: {  	_ =	shalt  }
0x74: {  	_ =	shalt  }
0x75: {  	_ =	shalt  }
0x76: {  	_ =	shalt  }
0x77: {  	_ =	shalt  }
0x78: {  	_ =	shalt  }
0x79: {  	_ =	shalt  }
0x7a: {  	_ =	shalt  }
0x7b: {  	_ =	shalt  }
0x7c: {  	_ =	shalt  }
0x7d: {  	_ =	shalt  }
0x7e: {  	_ =	shalt  }
0x7f: {  	_ =	shalt  }
0x80: {  	_ =	shalt  }
0x81: {  	_ =	shalt  }
0x82: {  	_ =	shalt  }
0x83: {  	_ =	shalt  }
0x84: {  	_ =	shalt  }
0x85: {  	_ =	shalt  }
0x86: {  	_ =	shalt  }
0x87: {  	_ =	shalt  }
.Lfunc_end0:
.L_simem_size_0:
called_computation_lowered:
.L_overlay_start_0:
0x88: {  	s2 =	sld [smem:$0x3FD9]  }
0x89: {  	s3 =	sld [smem:$0x3FFE];
	_ =	sdelay $0x1  }
0x8a: {  	s1 =	srdreg.scid  }
0x8b: {  	s0 =	sand.u32 $0x1, s1  }
0x8c: {  	s17 =	sshll.u32 s0, $0xA;
	s2 =	sadd.s32 s3, s2  }
0x8d: {  	s2 =	sadd.s32 s2, s17  }
0x8e: {  	[smem:$0x3FC7] =	sst s2  }
0x8f: {  	_ = 	snop  }
0x90: {  	s2 =	sld [smem:$0x3FD0];
	(tm) =	ssettm $0x1  }
0x91: {  	s18 =	sld [smem:$0x3FFB];
	_ =	sdelay $0x3  }
0x92: {  	_ =	strace s18  }
0x93: {  	s3 =	sld [smem:$0x3FFC];
	_ =	sdelay $0x3  }
0x94: {  	_ =	strace s3  }
0x95: {  	s3 =	sld [smem:$0x3FFD];
	_ =	sdelay $0x3  }
0x96: {  	_ =	strace s3  }
0x97: {  	_ =	strace $0x8FFFFFFF  }
0x98: {  	s19 =	sld [smem:$0x3FDB];
	_ =	sdelay $0x1  }
0x99: {  	s4 =	simm.s32 $_scs_section_size  }
0x9a: {  	s5 =	simm.s32 $_size__tile_overlayer_lowered;
	s6 =	simm.s32 $_tile_overlayer_lowered  }
0x9b: {  	s22 =	simm.s32 $0x1BFF;
	s21 =	sshll.u32 s6, $0x1;
	s3 =	sadd.s32 s4, s19  }
0x9c: {  	s7 =	simm.s32 $0x0;
	s20 =	sshll.u32 s5, $0x1;
	s5 =	sadd.s32 s21, s3  }
0x9d: {  	[timem:s7], [sflag:s22] =	dma.local [hbm:s5], s20  }
0x9e: {  	_ =	swait.ge [sflag:s22], s20  }
0x9f: {  	s4 =	ssub.s32 $0x0, s20;
	[sflag:s22] =	ssyncset.done $0x0  }
0xa0: {  	[sflag:s22] =	ssyncadd.s32 s4;
	_ =	sdelay $0x1  }
0xa1: {  	s23 =	simm.s32 $0x1B8B  }
0xa2: {  	_ =	swait.ge [sflag:s23], $0x1  }
0xa3: {  	[sflag:s23] =	ssyncset.done $0x0  }
0xa4: {  	s25 =	simm.s32 $0x1B8E;
	s24 =	sld [smem:$0x3FFE];
	[sflag:s23] =	ssyncadd.s32 $0xFFFFFFFF  }
0xa5: {  	s26 =	simm.s32 $execute0_lowered;
	[smem:$0x3FD2] =	sst s25  }
0xa6: {  	s5 =	sshll.u32 s26, $0x1;
	_ =	strace $0x80000046;
	[dreg:$0x1] =	wrdreg $0xFFFFFFFF  }
0xa7: {  	s28 =	simm.s32 $_size_execute0_lowered;
	s3 =	sadd.s32 s3, s5;
	[dreg:$0x0] =	wrdreg $0x0  }
0xa8: {  	s5 =	sshll.u32 s28, $0x1;
	[dreg:$0x2] =	wrdreg s3  }
0xa9: {  	[dreg:$0x3] =	wrdreg s5  }
0xaa: {  	[dreg:$0x4] =	wrdreg $0xC0  }
0xab: {  	_ =	task [dreg:s7], $0x5FFFF  }
0xac: {  	[dreg:$0x1] =	wrdreg $0xFFFFFFFF  }
0xad: {  	[dreg:$0x0] =	wrdreg $0x60  }
0xae: {  	[dreg:$0x2] =	wrdreg s2  }
0xaf: {  	[dreg:$0x3] =	wrdreg s24  }
0xb0: {  	[dreg:$0x4] =	wrdreg $0x9  }
0xb1: {  	_ =	task.clear_ibuf [dreg:s7], $0x5FFFF;
	_ =	strace $0x90000046  }
0xb2: {  	s29 =	simm.s32 $0x9;
	_ =	strace $0x80000048  }
0xb3: {  	_ =	swait.ge [sflag:s29], $0x1  }
0xb4: {  	[sflag:s29] =	ssyncadd.s32 $0xFFFFFFFF  }
0xb5: {  	_ =	strace $0x90000048  }
0xb6: {  	_ =	sfence  }
0xb7: {  	s30 =	sld [smem:$0x0];
	_ =	sdelay $0x2  }
0xb8: {  	s31 =	sshll.u32 s1, $0xD;
	s1 =	sshrl.u32 s1, $0x2  }
0xb9: {  	s3 =	sand.u32 $0x4000, s31;
	s1 =	sadd.s32 s1, s30  }
0xba: {  	s0 =	sor.u32 s3, s0;
	s1 =	sshll.u32 s1, $0x11  }
0xbb: {  	s0 =	sor.u32 s1, s0  }
0xbc: {  	s0 =	sadd.s32 $0x8F2B, s0  }
0xbd: {  	[sflag:s0] =	ssyncadd.remote.s32 $0x1  }
0xbe: {  	_ =	sfence.sel $0xFFFF  }
0xbf: {  	[dreg:$0x0] =	wrdreg $0xFFFFFFFF;
	(pc) =	sbr.abs _section_cstart, $3  }
0xc0: {  	[dreg:$0x1] =	wrdreg $0xFFFFFFFF  }
0xc1: {  	_ =	task.clear_ibuf [dreg:s7], $0x2FFFF;
	_ =	strace $0x9FFFFFFF  }
0xc2: {  	(tm) =	ssettm $0x7FFFFFFF  }
0xc3: {  	_ =	shalt  }
tec
execute0_lowered:
.L_overlay_start_1:
0x0: {  	(tag) =	ssettag $0x1  }
0x1: {  	s0 =	rddreg [dreg:$0x0]  }
0x2: {  	s1 =	rddreg [dreg:$0x1];
	s2 =	srdreg.scid  }
0x3: {  	s3 =	simm.s32 $0x0;
	s7 =	stileid.u32;
	s2 =	sand.u32 $0x1, s2  }
0x4: {  	[smem:$0x7FF] =	sst s3;
	s22 =	sshll.u32 s7, $0x9;
	s21 =	ssub.s32 $0x2, s2  }
0x5: {  	s6 =	sshll.u32 s2, $0x13;
	s2 =	sshll.u32 s2, $0xE;
	s0 =	sadd.s32 s0, s22  }
0x6: {  	_ =	strace $0x80000047;
	[dreg:$0x4] =	wrdreg s0;
	s23 =	sor.u32 $0x8C00, s2  }
0x7: {  	s24 =	sor.u32 $0x8800, s2;
	[dreg:$0x5] =	wrdreg s23  }
0x8: {  	s25 =	sor.u32 $0x8400, s2;
	[dreg:$0x6] =	wrdreg s24  }
0x9: {  	s26 =	sor.u32 $0x8000, s2;
	[dreg:$0x7] =	wrdreg s25  }
0xa: {  	s5 =	sshll.u32 s7, $0x14;
	s7 =	sadd.s32 $0x7C00, s2;
	[dreg:$0x8] =	wrdreg s26  }
0xb: {  	s8 =	sadd.s32 $0x7800, s2;
	[dreg:$0x9] =	wrdreg s7  }
0xc: {  	s9 =	sadd.s32 $0x7400, s2;
	[dreg:$0xa] =	wrdreg s8  }
0xd: {  	s10 =	sadd.s32 $0x7000, s2;
	[dreg:$0xb] =	wrdreg s9  }
0xe: {  	s11 =	sadd.s32 $0x6C00, s2;
	[dreg:$0xc] =	wrdreg s10  }
0xf: {  	s12 =	sadd.s32 $0x6800, s2;
	[dreg:$0xd] =	wrdreg s11  }
0x10: {  	s13 =	sadd.s32 $0x6400, s2;
	[dreg:$0xe] =	wrdreg s12  }
0x11: {  	s15 =	sadd.s32 $0x6000, s2;
	[dreg:$0xf] =	wrdreg s13  }
0x12: {  	s16 =	sadd.s32 $0x5C00, s2;
	[dreg:$0x10] =	wrdreg s15  }
0x13: {  	s17 =	sadd.s32 $0x5800, s2;
	[dreg:$0x11] =	wrdreg s16  }
0x14: {  	s18 =	sadd.s32 $0x5400, s2;
	[dreg:$0x12] =	wrdreg s17  }
0x15: {  	s19 =	sadd.s32 $0x5000, s2;
	[dreg:$0x13] =	wrdreg s18  }
0x16: {  	s20 =	sadd.s32 $0x4C00, s2;
	[dreg:$0x14] =	wrdreg s19  }
0x17: {  	s4 =	sshrl.u32 s21, $0x1;
	s22 =	sadd.s32 $0x4400, s2;
	[dreg:$0x15] =	wrdreg s20  }
0x18: {  	s3 =	ssub.s32 s21, s4;
	s21 =	sadd.s32 $0x4800, s2;
	[dreg:$0x17] =	wrdreg s22  }
0x19: {  	s23 =	sadd.s32 $0x4000, s2;
	[dreg:$0x16] =	wrdreg s21  }
0x1a: {  	s24 =	sor.u32 $0x3C00, s2;
	[dreg:$0x18] =	wrdreg s23  }
0x1b: {  	s6 =	sor.u32 s6, s5;
	s25 =	sor.u32 $0x3800, s2;
	[dreg:$0x19] =	wrdreg s24  }
0x1c: {  	s5 =	sshrl.u32 s6, $0x3;
	s26 =	sor.u32 $0x3400, s2;
	[dreg:$0x1a] =	wrdreg s25  }
0x1d: {  	s14 =	sor.u32 $0x8000, s6;
	s6 =	sor.u32 $0x2C00, s2;
	[dreg:$0x1b] =	wrdreg s26  }
0x1e: {  	s7 =	sor.u32 $0x2800, s2;
	[dreg:$0x1d] =	wrdreg s6  }
0x1f: {  	s8 =	sor.u32 $0x2400, s2;
	[dreg:$0x1e] =	wrdreg s7  }
0x20: {  	s9 =	sor.u32 $0x2000, s2;
	[dreg:$0x1f] =	wrdreg s8  }
0x21: {  	s10 =	sor.u32 $0x1C00, s2;
	[smem:$0x7EC] =	sst s9  }
0x22: {  	s11 =	sor.u32 $0x1800, s2;
	[smem:$0x7ED] =	sst s10  }
0x23: {  	s1 =	sadd.s32 $0x400, s1;
	s12 =	sor.u32 $0x1400, s2;
	[smem:$0x7EE] =	sst s11  }
0x24: {  	s0 =	sshrl.u32 s14, $0x3;
	[smem:$0x7EF] =	sst s12;
	s13 =	smax.u32 s3, $0x1  }
0x25: {  	s0 =	sadd.s32 s0, s1;
	[smem:$0x7F0] =	sst s13  }
0x26: {  	s4 =	sadd.s32 s1, s5;
	s1 =	sor.u32 $0x3000, s2;
	[dreg:$0x3] =	wrdreg s0  }
0x27: {  	s5 =	sor.u32 $0x1000, s2;
	s14 =	sadd.s32 $0x4, s4;
	[dreg:$0x1c] =	wrdreg s1  }
0x28: {  	s11 =	simm.s32 $0x2;
	s15 =	sadd.s32 $0x8, s4;
	[smem:$0x7F1] =	sst s14  }
0x29: {  	s12 =	simm.s32 $0x20;
	s16 =	sadd.s32 $0xC, s4;
	[smem:$0x7F2] =	sst s15  }
0x2a: {  	s17 =	sadd.s32 $0x10, s4;
	s18 =	sadd.s32 $0x14, s4;
	[smem:$0x7F3] =	sst s16  }
0x2b: {  	s19 =	sadd.s32 $0x18, s4;
	s20 =	sadd.s32 $0x1C, s4;
	[smem:$0x7F4] =	sst s17  }
0x2c: {  	s21 =	sadd.s32 $0x20, s4;
	s22 =	sadd.s32 $0x24, s4;
	[smem:$0x7F5] =	sst s18  }
0x2d: {  	s23 =	sadd.s32 $0x28, s4;
	s24 =	sadd.s32 $0x2C, s4;
	[smem:$0x7F6] =	sst s19  }
0x2e: {  	s25 =	sadd.s32 $0x30, s4;
	s26 =	sadd.s32 $0x34, s4;
	[smem:$0x7F7] =	sst s20  }
0x2f: {  	s28 =	sadd.s32 $0x4C, s4;
	s29 =	sadd.s32 $0x50, s4;
	[smem:$0x7F8] =	sst s21  }
0x30: {  	s30 =	sadd.s32 $0x54, s4;
	s31 =	sadd.s32 $0x58, s4;
	[smem:$0x7F9] =	sst s22  }
0x31: {  	s2 =	sadd.s32 $0x60, s4;
	s3 =	sadd.s32 $0x68, s4;
	[smem:$0x7FA] =	sst s23  }
0x32: {  	s6 =	sadd.s32 $0x6C, s4;
	s7 =	sadd.s32 $0x70, s4;
	[smem:$0x7FB] =	sst s24  }
0x33: {  	s8 =	sadd.s32 $0x74, s4;
	s9 =	sadd.s32 $0x78, s4;
	[smem:$0x7FC] =	sst s25  }
0x34: {  	s10 =	sadd.s32 $0x7C, s4;
	s13 =	simm.s32 $0x400;
	[smem:$0x7FD] =	sst s26  }
0x35: {  	s22 =	sadd.s32 $0x38, s4;
	s23 =	sadd.s32 $0x3C, s4;
	s24 =	sadd.s32 $0x40, s4  }
0x36: {  	s25 =	sadd.s32 $0x44, s4;
	s26 =	sadd.s32 $0x48, s4;
	s0 =	sadd.s32 $0x5C, s4  }
0x37: {  	s1 =	sadd.s32 $0x64, s4;
	s14 =	simm.s32 $0x1;
	s15 =	simm.s32 $0x0  }
.LBB2_1:
0x38: {  	s16 =	simm.s32 $0x0;
	s17 =	rddreg [dreg:$0x4]  }
0x39: {  	[tilespmem:s16], [sflag:$0x2] =	stream.linear.gather [hbm4b:s17+s16], $0x1000, $0x38;
	[tilespmem:$0x10C00] =	vst v63  }
0x3a: {  	_ =	swait.ge [sflag:s11], $0x1000  }
0x3b: {  	[sflag:s11] =	ssyncset.done $0x0  }
0x3c: {  	s21 =	simm.s32 $0x0;
	[sflag:s11] =	ssyncadd.s32 $0xFFFFF000  }
0x3d: {  	v0 =	vld [tilespmem:s21+$0x1F];
	_ =	sdelay $0x3  }
0x3e: {  	s16 =	simm.s32 $0x1200  }
0x3f: {  	[tilespmem:s16+$0xFFFFFE00] =	vst v0  }
0x40: {  	v0 =	vld [tilespmem:s21+$0x2F];
	_ =	sdelay $0x4  }
0x41: {  	[tilespmem:s16+$0xFFFFFE10] =	vst v0  }
0x42: {  	v0 =	vld [tilespmem:s21+$0x1E];
	_ =	sdelay $0x4  }
0x43: {  	[tilespmem:s16+$0xFFFFFE20] =	vst v0  }
0x44: {  	v0 =	vld [tilespmem:s21+$0x2E];
	_ =	sdelay $0x4  }
0x45: {  	[tilespmem:s16+$0xFFFFFE30] =	vst v0  }
0x46: {  	v0 =	vld [tilespmem:s21+$0x1D];
	_ =	sdelay $0x4  }
0x47: {  	[tilespmem:s16+$0xFFFFFE40] =	vst v0  }
0x48: {  	v0 =	vld [tilespmem:s21+$0x2D];
	_ =	sdelay $0x4  }
0x49: {  	[tilespmem:s16+$0xFFFFFE50] =	vst v0  }
0x4a: {  	v0 =	vld [tilespmem:s21+$0x1C];
	_ =	sdelay $0x4  }
0x4b: {  	[tilespmem:s16+$0xFFFFFE60] =	vst v0  }
0x4c: {  	v0 =	vld [tilespmem:s21+$0x2C];
	_ =	sdelay $0x4  }
0x4d: {  	[tilespmem:s16+$0xFFFFFE70] =	vst v0  }
0x4e: {  	v0 =	vld [tilespmem:s21+$0x1B];
	_ =	sdelay $0x4  }
0x4f: {  	[tilespmem:s16+$0xFFFFFE80] =	vst v0  }
0x50: {  	v0 =	vld [tilespmem:s21+$0x2B];
	_ =	sdelay $0x4  }
0x51: {  	[tilespmem:s16+$0xFFFFFE90] =	vst v0  }
0x52: {  	v0 =	vld [tilespmem:s21+$0x1A];
	_ =	sdelay $0x4  }
0x53: {  	[tilespmem:s16+$0xFFFFFEA0] =	vst v0  }
0x54: {  	v0 =	vld [tilespmem:s21+$0x2A];
	_ =	sdelay $0x4  }
0x55: {  	[tilespmem:s16+$0xFFFFFEB0] =	vst v0  }
0x56: {  	v0 =	vld [tilespmem:s21+$0x19];
	_ =	sdelay $0x4  }
0x57: {  	[tilespmem:s16+$0xFFFFFEC0] =	vst v0  }
0x58: {  	v0 =	vld [tilespmem:s21+$0x29];
	_ =	sdelay $0x4  }
0x59: {  	[tilespmem:s16+$0xFFFFFED0] =	vst v0  }
0x5a: {  	v0 =	vld [tilespmem:s21+$0x18];
	_ =	sdelay $0x4  }
0x5b: {  	[tilespmem:s16+$0xFFFFFEE0] =	vst v0  }
0x5c: {  	v0 =	vld [tilespmem:s21+$0x28];
	_ =	sdelay $0x4  }
0x5d: {  	[tilespmem:s16+$0xFFFFFEF0] =	vst v0  }
0x5e: {  	v0 =	vld [tilespmem:s21+$0x17];
	_ =	sdelay $0x4  }
0x5f: {  	[tilespmem:s16+$0xFFFFFF00] =	vst v0  }
0x60: {  	v0 =	vld [tilespmem:s21+$0x27];
	_ =	sdelay $0x4  }
0x61: {  	[tilespmem:s16+$0xFFFFFF10] =	vst v0  }
0x62: {  	v0 =	vld [tilespmem:s21+$0x16];
	_ =	sdelay $0x4  }
0x63: {  	[tilespmem:s16+$0xFFFFFF20] =	vst v0  }
0x64: {  	v0 =	vld [tilespmem:s21+$0x26];
	_ =	sdelay $0x4  }
0x65: {  	[tilespmem:s16+$0xFFFFFF30] =	vst v0  }
0x66: {  	v0 =	vld [tilespmem:s21+$0x15];
	_ =	sdelay $0x4  }
0x67: {  	[tilespmem:s16+$0xFFFFFF40] =	vst v0  }
0x68: {  	v0 =	vld [tilespmem:s21+$0x25];
	_ =	sdelay $0x4  }
0x69: {  	[tilespmem:s16+$0xFFFFFF50] =	vst v0  }
0x6a: {  	v0 =	vld [tilespmem:s21+$0x14];
	_ =	sdelay $0x4  }
0x6b: {  	[tilespmem:s16+$0xFFFFFF60] =	vst v0  }
0x6c: {  	v0 =	vld [tilespmem:s21+$0x24];
	_ =	sdelay $0x4  }
0x6d: {  	[tilespmem:s16+$0xFFFFFF70] =	vst v0  }
0x6e: {  	v0 =	vld [tilespmem:s21+$0x13];
	_ =	sdelay $0x4  }
0x6f: {  	[tilespmem:s16+$0xFFFFFF80] =	vst v0  }
0x70: {  	v0 =	vld [tilespmem:s21+$0x23];
	_ =	sdelay $0x4  }
0x71: {  	[tilespmem:s16+$0xFFFFFF90] =	vst v0  }
0x72: {  	v0 =	vld [tilespmem:s21+$0x12];
	_ =	sdelay $0x4  }
0x73: {  	[tilespmem:s16+$0xFFFFFFA0] =	vst v0  }
0x74: {  	v0 =	vld [tilespmem:s21+$0x22];
	_ =	sdelay $0x4  }
0x75: {  	[tilespmem:s16+$0xFFFFFFB0] =	vst v0  }
0x76: {  	v0 =	vld [tilespmem:s21+$0x11];
	_ =	sdelay $0x4  }
0x77: {  	[tilespmem:s16+$0xFFFFFFC0] =	vst v0  }
0x78: {  	v0 =	vld [tilespmem:s21+$0x21];
	_ =	sdelay $0x4  }
0x79: {  	[tilespmem:s16+$0xFFFFFFD0] =	vst v0  }
0x7a: {  	v0 =	vld [tilespmem:s21+$0x10];
	_ =	sdelay $0x4  }
0x7b: {  	[tilespmem:s16+$0xFFFFFFE0] =	vst v0  }
0x7c: {  	v0 =	vld [tilespmem:s21+$0x20];
	_ =	sdelay $0x4  }
0x7d: {  	[tilespmem:s16+$0xFFFFFFF0] =	vst v0  }
0x7e: {  	v0 =	vld [tilespmem:s21+$0xF];
	_ =	sdelay $0x4  }
0x7f: {  	[tilespmem:s16+$0x0] =	vst v0  }
0x80: {  	v0 =	vld [tilespmem:s21+$0x1F];
	_ =	sdelay $0x4  }
0x81: {  	[tilespmem:s16+$0x10] =	vst v0  }
0x82: {  	v0 =	vld [tilespmem:s21+$0xE];
	_ =	sdelay $0x4  }
0x83: {  	[tilespmem:s16+$0x20] =	vst v0  }
0x84: {  	v0 =	vld [tilespmem:s21+$0x1E];
	_ =	sdelay $0x4  }
0x85: {  	[tilespmem:s16+$0x30] =	vst v0  }
0x86: {  	v0 =	vld [tilespmem:s21+$0xD];
	_ =	sdelay $0x4  }
0x87: {  	[tilespmem:s16+$0x40] =	vst v0  }
0x88: {  	v0 =	vld [tilespmem:s21+$0x1D];
	_ =	sdelay $0x4  }
0x89: {  	[tilespmem:s16+$0x50] =	vst v0  }
0x8a: {  	v0 =	vld [tilespmem:s21+$0xC];
	_ =	sdelay $0x4  }
0x8b: {  	[tilespmem:s16+$0x60] =	vst v0  }
0x8c: {  	v0 =	vld [tilespmem:s21+$0x1C];
	_ =	sdelay $0x4  }
0x8d: {  	[tilespmem:s16+$0x70] =	vst v0  }
0x8e: {  	v0 =	vld [tilespmem:s21+$0xB];
	_ =	sdelay $0x4  }
0x8f: {  	[tilespmem:s16+$0x80] =	vst v0  }
0x90: {  	v0 =	vld [tilespmem:s21+$0x1B];
	_ =	sdelay $0x4  }
0x91: {  	[tilespmem:s16+$0x90] =	vst v0  }
0x92: {  	v0 =	vld [tilespmem:s21+$0xA];
	_ =	sdelay $0x4  }
0x93: {  	[tilespmem:s16+$0xA0] =	vst v0  }
0x94: {  	v0 =	vld [tilespmem:s21+$0x1A];
	_ =	sdelay $0x4  }
0x95: {  	[tilespmem:s16+$0xB0] =	vst v0  }
0x96: {  	v0 =	vld [tilespmem:s21+$0x9];
	_ =	sdelay $0x4  }
0x97: {  	[tilespmem:s16+$0xC0] =	vst v0  }
0x98: {  	v0 =	vld [tilespmem:s21+$0x19];
	_ =	sdelay $0x4  }
0x99: {  	[tilespmem:s16+$0xD0] =	vst v0  }
0x9a: {  	v0 =	vld [tilespmem:s21+$0x8];
	_ =	sdelay $0x4  }
0x9b: {  	[tilespmem:s16+$0xE0] =	vst v0  }
0x9c: {  	v0 =	vld [tilespmem:s21+$0x18];
	_ =	sdelay $0x4  }
0x9d: {  	[tilespmem:s16+$0xF0] =	vst v0  }
0x9e: {  	v0 =	vld [tilespmem:s21+$0x7];
	_ =	sdelay $0x4  }
0x9f: {  	[tilespmem:s16+$0x100] =	vst v0  }
0xa0: {  	v0 =	vld [tilespmem:s21+$0x17];
	_ =	sdelay $0x4  }
0xa1: {  	[tilespmem:s16+$0x110] =	vst v0  }
0xa2: {  	v0 =	vld [tilespmem:s21+$0x6];
	_ =	sdelay $0x4  }
0xa3: {  	[tilespmem:s16+$0x120] =	vst v0  }
0xa4: {  	v0 =	vld [tilespmem:s21+$0x16];
	_ =	sdelay $0x4  }
0xa5: {  	[tilespmem:s16+$0x130] =	vst v0  }
0xa6: {  	v0 =	vld [tilespmem:s21+$0x5];
	_ =	sdelay $0x4  }
0xa7: {  	[tilespmem:s16+$0x140] =	vst v0  }
0xa8: {  	v0 =	vld [tilespmem:s21+$0x15];
	_ =	sdelay $0x4  }
0xa9: {  	[tilespmem:s16+$0x150] =	vst v0  }
0xaa: {  	v0 =	vld [tilespmem:s21+$0x4];
	_ =	sdelay $0x4  }
0xab: {  	[tilespmem:s16+$0x160] =	vst v0  }
0xac: {  	v0 =	vld [tilespmem:s21+$0x14];
	_ =	sdelay $0x4  }
0xad: {  	[tilespmem:s16+$0x170] =	vst v0  }
0xae: {  	v0 =	vld [tilespmem:s21+$0x3];
	_ =	sdelay $0x4  }
0xaf: {  	[tilespmem:s16+$0x180] =	vst v0  }
0xb0: {  	v0 =	vld [tilespmem:s21+$0x13];
	_ =	sdelay $0x4  }
0xb1: {  	[tilespmem:s16+$0x190] =	vst v0  }
0xb2: {  	v0 =	vld [tilespmem:s21+$0x2];
	_ =	sdelay $0x4  }
0xb3: {  	[tilespmem:s16+$0x1A0] =	vst v0  }
0xb4: {  	v0 =	vld [tilespmem:s21+$0x12];
	_ =	sdelay $0x4  }
0xb5: {  	[tilespmem:s16+$0x1B0] =	vst v0  }
0xb6: {  	v0 =	vld [tilespmem:s21+$0x1];
	_ =	sdelay $0x4  }
0xb7: {  	[tilespmem:s16+$0x1C0] =	vst v0  }
0xb8: {  	v0 =	vld [tilespmem:s21+$0x11];
	_ =	sdelay $0x4  }
0xb9: {  	[tilespmem:s16+$0x1D0] =	vst v0  }
0xba: {  	v0 =	vld [tilespmem:s21+$0x0];
	_ =	sdelay $0x4  }
0xbb: {  	[tilespmem:s16+$0x1E0] =	vst v0  }
0xbc: {  	v0 =	vld [tilespmem:s21+$0x10];
	_ =	sdelay $0x4  }
0xbd: {  	s18 =	simm.s32 $0x200;
	s17 =	simm.s32 $0x40;
	[tilespmem:s16+$0x1F0] =	vst v0  }
.LBB2_2:
0xbe: {  	p0 =	sne.s32 s18, $0x3E00;
	v0 =	vld [tilespmem:s17+$0x1F];
	_ =	sdelay $0x3  }
0xbf: {  	s16 =	sadd.s32 $0x400, s16  }
0xc0: {  	[tilespmem:s16+$0xFFFFFE00] =	vst v0  }
0xc1: {  	v0 =	vld [tilespmem:s17+$0x2F];
	_ =	sdelay $0x4  }
0xc2: {  	[tilespmem:s16+$0xFFFFFE10] =	vst v0  }
0xc3: {  	v0 =	vld [tilespmem:s17+$0x1E];
	_ =	sdelay $0x4  }
0xc4: {  	[tilespmem:s16+$0xFFFFFE20] =	vst v0  }
0xc5: {  	v0 =	vld [tilespmem:s17+$0x2E];
	_ =	sdelay $0x4  }
0xc6: {  	[tilespmem:s16+$0xFFFFFE30] =	vst v0  }
0xc7: {  	v0 =	vld [tilespmem:s17+$0x1D];
	_ =	sdelay $0x4  }
0xc8: {  	[tilespmem:s16+$0xFFFFFE40] =	vst v0  }
0xc9: {  	v0 =	vld [tilespmem:s17+$0x2D];
	_ =	sdelay $0x4  }
0xca: {  	[tilespmem:s16+$0xFFFFFE50] =	vst v0  }
0xcb: {  	v0 =	vld [tilespmem:s17+$0x1C];
	_ =	sdelay $0x4  }
0xcc: {  	[tilespmem:s16+$0xFFFFFE60] =	vst v0  }
0xcd: {  	v0 =	vld [tilespmem:s17+$0x2C];
	_ =	sdelay $0x4  }
0xce: {  	[tilespmem:s16+$0xFFFFFE70] =	vst v0  }
0xcf: {  	v0 =	vld [tilespmem:s17+$0x1B];
	_ =	sdelay $0x4  }
0xd0: {  	[tilespmem:s16+$0xFFFFFE80] =	vst v0  }
0xd1: {  	v0 =	vld [tilespmem:s17+$0x2B];
	_ =	sdelay $0x4  }
0xd2: {  	[tilespmem:s16+$0xFFFFFE90] =	vst v0  }
0xd3: {  	v0 =	vld [tilespmem:s17+$0x1A];
	_ =	sdelay $0x4  }
0xd4: {  	[tilespmem:s16+$0xFFFFFEA0] =	vst v0  }
0xd5: {  	v0 =	vld [tilespmem:s17+$0x2A];
	_ =	sdelay $0x4  }
0xd6: {  	[tilespmem:s16+$0xFFFFFEB0] =	vst v0  }
0xd7: {  	v0 =	vld [tilespmem:s17+$0x19];
	_ =	sdelay $0x4  }
0xd8: {  	[tilespmem:s16+$0xFFFFFEC0] =	vst v0  }
0xd9: {  	v0 =	vld [tilespmem:s17+$0x29];
	_ =	sdelay $0x4  }
0xda: {  	[tilespmem:s16+$0xFFFFFED0] =	vst v0  }
0xdb: {  	v0 =	vld [tilespmem:s17+$0x18];
	_ =	sdelay $0x4  }
0xdc: {  	[tilespmem:s16+$0xFFFFFEE0] =	vst v0  }
0xdd: {  	v0 =	vld [tilespmem:s17+$0x28];
	_ =	sdelay $0x4  }
0xde: {  	[tilespmem:s16+$0xFFFFFEF0] =	vst v0  }
0xdf: {  	v0 =	vld [tilespmem:s17+$0x17];
	_ =	sdelay $0x4  }
0xe0: {  	[tilespmem:s16+$0xFFFFFF00] =	vst v0  }
0xe1: {  	v0 =	vld [tilespmem:s17+$0x27];
	_ =	sdelay $0x4  }
0xe2: {  	[tilespmem:s16+$0xFFFFFF10] =	vst v0  }
0xe3: {  	v0 =	vld [tilespmem:s17+$0x16];
	_ =	sdelay $0x4  }
0xe4: {  	[tilespmem:s16+$0xFFFFFF20] =	vst v0  }
0xe5: {  	v0 =	vld [tilespmem:s17+$0x26];
	_ =	sdelay $0x4  }
0xe6: {  	[tilespmem:s16+$0xFFFFFF30] =	vst v0  }
0xe7: {  	v0 =	vld [tilespmem:s17+$0x15];
	_ =	sdelay $0x4  }
0xe8: {  	[tilespmem:s16+$0xFFFFFF40] =	vst v0  }
0xe9: {  	v0 =	vld [tilespmem:s17+$0x25];
	_ =	sdelay $0x4  }
0xea: {  	[tilespmem:s16+$0xFFFFFF50] =	vst v0  }
0xeb: {  	v0 =	vld [tilespmem:s17+$0x14];
	_ =	sdelay $0x4  }
0xec: {  	[tilespmem:s16+$0xFFFFFF60] =	vst v0  }
0xed: {  	v0 =	vld [tilespmem:s17+$0x24];
	_ =	sdelay $0x4  }
0xee: {  	[tilespmem:s16+$0xFFFFFF70] =	vst v0  }
0xef: {  	v0 =	vld [tilespmem:s17+$0x13];
	_ =	sdelay $0x4  }
0xf0: {  	[tilespmem:s16+$0xFFFFFF80] =	vst v0  }
0xf1: {  	v0 =	vld [tilespmem:s17+$0x23];
	_ =	sdelay $0x4  }
0xf2: {  	[tilespmem:s16+$0xFFFFFF90] =	vst v0  }
0xf3: {  	v0 =	vld [tilespmem:s17+$0x12];
	_ =	sdelay $0x4  }
0xf4: {  	[tilespmem:s16+$0xFFFFFFA0] =	vst v0  }
0xf5: {  	v0 =	vld [tilespmem:s17+$0x22];
	_ =	sdelay $0x4  }
0xf6: {  	[tilespmem:s16+$0xFFFFFFB0] =	vst v0  }
0xf7: {  	v0 =	vld [tilespmem:s17+$0x11];
	_ =	sdelay $0x4  }
0xf8: {  	[tilespmem:s16+$0xFFFFFFC0] =	vst v0  }
0xf9: {  	v0 =	vld [tilespmem:s17+$0x21];
	_ =	sdelay $0x4  }
0xfa: {  	[tilespmem:s16+$0xFFFFFFD0] =	vst v0  }
0xfb: {  	v0 =	vld [tilespmem:s17+$0x10];
	_ =	sdelay $0x4  }
0xfc: {  	[tilespmem:s16+$0xFFFFFFE0] =	vst v0  }
0xfd: {  	v0 =	vld [tilespmem:s17+$0x20];
	_ =	sdelay $0x4  }
0xfe: {  	[tilespmem:s16+$0xFFFFFFF0] =	vst v0  }
0xff: {  	v0 =	vld [tilespmem:s17+$0xF];
	_ =	sdelay $0x4  }
0x100: {  	[tilespmem:s16+$0x0] =	vst v0  }
0x101: {  	v0 =	vld [tilespmem:s17+$0x1F];
	_ =	sdelay $0x4  }
0x102: {  	[tilespmem:s16+$0x10] =	vst v0  }
0x103: {  	v0 =	vld [tilespmem:s17+$0xE];
	_ =	sdelay $0x4  }
0x104: {  	[tilespmem:s16+$0x20] =	vst v0  }
0x105: {  	v0 =	vld [tilespmem:s17+$0x1E];
	_ =	sdelay $0x4  }
0x106: {  	[tilespmem:s16+$0x30] =	vst v0  }
0x107: {  	v0 =	vld [tilespmem:s17+$0xD];
	_ =	sdelay $0x4  }
0x108: {  	[tilespmem:s16+$0x40] =	vst v0  }
0x109: {  	v0 =	vld [tilespmem:s17+$0x1D];
	_ =	sdelay $0x4  }
0x10a: {  	[tilespmem:s16+$0x50] =	vst v0  }
0x10b: {  	v0 =	vld [tilespmem:s17+$0xC];
	_ =	sdelay $0x4  }
0x10c: {  	[tilespmem:s16+$0x60] =	vst v0  }
0x10d: {  	v0 =	vld [tilespmem:s17+$0x1C];
	_ =	sdelay $0x4  }
0x10e: {  	[tilespmem:s16+$0x70] =	vst v0  }
0x10f: {  	v0 =	vld [tilespmem:s17+$0xB];
	_ =	sdelay $0x4  }
0x110: {  	[tilespmem:s16+$0x80] =	vst v0  }
0x111: {  	v0 =	vld [tilespmem:s17+$0x1B];
	_ =	sdelay $0x4  }
0x112: {  	[tilespmem:s16+$0x90] =	vst v0  }
0x113: {  	v0 =	vld [tilespmem:s17+$0xA];
	_ =	sdelay $0x4  }
0x114: {  	[tilespmem:s16+$0xA0] =	vst v0  }
0x115: {  	v0 =	vld [tilespmem:s17+$0x1A];
	_ =	sdelay $0x4  }
0x116: {  	[tilespmem:s16+$0xB0] =	vst v0  }
0x117: {  	v0 =	vld [tilespmem:s17+$0x9];
	_ =	sdelay $0x4  }
0x118: {  	[tilespmem:s16+$0xC0] =	vst v0  }
0x119: {  	v0 =	vld [tilespmem:s17+$0x19];
	_ =	sdelay $0x4  }
0x11a: {  	[tilespmem:s16+$0xD0] =	vst v0  }
0x11b: {  	v0 =	vld [tilespmem:s17+$0x8];
	_ =	sdelay $0x4  }
0x11c: {  	[tilespmem:s16+$0xE0] =	vst v0  }
0x11d: {  	v0 =	vld [tilespmem:s17+$0x18];
	_ =	sdelay $0x4  }
0x11e: {  	[tilespmem:s16+$0xF0] =	vst v0  }
0x11f: {  	v0 =	vld [tilespmem:s17+$0x7];
	_ =	sdelay $0x4  }
0x120: {  	[tilespmem:s16+$0x100] =	vst v0  }
0x121: {  	v0 =	vld [tilespmem:s17+$0x17];
	_ =	sdelay $0x4  }
0x122: {  	[tilespmem:s16+$0x110] =	vst v0  }
0x123: {  	v0 =	vld [tilespmem:s17+$0x6];
	_ =	sdelay $0x4  }
0x124: {  	[tilespmem:s16+$0x120] =	vst v0  }
0x125: {  	v0 =	vld [tilespmem:s17+$0x16];
	_ =	sdelay $0x4  }
0x126: {  	[tilespmem:s16+$0x130] =	vst v0  }
0x127: {  	v0 =	vld [tilespmem:s17+$0x5];
	_ =	sdelay $0x4  }
0x128: {  	[tilespmem:s16+$0x140] =	vst v0  }
0x129: {  	v0 =	vld [tilespmem:s17+$0x15];
	_ =	sdelay $0x4  }
0x12a: {  	[tilespmem:s16+$0x150] =	vst v0  }
0x12b: {  	v0 =	vld [tilespmem:s17+$0x4];
	_ =	sdelay $0x4  }
0x12c: {  	[tilespmem:s16+$0x160] =	vst v0  }
0x12d: {  	v0 =	vld [tilespmem:s17+$0x14];
	_ =	sdelay $0x4  }
0x12e: {  	[tilespmem:s16+$0x170] =	vst v0  }
0x12f: {  	v0 =	vld [tilespmem:s17+$0x3];
	_ =	sdelay $0x4  }
0x130: {  	[tilespmem:s16+$0x180] =	vst v0  }
0x131: {  	v0 =	vld [tilespmem:s17+$0x13];
	_ =	sdelay $0x4  }
0x132: {  	[tilespmem:s16+$0x190] =	vst v0  }
0x133: {  	v0 =	vld [tilespmem:s17+$0x2];
	_ =	sdelay $0x4  }
0x134: {  	[tilespmem:s16+$0x1A0] =	vst v0  }
0x135: {  	v0 =	vld [tilespmem:s17+$0x12];
	_ =	sdelay $0x4  }
0x136: {  	[tilespmem:s16+$0x1B0] =	vst v0  }
0x137: {  	v0 =	vld [tilespmem:s17+$0x1];
	_ =	sdelay $0x4  }
0x138: {  	[tilespmem:s16+$0x1C0] =	vst v0  }
0x139: {  	v0 =	vld [tilespmem:s17+$0x11];
	_ =	sdelay $0x4  }
0x13a: {  	[tilespmem:s16+$0x1D0] =	vst v0  }
0x13b: {  	v0 =	vld [tilespmem:s17+$0x0];
	_ =	sdelay $0x4  }
0x13c: {  	[tilespmem:s16+$0x1E0] =	vst v0  }
0x13d: {  	v0 =	vld [tilespmem:s17+$0x10]  }
.Ltmp0:
0x13e: {  	(pc) =	sbr.rel @p0 .LBB2_2-.Ltmp0, $2  }
0x13f: {  	_ =	sdelay $0x2  }
0x140: {  	s17 =	sshra.s32 s18, $0x2;
	s18 =	sadd.s32 $0x100, s18;
	[tilespmem:s16+$0x1F0] =	vst v0  }
0x141: {  	v0 =	vld [tilespmem:s17+$0x1F];
	_ =	sdelay $0x3  }
0x142: {  	s16 =	sadd.s32 $0x400, s16  }
0x143: {  	[tilespmem:s16+$0xFFFFFE00] =	vst v0  }
0x144: {  	v0 =	vld [tilespmem:s17+$0x2F];
	_ =	sdelay $0x4  }
0x145: {  	[tilespmem:s16+$0xFFFFFE10] =	vst v0  }
0x146: {  	v0 =	vld [tilespmem:s17+$0x1E];
	_ =	sdelay $0x4  }
0x147: {  	[tilespmem:s16+$0xFFFFFE20] =	vst v0  }
0x148: {  	v0 =	vld [tilespmem:s17+$0x2E];
	_ =	sdelay $0x4  }
0x149: {  	[tilespmem:s16+$0xFFFFFE30] =	vst v0  }
0x14a: {  	v0 =	vld [tilespmem:s17+$0x1D];
	_ =	sdelay $0x4  }
0x14b: {  	[tilespmem:s16+$0xFFFFFE40] =	vst v0  }
0x14c: {  	v0 =	vld [tilespmem:s17+$0x2D];
	_ =	sdelay $0x4  }
0x14d: {  	[tilespmem:s16+$0xFFFFFE50] =	vst v0  }
0x14e: {  	v0 =	vld [tilespmem:s17+$0x1C];
	_ =	sdelay $0x4  }
0x14f: {  	[tilespmem:s16+$0xFFFFFE60] =	vst v0  }
0x150: {  	v0 =	vld [tilespmem:s17+$0x2C];
	_ =	sdelay $0x4  }
0x151: {  	[tilespmem:s16+$0xFFFFFE70] =	vst v0  }
0x152: {  	v0 =	vld [tilespmem:s17+$0x1B];
	_ =	sdelay $0x4  }
0x153: {  	[tilespmem:s16+$0xFFFFFE80] =	vst v0  }
0x154: {  	v0 =	vld [tilespmem:s17+$0x2B];
	_ =	sdelay $0x4  }
0x155: {  	[tilespmem:s16+$0xFFFFFE90] =	vst v0  }
0x156: {  	v0 =	vld [tilespmem:s17+$0x1A];
	_ =	sdelay $0x4  }
0x157: {  	[tilespmem:s16+$0xFFFFFEA0] =	vst v0  }
0x158: {  	v0 =	vld [tilespmem:s17+$0x2A];
	_ =	sdelay $0x4  }
0x159: {  	[tilespmem:s16+$0xFFFFFEB0] =	vst v0  }
0x15a: {  	v0 =	vld [tilespmem:s17+$0x19];
	_ =	sdelay $0x4  }
0x15b: {  	[tilespmem:s16+$0xFFFFFEC0] =	vst v0  }
0x15c: {  	v0 =	vld [tilespmem:s17+$0x29];
	_ =	sdelay $0x4  }
0x15d: {  	[tilespmem:s16+$0xFFFFFED0] =	vst v0  }
0x15e: {  	v0 =	vld [tilespmem:s17+$0x18];
	_ =	sdelay $0x4  }
0x15f: {  	[tilespmem:s16+$0xFFFFFEE0] =	vst v0  }
0x160: {  	v0 =	vld [tilespmem:s17+$0x28];
	_ =	sdelay $0x4  }
0x161: {  	[tilespmem:s16+$0xFFFFFEF0] =	vst v0  }
0x162: {  	v0 =	vld [tilespmem:s17+$0x17];
	_ =	sdelay $0x4  }
0x163: {  	[tilespmem:s16+$0xFFFFFF00] =	vst v0  }
0x164: {  	v0 =	vld [tilespmem:s17+$0x27];
	_ =	sdelay $0x4  }
0x165: {  	[tilespmem:s16+$0xFFFFFF10] =	vst v0  }
0x166: {  	v0 =	vld [tilespmem:s17+$0x16];
	_ =	sdelay $0x4  }
0x167: {  	[tilespmem:s16+$0xFFFFFF20] =	vst v0  }
0x168: {  	v0 =	vld [tilespmem:s17+$0x26];
	_ =	sdelay $0x4  }
0x169: {  	[tilespmem:s16+$0xFFFFFF30] =	vst v0  }
0x16a: {  	v0 =	vld [tilespmem:s17+$0x15];
	_ =	sdelay $0x4  }
0x16b: {  	[tilespmem:s16+$0xFFFFFF40] =	vst v0  }
0x16c: {  	v0 =	vld [tilespmem:s17+$0x25];
	_ =	sdelay $0x4  }
0x16d: {  	[tilespmem:s16+$0xFFFFFF50] =	vst v0  }
0x16e: {  	v0 =	vld [tilespmem:s17+$0x14];
	_ =	sdelay $0x4  }
0x16f: {  	[tilespmem:s16+$0xFFFFFF60] =	vst v0  }
0x170: {  	v0 =	vld [tilespmem:s17+$0x24];
	_ =	sdelay $0x4  }
0x171: {  	[tilespmem:s16+$0xFFFFFF70] =	vst v0  }
0x172: {  	v0 =	vld [tilespmem:s17+$0x13];
	_ =	sdelay $0x4  }
0x173: {  	[tilespmem:s16+$0xFFFFFF80] =	vst v0  }
0x174: {  	v0 =	vld [tilespmem:s17+$0x23];
	_ =	sdelay $0x4  }
0x175: {  	[tilespmem:s16+$0xFFFFFF90] =	vst v0  }
0x176: {  	v0 =	vld [tilespmem:s17+$0x12];
	_ =	sdelay $0x4  }
0x177: {  	[tilespmem:s16+$0xFFFFFFA0] =	vst v0  }
0x178: {  	v0 =	vld [tilespmem:s17+$0x22];
	_ =	sdelay $0x4  }
0x179: {  	[tilespmem:s16+$0xFFFFFFB0] =	vst v0  }
0x17a: {  	v0 =	vld [tilespmem:s17+$0x11];
	_ =	sdelay $0x4  }
0x17b: {  	[tilespmem:s16+$0xFFFFFFC0] =	vst v0  }
0x17c: {  	v0 =	vld [tilespmem:s17+$0x21];
	_ =	sdelay $0x4  }
0x17d: {  	[tilespmem:s16+$0xFFFFFFD0] =	vst v0  }
0x17e: {  	v0 =	vld [tilespmem:s17+$0x10];
	_ =	sdelay $0x4  }
0x17f: {  	[tilespmem:s16+$0xFFFFFFE0] =	vst v0  }
0x180: {  	v0 =	vld [tilespmem:s17+$0x20];
	_ =	sdelay $0x4  }
0x181: {  	[tilespmem:s16+$0xFFFFFFF0] =	vst v0  }
0x182: {  	v0 =	vld [tilespmem:s17+$0xF];
	_ =	sdelay $0x4  }
0x183: {  	[tilespmem:s16+$0x0] =	vst v0  }
0x184: {  	v0 =	vld [tilespmem:s17+$0x1F];
	_ =	sdelay $0x4  }
0x185: {  	[tilespmem:s16+$0x10] =	vst v0  }
0x186: {  	v0 =	vld [tilespmem:s17+$0xE];
	_ =	sdelay $0x4  }
0x187: {  	[tilespmem:s16+$0x20] =	vst v0  }
0x188: {  	v0 =	vld [tilespmem:s17+$0x1E];
	_ =	sdelay $0x4  }
0x189: {  	[tilespmem:s16+$0x30] =	vst v0  }
0x18a: {  	v0 =	vld [tilespmem:s17+$0xD];
	_ =	sdelay $0x4  }
0x18b: {  	[tilespmem:s16+$0x40] =	vst v0  }
0x18c: {  	v0 =	vld [tilespmem:s17+$0x1D];
	_ =	sdelay $0x4  }
0x18d: {  	[tilespmem:s16+$0x50] =	vst v0  }
0x18e: {  	v0 =	vld [tilespmem:s17+$0xC];
	_ =	sdelay $0x4  }
0x18f: {  	[tilespmem:s16+$0x60] =	vst v0  }
0x190: {  	v0 =	vld [tilespmem:s17+$0x1C];
	_ =	sdelay $0x4  }
0x191: {  	[tilespmem:s16+$0x70] =	vst v0  }
0x192: {  	v0 =	vld [tilespmem:s17+$0xB];
	_ =	sdelay $0x4  }
0x193: {  	[tilespmem:s16+$0x80] =	vst v0  }
0x194: {  	v0 =	vld [tilespmem:s17+$0x1B];
	_ =	sdelay $0x4  }
0x195: {  	[tilespmem:s16+$0x90] =	vst v0  }
0x196: {  	v0 =	vld [tilespmem:s17+$0xA];
	_ =	sdelay $0x4  }
0x197: {  	[tilespmem:s16+$0xA0] =	vst v0  }
0x198: {  	v0 =	vld [tilespmem:s17+$0x1A];
	_ =	sdelay $0x4  }
0x199: {  	[tilespmem:s16+$0xB0] =	vst v0  }
0x19a: {  	v0 =	vld [tilespmem:s17+$0x9];
	_ =	sdelay $0x4  }
0x19b: {  	[tilespmem:s16+$0xC0] =	vst v0  }
0x19c: {  	v0 =	vld [tilespmem:s17+$0x19];
	_ =	sdelay $0x4  }
0x19d: {  	[tilespmem:s16+$0xD0] =	vst v0  }
0x19e: {  	v0 =	vld [tilespmem:s17+$0x8];
	_ =	sdelay $0x4  }
0x19f: {  	[tilespmem:s16+$0xE0] =	vst v0  }
0x1a0: {  	v0 =	vld [tilespmem:s17+$0x18];
	_ =	sdelay $0x4  }
0x1a1: {  	[tilespmem:s16+$0xF0] =	vst v0  }
0x1a2: {  	v0 =	vld [tilespmem:s17+$0x7];
	_ =	sdelay $0x4  }
0x1a3: {  	[tilespmem:s16+$0x100] =	vst v0  }
0x1a4: {  	v0 =	vld [tilespmem:s17+$0x17];
	_ =	sdelay $0x4  }
0x1a5: {  	[tilespmem:s16+$0x110] =	vst v0  }
0x1a6: {  	v0 =	vld [tilespmem:s17+$0x6];
	_ =	sdelay $0x4  }
0x1a7: {  	[tilespmem:s16+$0x120] =	vst v0  }
0x1a8: {  	v0 =	vld [tilespmem:s17+$0x16];
	_ =	sdelay $0x4  }
0x1a9: {  	[tilespmem:s16+$0x130] =	vst v0  }
0x1aa: {  	v0 =	vld [tilespmem:s17+$0x5];
	_ =	sdelay $0x4  }
0x1ab: {  	[tilespmem:s16+$0x140] =	vst v0  }
0x1ac: {  	v0 =	vld [tilespmem:s17+$0x15];
	_ =	sdelay $0x4  }
0x1ad: {  	[tilespmem:s16+$0x150] =	vst v0  }
0x1ae: {  	v0 =	vld [tilespmem:s17+$0x4];
	_ =	sdelay $0x4  }
0x1af: {  	[tilespmem:s16+$0x160] =	vst v0  }
0x1b0: {  	v0 =	vld [tilespmem:s17+$0x14];
	_ =	sdelay $0x4  }
0x1b1: {  	[tilespmem:s16+$0x170] =	vst v0  }
0x1b2: {  	v0 =	vld [tilespmem:s17+$0x3];
	_ =	sdelay $0x4  }
0x1b3: {  	[tilespmem:s16+$0x180] =	vst v0  }
0x1b4: {  	v0 =	vld [tilespmem:s17+$0x13];
	_ =	sdelay $0x4  }
0x1b5: {  	[tilespmem:s16+$0x190] =	vst v0  }
0x1b6: {  	v0 =	vld [tilespmem:s17+$0x2];
	_ =	sdelay $0x4  }
0x1b7: {  	[tilespmem:s16+$0x1A0] =	vst v0  }
0x1b8: {  	v0 =	vld [tilespmem:s17+$0x12];
	_ =	sdelay $0x4  }
0x1b9: {  	[tilespmem:s16+$0x1B0] =	vst v0  }
0x1ba: {  	v0 =	vld [tilespmem:s17+$0x1];
	_ =	sdelay $0x4  }
0x1bb: {  	[tilespmem:s16+$0x1C0] =	vst v0  }
0x1bc: {  	v0 =	vld [tilespmem:s17+$0x11];
	_ =	sdelay $0x4  }
0x1bd: {  	[tilespmem:s16+$0x1D0] =	vst v0  }
0x1be: {  	v0 =	vld [tilespmem:s17+$0x0];
	_ =	sdelay $0x4  }
0x1bf: {  	[tilespmem:s16+$0x1E0] =	vst v0  }
0x1c0: {  	v0 =	vld [tilespmem:s17+$0x10]  }
0x1c1: {  	s19 =	rddreg [dreg:$0x5]  }
0x1c2: {  	s20 =	rddreg [dreg:$0x6]  }
0x1c3: {  	s21 =	sld [smem:$0x7F1]  }
0x1c4: {  	s18 =	rddreg [dreg:$0x7]  }
0x1c5: {  	s17 =	rddreg [dreg:$0x17];
	[tilespmem:s16+$0x1F0] =	vst v0  }
0x1c6: {  	[hbm4b:s4+s12] =	stream.strided.scatter [tilespmem:s19], [sflag:$0x1], $0x400, s13, s12, $0x38;
	[tilespmem:$0x10C00] =	vst v63  }
0x1c7: {  	s19 =	sld [smem:$0x7F2]  }
0x1c8: {  	[hbm4b:s21+s12] =	stream.strided.scatter [tilespmem:s20], [sflag:$0x1], $0x400, s13, s12, $0x38;
	[tilespmem:$0x10C00] =	vst v63  }
0x1c9: {  	s20 =	rddreg [dreg:$0x8]  }
0x1ca: {  	s21 =	sld [smem:$0x7F3]  }
0x1cb: {  	[hbm4b:s19+s12] =	stream.strided.scatter [tilespmem:s18], [sflag:$0x1], $0x400, s13, s12, $0x38;
	[tilespmem:$0x10C00] =	vst v63  }
0x1cc: {  	s18 =	rddreg [dreg:$0x9]  }
0x1cd: {  	s19 =	sld [smem:$0x7F4]  }
0x1ce: {  	[hbm4b:s21+s12] =	stream.strided.scatter [tilespmem:s20], [sflag:$0x1], $0x400, s13, s12, $0x38;
	[tilespmem:$0x10C00] =	vst v63  }
0x1cf: {  	s20 =	rddreg [dreg:$0xa]  }
0x1d0: {  	s21 =	sld [smem:$0x7F5]  }
0x1d1: {  	[hbm4b:s19+s12] =	stream.strided.scatter [tilespmem:s18], [sflag:$0x1], $0x400, s13, s12, $0x38;
	[tilespmem:$0x10C00] =	vst v63  }
0x1d2: {  	s18 =	rddreg [dreg:$0xb]  }
0x1d3: {  	s19 =	sld [smem:$0x7F6]  }
0x1d4: {  	[hbm4b:s21+s12] =	stream.strided.scatter [tilespmem:s20], [sflag:$0x1], $0x400, s13, s12, $0x38;
	[tilespmem:$0x10C00] =	vst v63  }
0x1d5: {  	s20 =	rddreg [dreg:$0xc]  }
0x1d6: {  	s21 =	sld [smem:$0x7F7]  }
0x1d7: {  	[hbm4b:s19+s12] =	stream.strided.scatter [tilespmem:s18], [sflag:$0x1], $0x400, s13, s12, $0x38;
	[tilespmem:$0x10C00] =	vst v63  }
0x1d8: {  	s18 =	rddreg [dreg:$0xd]  }
0x1d9: {  	s19 =	sld [smem:$0x7F8]  }
0x1da: {  	[hbm4b:s21+s12] =	stream.strided.scatter [tilespmem:s20], [sflag:$0x1], $0x400, s13, s12, $0x38;
	[tilespmem:$0x10C00] =	vst v63  }
0x1db: {  	s20 =	rddreg [dreg:$0xe]  }
0x1dc: {  	s21 =	sld [smem:$0x7F9]  }
0x1dd: {  	[hbm4b:s19+s12] =	stream.strided.scatter [tilespmem:s18], [sflag:$0x1], $0x400, s13, s12, $0x38;
	[tilespmem:$0x10C00] =	vst v63  }
0x1de: {  	s18 =	rddreg [dreg:$0xf]  }
0x1df: {  	s19 =	sld [smem:$0x7FA]  }
0x1e0: {  	[hbm4b:s21+s12] =	stream.strided.scatter [tilespmem:s20], [sflag:$0x1], $0x400, s13, s12, $0x38;
	[tilespmem:$0x10C00] =	vst v63  }
0x1e1: {  	s20 =	rddreg [dreg:$0x10]  }
0x1e2: {  	s21 =	sld [smem:$0x7FB]  }
0x1e3: {  	[hbm4b:s19+s12] =	stream.strided.scatter [tilespmem:s18], [sflag:$0x1], $0x400, s13, s12, $0x38;
	[tilespmem:$0x10C00] =	vst v63  }
0x1e4: {  	s18 =	rddreg [dreg:$0x11]  }
0x1e5: {  	s19 =	sld [smem:$0x7FC]  }
0x1e6: {  	[hbm4b:s21+s12] =	stream.strided.scatter [tilespmem:s20], [sflag:$0x1], $0x400, s13, s12, $0x38;
	[tilespmem:$0x10C00] =	vst v63  }
0x1e7: {  	s21 =	sld [smem:$0x7FD]  }
0x1e8: {  	[hbm4b:s19+s12] =	stream.strided.scatter [tilespmem:s18], [sflag:$0x1], $0x400, s13, s12, $0x38;
	[tilespmem:$0x10C00] =	vst v63  }
0x1e9: {  	s20 =	rddreg [dreg:$0x12]  }
0x1ea: {  	[hbm4b:s21+s12] =	stream.strided.scatter [tilespmem:s20], [sflag:$0x1], $0x400, s13, s12, $0x38;
	[tilespmem:$0x10C00] =	vst v63  }
0x1eb: {  	s18 =	rddreg [dreg:$0x13]  }
0x1ec: {  	[hbm4b:s22+s12] =	stream.strided.scatter [tilespmem:s18], [sflag:$0x1], $0x400, s13, s12, $0x38;
	[tilespmem:$0x10C00] =	vst v63  }
0x1ed: {  	s19 =	rddreg [dreg:$0x14]  }
0x1ee: {  	[hbm4b:s23+s12] =	stream.strided.scatter [tilespmem:s19], [sflag:$0x1], $0x400, s13, s12, $0x38;
	[tilespmem:$0x10C00] =	vst v63  }
0x1ef: {  	s20 =	rddreg [dreg:$0x15]  }
0x1f0: {  	[hbm4b:s24+s12] =	stream.strided.scatter [tilespmem:s20], [sflag:$0x1], $0x400, s13, s12, $0x38;
	[tilespmem:$0x10C00] =	vst v63  }
0x1f1: {  	s21 =	rddreg [dreg:$0x16]  }
0x1f2: {  	[hbm4b:s25+s12] =	stream.strided.scatter [tilespmem:s21], [sflag:$0x1], $0x400, s13, s12, $0x38;
	[tilespmem:$0x10C00] =	vst v63  }
0x1f3: {  	s18 =	rddreg [dreg:$0x18]  }
0x1f4: {  	[hbm4b:s26+s12] =	stream.strided.scatter [tilespmem:s17], [sflag:$0x1], $0x400, s13, s12, $0x38;
	[tilespmem:$0x10C00] =	vst v63  }
0x1f5: {  	s19 =	rddreg [dreg:$0x19]  }
0x1f6: {  	[hbm4b:s28+s12] =	stream.strided.scatter [tilespmem:s18], [sflag:$0x1], $0x400, s13, s12, $0x38;
	[tilespmem:$0x10C00] =	vst v63  }
0x1f7: {  	s20 =	rddreg [dreg:$0x1a]  }
0x1f8: {  	[hbm4b:s29+s12] =	stream.strided.scatter [tilespmem:s19], [sflag:$0x1], $0x400, s13, s12, $0x38;
	[tilespmem:$0x10C00] =	vst v63  }
0x1f9: {  	s21 =	rddreg [dreg:$0x1b]  }
0x1fa: {  	[hbm4b:s30+s12] =	stream.strided.scatter [tilespmem:s20], [sflag:$0x1], $0x400, s13, s12, $0x38;
	[tilespmem:$0x10C00] =	vst v63  }
0x1fb: {  	s17 =	rddreg [dreg:$0x1c]  }
0x1fc: {  	[hbm4b:s31+s12] =	stream.strided.scatter [tilespmem:s21], [sflag:$0x1], $0x400, s13, s12, $0x38;
	[tilespmem:$0x10C00] =	vst v63  }
0x1fd: {  	s18 =	rddreg [dreg:$0x1d]  }
0x1fe: {  	[hbm4b:s0+s12] =	stream.strided.scatter [tilespmem:s17], [sflag:$0x1], $0x400, s13, s12, $0x38;
	[tilespmem:$0x10C00] =	vst v63  }
0x1ff: {  	s19 =	rddreg [dreg:$0x1e]  }
0x200: {  	[hbm4b:s2+s12] =	stream.strided.scatter [tilespmem:s18], [sflag:$0x1], $0x400, s13, s12, $0x38;
	[tilespmem:$0x10C00] =	vst v63  }
0x201: {  	s20 =	rddreg [dreg:$0x1f]  }
0x202: {  	[hbm4b:s1+s12] =	stream.strided.scatter [tilespmem:s19], [sflag:$0x1], $0x400, s13, s12, $0x38;
	[tilespmem:$0x10C00] =	vst v63  }
0x203: {  	s21 =	sld [smem:$0x7EC]  }
0x204: {  	[hbm4b:s3+s12] =	stream.strided.scatter [tilespmem:s20], [sflag:$0x1], $0x400, s13, s12, $0x38;
	[tilespmem:$0x10C00] =	vst v63  }
0x205: {  	s17 =	sld [smem:$0x7ED]  }
0x206: {  	[hbm4b:s6+s12] =	stream.strided.scatter [tilespmem:s21], [sflag:$0x1], $0x400, s13, s12, $0x38;
	[tilespmem:$0x10C00] =	vst v63  }
0x207: {  	s18 =	sld [smem:$0x7EE]  }
0x208: {  	[hbm4b:s7+s12] =	stream.strided.scatter [tilespmem:s17], [sflag:$0x1], $0x400, s13, s12, $0x38;
	[tilespmem:$0x10C00] =	vst v63  }
0x209: {  	s19 =	sld [smem:$0x7EF]  }
0x20a: {  	[hbm4b:s8+s12] =	stream.strided.scatter [tilespmem:s18], [sflag:$0x1], $0x400, s13, s12, $0x38;
	[tilespmem:$0x10C00] =	vst v63  }
0x20b: {  	_ = 	snop  }
0x20c: {  	[hbm4b:s9+s12] =	stream.strided.scatter [tilespmem:s19], [sflag:$0x1], $0x400, s13, s12, $0x38;
	[tilespmem:$0x10C00] =	vst v63  }
0x20d: {  	s16 =	sadd.s32 $0x0, s5;
	s20 =	rddreg [dreg:$0x3]  }
0x20e: {  	[hbm4b:s10+s12] =	stream.strided.scatter [tilespmem:s5], [sflag:$0x1], $0x400, s13, s12, $0x38;
	[tilespmem:$0x10C00] =	vst v63  }
0x20f: {  	s17 =	sadd.s32 $0x0, s20;
	s18 =	sadd.s32 $0x8000, s16  }
0x210: {  	[hbm4b:s17+s12] =	stream.strided.scatter [tilespmem:s18], [sflag:$0x1], $0x400, s13, s12, $0x38;
	[tilespmem:$0x10C00] =	vst v63  }
0x211: {  	s21 =	sadd.s32 $0x4, s17;
	s19 =	sadd.s32 $0x7C00, s16  }
0x212: {  	[hbm4b:s21+s12] =	stream.strided.scatter [tilespmem:s19], [sflag:$0x1], $0x400, s13, s12, $0x38;
	[tilespmem:$0x10C00] =	vst v63  }
0x213: {  	s20 =	sadd.s32 $0x8, s17;
	s21 =	sadd.s32 $0x7800, s16  }
0x214: {  	[hbm4b:s20+s12] =	stream.strided.scatter [tilespmem:s21], [sflag:$0x1], $0x400, s13, s12, $0x38;
	[tilespmem:$0x10C00] =	vst v63  }
0x215: {  	s20 =	sadd.s32 $0xC, s17;
	s21 =	sadd.s32 $0x7400, s16  }
0x216: {  	[hbm4b:s20+s12] =	stream.strided.scatter [tilespmem:s21], [sflag:$0x1], $0x400, s13, s12, $0x38;
	[tilespmem:$0x10C00] =	vst v63  }
0x217: {  	s20 =	sadd.s32 $0x10, s17;
	s21 =	sadd.s32 $0x7000, s16  }
0x218: {  	[hbm4b:s20+s12] =	stream.strided.scatter [tilespmem:s21], [sflag:$0x1], $0x400, s13, s12, $0x38;
	[tilespmem:$0x10C00] =	vst v63  }
0x219: {  	s20 =	sadd.s32 $0x14, s17;
	s21 =	sadd.s32 $0x6C00, s16  }
0x21a: {  	[hbm4b:s20+s12] =	stream.strided.scatter [tilespmem:s21], [sflag:$0x1], $0x400, s13, s12, $0x38;
	[tilespmem:$0x10C00] =	vst v63  }
0x21b: {  	s20 =	sadd.s32 $0x18, s17;
	s21 =	sadd.s32 $0x6800, s16  }
0x21c: {  	[hbm4b:s20+s12] =	stream.strided.scatter [tilespmem:s21], [sflag:$0x1], $0x400, s13, s12, $0x38;
	[tilespmem:$0x10C00] =	vst v63  }
0x21d: {  	s20 =	sadd.s32 $0x1C, s17;
	s21 =	sadd.s32 $0x6400, s16  }
0x21e: {  	[hbm4b:s20+s12] =	stream.strided.scatter [tilespmem:s21], [sflag:$0x1], $0x400, s13, s12, $0x38;
	[tilespmem:$0x10C00] =	vst v63  }
0x21f: {  	s20 =	sadd.s32 $0x20, s17;
	s21 =	sadd.s32 $0x6000, s16  }
0x220: {  	[hbm4b:s20+s12] =	stream.strided.scatter [tilespmem:s21], [sflag:$0x1], $0x400, s13, s12, $0x38;
	[tilespmem:$0x10C00] =	vst v63  }
0x221: {  	s20 =	sadd.s32 $0x24, s17;
	s21 =	sadd.s32 $0x5C00, s16  }
0x222: {  	[hbm4b:s20+s12] =	stream.strided.scatter [tilespmem:s21], [sflag:$0x1], $0x400, s13, s12, $0x38;
	[tilespmem:$0x10C00] =	vst v63  }
0x223: {  	s20 =	sadd.s32 $0x28, s17;
	s21 =	sadd.s32 $0x5800, s16  }
0x224: {  	[hbm4b:s20+s12] =	stream.strided.scatter [tilespmem:s21], [sflag:$0x1], $0x400, s13, s12, $0x38;
	[tilespmem:$0x10C00] =	vst v63  }
0x225: {  	s20 =	sadd.s32 $0x2C, s17;
	s21 =	sadd.s32 $0x5400, s16  }
0x226: {  	[hbm4b:s20+s12] =	stream.strided.scatter [tilespmem:s21], [sflag:$0x1], $0x400, s13, s12, $0x38;
	[tilespmem:$0x10C00] =	vst v63  }
0x227: {  	s20 =	sadd.s32 $0x30, s17;
	s21 =	sadd.s32 $0x5000, s16  }
0x228: {  	[hbm4b:s20+s12] =	stream.strided.scatter [tilespmem:s21], [sflag:$0x1], $0x400, s13, s12, $0x38;
	[tilespmem:$0x10C00] =	vst v63  }
0x229: {  	s20 =	sadd.s32 $0x34, s17;
	s21 =	sadd.s32 $0x4C00, s16  }
0x22a: {  	[hbm4b:s20+s12] =	stream.strided.scatter [tilespmem:s21], [sflag:$0x1], $0x400, s13, s12, $0x38;
	[tilespmem:$0x10C00] =	vst v63  }
0x22b: {  	s20 =	sadd.s32 $0x38, s17;
	s21 =	sadd.s32 $0x4800, s16  }
0x22c: {  	[hbm4b:s20+s12] =	stream.strided.scatter [tilespmem:s21], [sflag:$0x1], $0x400, s13, s12, $0x38;
	[tilespmem:$0x10C00] =	vst v63  }
0x22d: {  	s20 =	sadd.s32 $0x3C, s17;
	s21 =	sadd.s32 $0x4400, s16  }
0x22e: {  	[hbm4b:s20+s12] =	stream.strided.scatter [tilespmem:s21], [sflag:$0x1], $0x400, s13, s12, $0x38;
	[tilespmem:$0x10C00] =	vst v63  }
0x22f: {  	s20 =	sadd.s32 $0x40, s17;
	s21 =	sadd.s32 $0x4000, s16  }
0x230: {  	[hbm4b:s20+s12] =	stream.strided.scatter [tilespmem:s21], [sflag:$0x1], $0x400, s13, s12, $0x38;
	[tilespmem:$0x10C00] =	vst v63  }
0x231: {  	s20 =	sadd.s32 $0x44, s17;
	s21 =	sadd.s32 $0x3C00, s16  }
0x232: {  	[hbm4b:s20+s12] =	stream.strided.scatter [tilespmem:s21], [sflag:$0x1], $0x400, s13, s12, $0x38;
	[tilespmem:$0x10C00] =	vst v63  }
0x233: {  	s20 =	sadd.s32 $0x48, s17;
	s21 =	sadd.s32 $0x3800, s16  }
0x234: {  	[hbm4b:s20+s12] =	stream.strided.scatter [tilespmem:s21], [sflag:$0x1], $0x400, s13, s12, $0x38;
	[tilespmem:$0x10C00] =	vst v63  }
0x235: {  	s20 =	sadd.s32 $0x4C, s17;
	s21 =	sadd.s32 $0x3400, s16  }
0x236: {  	[hbm4b:s20+s12] =	stream.strided.scatter [tilespmem:s21], [sflag:$0x1], $0x400, s13, s12, $0x38;
	[tilespmem:$0x10C00] =	vst v63  }
0x237: {  	s20 =	sadd.s32 $0x50, s17;
	s21 =	sadd.s32 $0x3000, s16  }
0x238: {  	[hbm4b:s20+s12] =	stream.strided.scatter [tilespmem:s21], [sflag:$0x1], $0x400, s13, s12, $0x38;
	[tilespmem:$0x10C00] =	vst v63  }
0x239: {  	s20 =	sadd.s32 $0x54, s17;
	s21 =	sadd.s32 $0x2C00, s16  }
0x23a: {  	[hbm4b:s20+s12] =	stream.strided.scatter [tilespmem:s21], [sflag:$0x1], $0x400, s13, s12, $0x38;
	[tilespmem:$0x10C00] =	vst v63  }
0x23b: {  	s20 =	sadd.s32 $0x58, s17;
	s21 =	sadd.s32 $0x2800, s16  }
0x23c: {  	[hbm4b:s20+s12] =	stream.strided.scatter [tilespmem:s21], [sflag:$0x1], $0x400, s13, s12, $0x38;
	[tilespmem:$0x10C00] =	vst v63  }
0x23d: {  	s20 =	sadd.s32 $0x5C, s17;
	s21 =	sadd.s32 $0x2400, s16  }
0x23e: {  	[hbm4b:s20+s12] =	stream.strided.scatter [tilespmem:s21], [sflag:$0x1], $0x400, s13, s12, $0x38;
	[tilespmem:$0x10C00] =	vst v63  }
0x23f: {  	s20 =	sadd.s32 $0x60, s17;
	s21 =	sadd.s32 $0x2000, s16  }
0x240: {  	[hbm4b:s20+s12] =	stream.strided.scatter [tilespmem:s21], [sflag:$0x1], $0x400, s13, s12, $0x38;
	[tilespmem:$0x10C00] =	vst v63  }
0x241: {  	s20 =	sadd.s32 $0x64, s17;
	s21 =	sadd.s32 $0x1C00, s16  }
0x242: {  	[hbm4b:s20+s12] =	stream.strided.scatter [tilespmem:s21], [sflag:$0x1], $0x400, s13, s12, $0x38;
	[tilespmem:$0x10C00] =	vst v63  }
0x243: {  	s20 =	sadd.s32 $0x68, s17;
	s21 =	sadd.s32 $0x1800, s16  }
0x244: {  	[hbm4b:s20+s12] =	stream.strided.scatter [tilespmem:s21], [sflag:$0x1], $0x400, s13, s12, $0x38;
	[tilespmem:$0x10C00] =	vst v63  }
0x245: {  	s20 =	sadd.s32 $0x6C, s17;
	s21 =	sadd.s32 $0x1400, s16  }
0x246: {  	[hbm4b:s20+s12] =	stream.strided.scatter [tilespmem:s21], [sflag:$0x1], $0x400, s13, s12, $0x38;
	[tilespmem:$0x10C00] =	vst v63  }
0x247: {  	s20 =	sadd.s32 $0x70, s17;
	s21 =	sadd.s32 $0x1000, s16  }
0x248: {  	[hbm4b:s20+s12] =	stream.strided.scatter [tilespmem:s21], [sflag:$0x1], $0x400, s13, s12, $0x38;
	[tilespmem:$0x10C00] =	vst v63  }
0x249: {  	s20 =	sadd.s32 $0x74, s17;
	s21 =	sadd.s32 $0xC00, s16  }
0x24a: {  	[hbm4b:s20+s12] =	stream.strided.scatter [tilespmem:s21], [sflag:$0x1], $0x400, s13, s12, $0x38;
	[tilespmem:$0x10C00] =	vst v63  }
0x24b: {  	s20 =	sadd.s32 $0x78, s17;
	s21 =	sadd.s32 $0x800, s16  }
0x24c: {  	[hbm4b:s20+s12] =	stream.strided.scatter [tilespmem:s21], [sflag:$0x1], $0x400, s13, s12, $0x38;
	[tilespmem:$0x10C00] =	vst v63  }
0x24d: {  	s17 =	sadd.s32 $0x7C, s17;
	s16 =	sadd.s32 $0x400, s16  }
0x24e: {  	[hbm4b:s17+s12] =	stream.strided.scatter [tilespmem:s16], [sflag:$0x1], $0x400, s13, s12, $0x38;
	[tilespmem:$0x10C00] =	vst v63  }
0x24f: {  	_ =	swait.ge [sflag:s14], $0x400  }
0x250: {  	[sflag:s14] =	ssyncset.done $0x0  }
0x251: {  	[sflag:s14] =	ssyncadd.s32 $0xFFFFFC00  }
0x252: {  	_ =	swait.ge [sflag:s14], $0x400  }
0x253: {  	[sflag:s14] =	ssyncset.done $0x0  }
0x254: {  	[sflag:s14] =	ssyncadd.s32 $0xFFFFFC00  }
0x255: {  	_ =	swait.ge [sflag:s14], $0x400  }
0x256: {  	[sflag:s14] =	ssyncset.done $0x0  }
0x257: {  	[sflag:s14] =	ssyncadd.s32 $0xFFFFFC00  }
0x258: {  	_ =	swait.ge [sflag:s14], $0x400  }
0x259: {  	[sflag:s14] =	ssyncset.done $0x0  }
0x25a: {  	[sflag:s14] =	ssyncadd.s32 $0xFFFFFC00  }
0x25b: {  	_ =	swait.ge [sflag:s14], $0x400  }
0x25c: {  	[sflag:s14] =	ssyncset.done $0x0  }
0x25d: {  	[sflag:s14] =	ssyncadd.s32 $0xFFFFFC00  }
0x25e: {  	_ =	swait.ge [sflag:s14], $0x400  }
0x25f: {  	[sflag:s14] =	ssyncset.done $0x0  }
0x260: {  	[sflag:s14] =	ssyncadd.s32 $0xFFFFFC00  }
0x261: {  	_ =	swait.ge [sflag:s14], $0x400  }
0x262: {  	[sflag:s14] =	ssyncset.done $0x0  }
0x263: {  	[sflag:s14] =	ssyncadd.s32 $0xFFFFFC00  }
0x264: {  	_ =	swait.ge [sflag:s14], $0x400  }
0x265: {  	[sflag:s14] =	ssyncset.done $0x0  }
0x266: {  	[sflag:s14] =	ssyncadd.s32 $0xFFFFFC00  }
0x267: {  	_ =	swait.ge [sflag:s14], $0x400  }
0x268: {  	[sflag:s14] =	ssyncset.done $0x0  }
0x269: {  	[sflag:s14] =	ssyncadd.s32 $0xFFFFFC00  }
0x26a: {  	_ =	swait.ge [sflag:s14], $0x400  }
0x26b: {  	[sflag:s14] =	ssyncset.done $0x0  }
0x26c: {  	[sflag:s14] =	ssyncadd.s32 $0xFFFFFC00  }
0x26d: {  	_ =	swait.ge [sflag:s14], $0x400  }
0x26e: {  	[sflag:s14] =	ssyncset.done $0x0  }
0x26f: {  	[sflag:s14] =	ssyncadd.s32 $0xFFFFFC00  }
0x270: {  	_ =	swait.ge [sflag:s14], $0x400  }
0x271: {  	[sflag:s14] =	ssyncset.done $0x0  }
0x272: {  	[sflag:s14] =	ssyncadd.s32 $0xFFFFFC00  }
0x273: {  	_ =	swait.ge [sflag:s14], $0x400  }
0x274: {  	[sflag:s14] =	ssyncset.done $0x0  }
0x275: {  	[sflag:s14] =	ssyncadd.s32 $0xFFFFFC00  }
0x276: {  	_ =	swait.ge [sflag:s14], $0x400  }
0x277: {  	[sflag:s14] =	ssyncset.done $0x0  }
0x278: {  	[sflag:s14] =	ssyncadd.s32 $0xFFFFFC00  }
0x279: {  	_ =	swait.ge [sflag:s14], $0x400  }
0x27a: {  	[sflag:s14] =	ssyncset.done $0x0  }
0x27b: {  	[sflag:s14] =	ssyncadd.s32 $0xFFFFFC00  }
0x27c: {  	_ =	swait.ge [sflag:s14], $0x400  }
0x27d: {  	[sflag:s14] =	ssyncset.done $0x0  }
0x27e: {  	[sflag:s14] =	ssyncadd.s32 $0xFFFFFC00  }
0x27f: {  	_ =	swait.ge [sflag:s14], $0x400  }
0x280: {  	[sflag:s14] =	ssyncset.done $0x0  }
0x281: {  	[sflag:s14] =	ssyncadd.s32 $0xFFFFFC00  }
0x282: {  	_ =	swait.ge [sflag:s14], $0x400  }
0x283: {  	[sflag:s14] =	ssyncset.done $0x0  }
0x284: {  	[sflag:s14] =	ssyncadd.s32 $0xFFFFFC00  }
0x285: {  	_ =	swait.ge [sflag:s14], $0x400  }
0x286: {  	[sflag:s14] =	ssyncset.done $0x0  }
0x287: {  	[sflag:s14] =	ssyncadd.s32 $0xFFFFFC00  }
0x288: {  	_ =	swait.ge [sflag:s14], $0x400  }
0x289: {  	[sflag:s14] =	ssyncset.done $0x0  }
0x28a: {  	[sflag:s14] =	ssyncadd.s32 $0xFFFFFC00  }
0x28b: {  	_ =	swait.ge [sflag:s14], $0x400  }
0x28c: {  	[sflag:s14] =	ssyncset.done $0x0  }
0x28d: {  	[sflag:s14] =	ssyncadd.s32 $0xFFFFFC00  }
0x28e: {  	_ =	swait.ge [sflag:s14], $0x400  }
0x28f: {  	[sflag:s14] =	ssyncset.done $0x0  }
0x290: {  	[sflag:s14] =	ssyncadd.s32 $0xFFFFFC00  }
0x291: {  	_ =	swait.ge [sflag:s14], $0x400  }
0x292: {  	[sflag:s14] =	ssyncset.done $0x0  }
0x293: {  	[sflag:s14] =	ssyncadd.s32 $0xFFFFFC00  }
0x294: {  	_ =	swait.ge [sflag:s14], $0x400  }
0x295: {  	[sflag:s14] =	ssyncset.done $0x0  }
0x296: {  	[sflag:s14] =	ssyncadd.s32 $0xFFFFFC00  }
0x297: {  	_ =	swait.ge [sflag:s14], $0x400  }
0x298: {  	[sflag:s14] =	ssyncset.done $0x0  }
0x299: {  	[sflag:s14] =	ssyncadd.s32 $0xFFFFFC00  }
0x29a: {  	_ =	swait.ge [sflag:s14], $0x400  }
0x29b: {  	[sflag:s14] =	ssyncset.done $0x0  }
0x29c: {  	[sflag:s14] =	ssyncadd.s32 $0xFFFFFC00  }
0x29d: {  	_ =	swait.ge [sflag:s14], $0x400  }
0x29e: {  	[sflag:s14] =	ssyncset.done $0x0  }
0x29f: {  	[sflag:s14] =	ssyncadd.s32 $0xFFFFFC00  }
0x2a0: {  	_ =	swait.ge [sflag:s14], $0x400  }
0x2a1: {  	[sflag:s14] =	ssyncset.done $0x0  }
0x2a2: {  	[sflag:s14] =	ssyncadd.s32 $0xFFFFFC00  }
0x2a3: {  	_ =	swait.ge [sflag:s14], $0x400  }
0x2a4: {  	[sflag:s14] =	ssyncset.done $0x0  }
0x2a5: {  	[sflag:s14] =	ssyncadd.s32 $0xFFFFFC00  }
0x2a6: {  	_ =	swait.ge [sflag:s14], $0x400  }
0x2a7: {  	[sflag:s14] =	ssyncset.done $0x0  }
0x2a8: {  	[sflag:s14] =	ssyncadd.s32 $0xFFFFFC00  }
0x2a9: {  	_ =	swait.ge [sflag:s14], $0x400  }
0x2aa: {  	[sflag:s14] =	ssyncset.done $0x0  }
0x2ab: {  	[sflag:s14] =	ssyncadd.s32 $0xFFFFFC00  }
0x2ac: {  	s18 =	simm.s32 $0x2000;
	_ =	swait.ge [sflag:s14], $0x400  }
0x2ad: {  	s16 =	simm.s32 $0x1000;
	s19 =	rddreg [dreg:$0x3];
	[sflag:s14] =	ssyncset.done $0x0  }
.LBB2_4:
0x2ae: {  	s20 =	sshra.s32 s16, $0x2;
	s21 =	smov.u32 s18  }
0x2af: {  	s17 =	sadd.s32 $0x1000, s18;
	p0 =	sne.s32 s18, $0xE000;
	s18 =	sadd.s32 s20, s5  }
0x2b0: {  	[sflag:s14] =	ssyncadd.s32 $0xFFFFFC00;
	s19 =	sadd.s32 s16, s19;
	s20 =	sadd.s32 $0x8000, s18  }
0x2b1: {  	[hbm4b:s19+s12] =	stream.strided.scatter [tilespmem:s20], [sflag:$0x1], $0x400, s13, s12, $0x38;
	[tilespmem:$0x10C00] =	vst v63  }
0x2b2: {  	s16 =	smov.u32 s21;
	s21 =	sadd.s32 $0x7C00, s18;
	s20 =	sadd.s32 $0x4, s19  }
0x2b3: {  	[hbm4b:s20+s12] =	stream.strided.scatter [tilespmem:s21], [sflag:$0x1], $0x400, s13, s12, $0x38;
	[tilespmem:$0x10C00] =	vst v63  }
0x2b4: {  	s20 =	sadd.s32 $0x8, s19;
	s21 =	sadd.s32 $0x7800, s18  }
0x2b5: {  	[hbm4b:s20+s12] =	stream.strided.scatter [tilespmem:s21], [sflag:$0x1], $0x400, s13, s12, $0x38;
	[tilespmem:$0x10C00] =	vst v63  }
0x2b6: {  	s20 =	sadd.s32 $0xC, s19;
	s21 =	sadd.s32 $0x7400, s18  }
0x2b7: {  	[hbm4b:s20+s12] =	stream.strided.scatter [tilespmem:s21], [sflag:$0x1], $0x400, s13, s12, $0x38;
	[tilespmem:$0x10C00] =	vst v63  }
0x2b8: {  	s20 =	sadd.s32 $0x10, s19;
	s21 =	sadd.s32 $0x7000, s18  }
0x2b9: {  	[hbm4b:s20+s12] =	stream.strided.scatter [tilespmem:s21], [sflag:$0x1], $0x400, s13, s12, $0x38;
	[tilespmem:$0x10C00] =	vst v63  }
0x2ba: {  	s20 =	sadd.s32 $0x14, s19;
	s21 =	sadd.s32 $0x6C00, s18  }
0x2bb: {  	[hbm4b:s20+s12] =	stream.strided.scatter [tilespmem:s21], [sflag:$0x1], $0x400, s13, s12, $0x38;
	[tilespmem:$0x10C00] =	vst v63  }
0x2bc: {  	s20 =	sadd.s32 $0x18, s19;
	s21 =	sadd.s32 $0x6800, s18  }
0x2bd: {  	[hbm4b:s20+s12] =	stream.strided.scatter [tilespmem:s21], [sflag:$0x1], $0x400, s13, s12, $0x38;
	[tilespmem:$0x10C00] =	vst v63  }
0x2be: {  	s20 =	sadd.s32 $0x1C, s19;
	s21 =	sadd.s32 $0x6400, s18  }
0x2bf: {  	[hbm4b:s20+s12] =	stream.strided.scatter [tilespmem:s21], [sflag:$0x1], $0x400, s13, s12, $0x38;
	[tilespmem:$0x10C00] =	vst v63  }
0x2c0: {  	s20 =	sadd.s32 $0x20, s19;
	s21 =	sadd.s32 $0x6000, s18  }
0x2c1: {  	[hbm4b:s20+s12] =	stream.strided.scatter [tilespmem:s21], [sflag:$0x1], $0x400, s13, s12, $0x38;
	[tilespmem:$0x10C00] =	vst v63  }
0x2c2: {  	s20 =	sadd.s32 $0x24, s19;
	s21 =	sadd.s32 $0x5C00, s18  }
0x2c3: {  	[hbm4b:s20+s12] =	stream.strided.scatter [tilespmem:s21], [sflag:$0x1], $0x400, s13, s12, $0x38;
	[tilespmem:$0x10C00] =	vst v63  }
0x2c4: {  	s20 =	sadd.s32 $0x28, s19;
	s21 =	sadd.s32 $0x5800, s18  }
0x2c5: {  	[hbm4b:s20+s12] =	stream.strided.scatter [tilespmem:s21], [sflag:$0x1], $0x400, s13, s12, $0x38;
	[tilespmem:$0x10C00] =	vst v63  }
0x2c6: {  	s20 =	sadd.s32 $0x2C, s19;
	s21 =	sadd.s32 $0x5400, s18  }
0x2c7: {  	[hbm4b:s20+s12] =	stream.strided.scatter [tilespmem:s21], [sflag:$0x1], $0x400, s13, s12, $0x38;
	[tilespmem:$0x10C00] =	vst v63  }
0x2c8: {  	s20 =	sadd.s32 $0x30, s19;
	s21 =	sadd.s32 $0x5000, s18  }
0x2c9: {  	[hbm4b:s20+s12] =	stream.strided.scatter [tilespmem:s21], [sflag:$0x1], $0x400, s13, s12, $0x38;
	[tilespmem:$0x10C00] =	vst v63  }
0x2ca: {  	s20 =	sadd.s32 $0x34, s19;
	s21 =	sadd.s32 $0x4C00, s18  }
0x2cb: {  	[hbm4b:s20+s12] =	stream.strided.scatter [tilespmem:s21], [sflag:$0x1], $0x400, s13, s12, $0x38;
	[tilespmem:$0x10C00] =	vst v63  }
0x2cc: {  	s20 =	sadd.s32 $0x38, s19;
	s21 =	sadd.s32 $0x4800, s18  }
0x2cd: {  	[hbm4b:s20+s12] =	stream.strided.scatter [tilespmem:s21], [sflag:$0x1], $0x400, s13, s12, $0x38;
	[tilespmem:$0x10C00] =	vst v63  }
0x2ce: {  	s20 =	sadd.s32 $0x3C, s19;
	s21 =	sadd.s32 $0x4400, s18  }
0x2cf: {  	[hbm4b:s20+s12] =	stream.strided.scatter [tilespmem:s21], [sflag:$0x1], $0x400, s13, s12, $0x38;
	[tilespmem:$0x10C00] =	vst v63  }
0x2d0: {  	s20 =	sadd.s32 $0x40, s19;
	s21 =	sadd.s32 $0x4000, s18  }
0x2d1: {  	[hbm4b:s20+s12] =	stream.strided.scatter [tilespmem:s21], [sflag:$0x1], $0x400, s13, s12, $0x38;
	[tilespmem:$0x10C00] =	vst v63  }
0x2d2: {  	s20 =	sadd.s32 $0x44, s19;
	s21 =	sadd.s32 $0x3C00, s18  }
0x2d3: {  	[hbm4b:s20+s12] =	stream.strided.scatter [tilespmem:s21], [sflag:$0x1], $0x400, s13, s12, $0x38;
	[tilespmem:$0x10C00] =	vst v63  }
0x2d4: {  	s20 =	sadd.s32 $0x48, s19;
	s21 =	sadd.s32 $0x3800, s18  }
0x2d5: {  	[hbm4b:s20+s12] =	stream.strided.scatter [tilespmem:s21], [sflag:$0x1], $0x400, s13, s12, $0x38;
	[tilespmem:$0x10C00] =	vst v63  }
0x2d6: {  	s20 =	sadd.s32 $0x4C, s19;
	s21 =	sadd.s32 $0x3400, s18  }
0x2d7: {  	[hbm4b:s20+s12] =	stream.strided.scatter [tilespmem:s21], [sflag:$0x1], $0x400, s13, s12, $0x38;
	[tilespmem:$0x10C00] =	vst v63  }
0x2d8: {  	s20 =	sadd.s32 $0x50, s19;
	s21 =	sadd.s32 $0x3000, s18  }
0x2d9: {  	[hbm4b:s20+s12] =	stream.strided.scatter [tilespmem:s21], [sflag:$0x1], $0x400, s13, s12, $0x38;
	[tilespmem:$0x10C00] =	vst v63  }
0x2da: {  	s20 =	sadd.s32 $0x54, s19;
	s21 =	sadd.s32 $0x2C00, s18  }
0x2db: {  	[hbm4b:s20+s12] =	stream.strided.scatter [tilespmem:s21], [sflag:$0x1], $0x400, s13, s12, $0x38;
	[tilespmem:$0x10C00] =	vst v63  }
0x2dc: {  	s20 =	sadd.s32 $0x58, s19;
	s21 =	sadd.s32 $0x2800, s18  }
0x2dd: {  	[hbm4b:s20+s12] =	stream.strided.scatter [tilespmem:s21], [sflag:$0x1], $0x400, s13, s12, $0x38;
	[tilespmem:$0x10C00] =	vst v63  }
0x2de: {  	s20 =	sadd.s32 $0x5C, s19;
	s21 =	sadd.s32 $0x2400, s18  }
0x2df: {  	[hbm4b:s20+s12] =	stream.strided.scatter [tilespmem:s21], [sflag:$0x1], $0x400, s13, s12, $0x38;
	[tilespmem:$0x10C00] =	vst v63  }
0x2e0: {  	s20 =	sadd.s32 $0x60, s19;
	s21 =	sadd.s32 $0x2000, s18  }
0x2e1: {  	[hbm4b:s20+s12] =	stream.strided.scatter [tilespmem:s21], [sflag:$0x1], $0x400, s13, s12, $0x38;
	[tilespmem:$0x10C00] =	vst v63  }
0x2e2: {  	s20 =	sadd.s32 $0x64, s19;
	s21 =	sadd.s32 $0x1C00, s18  }
0x2e3: {  	[hbm4b:s20+s12] =	stream.strided.scatter [tilespmem:s21], [sflag:$0x1], $0x400, s13, s12, $0x38;
	[tilespmem:$0x10C00] =	vst v63  }
0x2e4: {  	s20 =	sadd.s32 $0x68, s19;
	s21 =	sadd.s32 $0x1800, s18  }
0x2e5: {  	[hbm4b:s20+s12] =	stream.strided.scatter [tilespmem:s21], [sflag:$0x1], $0x400, s13, s12, $0x38;
	[tilespmem:$0x10C00] =	vst v63  }
0x2e6: {  	s20 =	sadd.s32 $0x6C, s19;
	s21 =	sadd.s32 $0x1400, s18  }
0x2e7: {  	[hbm4b:s20+s12] =	stream.strided.scatter [tilespmem:s21], [sflag:$0x1], $0x400, s13, s12, $0x38;
	[tilespmem:$0x10C00] =	vst v63  }
0x2e8: {  	s20 =	sadd.s32 $0x70, s19;
	s21 =	sadd.s32 $0x1000, s18  }
0x2e9: {  	[hbm4b:s20+s12] =	stream.strided.scatter [tilespmem:s21], [sflag:$0x1], $0x400, s13, s12, $0x38;
	[tilespmem:$0x10C00] =	vst v63  }
0x2ea: {  	s20 =	sadd.s32 $0x74, s19;
	s21 =	sadd.s32 $0xC00, s18  }
0x2eb: {  	[hbm4b:s20+s12] =	stream.strided.scatter [tilespmem:s21], [sflag:$0x1], $0x400, s13, s12, $0x38;
	[tilespmem:$0x10C00] =	vst v63  }
0x2ec: {  	s20 =	sadd.s32 $0x78, s19;
	s21 =	sadd.s32 $0x800, s18  }
0x2ed: {  	[hbm4b:s20+s12] =	stream.strided.scatter [tilespmem:s21], [sflag:$0x1], $0x400, s13, s12, $0x38;
	[tilespmem:$0x10C00] =	vst v63  }
0x2ee: {  	s19 =	sadd.s32 $0x7C, s19;
	s18 =	sadd.s32 $0x400, s18  }
0x2ef: {  	[hbm4b:s19+s12] =	stream.strided.scatter [tilespmem:s18], [sflag:$0x1], $0x400, s13, s12, $0x38;
	[tilespmem:$0x10C00] =	vst v63  }
0x2f0: {  	_ =	swait.ge [sflag:s14], $0x400  }
0x2f1: {  	[sflag:s14] =	ssyncset.done $0x0  }
0x2f2: {  	[sflag:s14] =	ssyncadd.s32 $0xFFFFFC00  }
0x2f3: {  	_ =	swait.ge [sflag:s14], $0x400  }
0x2f4: {  	[sflag:s14] =	ssyncset.done $0x0  }
0x2f5: {  	[sflag:s14] =	ssyncadd.s32 $0xFFFFFC00  }
0x2f6: {  	_ =	swait.ge [sflag:s14], $0x400  }
0x2f7: {  	[sflag:s14] =	ssyncset.done $0x0  }
0x2f8: {  	[sflag:s14] =	ssyncadd.s32 $0xFFFFFC00  }
0x2f9: {  	_ =	swait.ge [sflag:s14], $0x400  }
0x2fa: {  	[sflag:s14] =	ssyncset.done $0x0  }
0x2fb: {  	[sflag:s14] =	ssyncadd.s32 $0xFFFFFC00  }
0x2fc: {  	_ =	swait.ge [sflag:s14], $0x400  }
0x2fd: {  	[sflag:s14] =	ssyncset.done $0x0  }
0x2fe: {  	[sflag:s14] =	ssyncadd.s32 $0xFFFFFC00  }
0x2ff: {  	_ =	swait.ge [sflag:s14], $0x400  }
0x300: {  	[sflag:s14] =	ssyncset.done $0x0  }
0x301: {  	[sflag:s14] =	ssyncadd.s32 $0xFFFFFC00  }
0x302: {  	_ =	swait.ge [sflag:s14], $0x400  }
0x303: {  	[sflag:s14] =	ssyncset.done $0x0  }
0x304: {  	[sflag:s14] =	ssyncadd.s32 $0xFFFFFC00  }
0x305: {  	_ =	swait.ge [sflag:s14], $0x400  }
0x306: {  	[sflag:s14] =	ssyncset.done $0x0  }
0x307: {  	[sflag:s14] =	ssyncadd.s32 $0xFFFFFC00  }
0x308: {  	_ =	swait.ge [sflag:s14], $0x400  }
0x309: {  	[sflag:s14] =	ssyncset.done $0x0  }
0x30a: {  	[sflag:s14] =	ssyncadd.s32 $0xFFFFFC00  }
0x30b: {  	_ =	swait.ge [sflag:s14], $0x400  }
0x30c: {  	[sflag:s14] =	ssyncset.done $0x0  }
0x30d: {  	[sflag:s14] =	ssyncadd.s32 $0xFFFFFC00  }
0x30e: {  	_ =	swait.ge [sflag:s14], $0x400  }
0x30f: {  	[sflag:s14] =	ssyncset.done $0x0  }
0x310: {  	[sflag:s14] =	ssyncadd.s32 $0xFFFFFC00  }
0x311: {  	_ =	swait.ge [sflag:s14], $0x400  }
0x312: {  	[sflag:s14] =	ssyncset.done $0x0  }
0x313: {  	[sflag:s14] =	ssyncadd.s32 $0xFFFFFC00  }
0x314: {  	_ =	swait.ge [sflag:s14], $0x400  }
0x315: {  	[sflag:s14] =	ssyncset.done $0x0  }
0x316: {  	[sflag:s14] =	ssyncadd.s32 $0xFFFFFC00  }
0x317: {  	_ =	swait.ge [sflag:s14], $0x400  }
0x318: {  	[sflag:s14] =	ssyncset.done $0x0  }
0x319: {  	[sflag:s14] =	ssyncadd.s32 $0xFFFFFC00  }
0x31a: {  	_ =	swait.ge [sflag:s14], $0x400  }
0x31b: {  	[sflag:s14] =	ssyncset.done $0x0  }
0x31c: {  	[sflag:s14] =	ssyncadd.s32 $0xFFFFFC00  }
0x31d: {  	_ =	swait.ge [sflag:s14], $0x400  }
0x31e: {  	[sflag:s14] =	ssyncset.done $0x0  }
0x31f: {  	[sflag:s14] =	ssyncadd.s32 $0xFFFFFC00  }
0x320: {  	_ =	swait.ge [sflag:s14], $0x400  }
0x321: {  	[sflag:s14] =	ssyncset.done $0x0  }
0x322: {  	[sflag:s14] =	ssyncadd.s32 $0xFFFFFC00  }
0x323: {  	_ =	swait.ge [sflag:s14], $0x400  }
0x324: {  	[sflag:s14] =	ssyncset.done $0x0  }
0x325: {  	[sflag:s14] =	ssyncadd.s32 $0xFFFFFC00  }
0x326: {  	_ =	swait.ge [sflag:s14], $0x400  }
0x327: {  	[sflag:s14] =	ssyncset.done $0x0  }
0x328: {  	[sflag:s14] =	ssyncadd.s32 $0xFFFFFC00  }
0x329: {  	_ =	swait.ge [sflag:s14], $0x400  }
0x32a: {  	[sflag:s14] =	ssyncset.done $0x0  }
0x32b: {  	[sflag:s14] =	ssyncadd.s32 $0xFFFFFC00  }
0x32c: {  	_ =	swait.ge [sflag:s14], $0x400  }
0x32d: {  	[sflag:s14] =	ssyncset.done $0x0  }
0x32e: {  	[sflag:s14] =	ssyncadd.s32 $0xFFFFFC00  }
0x32f: {  	_ =	swait.ge [sflag:s14], $0x400  }
0x330: {  	[sflag:s14] =	ssyncset.done $0x0  }
0x331: {  	[sflag:s14] =	ssyncadd.s32 $0xFFFFFC00  }
0x332: {  	_ =	swait.ge [sflag:s14], $0x400  }
0x333: {  	[sflag:s14] =	ssyncset.done $0x0  }
0x334: {  	[sflag:s14] =	ssyncadd.s32 $0xFFFFFC00  }
0x335: {  	_ =	swait.ge [sflag:s14], $0x400  }
0x336: {  	[sflag:s14] =	ssyncset.done $0x0  }
0x337: {  	[sflag:s14] =	ssyncadd.s32 $0xFFFFFC00  }
0x338: {  	_ =	swait.ge [sflag:s14], $0x400  }
0x339: {  	[sflag:s14] =	ssyncset.done $0x0  }
0x33a: {  	[sflag:s14] =	ssyncadd.s32 $0xFFFFFC00  }
0x33b: {  	_ =	swait.ge [sflag:s14], $0x400  }
0x33c: {  	[sflag:s14] =	ssyncset.done $0x0  }
0x33d: {  	[sflag:s14] =	ssyncadd.s32 $0xFFFFFC00  }
0x33e: {  	_ =	swait.ge [sflag:s14], $0x400  }
0x33f: {  	[sflag:s14] =	ssyncset.done $0x0  }
0x340: {  	[sflag:s14] =	ssyncadd.s32 $0xFFFFFC00  }
0x341: {  	_ =	swait.ge [sflag:s14], $0x400  }
0x342: {  	[sflag:s14] =	ssyncset.done $0x0  }
0x343: {  	[sflag:s14] =	ssyncadd.s32 $0xFFFFFC00  }
0x344: {  	_ =	swait.ge [sflag:s14], $0x400  }
0x345: {  	[sflag:s14] =	ssyncset.done $0x0  }
0x346: {  	[sflag:s14] =	ssyncadd.s32 $0xFFFFFC00  }
0x347: {  	_ =	swait.ge [sflag:s14], $0x400  }
0x348: {  	[sflag:s14] =	ssyncset.done $0x0  }
0x349: {  	[sflag:s14] =	ssyncadd.s32 $0xFFFFFC00  }
.Ltmp1:
0x34a: {  	_ =	swait.ge [sflag:s14], $0x400;
	(pc) =	sbr.rel @p0 .LBB2_4-.Ltmp1, $4  }
0x34b: {  	[sflag:s14] =	ssyncset.done $0x0  }
0x34c: {  	[sflag:s14] =	ssyncadd.s32 $0xFFFFFC00  }
0x34d: {  	_ =	swait.ge [sflag:s14], $0x400  }
0x34e: {  	s18 =	smov.u32 s17;
	s19 =	rddreg [dreg:$0x3];
	[sflag:s14] =	ssyncset.done $0x0  }
0x34f: {  	s17 =	sshra.s32 s16, $0x2  }
0x350: {  	s17 =	sadd.s32 s17, s5  }
0x351: {  	[sflag:s14] =	ssyncadd.s32 $0xFFFFFC00;
	s16 =	sadd.s32 s16, s19;
	s18 =	sadd.s32 $0x8000, s17  }
0x352: {  	[hbm4b:s16+s12] =	stream.strided.scatter [tilespmem:s18], [sflag:$0x1], $0x400, s13, s12, $0x38;
	[tilespmem:$0x10C00] =	vst v63  }
0x353: {  	s20 =	sadd.s32 $0x4, s16;
	s21 =	sadd.s32 $0x7C00, s17  }
0x354: {  	[hbm4b:s20+s12] =	stream.strided.scatter [tilespmem:s21], [sflag:$0x1], $0x400, s13, s12, $0x38;
	[tilespmem:$0x10C00] =	vst v63  }
0x355: {  	s20 =	sadd.s32 $0x8, s16;
	s21 =	sadd.s32 $0x7800, s17  }
0x356: {  	[hbm4b:s20+s12] =	stream.strided.scatter [tilespmem:s21], [sflag:$0x1], $0x400, s13, s12, $0x38;
	[tilespmem:$0x10C00] =	vst v63  }
0x357: {  	s20 =	sadd.s32 $0xC, s16;
	s21 =	sadd.s32 $0x7400, s17  }
0x358: {  	[hbm4b:s20+s12] =	stream.strided.scatter [tilespmem:s21], [sflag:$0x1], $0x400, s13, s12, $0x38;
	[tilespmem:$0x10C00] =	vst v63  }
0x359: {  	s20 =	sadd.s32 $0x10, s16;
	s21 =	sadd.s32 $0x7000, s17  }
0x35a: {  	[hbm4b:s20+s12] =	stream.strided.scatter [tilespmem:s21], [sflag:$0x1], $0x400, s13, s12, $0x38;
	[tilespmem:$0x10C00] =	vst v63  }
0x35b: {  	s20 =	sadd.s32 $0x14, s16;
	s21 =	sadd.s32 $0x6C00, s17  }
0x35c: {  	[hbm4b:s20+s12] =	stream.strided.scatter [tilespmem:s21], [sflag:$0x1], $0x400, s13, s12, $0x38;
	[tilespmem:$0x10C00] =	vst v63  }
0x35d: {  	s20 =	sadd.s32 $0x18, s16;
	s21 =	sadd.s32 $0x6800, s17  }
0x35e: {  	[hbm4b:s20+s12] =	stream.strided.scatter [tilespmem:s21], [sflag:$0x1], $0x400, s13, s12, $0x38;
	[tilespmem:$0x10C00] =	vst v63  }
0x35f: {  	s20 =	sadd.s32 $0x1C, s16;
	s21 =	sadd.s32 $0x6400, s17  }
0x360: {  	[hbm4b:s20+s12] =	stream.strided.scatter [tilespmem:s21], [sflag:$0x1], $0x400, s13, s12, $0x38;
	[tilespmem:$0x10C00] =	vst v63  }
0x361: {  	s20 =	sadd.s32 $0x20, s16;
	s21 =	sadd.s32 $0x6000, s17  }
0x362: {  	[hbm4b:s20+s12] =	stream.strided.scatter [tilespmem:s21], [sflag:$0x1], $0x400, s13, s12, $0x38;
	[tilespmem:$0x10C00] =	vst v63  }
0x363: {  	s20 =	sadd.s32 $0x24, s16;
	s21 =	sadd.s32 $0x5C00, s17  }
0x364: {  	[hbm4b:s20+s12] =	stream.strided.scatter [tilespmem:s21], [sflag:$0x1], $0x400, s13, s12, $0x38;
	[tilespmem:$0x10C00] =	vst v63  }
0x365: {  	s20 =	sadd.s32 $0x28, s16;
	s21 =	sadd.s32 $0x5800, s17  }
0x366: {  	[hbm4b:s20+s12] =	stream.strided.scatter [tilespmem:s21], [sflag:$0x1], $0x400, s13, s12, $0x38;
	[tilespmem:$0x10C00] =	vst v63  }
0x367: {  	s20 =	sadd.s32 $0x2C, s16;
	s21 =	sadd.s32 $0x5400, s17  }
0x368: {  	[hbm4b:s20+s12] =	stream.strided.scatter [tilespmem:s21], [sflag:$0x1], $0x400, s13, s12, $0x38;
	[tilespmem:$0x10C00] =	vst v63  }
0x369: {  	s20 =	sadd.s32 $0x30, s16;
	s21 =	sadd.s32 $0x5000, s17  }
0x36a: {  	[hbm4b:s20+s12] =	stream.strided.scatter [tilespmem:s21], [sflag:$0x1], $0x400, s13, s12, $0x38;
	[tilespmem:$0x10C00] =	vst v63  }
0x36b: {  	s20 =	sadd.s32 $0x34, s16;
	s21 =	sadd.s32 $0x4C00, s17  }
0x36c: {  	[hbm4b:s20+s12] =	stream.strided.scatter [tilespmem:s21], [sflag:$0x1], $0x400, s13, s12, $0x38;
	[tilespmem:$0x10C00] =	vst v63  }
0x36d: {  	s20 =	sadd.s32 $0x38, s16;
	s21 =	sadd.s32 $0x4800, s17  }
0x36e: {  	[hbm4b:s20+s12] =	stream.strided.scatter [tilespmem:s21], [sflag:$0x1], $0x400, s13, s12, $0x38;
	[tilespmem:$0x10C00] =	vst v63  }
0x36f: {  	s20 =	sadd.s32 $0x3C, s16;
	s21 =	sadd.s32 $0x4400, s17  }
0x370: {  	[hbm4b:s20+s12] =	stream.strided.scatter [tilespmem:s21], [sflag:$0x1], $0x400, s13, s12, $0x38;
	[tilespmem:$0x10C00] =	vst v63  }
0x371: {  	s20 =	sadd.s32 $0x40, s16;
	s21 =	sadd.s32 $0x4000, s17  }
0x372: {  	[hbm4b:s20+s12] =	stream.strided.scatter [tilespmem:s21], [sflag:$0x1], $0x400, s13, s12, $0x38;
	[tilespmem:$0x10C00] =	vst v63  }
0x373: {  	s20 =	sadd.s32 $0x44, s16;
	s21 =	sadd.s32 $0x3C00, s17  }
0x374: {  	[hbm4b:s20+s12] =	stream.strided.scatter [tilespmem:s21], [sflag:$0x1], $0x400, s13, s12, $0x38;
	[tilespmem:$0x10C00] =	vst v63  }
0x375: {  	s20 =	sadd.s32 $0x48, s16;
	s21 =	sadd.s32 $0x3800, s17  }
0x376: {  	[hbm4b:s20+s12] =	stream.strided.scatter [tilespmem:s21], [sflag:$0x1], $0x400, s13, s12, $0x38;
	[tilespmem:$0x10C00] =	vst v63  }
0x377: {  	s20 =	sadd.s32 $0x4C, s16;
	s21 =	sadd.s32 $0x3400, s17  }
0x378: {  	[hbm4b:s20+s12] =	stream.strided.scatter [tilespmem:s21], [sflag:$0x1], $0x400, s13, s12, $0x38;
	[tilespmem:$0x10C00] =	vst v63  }
0x379: {  	s20 =	sadd.s32 $0x50, s16;
	s21 =	sadd.s32 $0x3000, s17  }
0x37a: {  	[hbm4b:s20+s12] =	stream.strided.scatter [tilespmem:s21], [sflag:$0x1], $0x400, s13, s12, $0x38;
	[tilespmem:$0x10C00] =	vst v63  }
0x37b: {  	s20 =	sadd.s32 $0x54, s16;
	s21 =	sadd.s32 $0x2C00, s17  }
0x37c: {  	[hbm4b:s20+s12] =	stream.strided.scatter [tilespmem:s21], [sflag:$0x1], $0x400, s13, s12, $0x38;
	[tilespmem:$0x10C00] =	vst v63  }
0x37d: {  	s20 =	sadd.s32 $0x58, s16;
	s21 =	sadd.s32 $0x2800, s17  }
0x37e: {  	[hbm4b:s20+s12] =	stream.strided.scatter [tilespmem:s21], [sflag:$0x1], $0x400, s13, s12, $0x38;
	[tilespmem:$0x10C00] =	vst v63  }
0x37f: {  	s20 =	sadd.s32 $0x5C, s16;
	s21 =	sadd.s32 $0x2400, s17  }
0x380: {  	[hbm4b:s20+s12] =	stream.strided.scatter [tilespmem:s21], [sflag:$0x1], $0x400, s13, s12, $0x38;
	[tilespmem:$0x10C00] =	vst v63  }
0x381: {  	s20 =	sadd.s32 $0x60, s16;
	s21 =	sadd.s32 $0x2000, s17  }
0x382: {  	[hbm4b:s20+s12] =	stream.strided.scatter [tilespmem:s21], [sflag:$0x1], $0x400, s13, s12, $0x38;
	[tilespmem:$0x10C00] =	vst v63  }
0x383: {  	s20 =	sadd.s32 $0x64, s16;
	s21 =	sadd.s32 $0x1C00, s17  }
0x384: {  	[hbm4b:s20+s12] =	stream.strided.scatter [tilespmem:s21], [sflag:$0x1], $0x400, s13, s12, $0x38;
	[tilespmem:$0x10C00] =	vst v63  }
0x385: {  	s20 =	sadd.s32 $0x68, s16;
	s21 =	sadd.s32 $0x1800, s17  }
0x386: {  	[hbm4b:s20+s12] =	stream.strided.scatter [tilespmem:s21], [sflag:$0x1], $0x400, s13, s12, $0x38;
	[tilespmem:$0x10C00] =	vst v63  }
0x387: {  	s20 =	sadd.s32 $0x6C, s16;
	s21 =	sadd.s32 $0x1400, s17  }
0x388: {  	[hbm4b:s20+s12] =	stream.strided.scatter [tilespmem:s21], [sflag:$0x1], $0x400, s13, s12, $0x38;
	[tilespmem:$0x10C00] =	vst v63  }
0x389: {  	s20 =	sadd.s32 $0x70, s16;
	s21 =	sadd.s32 $0x1000, s17  }
0x38a: {  	[hbm4b:s20+s12] =	stream.strided.scatter [tilespmem:s21], [sflag:$0x1], $0x400, s13, s12, $0x38;
	[tilespmem:$0x10C00] =	vst v63  }
0x38b: {  	s20 =	sadd.s32 $0x74, s16;
	s21 =	sadd.s32 $0xC00, s17  }
0x38c: {  	[hbm4b:s20+s12] =	stream.strided.scatter [tilespmem:s21], [sflag:$0x1], $0x400, s13, s12, $0x38;
	[tilespmem:$0x10C00] =	vst v63  }
0x38d: {  	s19 =	sadd.s32 $0x78, s16;
	s20 =	sadd.s32 $0x800, s17  }
0x38e: {  	[hbm4b:s19+s12] =	stream.strided.scatter [tilespmem:s20], [sflag:$0x1], $0x400, s13, s12, $0x38;
	[tilespmem:$0x10C00] =	vst v63  }
0x38f: {  	s16 =	sadd.s32 $0x7C, s16;
	s17 =	sadd.s32 $0x400, s17  }
0x390: {  	[hbm4b:s16+s12] =	stream.strided.scatter [tilespmem:s17], [sflag:$0x1], $0x400, s13, s12, $0x38;
	[tilespmem:$0x10C00] =	vst v63  }
0x391: {  	_ =	swait.ge [sflag:s14], $0x400  }
0x392: {  	[sflag:s14] =	ssyncset.done $0x0  }
0x393: {  	[sflag:s14] =	ssyncadd.s32 $0xFFFFFC00  }
0x394: {  	_ =	swait.ge [sflag:s14], $0x400  }
0x395: {  	[sflag:s14] =	ssyncset.done $0x0  }
0x396: {  	[sflag:s14] =	ssyncadd.s32 $0xFFFFFC00  }
0x397: {  	_ =	swait.ge [sflag:s14], $0x400  }
0x398: {  	[sflag:s14] =	ssyncset.done $0x0  }
0x399: {  	[sflag:s14] =	ssyncadd.s32 $0xFFFFFC00  }
0x39a: {  	_ =	swait.ge [sflag:s14], $0x400  }
0x39b: {  	[sflag:s14] =	ssyncset.done $0x0  }
0x39c: {  	[sflag:s14] =	ssyncadd.s32 $0xFFFFFC00  }
0x39d: {  	_ =	swait.ge [sflag:s14], $0x400  }
0x39e: {  	[sflag:s14] =	ssyncset.done $0x0  }
0x39f: {  	[sflag:s14] =	ssyncadd.s32 $0xFFFFFC00  }
0x3a0: {  	_ =	swait.ge [sflag:s14], $0x400  }
0x3a1: {  	[sflag:s14] =	ssyncset.done $0x0  }
0x3a2: {  	[sflag:s14] =	ssyncadd.s32 $0xFFFFFC00  }
0x3a3: {  	_ =	swait.ge [sflag:s14], $0x400  }
0x3a4: {  	[sflag:s14] =	ssyncset.done $0x0  }
0x3a5: {  	[sflag:s14] =	ssyncadd.s32 $0xFFFFFC00  }
0x3a6: {  	_ =	swait.ge [sflag:s14], $0x400  }
0x3a7: {  	[sflag:s14] =	ssyncset.done $0x0  }
0x3a8: {  	[sflag:s14] =	ssyncadd.s32 $0xFFFFFC00  }
0x3a9: {  	_ =	swait.ge [sflag:s14], $0x400  }
0x3aa: {  	[sflag:s14] =	ssyncset.done $0x0  }
0x3ab: {  	[sflag:s14] =	ssyncadd.s32 $0xFFFFFC00  }
0x3ac: {  	_ =	swait.ge [sflag:s14], $0x400  }
0x3ad: {  	[sflag:s14] =	ssyncset.done $0x0  }
0x3ae: {  	[sflag:s14] =	ssyncadd.s32 $0xFFFFFC00  }
0x3af: {  	_ =	swait.ge [sflag:s14], $0x400  }
0x3b0: {  	[sflag:s14] =	ssyncset.done $0x0  }
0x3b1: {  	[sflag:s14] =	ssyncadd.s32 $0xFFFFFC00  }
0x3b2: {  	_ =	swait.ge [sflag:s14], $0x400  }
0x3b3: {  	[sflag:s14] =	ssyncset.done $0x0  }
0x3b4: {  	[sflag:s14] =	ssyncadd.s32 $0xFFFFFC00  }
0x3b5: {  	_ =	swait.ge [sflag:s14], $0x400  }
0x3b6: {  	[sflag:s14] =	ssyncset.done $0x0  }
0x3b7: {  	[sflag:s14] =	ssyncadd.s32 $0xFFFFFC00  }
0x3b8: {  	_ =	swait.ge [sflag:s14], $0x400  }
0x3b9: {  	[sflag:s14] =	ssyncset.done $0x0  }
0x3ba: {  	[sflag:s14] =	ssyncadd.s32 $0xFFFFFC00  }
0x3bb: {  	_ =	swait.ge [sflag:s14], $0x400  }
0x3bc: {  	[sflag:s14] =	ssyncset.done $0x0  }
0x3bd: {  	[sflag:s14] =	ssyncadd.s32 $0xFFFFFC00  }
0x3be: {  	_ =	swait.ge [sflag:s14], $0x400  }
0x3bf: {  	[sflag:s14] =	ssyncset.done $0x0  }
0x3c0: {  	[sflag:s14] =	ssyncadd.s32 $0xFFFFFC00  }
0x3c1: {  	_ =	swait.ge [sflag:s14], $0x400  }
0x3c2: {  	[sflag:s14] =	ssyncset.done $0x0  }
0x3c3: {  	[sflag:s14] =	ssyncadd.s32 $0xFFFFFC00  }
0x3c4: {  	_ =	swait.ge [sflag:s14], $0x400  }
0x3c5: {  	[sflag:s14] =	ssyncset.done $0x0  }
0x3c6: {  	[sflag:s14] =	ssyncadd.s32 $0xFFFFFC00  }
0x3c7: {  	_ =	swait.ge [sflag:s14], $0x400  }
0x3c8: {  	[sflag:s14] =	ssyncset.done $0x0  }
0x3c9: {  	[sflag:s14] =	ssyncadd.s32 $0xFFFFFC00  }
0x3ca: {  	_ =	swait.ge [sflag:s14], $0x400  }
0x3cb: {  	[sflag:s14] =	ssyncset.done $0x0  }
0x3cc: {  	[sflag:s14] =	ssyncadd.s32 $0xFFFFFC00  }
0x3cd: {  	_ =	swait.ge [sflag:s14], $0x400  }
0x3ce: {  	[sflag:s14] =	ssyncset.done $0x0  }
0x3cf: {  	[sflag:s14] =	ssyncadd.s32 $0xFFFFFC00  }
0x3d0: {  	_ =	swait.ge [sflag:s14], $0x400  }
0x3d1: {  	[sflag:s14] =	ssyncset.done $0x0  }
0x3d2: {  	[sflag:s14] =	ssyncadd.s32 $0xFFFFFC00  }
0x3d3: {  	_ =	swait.ge [sflag:s14], $0x400  }
0x3d4: {  	[sflag:s14] =	ssyncset.done $0x0  }
0x3d5: {  	[sflag:s14] =	ssyncadd.s32 $0xFFFFFC00  }
0x3d6: {  	_ =	swait.ge [sflag:s14], $0x400  }
0x3d7: {  	[sflag:s14] =	ssyncset.done $0x0  }
0x3d8: {  	[sflag:s14] =	ssyncadd.s32 $0xFFFFFC00  }
0x3d9: {  	_ =	swait.ge [sflag:s14], $0x400  }
0x3da: {  	[sflag:s14] =	ssyncset.done $0x0  }
0x3db: {  	[sflag:s14] =	ssyncadd.s32 $0xFFFFFC00  }
0x3dc: {  	_ =	swait.ge [sflag:s14], $0x400  }
0x3dd: {  	[sflag:s14] =	ssyncset.done $0x0  }
0x3de: {  	[sflag:s14] =	ssyncadd.s32 $0xFFFFFC00  }
0x3df: {  	_ =	swait.ge [sflag:s14], $0x400  }
0x3e0: {  	[sflag:s14] =	ssyncset.done $0x0  }
0x3e1: {  	[sflag:s14] =	ssyncadd.s32 $0xFFFFFC00  }
0x3e2: {  	_ =	swait.ge [sflag:s14], $0x400  }
0x3e3: {  	[sflag:s14] =	ssyncset.done $0x0  }
0x3e4: {  	[sflag:s14] =	ssyncadd.s32 $0xFFFFFC00  }
0x3e5: {  	_ =	swait.ge [sflag:s14], $0x400  }
0x3e6: {  	[sflag:s14] =	ssyncset.done $0x0  }
0x3e7: {  	[sflag:s14] =	ssyncadd.s32 $0xFFFFFC00  }
0x3e8: {  	_ =	swait.ge [sflag:s14], $0x400  }
0x3e9: {  	[sflag:s14] =	ssyncset.done $0x0  }
0x3ea: {  	[sflag:s14] =	ssyncadd.s32 $0xFFFFFC00  }
0x3eb: {  	_ =	swait.ge [sflag:s14], $0x400  }
0x3ec: {  	[sflag:s14] =	ssyncset.done $0x0  }
0x3ed: {  	[sflag:s14] =	ssyncadd.s32 $0xFFFFFC00  }
0x3ee: {  	_ =	swait.ge [sflag:s14], $0x400  }
0x3ef: {  	[sflag:s14] =	ssyncset.done $0x0  }
0x3f0: {  	[sflag:s14] =	ssyncadd.s32 $0xFFFFFC00  }
0x3f1: {  	_ =	swait.ge [sflag:s14], $0x400  }
0x3f2: {  	[sflag:s14] =	ssyncset.done $0x0  }
0x3f3: {  	[sflag:s14] =	ssyncadd.s32 $0xFFFFFC00  }
0x3f4: {  	_ =	swait.ge [sflag:s14], $0x400  }
0x3f5: {  	[sflag:s14] =	ssyncset.done $0x0  }
0x3f6: {  	[sflag:s14] =	ssyncadd.s32 $0xFFFFFC00  }
0x3f7: {  	_ =	swait.ge [sflag:s14], $0x400  }
0x3f8: {  	[sflag:s14] =	ssyncset.done $0x0  }
0x3f9: {  	[sflag:s14] =	ssyncadd.s32 $0xFFFFFC00  }
0x3fa: {  	_ =	swait.ge [sflag:s14], $0x400  }
0x3fb: {  	[sflag:s14] =	ssyncset.done $0x0  }
0x3fc: {  	[sflag:s14] =	ssyncadd.s32 $0xFFFFFC00  }
0x3fd: {  	_ =	swait.ge [sflag:s14], $0x400  }
0x3fe: {  	[sflag:s14] =	ssyncset.done $0x0  }
0x3ff: {  	[sflag:s14] =	ssyncadd.s32 $0xFFFFFC00  }
0x400: {  	_ =	swait.ge [sflag:s14], $0x400  }
0x401: {  	[sflag:s14] =	ssyncset.done $0x0  }
0x402: {  	[sflag:s14] =	ssyncadd.s32 $0xFFFFFC00  }
0x403: {  	_ =	swait.ge [sflag:s14], $0x400  }
0x404: {  	[sflag:s14] =	ssyncset.done $0x0  }
0x405: {  	[sflag:s14] =	ssyncadd.s32 $0xFFFFFC00  }
0x406: {  	_ =	swait.ge [sflag:s14], $0x400  }
0x407: {  	[sflag:s14] =	ssyncset.done $0x0  }
0x408: {  	[sflag:s14] =	ssyncadd.s32 $0xFFFFFC00  }
0x409: {  	_ =	swait.ge [sflag:s14], $0x400  }
0x40a: {  	[sflag:s14] =	ssyncset.done $0x0  }
0x40b: {  	[sflag:s14] =	ssyncadd.s32 $0xFFFFFC00  }
0x40c: {  	_ =	swait.ge [sflag:s14], $0x400  }
0x40d: {  	[sflag:s14] =	ssyncset.done $0x0  }
0x40e: {  	[sflag:s14] =	ssyncadd.s32 $0xFFFFFC00  }
0x40f: {  	_ =	swait.ge [sflag:s14], $0x400  }
0x410: {  	[sflag:s14] =	ssyncset.done $0x0  }
0x411: {  	[sflag:s14] =	ssyncadd.s32 $0xFFFFFC00  }
0x412: {  	_ =	swait.ge [sflag:s14], $0x400  }
0x413: {  	[sflag:s14] =	ssyncset.done $0x0  }
0x414: {  	[sflag:s14] =	ssyncadd.s32 $0xFFFFFC00  }
0x415: {  	_ =	swait.ge [sflag:s14], $0x400  }
0x416: {  	[sflag:s14] =	ssyncset.done $0x0  }
0x417: {  	[sflag:s14] =	ssyncadd.s32 $0xFFFFFC00  }
0x418: {  	_ =	swait.ge [sflag:s14], $0x400  }
0x419: {  	[sflag:s14] =	ssyncset.done $0x0  }
0x41a: {  	[sflag:s14] =	ssyncadd.s32 $0xFFFFFC00  }
0x41b: {  	_ =	swait.ge [sflag:s14], $0x400  }
0x41c: {  	[sflag:s14] =	ssyncset.done $0x0  }
0x41d: {  	[sflag:s14] =	ssyncadd.s32 $0xFFFFFC00  }
0x41e: {  	_ =	swait.ge [sflag:s14], $0x400  }
0x41f: {  	[sflag:s14] =	ssyncset.done $0x0  }
0x420: {  	[sflag:s14] =	ssyncadd.s32 $0xFFFFFC00  }
0x421: {  	_ =	swait.ge [sflag:s14], $0x400  }
0x422: {  	[sflag:s14] =	ssyncset.done $0x0  }
0x423: {  	[sflag:s14] =	ssyncadd.s32 $0xFFFFFC00  }
0x424: {  	_ =	swait.ge [sflag:s14], $0x400  }
0x425: {  	[sflag:s14] =	ssyncset.done $0x0  }
0x426: {  	[sflag:s14] =	ssyncadd.s32 $0xFFFFFC00  }
0x427: {  	_ =	swait.ge [sflag:s14], $0x400  }
0x428: {  	[sflag:s14] =	ssyncset.done $0x0  }
0x429: {  	[sflag:s14] =	ssyncadd.s32 $0xFFFFFC00  }
0x42a: {  	_ =	swait.ge [sflag:s14], $0x400  }
0x42b: {  	[sflag:s14] =	ssyncset.done $0x0  }
0x42c: {  	[sflag:s14] =	ssyncadd.s32 $0xFFFFFC00  }
0x42d: {  	_ =	swait.ge [sflag:s14], $0x400  }
0x42e: {  	[sflag:s14] =	ssyncset.done $0x0  }
0x42f: {  	[sflag:s14] =	ssyncadd.s32 $0xFFFFFC00  }
0x430: {  	_ =	swait.ge [sflag:s14], $0x400  }
0x431: {  	[sflag:s14] =	ssyncset.done $0x0  }
0x432: {  	[sflag:s14] =	ssyncadd.s32 $0xFFFFFC00  }
0x433: {  	_ =	swait.ge [sflag:s14], $0x400  }
0x434: {  	[sflag:s14] =	ssyncset.done $0x0  }
0x435: {  	[sflag:s14] =	ssyncadd.s32 $0xFFFFFC00  }
0x436: {  	_ =	swait.ge [sflag:s14], $0x400  }
0x437: {  	[sflag:s14] =	ssyncset.done $0x0  }
0x438: {  	[sflag:s14] =	ssyncadd.s32 $0xFFFFFC00  }
0x439: {  	_ =	swait.ge [sflag:s14], $0x400  }
0x43a: {  	[sflag:s14] =	ssyncset.done $0x0  }
0x43b: {  	[sflag:s14] =	ssyncadd.s32 $0xFFFFFC00  }
0x43c: {  	_ =	swait.ge [sflag:s14], $0x400  }
0x43d: {  	[sflag:s14] =	ssyncset.done $0x0  }
0x43e: {  	[sflag:s14] =	ssyncadd.s32 $0xFFFFFC00  }
0x43f: {  	_ =	swait.ge [sflag:s14], $0x400  }
0x440: {  	[sflag:s14] =	ssyncset.done $0x0  }
0x441: {  	[sflag:s14] =	ssyncadd.s32 $0xFFFFFC00  }
0x442: {  	_ =	swait.ge [sflag:s14], $0x400  }
0x443: {  	[sflag:s14] =	ssyncset.done $0x0  }
0x444: {  	[sflag:s14] =	ssyncadd.s32 $0xFFFFFC00  }
0x445: {  	_ =	swait.ge [sflag:s14], $0x400  }
0x446: {  	[sflag:s14] =	ssyncset.done $0x0  }
0x447: {  	[sflag:s14] =	ssyncadd.s32 $0xFFFFFC00  }
0x448: {  	_ =	swait.ge [sflag:s14], $0x400  }
0x449: {  	[sflag:s14] =	ssyncset.done $0x0  }
0x44a: {  	[sflag:s14] =	ssyncadd.s32 $0xFFFFFC00  }
0x44b: {  	_ =	swait.ge [sflag:s14], $0x400  }
0x44c: {  	[sflag:s14] =	ssyncset.done $0x0  }
0x44d: {  	[sflag:s14] =	ssyncadd.s32 $0xFFFFFC00  }
0x44e: {  	_ =	swait.ge [sflag:s14], $0x400  }
0x44f: {  	s21 =	sld [smem:$0x7F0];
	_ =	sdelay $0x1  }
0x450: {  	s15 =	sadd.s32 $0x1, s15  }
0x451: {  	p0 =	sne.s32 s15, s21  }
.Ltmp2:
0x452: {  	_ = 	snop;
	(pc) =	sbr.rel @p0 .LBB2_1-.Ltmp2, $3  }
0x453: {  	_ =	sdelay $0x1  }
0x454: {  	[sflag:s14] =	ssyncset.done $0x0  }
0x455: {  	[sflag:s14] =	ssyncadd.s32 $0xFFFFFC00  }
0x456: {  	_ =	sfence.sel $0x180000  }
0x457: {  	[bflag:$0x0] =	sbarrier.arrive $0xFFFF  }
0x458: {  	_ =	strace $0x90000047  }
0x459: {  	s0 =	stileid.u32;
	[bflag:$0x2] =	sbarrier.arrive $0xFFFF  }
0x45a: {  	p0 =	sne.s32 s0, $0x0;
	s0 =	rddreg [dreg:$0x2]  }
0x45b: {  	s0 =	sadd.s32 @!p0 $0x100000, s0  }
0x45c: {  	[sflag:s0] =	ssyncadd.tile.s32 @!p0 $0x1;
	_ =	shalt  }
.Lfunc_end2:
_tile_overlayer_lowered:
.L_overlay_start_2:
0x45d: {  	(tag) =	ssettag $0x2  }
0x45e: {  	s0 =	rddreg [dreg:$0x0];
	s2 =	stileid.u32  }
0x45f: {  	s1 =	rddreg [dreg:$0x1];
	p0 =	sne.s32 s2, $0x0  }
0x460: {  	s3 =	rddreg [dreg:$0x2];
	[bflag:$0x3] =	sbarrier.arrive $0xFFFF;
	s2 =	simm.s32 @!p0 $0x1C02  }
0x461: {  	[timem:s3], [sflag:s2] =	dma.local @!p0 [hbm:s0], s1  }
0x462: {  	s0 =	simm.s32 @!p0 $0x2  }
0x463: {  	_ =	swait.ge @!p0 [sflag:s0], s1  }
0x464: {  	s1 =	ssub.s32 @!p0 $0x0, s1;
	[sflag:s0] =	ssyncset.done @!p0 $0x0  }
0x465: {  	[sflag:s0] =	ssyncadd.s32 @!p0 s1  }
0x466: {  	[bflag:$0x3] =	sbarrier.arrive $0xFFFF  }
0x467: {  	_ =	shalt  }

</sc_bundles>
